<compile_context>
chip_gen: v7x
topology: tpu7x:2x2x1
jax: 0.10.2.dev20260603
libtpu: 0.0.44.dev20260713+nightly
codegen_flags: <defaults>
</compile_context>

<pallas_src>
import functools

import jax
import jax.numpy as jnp
from jax import lax
from jax.experimental import pallas as pl
from jax.experimental.pallas import tpu as pltpu
from jax.experimental.pallas import tpu_sc as plsc

ALPHA = 1.0
BETA = 10.0
OHEM_RATIO = 3.0
EPS = 1e-06

N, C, H, W = 16, 3, 512, 512
TOTAL = N * H * W

VMAX = 16.2
NB1 = 4096
NB2 = 4096
SCALE1 = NB1 / VMAX
W1 = VMAX / NB1
SCALE2 = NB2 / W1
LOG2NB2 = 12
BIGSCALE = NB1 * NB2 / VMAX
SENTINEL = 16.202


def _pass_a_body(pred_ref, smap_ref, smask_ref, tmap_ref, tmask_ref,
                 sums_ref, negloss_ref):
    sm = pred_ref[0, 0]
    tm = pred_ref[0, 1]
    bm = pred_ref[0, 2]
    y = smap_ref[0]
    m = smask_ref[0]
    t = tmap_ref[0]
    tmk = tmask_ref[0]

    pos = y * m
    neg = (1.0 - y) * m
    p = jnp.clip(sm, 1e-7, 1.0 - 1e-7)
    bce = -jnp.log(jnp.where(y > 0.5, p, 1.0 - p))

    pos_loss = bce * pos
    neg_loss = bce * neg
    negloss_ref[0] = jnp.where(neg > 0.5, neg_loss, SENTINEL)

    s0 = jnp.sum(pos_loss)
    s1 = jnp.sum(pos)
    s2 = jnp.sum(neg)
    s3 = jnp.sum(neg_loss)
    s4 = jnp.sum(jnp.abs(tm - t) * tmk)
    s5 = jnp.sum(tmk)
    s6 = jnp.sum(bm * y * m)
    s7 = jnp.sum(bm * m)
    s8 = jnp.sum(y * m)

    lane = lax.broadcasted_iota(jnp.int32, (1, 1, 128), 2)
    vec = jnp.zeros((1, 1, 128), jnp.float32)
    for j, s in enumerate((s0, s1, s2, s3, s4, s5, s6, s7, s8)):
        vec = jnp.where(lane == j, s, vec)
    sums_ref[...] = vec


def _pass_a(pred, smap, smask, tmap, tmask):
    return pl.pallas_call(
        _pass_a_body,
        grid=(N,),
        in_specs=[
            pl.BlockSpec((1, C, H, W), lambda i: (i, 0, 0, 0)),
            pl.BlockSpec((1, H, W), lambda i: (i, 0, 0)),
            pl.BlockSpec((1, H, W), lambda i: (i, 0, 0)),
            pl.BlockSpec((1, H, W), lambda i: (i, 0, 0)),
            pl.BlockSpec((1, H, W), lambda i: (i, 0, 0)),
        ],
        out_specs=[
            pl.BlockSpec((1, 1, 128), lambda i: (i, 0, 0)),
            pl.BlockSpec((1, H, W), lambda i: (i, 0, 0)),
        ],
        out_shape=[
            jax.ShapeDtypeStruct((N, 1, 128), jnp.float32),
            jax.ShapeDtypeStruct((N, H, W), jnp.float32),
        ],
    )(pred, smap, smask, tmap, tmask)


NCORES = 2
NSUB = 16
NWORK = NCORES * NSUB
ELEMS = TOTAL // NWORK
CHUNK = 16384
NCH = ELEMS // CHUNK
LANES = 16
UN = 8
STRIDE1 = NB1 + 1
STRIDE2 = NB2 + 1
HSZ1 = -(-LANES * STRIDE1 // (LANES * 16)) * (LANES * 16)
HSZ2 = -(-LANES * STRIDE2 // (LANES * 16)) * (LANES * 16)

@functools.cache
def _sc_mesh():
    return plsc.VectorSubcoreMesh(core_axis_name="c", subcore_axis_name="s",
                                  num_cores=NCORES, num_subcores=NSUB)


CROWS = CHUNK // W


def _stream_chunks(nl_hbm, wid, bufs, sems, process_chunk, carry):
    n = wid // 2
    rbase = (wid % 2) * (H // 2)

    def src(c):
        return nl_hbm.at[n, pl.ds(rbase + c * CROWS, CROWS), :]

    handles = [None, None]
    handles[0] = pltpu.async_copy(src(0), bufs[0], sems[0])
    for c in range(NCH):
        if c + 1 < NCH:
            handles[(c + 1) % 2] = pltpu.async_copy(
                src(c + 1), bufs[(c + 1) % 2], sems[(c + 1) % 2])
        handles[c % 2].wait()
        carry = process_chunk(bufs[c % 2], carry)
    return carry


def _zero_vmem_i32(ref, n):
    z = jnp.zeros((LANES,), jnp.int32)

    @plsc.parallel_loop(0, n // LANES, unroll=8)
    def body(j):
        ref[pl.ds(j * LANES, LANES)] = z


def _lane_reduce_i32(hist, red, nbins, stride):
    @plsc.parallel_loop(0, nbins // LANES, unroll=2)
    def body(j):
        acc = jnp.zeros((LANES,), jnp.int32)
        for l in range(LANES):
            acc = acc + hist[pl.ds(l * stride + j * LANES, LANES)]
        red[pl.ds(j * LANES, LANES)] = acc


def _hist1_sc_body(nl_hbm, out_hbm, buf0, buf1, hist, red, sem0, sem1):
    wid = lax.axis_index("s") * NCORES + lax.axis_index("c")
    lane_off = lax.iota(jnp.int32, LANES) * STRIDE1
    ones = jnp.ones((LANES,), jnp.int32)

    _zero_vmem_i32(hist, HSZ1)

    def process_chunk(buf, carry):
        @plsc.parallel_loop(0, CHUNK // LANES, unroll=UN)
        def body(i):
            r = i >> 5
            c = (i & 31) * LANES
            v = buf[r, pl.ds(c, LANES)]
            idx = (v * BIGSCALE).astype(jnp.int32) >> LOG2NB2
            plsc.addupdate_scatter(hist, [lane_off + idx], ones)
        return carry

    _stream_chunks(nl_hbm, wid, (buf0, buf1), (sem0, sem1),
                   process_chunk, 0)
    _lane_reduce_i32(hist, red, NB1, STRIDE1)
    pltpu.sync_copy(red, out_hbm.at[wid])


@functools.cache
def _hist1_sc():
    return pl.kernel(
        _hist1_sc_body,
        out_type=jax.ShapeDtypeStruct((NWORK, NB1), jnp.int32),
        mesh=_sc_mesh(),
        compiler_params=pltpu.CompilerParams(needs_layout_passes=False),
        scratch_types=[
            pltpu.VMEM((CROWS, W), jnp.float32),
            pltpu.VMEM((CROWS, W), jnp.float32),
            pltpu.VMEM((HSZ1,), jnp.int32),
            pltpu.VMEM((NB1,), jnp.int32),
            pltpu.SemaphoreType.DMA,
            pltpu.SemaphoreType.DMA,
        ],
    )


def _hist2_sc_body(nl_hbm, params_hbm, ocnt_hbm, oabove_hbm,
                   buf0, buf1, pbuf, hcnt, rcnt, avec, sem0, sem1):
    wid = lax.axis_index("s") * NCORES + lax.axis_index("c")
    lane_off = lax.iota(jnp.int32, LANES) * STRIDE2
    ones = jnp.ones((LANES,), jnp.int32)
    zf = jnp.zeros((LANES,), jnp.float32)

    pltpu.sync_copy(params_hbm, pbuf)
    t1i = pbuf[0].astype(jnp.int32)
    off2 = t1i * NB2

    _zero_vmem_i32(hcnt, HSZ2)

    def process_chunk(buf, acc):
        def body(i, acc):
            r = i >> 5
            c = (i & 31) * LANES
            v = buf[r, pl.ds(c, LANES)]
            f = (v * BIGSCALE).astype(jnp.int32)
            b1 = f >> LOG2NB2
            gt = (b1 > t1i) & (b1 < NB1)
            eq = b1 == t1i
            plsc.addupdate_scatter(hcnt, [lane_off + (f - off2)], ones,
                                   mask=eq)
            return acc + jnp.where(gt, v, 0.0)
        return plsc.parallel_loop(0, CHUNK // LANES, unroll=UN,
                                  carry=acc)(body)

    acc = _stream_chunks(nl_hbm, wid, (buf0, buf1), (sem0, sem1),
                         process_chunk, zf)
    avec[...] = acc
    _lane_reduce_i32(hcnt, rcnt, NB2, STRIDE2)
    pltpu.sync_copy(rcnt, ocnt_hbm.at[wid])
    pltpu.sync_copy(avec, oabove_hbm.at[wid])


@functools.cache
def _hist2_sc():
    return pl.kernel(
        _hist2_sc_body,
        out_type=(
            jax.ShapeDtypeStruct((NWORK, NB2), jnp.int32),
            jax.ShapeDtypeStruct((NWORK, LANES), jnp.float32),
        ),
        mesh=_sc_mesh(),
        compiler_params=pltpu.CompilerParams(needs_layout_passes=False),
        scratch_types=[
            pltpu.VMEM((CROWS, W), jnp.float32),
            pltpu.VMEM((CROWS, W), jnp.float32),
            pltpu.VMEM((8, LANES), jnp.float32),
            pltpu.VMEM((HSZ2,), jnp.int32),
            pltpu.VMEM((NB2,), jnp.int32),
            pltpu.VMEM((LANES,), jnp.float32),
            pltpu.SemaphoreType.DMA,
            pltpu.SemaphoreType.DMA,
        ],
    )


def kernel(pred, shrink_map, shrink_mask, threshold_map, threshold_mask):
    sums, negloss = _pass_a(pred, shrink_map, shrink_mask,
                            threshold_map, threshold_mask)
    s = jnp.sum(sums[:, 0, :9], axis=0)
    pos_loss_sum, pos_count, neg_count = s[0], s[1], s[2]
    neg_sum_total, l1_num, l1_den = s[3], s[4], s[5]
    inter, dice_a, dice_b = s[6], s[7], s[8]

    k = jnp.minimum(neg_count, pos_count * OHEM_RATIO)

    cnt1w = _hist1_sc()(negloss)

    def _take_all(ops):
        return ops[3]

    def _selection_sum(ops):
        cnt1w, negloss, k, _ = ops
        cnt1 = cnt1w.sum(axis=0)
        ssum1 = jnp.concatenate(
            [jnp.cumsum(cnt1[::-1])[::-1].astype(jnp.float32),
             jnp.zeros((1,), jnp.float32)])
        bins1 = jnp.arange(NB1)
        t1 = jnp.max(jnp.where(ssum1[:NB1] > k, bins1, -1))
        c_above1 = ssum1[t1 + 1]
        r1 = k - c_above1
        lo = t1.astype(jnp.float32) * W1

        params = jnp.stack([
            jnp.full((LANES,), t1.astype(jnp.float32)),
            jnp.full((LANES,), lo),
        ] + [jnp.zeros((LANES,), jnp.float32)] * 6)
        cnt2w, abovew = _hist2_sc()(negloss, params)
        cnt2 = cnt2w.sum(axis=0)
        sum_above1 = abovew.sum()
        mids = lo + (jnp.arange(NB2, dtype=jnp.float32) + 0.5) * (W1 / NB2)
        cnt2f = cnt2.astype(jnp.float32)
        ssum2 = jnp.concatenate(
            [jnp.cumsum(cnt2f[::-1])[::-1], jnp.zeros((1,), jnp.float32)])
        vsum2 = jnp.concatenate(
            [jnp.cumsum((cnt2f * mids)[::-1])[::-1],
             jnp.zeros((1,), jnp.float32)])
        bins2 = jnp.arange(NB2)
        t2 = jnp.max(jnp.where(ssum2[:NB2] > r1, bins2, -1))
        c_above2 = ssum2[t2 + 1]
        sum_above2 = vsum2[t2 + 1]
        r2 = r1 - c_above2
        avg_t2 = jnp.where(t2 >= 0, mids[t2], 0.0)
        return sum_above1 + sum_above2 + r2 * avg_t2

    topk_sum = lax.cond(k >= neg_count, _take_all, _selection_sum,
                        (cnt1w, negloss, k, neg_sum_total))

    loss_shrink = (pos_loss_sum + topk_sum) / (pos_count + k + EPS)
    loss_threshold = l1_num / (l1_den + EPS)
    loss_binary = 1.0 - 2.0 * inter / (dice_a + dice_b + EPS)
    loss_all = ALPHA * loss_shrink + BETA * loss_threshold + loss_binary
    return (loss_all, loss_shrink, loss_threshold, loss_binary)

# --- scband reference (transcript-rebuilt; emitter-appended) ---
"""Pipeline reference for scband-dbloss-50663434223849 (READ-ONLY COPY).

The authoritative reference and input builder live on the scoring server;
editing this copy changes nothing except your own understanding.
"""

import jax, jax.numpy as jnp
import numpy as np

ALPHA = 1.0
BETA = 10.0
OHEM_RATIO = 3.0
EPS = 1e-06


def setup_inputs(seed: int = 0) -> dict:
    key = jax.random.key(seed)
    ks = jax.random.split(key, 5)
    N, H, W = 16, 512, 512
    pred = jax.random.uniform(ks[0], (N, 3, H, W), jnp.float32, 1e-4, 1.0 - 1e-4)
    shrink_map = jax.random.bernoulli(ks[1], 0.3, (N, H, W)).astype(jnp.float32)
    shrink_mask = jax.random.bernoulli(ks[2], 0.9, (N, H, W)).astype(jnp.float32)
    threshold_map = jax.random.uniform(ks[3], (N, H, W), jnp.float32)
    threshold_mask = jax.random.bernoulli(ks[4], 0.9, (N, H, W)).astype(jnp.float32)
    return {
        'pred': pred,
        'shrink_map': shrink_map,
        'shrink_mask': shrink_mask,
        'threshold_map': threshold_map,
        'threshold_mask': threshold_mask,
    }


def reference(pred, shrink_map, shrink_mask, threshold_map, threshold_mask):
    shrink_maps = pred[:, 0, :, :]
    threshold_maps = pred[:, 1, :, :]
    binary_maps = pred[:, 2, :, :]

    # ---- BalanceCrossEntropyLoss (OHEM) on shrink map ----
    positive = (shrink_map * shrink_mask).astype(jnp.uint8).astype(jnp.float32)
    negative = ((1.0 - shrink_map) * shrink_mask).astype(jnp.uint8).astype(jnp.float32)
    positive_count = positive.sum()
    negative_count = jnp.minimum(negative.sum(), positive_count * OHEM_RATIO)
    p = jnp.clip(shrink_maps, 1e-7, 1.0 - 1e-7)
    bce = -(shrink_map * jnp.log(p) + (1.0 - shrink_map) * jnp.log(1.0 - p))
    positive_loss = bce * positive
    negative_loss = bce * negative
    neg_flat = negative_loss.reshape(-1)
    neg_sorted, _ = jax.lax.top_k(neg_flat, neg_flat.shape[0])
    neg_keep = (jnp.arange(neg_flat.shape[0]) < negative_count).astype(neg_sorted.dtype)
    loss_shrink_maps = (positive_loss.sum() + (neg_sorted * neg_keep).sum()) / (positive_count + negative_count + EPS)

    # ---- MaskL1Loss on threshold map ----
    loss_threshold_maps = (jnp.abs(threshold_maps - threshold_map) * threshold_mask).sum() / (threshold_mask.sum() + EPS)

    # ---- DiceLoss on binary map ----
    intersection = (binary_maps * shrink_map * shrink_mask).sum()
    union = (binary_maps * shrink_mask).sum() + (shrink_map * shrink_mask).sum() + EPS
    loss_binary_maps = 1.0 - 2.0 * intersection / union

    loss_all = ALPHA * loss_shrink_maps + BETA * loss_threshold_maps + loss_binary_maps
    return (loss_all, loss_shrink_maps, loss_threshold_maps, loss_binary_maps)

if __name__ == "__main__":
    import jax
    _d = setup_inputs()
    print(jax.jit(kernel)(*tuple(_d.values())))

</pallas_src>

<mosaic_0001>
#map = affine_map<(d0, d1) -> (0, 0, 0)>
#map1 = affine_map<(d0, d1) -> (0, 0)>
module attributes {stable_mosaic.version = 14 : i64} {
  func.func @_hist1_sc_body(%arg0: i32, %arg1: i32, %arg2: memref<16x512x512xf32, #tpu.memory_space<hbm>>, %arg3: memref<32x4096xi32, #tpu.memory_space<hbm>>, %arg4: memref<32x512xf32, #tpu.memory_space<vmem>>, %arg5: memref<32x512xf32, #tpu.memory_space<vmem>>, %arg6: memref<65792xi32, #tpu.memory_space<vmem>>, %arg7: memref<4096xi32, #tpu.memory_space<vmem>>, %arg8: memref<!tpu.dma_semaphore, #tpu.memory_space<semaphore_mem>>, %arg9: memref<!tpu.dma_semaphore, #tpu.memory_space<semaphore_mem>>) attributes {dimension_semantics = [#tpu.dimension_semantics<core_parallel>, #tpu.dimension_semantics<subcore_parallel>], iteration_bounds = array<i64: 2, 16>, scalar_prefetch = 0 : i64, scratch_operands = 6 : i64, tpu.core_type = #tpu.core_type<sc_vector_subcore>, window_params = [{transform_indices = #map}, {transform_indices = #map1}]} {
    %mul3A = arith.constant 2 : i32
    %mul3A_0 = arith.muli %arg1, %mul3A : i32
    %add3A = arith.addi %mul3A_0, %arg0 : i32
    %iota3A = tpu.iota {dimensions = array<i32: 0>} : vector<16xi32>
    %mul3A_1 = arith.constant 4097 : i32
    %mul3A_2 = vector.broadcast %mul3A_1 : i32 to vector<16xi32>
    %mul3A_3 = arith.muli %iota3A, %mul3A_2 : vector<16xi32>
    %broadcast_in_dim3A = arith.constant 1 : i32
    %broadcast_in_dim3A_4 = vector.broadcast %broadcast_in_dim3A : i32 to vector<16xi32>
    %broadcast_in_dim3A_5 = arith.constant 0 : i32
    %broadcast_in_dim3A_6 = vector.broadcast %broadcast_in_dim3A_5 : i32 to vector<16xi32>
    %parallel_loop3A = arith.constant 0 : i32
    %parallel_loop3A_7 = arith.constant 4112 : i32
    %parallel_loop3A_8 = arith.constant 1 : i32
    scf.for %parallel_loop3A_178 = %parallel_loop3A to %parallel_loop3A_7 step %parallel_loop3A_8  : i32 {
      %parallel_loop3A_179 = arith.constant 16 : i32
      %parallel_loop3A_180 = arith.muli %parallel_loop3A_178, %parallel_loop3A_179 : i32
      %parallel_loop3A_181 = arith.index_cast %parallel_loop3A_180 : i32 to index
      %parallel_loop3A_182 = tpu.vector_load %arg6[%parallel_loop3A_181] {strides = array<i32>} : memref<65792xi32, #tpu.memory_space<vmem>>, vector<16xi32>,
      tpu.vector_store %arg6[%parallel_loop3A_181], %broadcast_in_dim3A_6 {strides = array<i32>} : memref<65792xi32, #tpu.memory_space<vmem>>, vector<16xi32>,
    } {sc.loop_unroll_factor = 8 : i64, sc.parallel_access}
    %jit3A = arith.constant 2 : i32
    %div3A = arith.divsi %add3A, %jit3A : i32
    %sign3A = arith.constant 0 : i32
    %sign3A_9 = arith.cmpi sgt, %add3A, %sign3A : i32
    %sign3A_10 = arith.extui %sign3A_9 : i1 to i32
    %sign3A_11 = arith.constant 0 : i32
    %sign3A_12 = arith.cmpi slt, %add3A, %sign3A_11 : i32
    %sign3A_13 = arith.extui %sign3A_12 : i1 to i32
    %sign3A_14 = arith.subi %sign3A_10, %sign3A_13 : i32
    %sign3A_15 = arith.constant 0 : i32
    %sign3A_16 = arith.cmpi sgt, %jit3A, %sign3A_15 : i32
    %sign3A_17 = arith.extui %sign3A_16 : i1 to i32
    %sign3A_18 = arith.constant 0 : i32
    %sign3A_19 = arith.cmpi slt, %jit3A, %sign3A_18 : i32
    %sign3A_20 = arith.extui %sign3A_19 : i1 to i32
    %sign3A_21 = arith.subi %sign3A_17, %sign3A_20 : i32
    %ne3A = arith.cmpi ne, %sign3A_14, %sign3A_21 : i32
    %rem3A = arith.remsi %add3A, %jit3A : i32
    %ne3A_22 = arith.constant 0 : i32
    %ne3A_23 = arith.cmpi ne, %rem3A, %ne3A_22 : i32
    %and3A = arith.andi %ne3A, %ne3A_23 : i1
    %sub3A = arith.constant 1 : i32
    %sub3A_24 = arith.subi %div3A, %sub3A : i32
    %select_n3A = arith.select %and3A, %sub3A_24, %div3A : i32
    %jit3A_25 = arith.constant 2 : i32
    %eq3A = arith.constant 0 : i32
    %eq3A_26 = arith.cmpi eq, %jit3A_25, %eq3A : i32
    %jit3A_27 = arith.constant 1 : i32
    %select_n3A_28 = arith.select %eq3A_26, %jit3A_27, %jit3A_25 : i32
    %rem3A_29 = arith.remsi %add3A, %select_n3A_28 : i32
    %ne3A_30 = arith.constant 0 : i32
    %ne3A_31 = arith.cmpi ne, %rem3A_29, %ne3A_30 : i32
    %lt3A = arith.constant 0 : i32
    %lt3A_32 = arith.cmpi slt, %rem3A_29, %lt3A : i32
    %lt3A_33 = arith.constant 0 : i32
    %lt3A_34 = arith.cmpi slt, %select_n3A_28, %lt3A_33 : i32
    %ne3A_35 = arith.xori %lt3A_32, %lt3A_34 : i1
    %and3A_36 = arith.andi %ne3A_35, %ne3A_31 : i1
    %add3A_37 = arith.addi %rem3A_29, %select_n3A_28 : i32
    %select_n3A_38 = arith.select %and3A_36, %add3A_37, %rem3A_29 : i32
    %mul3A_39 = arith.constant 256 : i32
    %mul3A_40 = arith.muli %select_n3A_38, %mul3A_39 : i32
    %add3A_41 = arith.constant 0 : i32
    %add3A_42 = arith.addi %mul3A_40, %add3A_41 : i32
    %dma_start3A = arith.constant 0 : i32
    %dma_start3A_43 = tpu.memref_slice %arg2[%select_n3A, %add3A_42, %dma_start3A] : memref<16x512x512xf32, #tpu.memory_space<hbm>> -> memref<1x32x512xf32, #tpu.memory_space<hbm>>
    %dma_start3A_44 = tpu.memref_squeeze %dma_start3A_43 : memref<1x32x512xf32, #tpu.memory_space<hbm>> -> memref<32x512xf32, #tpu.memory_space<hbm>>
    %dma_start3A_45 = arith.constant 0 : i32
    %dma_start3A_46 = tpu.memref_slice %arg2[%select_n3A, %add3A_42, %dma_start3A_45] : memref<16x512x512xf32, #tpu.memory_space<hbm>> -> memref<1x32x512xf32, #tpu.memory_space<hbm>>
    %dma_start3A_47 = tpu.memref_squeeze %dma_start3A_46 : memref<1x32x512xf32, #tpu.memory_space<hbm>> -> memref<32x512xf32, #tpu.memory_space<hbm>>
    tpu.enqueue_dma source(%dma_start3A_47 : memref<32x512xf32, #tpu.memory_space<hbm>>) target(%arg4 : memref<32x512xf32, #tpu.memory_space<vmem>>) target_semaphore(%arg8 : memref<!tpu.dma_semaphore, #tpu.memory_space<semaphore_mem>>)
    %add3A_48 = arith.constant 32 : i32
    %add3A_49 = arith.addi %mul3A_40, %add3A_48 : i32
    %dma_start3A_50 = arith.constant 0 : i32
    %dma_start3A_51 = tpu.memref_slice %arg2[%select_n3A, %add3A_49, %dma_start3A_50] : memref<16x512x512xf32, #tpu.memory_space<hbm>> -> memref<1x32x512xf32, #tpu.memory_space<hbm>>
    %dma_start3A_52 = tpu.memref_squeeze %dma_start3A_51 : memref<1x32x512xf32, #tpu.memory_space<hbm>> -> memref<32x512xf32, #tpu.memory_space<hbm>>
    %dma_start3A_53 = arith.constant 0 : i32
    %dma_start3A_54 = tpu.memref_slice %arg2[%select_n3A, %add3A_49, %dma_start3A_53] : memref<16x512x512xf32, #tpu.memory_space<hbm>> -> memref<1x32x512xf32, #tpu.memory_space<hbm>>
    %dma_start3A_55 = tpu.memref_squeeze %dma_start3A_54 : memref<1x32x512xf32, #tpu.memory_space<hbm>> -> memref<32x512xf32, #tpu.memory_space<hbm>>
    tpu.enqueue_dma source(%dma_start3A_55 : memref<32x512xf32, #tpu.memory_space<hbm>>) target(%arg5 : memref<32x512xf32, #tpu.memory_space<vmem>>) target_semaphore(%arg9 : memref<!tpu.dma_semaphore, #tpu.memory_space<semaphore_mem>>)
    %dma_wait3A = arith.constant 0 : i32
    %dma_wait3A_56 = tpu.memref_slice %arg2[%select_n3A, %add3A_42, %dma_wait3A] : memref<16x512x512xf32, #tpu.memory_space<hbm>> -> memref<1x32x512xf32, #tpu.memory_space<hbm>>
    %dma_wait3A_57 = tpu.memref_squeeze %dma_wait3A_56 : memref<1x32x512xf32, #tpu.memory_space<hbm>> -> memref<32x512xf32, #tpu.memory_space<hbm>>
    %dma_wait3A_58 = arith.constant 0 : i32
    %dma_wait3A_59 = tpu.memref_slice %arg2[%select_n3A, %add3A_42, %dma_wait3A_58] : memref<16x512x512xf32, #tpu.memory_space<hbm>> -> memref<1x32x512xf32, #tpu.memory_space<hbm>>
    %dma_wait3A_60 = tpu.memref_squeeze %dma_wait3A_59 : memref<1x32x512xf32, #tpu.memory_space<hbm>> -> memref<32x512xf32, #tpu.memory_space<hbm>>
    tpu.wait_dma2 semaphore(%arg8 : memref<!tpu.dma_semaphore, #tpu.memory_space<semaphore_mem>>) src(%dma_wait3A_60 : memref<32x512xf32, #tpu.memory_space<hbm>>) dst(%arg4 : memref<32x512xf32, #tpu.memory_space<vmem>>)
    %parallel_loop3A_61 = arith.constant 0 : i32
    %parallel_loop3A_62 = arith.constant 1024 : i32
    %parallel_loop3A_63 = arith.constant 1 : i32
    scf.for %parallel_loop3A_178 = %parallel_loop3A_61 to %parallel_loop3A_62 step %parallel_loop3A_63  : i32 {
      %parallel_loop3A_179 = arith.constant 5 : i32
      %parallel_loop3A_180 = arith.shrsi %parallel_loop3A_178, %parallel_loop3A_179 : i32
      %parallel_loop3A_181 = arith.constant 31 : i32
      %parallel_loop3A_182 = arith.andi %parallel_loop3A_178, %parallel_loop3A_181 : i32
      %parallel_loop3A_183 = arith.constant 16 : i32
      %parallel_loop3A_184 = arith.muli %parallel_loop3A_182, %parallel_loop3A_183 : i32
      %parallel_loop3A_185 = arith.index_cast %parallel_loop3A_180 : i32 to index
      %parallel_loop3A_186 = arith.index_cast %parallel_loop3A_184 : i32 to index
      %parallel_loop3A_187 = tpu.vector_load %arg4[%parallel_loop3A_185, %parallel_loop3A_186] {strides = array<i32>} : memref<32x512xf32, #tpu.memory_space<vmem>>, vector<16xf32>,
      %parallel_loop3A_188 = arith.constant 1035630.63 : f32
      %parallel_loop3A_189 = vector.broadcast %parallel_loop3A_188 : f32 to vector<16xf32>
      %parallel_loop3A_190 = arith.mulf %parallel_loop3A_187, %parallel_loop3A_189 : vector<16xf32>
      %parallel_loop3A_191 = arith.fptosi %parallel_loop3A_190 : vector<16xf32> to vector<16xi32>
      %parallel_loop3A_192 = arith.constant 12 : i32
      %parallel_loop3A_193 = vector.broadcast %parallel_loop3A_192 : i32 to vector<16xi32>
      %parallel_loop3A_194 = arith.shrsi %parallel_loop3A_191, %parallel_loop3A_193 : vector<16xi32>
      %parallel_loop3A_195 = arith.addi %mul3A_3, %parallel_loop3A_194 : vector<16xi32>
      tpu.vector_store_idx %arg6[%parallel_loop3A_195], %broadcast_in_dim3A_4 {add = true} : memref<65792xi32, #tpu.memory_space<vmem>>[vector<16xi32>], vector<16xi32>,
    } {sc.loop_unroll_factor = 8 : i64, sc.parallel_access}
    %add3A_64 = arith.constant 64 : i32
    %add3A_65 = arith.addi %mul3A_40, %add3A_64 : i32
    %dma_start3A_66 = arith.constant 0 : i32
    %dma_start3A_67 = tpu.memref_slice %arg2[%select_n3A, %add3A_65, %dma_start3A_66] : memref<16x512x512xf32, #tpu.memory_space<hbm>> -> memref<1x32x512xf32, #tpu.memory_space<hbm>>
    %dma_start3A_68 = tpu.memref_squeeze %dma_start3A_67 : memref<1x32x512xf32, #tpu.memory_space<hbm>> -> memref<32x512xf32, #tpu.memory_space<hbm>>
    %dma_start3A_69 = arith.constant 0 : i32
    %dma_start3A_70 = tpu.memref_slice %arg2[%select_n3A, %add3A_65, %dma_start3A_69] : memref<16x512x512xf32, #tpu.memory_space<hbm>> -> memref<1x32x512xf32, #tpu.memory_space<hbm>>
    %dma_start3A_71 = tpu.memref_squeeze %dma_start3A_70 : memref<1x32x512xf32, #tpu.memory_space<hbm>> -> memref<32x512xf32, #tpu.memory_space<hbm>>
    tpu.enqueue_dma source(%dma_start3A_71 : memref<32x512xf32, #tpu.memory_space<hbm>>) target(%arg4 : memref<32x512xf32, #tpu.memory_space<vmem>>) target_semaphore(%arg8 : memref<!tpu.dma_semaphore, #tpu.memory_space<semaphore_mem>>)
    %dma_wait3A_72 = arith.constant 0 : i32
    %dma_wait3A_73 = tpu.memref_slice %arg2[%select_n3A, %add3A_49, %dma_wait3A_72] : memref<16x512x512xf32, #tpu.memory_space<hbm>> -> memref<1x32x512xf32, #tpu.memory_space<hbm>>
    %dma_wait3A_74 = tpu.memref_squeeze %dma_wait3A_73 : memref<1x32x512xf32, #tpu.memory_space<hbm>> -> memref<32x512xf32, #tpu.memory_space<hbm>>
    %dma_wait3A_75 = arith.constant 0 : i32
    %dma_wait3A_76 = tpu.memref_slice %arg2[%select_n3A, %add3A_49, %dma_wait3A_75] : memref<16x512x512xf32, #tpu.memory_space<hbm>> -> memref<1x32x512xf32, #tpu.memory_space<hbm>>
    %dma_wait3A_77 = tpu.memref_squeeze %dma_wait3A_76 : memref<1x32x512xf32, #tpu.memory_space<hbm>> -> memref<32x512xf32, #tpu.memory_space<hbm>>
    tpu.wait_dma2 semaphore(%arg9 : memref<!tpu.dma_semaphore, #tpu.memory_space<semaphore_mem>>) src(%dma_wait3A_77 : memref<32x512xf32, #tpu.memory_space<hbm>>) dst(%arg5 : memref<32x512xf32, #tpu.memory_space<vmem>>)
    %parallel_loop3A_78 = arith.constant 0 : i32
    %parallel_loop3A_79 = arith.constant 1024 : i32
    %parallel_loop3A_80 = arith.constant 1 : i32
    scf.for %parallel_loop3A_178 = %parallel_loop3A_78 to %parallel_loop3A_79 step %parallel_loop3A_80  : i32 {
      %parallel_loop3A_179 = arith.constant 5 : i32
      %parallel_loop3A_180 = arith.shrsi %parallel_loop3A_178, %parallel_loop3A_179 : i32
      %parallel_loop3A_181 = arith.constant 31 : i32
      %parallel_loop3A_182 = arith.andi %parallel_loop3A_178, %parallel_loop3A_181 : i32
      %parallel_loop3A_183 = arith.constant 16 : i32
      %parallel_loop3A_184 = arith.muli %parallel_loop3A_182, %parallel_loop3A_183 : i32
      %parallel_loop3A_185 = arith.index_cast %parallel_loop3A_180 : i32 to index
      %parallel_loop3A_186 = arith.index_cast %parallel_loop3A_184 : i32 to index
      %parallel_loop3A_187 = tpu.vector_load %arg5[%parallel_loop3A_185, %parallel_loop3A_186] {strides = array<i32>} : memref<32x512xf32, #tpu.memory_space<vmem>>, vector<16xf32>,
      %parallel_loop3A_188 = arith.constant 1035630.63 : f32
      %parallel_loop3A_189 = vector.broadcast %parallel_loop3A_188 : f32 to vector<16xf32>
      %parallel_loop3A_190 = arith.mulf %parallel_loop3A_187, %parallel_loop3A_189 : vector<16xf32>
      %parallel_loop3A_191 = arith.fptosi %parallel_loop3A_190 : vector<16xf32> to vector<16xi32>
      %parallel_loop3A_192 = arith.constant 12 : i32
      %parallel_loop3A_193 = vector.broadcast %parallel_loop3A_192 : i32 to vector<16xi32>
      %parallel_loop3A_194 = arith.shrsi %parallel_loop3A_191, %parallel_loop3A_193 : vector<16xi32>
      %parallel_loop3A_195 = arith.addi %mul3A_3, %parallel_loop3A_194 : vector<16xi32>
      tpu.vector_store_idx %arg6[%parallel_loop3A_195], %broadcast_in_dim3A_4 {add = true} : memref<65792xi32, #tpu.memory_space<vmem>>[vector<16xi32>], vector<16xi32>,
    } {sc.loop_unroll_factor = 8 : i64, sc.parallel_access}
    %add3A_81 = arith.constant 96 : i32
    %add3A_82 = arith.addi %mul3A_40, %add3A_81 : i32
    %dma_start3A_83 = arith.constant 0 : i32
    %dma_start3A_84 = tpu.memref_slice %arg2[%select_n3A, %add3A_82, %dma_start3A_83] : memref<16x512x512xf32, #tpu.memory_space<hbm>> -> memref<1x32x512xf32, #tpu.memory_space<hbm>>
    %dma_start3A_85 = tpu.memref_squeeze %dma_start3A_84 : memref<1x32x512xf32, #tpu.memory_space<hbm>> -> memref<32x512xf32, #tpu.memory_space<hbm>>
    %dma_start3A_86 = arith.constant 0 : i32
    %dma_start3A_87 = tpu.memref_slice %arg2[%select_n3A, %add3A_82, %dma_start3A_86] : memref<16x512x512xf32, #tpu.memory_space<hbm>> -> memref<1x32x512xf32, #tpu.memory_space<hbm>>
    %dma_start3A_88 = tpu.memref_squeeze %dma_start3A_87 : memref<1x32x512xf32, #tpu.memory_space<hbm>> -> memref<32x512xf32, #tpu.memory_space<hbm>>
    tpu.enqueue_dma source(%dma_start3A_88 : memref<32x512xf32, #tpu.memory_space<hbm>>) target(%arg5 : memref<32x512xf32, #tpu.memory_space<vmem>>) target_semaphore(%arg9 : memref<!tpu.dma_semaphore, #tpu.memory_space<semaphore_mem>>)
    %dma_wait3A_89 = arith.constant 0 : i32
    %dma_wait3A_90 = tpu.memref_slice %arg2[%select_n3A, %add3A_65, %dma_wait3A_89] : memref<16x512x512xf32, #tpu.memory_space<hbm>> -> memref<1x32x512xf32, #tpu.memory_space<hbm>>
    %dma_wait3A_91 = tpu.memref_squeeze %dma_wait3A_90 : memref<1x32x512xf32, #tpu.memory_space<hbm>> -> memref<32x512xf32, #tpu.memory_space<hbm>>
    %dma_wait3A_92 = arith.constant 0 : i32
    %dma_wait3A_93 = tpu.memref_slice %arg2[%select_n3A, %add3A_65, %dma_wait3A_92] : memref<16x512x512xf32, #tpu.memory_space<hbm>> -> memref<1x32x512xf32, #tpu.memory_space<hbm>>
    %dma_wait3A_94 = tpu.memref_squeeze %dma_wait3A_93 : memref<1x32x512xf32, #tpu.memory_space<hbm>> -> memref<32x512xf32, #tpu.memory_space<hbm>>
    tpu.wait_dma2 semaphore(%arg8 : memref<!tpu.dma_semaphore, #tpu.memory_space<semaphore_mem>>) src(%dma_wait3A_94 : memref<32x512xf32, #tpu.memory_space<hbm>>) dst(%arg4 : memref<32x512xf32, #tpu.memory_space<vmem>>)
    %parallel_loop3A_95 = arith.constant 0 : i32
    %parallel_loop3A_96 = arith.constant 1024 : i32
    %parallel_loop3A_97 = arith.constant 1 : i32
    scf.for %parallel_loop3A_178 = %parallel_loop3A_95 to %parallel_loop3A_96 step %parallel_loop3A_97  : i32 {
      %parallel_loop3A_179 = arith.constant 5 : i32
      %parallel_loop3A_180 = arith.shrsi %parallel_loop3A_178, %parallel_loop3A_179 : i32
      %parallel_loop3A_181 = arith.constant 31 : i32
      %parallel_loop3A_182 = arith.andi %parallel_loop3A_178, %parallel_loop3A_181 : i32
      %parallel_loop3A_183 = arith.constant 16 : i32
      %parallel_loop3A_184 = arith.muli %parallel_loop3A_182, %parallel_loop3A_183 : i32
      %parallel_loop3A_185 = arith.index_cast %parallel_loop3A_180 : i32 to index
      %parallel_loop3A_186 = arith.index_cast %parallel_loop3A_184 : i32 to index
      %parallel_loop3A_187 = tpu.vector_load %arg4[%parallel_loop3A_185, %parallel_loop3A_186] {strides = array<i32>} : memref<32x512xf32, #tpu.memory_space<vmem>>, vector<16xf32>,
      %parallel_loop3A_188 = arith.constant 1035630.63 : f32
      %parallel_loop3A_189 = vector.broadcast %parallel_loop3A_188 : f32 to vector<16xf32>
      %parallel_loop3A_190 = arith.mulf %parallel_loop3A_187, %parallel_loop3A_189 : vector<16xf32>
      %parallel_loop3A_191 = arith.fptosi %parallel_loop3A_190 : vector<16xf32> to vector<16xi32>
      %parallel_loop3A_192 = arith.constant 12 : i32
      %parallel_loop3A_193 = vector.broadcast %parallel_loop3A_192 : i32 to vector<16xi32>
      %parallel_loop3A_194 = arith.shrsi %parallel_loop3A_191, %parallel_loop3A_193 : vector<16xi32>
      %parallel_loop3A_195 = arith.addi %mul3A_3, %parallel_loop3A_194 : vector<16xi32>
      tpu.vector_store_idx %arg6[%parallel_loop3A_195], %broadcast_in_dim3A_4 {add = true} : memref<65792xi32, #tpu.memory_space<vmem>>[vector<16xi32>], vector<16xi32>,
    } {sc.loop_unroll_factor = 8 : i64, sc.parallel_access}
    %add3A_98 = arith.constant 128 : i32
    %add3A_99 = arith.addi %mul3A_40, %add3A_98 : i32
    %dma_start3A_100 = arith.constant 0 : i32
    %dma_start3A_101 = tpu.memref_slice %arg2[%select_n3A, %add3A_99, %dma_start3A_100] : memref<16x512x512xf32, #tpu.memory_space<hbm>> -> memref<1x32x512xf32, #tpu.memory_space<hbm>>
    %dma_start3A_102 = tpu.memref_squeeze %dma_start3A_101 : memref<1x32x512xf32, #tpu.memory_space<hbm>> -> memref<32x512xf32, #tpu.memory_space<hbm>>
    %dma_start3A_103 = arith.constant 0 : i32
    %dma_start3A_104 = tpu.memref_slice %arg2[%select_n3A, %add3A_99, %dma_start3A_103] : memref<16x512x512xf32, #tpu.memory_space<hbm>> -> memref<1x32x512xf32, #tpu.memory_space<hbm>>
    %dma_start3A_105 = tpu.memref_squeeze %dma_start3A_104 : memref<1x32x512xf32, #tpu.memory_space<hbm>> -> memref<32x512xf32, #tpu.memory_space<hbm>>
    tpu.enqueue_dma source(%dma_start3A_105 : memref<32x512xf32, #tpu.memory_space<hbm>>) target(%arg4 : memref<32x512xf32, #tpu.memory_space<vmem>>) target_semaphore(%arg8 : memref<!tpu.dma_semaphore, #tpu.memory_space<semaphore_mem>>)
    %dma_wait3A_106 = arith.constant 0 : i32
    %dma_wait3A_107 = tpu.memref_slice %arg2[%select_n3A, %add3A_82, %dma_wait3A_106] : memref<16x512x512xf32, #tpu.memory_space<hbm>> -> memref<1x32x512xf32, #tpu.memory_space<hbm>>
    %dma_wait3A_108 = tpu.memref_squeeze %dma_wait3A_107 : memref<1x32x512xf32, #tpu.memory_space<hbm>> -> memref<32x512xf32, #tpu.memory_space<hbm>>
    %dma_wait3A_109 = arith.constant 0 : i32
    %dma_wait3A_110 = tpu.memref_slice %arg2[%select_n3A, %add3A_82, %dma_wait3A_109] : memref<16x512x512xf32, #tpu.memory_space<hbm>> -> memref<1x32x512xf32, #tpu.memory_space<hbm>>
    %dma_wait3A_111 = tpu.memref_squeeze %dma_wait3A_110 : memref<1x32x512xf32, #tpu.memory_space<hbm>> -> memref<32x512xf32, #tpu.memory_space<hbm>>
    tpu.wait_dma2 semaphore(%arg9 : memref<!tpu.dma_semaphore, #tpu.memory_space<semaphore_mem>>) src(%dma_wait3A_111 : memref<32x512xf32, #tpu.memory_space<hbm>>) dst(%arg5 : memref<32x512xf32, #tpu.memory_space<vmem>>)
    %parallel_loop3A_112 = arith.constant 0 : i32
    %parallel_loop3A_113 = arith.constant 1024 : i32
    %parallel_loop3A_114 = arith.constant 1 : i32
    scf.for %parallel_loop3A_178 = %parallel_loop3A_112 to %parallel_loop3A_113 step %parallel_loop3A_114  : i32 {
      %parallel_loop3A_179 = arith.constant 5 : i32
      %parallel_loop3A_180 = arith.shrsi %parallel_loop3A_178, %parallel_loop3A_179 : i32
      %parallel_loop3A_181 = arith.constant 31 : i32
      %parallel_loop3A_182 = arith.andi %parallel_loop3A_178, %parallel_loop3A_181 : i32
      %parallel_loop3A_183 = arith.constant 16 : i32
      %parallel_loop3A_184 = arith.muli %parallel_loop3A_182, %parallel_loop3A_183 : i32
      %parallel_loop3A_185 = arith.index_cast %parallel_loop3A_180 : i32 to index
      %parallel_loop3A_186 = arith.index_cast %parallel_loop3A_184 : i32 to index
      %parallel_loop3A_187 = tpu.vector_load %arg5[%parallel_loop3A_185, %parallel_loop3A_186] {strides = array<i32>} : memref<32x512xf32, #tpu.memory_space<vmem>>, vector<16xf32>,
      %parallel_loop3A_188 = arith.constant 1035630.63 : f32
      %parallel_loop3A_189 = vector.broadcast %parallel_loop3A_188 : f32 to vector<16xf32>
      %parallel_loop3A_190 = arith.mulf %parallel_loop3A_187, %parallel_loop3A_189 : vector<16xf32>
      %parallel_loop3A_191 = arith.fptosi %parallel_loop3A_190 : vector<16xf32> to vector<16xi32>
      %parallel_loop3A_192 = arith.constant 12 : i32
      %parallel_loop3A_193 = vector.broadcast %parallel_loop3A_192 : i32 to vector<16xi32>
      %parallel_loop3A_194 = arith.shrsi %parallel_loop3A_191, %parallel_loop3A_193 : vector<16xi32>
      %parallel_loop3A_195 = arith.addi %mul3A_3, %parallel_loop3A_194 : vector<16xi32>
      tpu.vector_store_idx %arg6[%parallel_loop3A_195], %broadcast_in_dim3A_4 {add = true} : memref<65792xi32, #tpu.memory_space<vmem>>[vector<16xi32>], vector<16xi32>,
    } {sc.loop_unroll_factor = 8 : i64, sc.parallel_access}
    %add3A_115 = arith.constant 160 : i32
    %add3A_116 = arith.addi %mul3A_40, %add3A_115 : i32
    %dma_start3A_117 = arith.constant 0 : i32
    %dma_start3A_118 = tpu.memref_slice %arg2[%select_n3A, %add3A_116, %dma_start3A_117] : memref<16x512x512xf32, #tpu.memory_space<hbm>> -> memref<1x32x512xf32, #tpu.memory_space<hbm>>
    %dma_start3A_119 = tpu.memref_squeeze %dma_start3A_118 : memref<1x32x512xf32, #tpu.memory_space<hbm>> -> memref<32x512xf32, #tpu.memory_space<hbm>>
    %dma_start3A_120 = arith.constant 0 : i32
    %dma_start3A_121 = tpu.memref_slice %arg2[%select_n3A, %add3A_116, %dma_start3A_120] : memref<16x512x512xf32, #tpu.memory_space<hbm>> -> memref<1x32x512xf32, #tpu.memory_space<hbm>>
    %dma_start3A_122 = tpu.memref_squeeze %dma_start3A_121 : memref<1x32x512xf32, #tpu.memory_space<hbm>> -> memref<32x512xf32, #tpu.memory_space<hbm>>
    tpu.enqueue_dma source(%dma_start3A_122 : memref<32x512xf32, #tpu.memory_space<hbm>>) target(%arg5 : memref<32x512xf32, #tpu.memory_space<vmem>>) target_semaphore(%arg9 : memref<!tpu.dma_semaphore, #tpu.memory_space<semaphore_mem>>)
    %dma_wait3A_123 = arith.constant 0 : i32
    %dma_wait3A_124 = tpu.memref_slice %arg2[%select_n3A, %add3A_99, %dma_wait3A_123] : memref<16x512x512xf32, #tpu.memory_space<hbm>> -> memref<1x32x512xf32, #tpu.memory_space<hbm>>
    %dma_wait3A_125 = tpu.memref_squeeze %dma_wait3A_124 : memref<1x32x512xf32, #tpu.memory_space<hbm>> -> memref<32x512xf32, #tpu.memory_space<hbm>>
    %dma_wait3A_126 = arith.constant 0 : i32
    %dma_wait3A_127 = tpu.memref_slice %arg2[%select_n3A, %add3A_99, %dma_wait3A_126] : memref<16x512x512xf32, #tpu.memory_space<hbm>> -> memref<1x32x512xf32, #tpu.memory_space<hbm>>
    %dma_wait3A_128 = tpu.memref_squeeze %dma_wait3A_127 : memref<1x32x512xf32, #tpu.memory_space<hbm>> -> memref<32x512xf32, #tpu.memory_space<hbm>>
    tpu.wait_dma2 semaphore(%arg8 : memref<!tpu.dma_semaphore, #tpu.memory_space<semaphore_mem>>) src(%dma_wait3A_128 : memref<32x512xf32, #tpu.memory_space<hbm>>) dst(%arg4 : memref<32x512xf32, #tpu.memory_space<vmem>>)
    %parallel_loop3A_129 = arith.constant 0 : i32
    %parallel_loop3A_130 = arith.constant 1024 : i32
    %parallel_loop3A_131 = arith.constant 1 : i32
    scf.for %parallel_loop3A_178 = %parallel_loop3A_129 to %parallel_loop3A_130 step %parallel_loop3A_131  : i32 {
      %parallel_loop3A_179 = arith.constant 5 : i32
      %parallel_loop3A_180 = arith.shrsi %parallel_loop3A_178, %parallel_loop3A_179 : i32
      %parallel_loop3A_181 = arith.constant 31 : i32
      %parallel_loop3A_182 = arith.andi %parallel_loop3A_178, %parallel_loop3A_181 : i32
      %parallel_loop3A_183 = arith.constant 16 : i32
      %parallel_loop3A_184 = arith.muli %parallel_loop3A_182, %parallel_loop3A_183 : i32
      %parallel_loop3A_185 = arith.index_cast %parallel_loop3A_180 : i32 to index
      %parallel_loop3A_186 = arith.index_cast %parallel_loop3A_184 : i32 to index
      %parallel_loop3A_187 = tpu.vector_load %arg4[%parallel_loop3A_185, %parallel_loop3A_186] {strides = array<i32>} : memref<32x512xf32, #tpu.memory_space<vmem>>, vector<16xf32>,
      %parallel_loop3A_188 = arith.constant 1035630.63 : f32
      %parallel_loop3A_189 = vector.broadcast %parallel_loop3A_188 : f32 to vector<16xf32>
      %parallel_loop3A_190 = arith.mulf %parallel_loop3A_187, %parallel_loop3A_189 : vector<16xf32>
      %parallel_loop3A_191 = arith.fptosi %parallel_loop3A_190 : vector<16xf32> to vector<16xi32>
      %parallel_loop3A_192 = arith.constant 12 : i32
      %parallel_loop3A_193 = vector.broadcast %parallel_loop3A_192 : i32 to vector<16xi32>
      %parallel_loop3A_194 = arith.shrsi %parallel_loop3A_191, %parallel_loop3A_193 : vector<16xi32>
      %parallel_loop3A_195 = arith.addi %mul3A_3, %parallel_loop3A_194 : vector<16xi32>
      tpu.vector_store_idx %arg6[%parallel_loop3A_195], %broadcast_in_dim3A_4 {add = true} : memref<65792xi32, #tpu.memory_space<vmem>>[vector<16xi32>], vector<16xi32>,
    } {sc.loop_unroll_factor = 8 : i64, sc.parallel_access}
    %add3A_132 = arith.constant 192 : i32
    %add3A_133 = arith.addi %mul3A_40, %add3A_132 : i32
    %dma_start3A_134 = arith.constant 0 : i32
    %dma_start3A_135 = tpu.memref_slice %arg2[%select_n3A, %add3A_133, %dma_start3A_134] : memref<16x512x512xf32, #tpu.memory_space<hbm>> -> memref<1x32x512xf32, #tpu.memory_space<hbm>>
    %dma_start3A_136 = tpu.memref_squeeze %dma_start3A_135 : memref<1x32x512xf32, #tpu.memory_space<hbm>> -> memref<32x512xf32, #tpu.memory_space<hbm>>
    %dma_start3A_137 = arith.constant 0 : i32
    %dma_start3A_138 = tpu.memref_slice %arg2[%select_n3A, %add3A_133, %dma_start3A_137] : memref<16x512x512xf32, #tpu.memory_space<hbm>> -> memref<1x32x512xf32, #tpu.memory_space<hbm>>
    %dma_start3A_139 = tpu.memref_squeeze %dma_start3A_138 : memref<1x32x512xf32, #tpu.memory_space<hbm>> -> memref<32x512xf32, #tpu.memory_space<hbm>>
    tpu.enqueue_dma source(%dma_start3A_139 : memref<32x512xf32, #tpu.memory_space<hbm>>) target(%arg4 : memref<32x512xf32, #tpu.memory_space<vmem>>) target_semaphore(%arg8 : memref<!tpu.dma_semaphore, #tpu.memory_space<semaphore_mem>>)
    %dma_wait3A_140 = arith.constant 0 : i32
    %dma_wait3A_141 = tpu.memref_slice %arg2[%select_n3A, %add3A_116, %dma_wait3A_140] : memref<16x512x512xf32, #tpu.memory_space<hbm>> -> memref<1x32x512xf32, #tpu.memory_space<hbm>>
    %dma_wait3A_142 = tpu.memref_squeeze %dma_wait3A_141 : memref<1x32x512xf32, #tpu.memory_space<hbm>> -> memref<32x512xf32, #tpu.memory_space<hbm>>
    %dma_wait3A_143 = arith.constant 0 : i32
    %dma_wait3A_144 = tpu.memref_slice %arg2[%select_n3A, %add3A_116, %dma_wait3A_143] : memref<16x512x512xf32, #tpu.memory_space<hbm>> -> memref<1x32x512xf32, #tpu.memory_space<hbm>>
    %dma_wait3A_145 = tpu.memref_squeeze %dma_wait3A_144 : memref<1x32x512xf32, #tpu.memory_space<hbm>> -> memref<32x512xf32, #tpu.memory_space<hbm>>
    tpu.wait_dma2 semaphore(%arg9 : memref<!tpu.dma_semaphore, #tpu.memory_space<semaphore_mem>>) src(%dma_wait3A_145 : memref<32x512xf32, #tpu.memory_space<hbm>>) dst(%arg5 : memref<32x512xf32, #tpu.memory_space<vmem>>)
    %parallel_loop3A_146 = arith.constant 0 : i32
    %parallel_loop3A_147 = arith.constant 1024 : i32
    %parallel_loop3A_148 = arith.constant 1 : i32
    scf.for %parallel_loop3A_178 = %parallel_loop3A_146 to %parallel_loop3A_147 step %parallel_loop3A_148  : i32 {
      %parallel_loop3A_179 = arith.constant 5 : i32
      %parallel_loop3A_180 = arith.shrsi %parallel_loop3A_178, %parallel_loop3A_179 : i32
      %parallel_loop3A_181 = arith.constant 31 : i32
      %parallel_loop3A_182 = arith.andi %parallel_loop3A_178, %parallel_loop3A_181 : i32
      %parallel_loop3A_183 = arith.constant 16 : i32
      %parallel_loop3A_184 = arith.muli %parallel_loop3A_182, %parallel_loop3A_183 : i32
      %parallel_loop3A_185 = arith.index_cast %parallel_loop3A_180 : i32 to index
      %parallel_loop3A_186 = arith.index_cast %parallel_loop3A_184 : i32 to index
      %parallel_loop3A_187 = tpu.vector_load %arg5[%parallel_loop3A_185, %parallel_loop3A_186] {strides = array<i32>} : memref<32x512xf32, #tpu.memory_space<vmem>>, vector<16xf32>,
      %parallel_loop3A_188 = arith.constant 1035630.63 : f32
      %parallel_loop3A_189 = vector.broadcast %parallel_loop3A_188 : f32 to vector<16xf32>
      %parallel_loop3A_190 = arith.mulf %parallel_loop3A_187, %parallel_loop3A_189 : vector<16xf32>
      %parallel_loop3A_191 = arith.fptosi %parallel_loop3A_190 : vector<16xf32> to vector<16xi32>
      %parallel_loop3A_192 = arith.constant 12 : i32
      %parallel_loop3A_193 = vector.broadcast %parallel_loop3A_192 : i32 to vector<16xi32>
      %parallel_loop3A_194 = arith.shrsi %parallel_loop3A_191, %parallel_loop3A_193 : vector<16xi32>
      %parallel_loop3A_195 = arith.addi %mul3A_3, %parallel_loop3A_194 : vector<16xi32>
      tpu.vector_store_idx %arg6[%parallel_loop3A_195], %broadcast_in_dim3A_4 {add = true} : memref<65792xi32, #tpu.memory_space<vmem>>[vector<16xi32>], vector<16xi32>,
    } {sc.loop_unroll_factor = 8 : i64, sc.parallel_access}
    %add3A_149 = arith.constant 224 : i32
    %add3A_150 = arith.addi %mul3A_40, %add3A_149 : i32
    %dma_start3A_151 = arith.constant 0 : i32
    %dma_start3A_152 = tpu.memref_slice %arg2[%select_n3A, %add3A_150, %dma_start3A_151] : memref<16x512x512xf32, #tpu.memory_space<hbm>> -> memref<1x32x512xf32, #tpu.memory_space<hbm>>
    %dma_start3A_153 = tpu.memref_squeeze %dma_start3A_152 : memref<1x32x512xf32, #tpu.memory_space<hbm>> -> memref<32x512xf32, #tpu.memory_space<hbm>>
    %dma_start3A_154 = arith.constant 0 : i32
    %dma_start3A_155 = tpu.memref_slice %arg2[%select_n3A, %add3A_150, %dma_start3A_154] : memref<16x512x512xf32, #tpu.memory_space<hbm>> -> memref<1x32x512xf32, #tpu.memory_space<hbm>>
    %dma_start3A_156 = tpu.memref_squeeze %dma_start3A_155 : memref<1x32x512xf32, #tpu.memory_space<hbm>> -> memref<32x512xf32, #tpu.memory_space<hbm>>
    tpu.enqueue_dma source(%dma_start3A_156 : memref<32x512xf32, #tpu.memory_space<hbm>>) target(%arg5 : memref<32x512xf32, #tpu.memory_space<vmem>>) target_semaphore(%arg9 : memref<!tpu.dma_semaphore, #tpu.memory_space<semaphore_mem>>)
    %dma_wait3A_157 = arith.constant 0 : i32
    %dma_wait3A_158 = tpu.memref_slice %arg2[%select_n3A, %add3A_133, %dma_wait3A_157] : memref<16x512x512xf32, #tpu.memory_space<hbm>> -> memref<1x32x512xf32, #tpu.memory_space<hbm>>
    %dma_wait3A_159 = tpu.memref_squeeze %dma_wait3A_158 : memref<1x32x512xf32, #tpu.memory_space<hbm>> -> memref<32x512xf32, #tpu.memory_space<hbm>>
    %dma_wait3A_160 = arith.constant 0 : i32
    %dma_wait3A_161 = tpu.memref_slice %arg2[%select_n3A, %add3A_133, %dma_wait3A_160] : memref<16x512x512xf32, #tpu.memory_space<hbm>> -> memref<1x32x512xf32, #tpu.memory_space<hbm>>
    %dma_wait3A_162 = tpu.memref_squeeze %dma_wait3A_161 : memref<1x32x512xf32, #tpu.memory_space<hbm>> -> memref<32x512xf32, #tpu.memory_space<hbm>>
    tpu.wait_dma2 semaphore(%arg8 : memref<!tpu.dma_semaphore, #tpu.memory_space<semaphore_mem>>) src(%dma_wait3A_162 : memref<32x512xf32, #tpu.memory_space<hbm>>) dst(%arg4 : memref<32x512xf32, #tpu.memory_space<vmem>>)
    %parallel_loop3A_163 = arith.constant 0 : i32
    %parallel_loop3A_164 = arith.constant 1024 : i32
    %parallel_loop3A_165 = arith.constant 1 : i32
    scf.for %parallel_loop3A_178 = %parallel_loop3A_163 to %parallel_loop3A_164 step %parallel_loop3A_165  : i32 {
      %parallel_loop3A_179 = arith.constant 5 : i32
      %parallel_loop3A_180 = arith.shrsi %parallel_loop3A_178, %parallel_loop3A_179 : i32
      %parallel_loop3A_181 = arith.constant 31 : i32
      %parallel_loop3A_182 = arith.andi %parallel_loop3A_178, %parallel_loop3A_181 : i32
      %parallel_loop3A_183 = arith.constant 16 : i32
      %parallel_loop3A_184 = arith.muli %parallel_loop3A_182, %parallel_loop3A_183 : i32
      %parallel_loop3A_185 = arith.index_cast %parallel_loop3A_180 : i32 to index
      %parallel_loop3A_186 = arith.index_cast %parallel_loop3A_184 : i32 to index
      %parallel_loop3A_187 = tpu.vector_load %arg4[%parallel_loop3A_185, %parallel_loop3A_186] {strides = array<i32>} : memref<32x512xf32, #tpu.memory_space<vmem>>, vector<16xf32>,
      %parallel_loop3A_188 = arith.constant 1035630.63 : f32
      %parallel_loop3A_189 = vector.broadcast %parallel_loop3A_188 : f32 to vector<16xf32>
      %parallel_loop3A_190 = arith.mulf %parallel_loop3A_187, %parallel_loop3A_189 : vector<16xf32>
      %parallel_loop3A_191 = arith.fptosi %parallel_loop3A_190 : vector<16xf32> to vector<16xi32>
      %parallel_loop3A_192 = arith.constant 12 : i32
      %parallel_loop3A_193 = vector.broadcast %parallel_loop3A_192 : i32 to vector<16xi32>
      %parallel_loop3A_194 = arith.shrsi %parallel_loop3A_191, %parallel_loop3A_193 : vector<16xi32>
      %parallel_loop3A_195 = arith.addi %mul3A_3, %parallel_loop3A_194 : vector<16xi32>
      tpu.vector_store_idx %arg6[%parallel_loop3A_195], %broadcast_in_dim3A_4 {add = true} : memref<65792xi32, #tpu.memory_space<vmem>>[vector<16xi32>], vector<16xi32>,
    } {sc.loop_unroll_factor = 8 : i64, sc.parallel_access}
    %dma_wait3A_166 = arith.constant 0 : i32
    %dma_wait3A_167 = tpu.memref_slice %arg2[%select_n3A, %add3A_150, %dma_wait3A_166] : memref<16x512x512xf32, #tpu.memory_space<hbm>> -> memref<1x32x512xf32, #tpu.memory_space<hbm>>
    %dma_wait3A_168 = tpu.memref_squeeze %dma_wait3A_167 : memref<1x32x512xf32, #tpu.memory_space<hbm>> -> memref<32x512xf32, #tpu.memory_space<hbm>>
    %dma_wait3A_169 = arith.constant 0 : i32
    %dma_wait3A_170 = tpu.memref_slice %arg2[%select_n3A, %add3A_150, %dma_wait3A_169] : memref<16x512x512xf32, #tpu.memory_space<hbm>> -> memref<1x32x512xf32, #tpu.memory_space<hbm>>
    %dma_wait3A_171 = tpu.memref_squeeze %dma_wait3A_170 : memref<1x32x512xf32, #tpu.memory_space<hbm>> -> memref<32x512xf32, #tpu.memory_space<hbm>>
    tpu.wait_dma2 semaphore(%arg9 : memref<!tpu.dma_semaphore, #tpu.memory_space<semaphore_mem>>) src(%dma_wait3A_171 : memref<32x512xf32, #tpu.memory_space<hbm>>) dst(%arg5 : memref<32x512xf32, #tpu.memory_space<vmem>>)
    %parallel_loop3A_172 = arith.constant 0 : i32
    %parallel_loop3A_173 = arith.constant 1024 : i32
    %parallel_loop3A_174 = arith.constant 1 : i32
    scf.for %parallel_loop3A_178 = %parallel_loop3A_172 to %parallel_loop3A_173 step %parallel_loop3A_174  : i32 {
      %parallel_loop3A_179 = arith.constant 5 : i32
      %parallel_loop3A_180 = arith.shrsi %parallel_loop3A_178, %parallel_loop3A_179 : i32
      %parallel_loop3A_181 = arith.constant 31 : i32
      %parallel_loop3A_182 = arith.andi %parallel_loop3A_178, %parallel_loop3A_181 : i32
      %parallel_loop3A_183 = arith.constant 16 : i32
      %parallel_loop3A_184 = arith.muli %parallel_loop3A_182, %parallel_loop3A_183 : i32
      %parallel_loop3A_185 = arith.index_cast %parallel_loop3A_180 : i32 to index
      %parallel_loop3A_186 = arith.index_cast %parallel_loop3A_184 : i32 to index
      %parallel_loop3A_187 = tpu.vector_load %arg5[%parallel_loop3A_185, %parallel_loop3A_186] {strides = array<i32>} : memref<32x512xf32, #tpu.memory_space<vmem>>, vector<16xf32>,
      %parallel_loop3A_188 = arith.constant 1035630.63 : f32
      %parallel_loop3A_189 = vector.broadcast %parallel_loop3A_188 : f32 to vector<16xf32>
      %parallel_loop3A_190 = arith.mulf %parallel_loop3A_187, %parallel_loop3A_189 : vector<16xf32>
      %parallel_loop3A_191 = arith.fptosi %parallel_loop3A_190 : vector<16xf32> to vector<16xi32>
      %parallel_loop3A_192 = arith.constant 12 : i32
      %parallel_loop3A_193 = vector.broadcast %parallel_loop3A_192 : i32 to vector<16xi32>
      %parallel_loop3A_194 = arith.shrsi %parallel_loop3A_191, %parallel_loop3A_193 : vector<16xi32>
      %parallel_loop3A_195 = arith.addi %mul3A_3, %parallel_loop3A_194 : vector<16xi32>
      tpu.vector_store_idx %arg6[%parallel_loop3A_195], %broadcast_in_dim3A_4 {add = true} : memref<65792xi32, #tpu.memory_space<vmem>>[vector<16xi32>], vector<16xi32>,
    } {sc.loop_unroll_factor = 8 : i64, sc.parallel_access}
    %parallel_loop3A_175 = arith.constant 0 : i32
    %parallel_loop3A_176 = arith.constant 256 : i32
    %parallel_loop3A_177 = arith.constant 1 : i32
    scf.for %parallel_loop3A_178 = %parallel_loop3A_175 to %parallel_loop3A_176 step %parallel_loop3A_177  : i32 {
      %parallel_loop3A_179 = arith.constant 0 : i32
      %parallel_loop3A_180 = vector.broadcast %parallel_loop3A_179 : i32 to vector<16xi32>
      %parallel_loop3A_181 = arith.constant 16 : i32
      %parallel_loop3A_182 = arith.muli %parallel_loop3A_178, %parallel_loop3A_181 : i32
      %parallel_loop3A_183 = arith.constant 0 : i32
      %parallel_loop3A_184 = arith.addi %parallel_loop3A_183, %parallel_loop3A_182 : i32
      %parallel_loop3A_185 = arith.index_cast %parallel_loop3A_184 : i32 to index
      %parallel_loop3A_186 = tpu.vector_load %arg6[%parallel_loop3A_185] {strides = array<i32>} : memref<65792xi32, #tpu.memory_space<vmem>>, vector<16xi32>,
      %parallel_loop3A_187 = arith.addi %parallel_loop3A_180, %parallel_loop3A_186 : vector<16xi32>
      %parallel_loop3A_188 = arith.constant 16 : i32
      %parallel_loop3A_189 = arith.muli %parallel_loop3A_178, %parallel_loop3A_188 : i32
      %parallel_loop3A_190 = arith.constant 4097 : i32
      %parallel_loop3A_191 = arith.addi %parallel_loop3A_190, %parallel_loop3A_189 : i32
      %parallel_loop3A_192 = arith.index_cast %parallel_loop3A_191 : i32 to index
      %parallel_loop3A_193 = tpu.vector_load %arg6[%parallel_loop3A_192] {strides = array<i32>} : memref<65792xi32, #tpu.memory_space<vmem>>, vector<16xi32>,
      %parallel_loop3A_194 = arith.addi %parallel_loop3A_187, %parallel_loop3A_193 : vector<16xi32>
      %parallel_loop3A_195 = arith.constant 16 : i32
      %parallel_loop3A_196 = arith.muli %parallel_loop3A_178, %parallel_loop3A_195 : i32
      %parallel_loop3A_197 = arith.constant 8194 : i32
      %parallel_loop3A_198 = arith.addi %parallel_loop3A_197, %parallel_loop3A_196 : i32
      %parallel_loop3A_199 = arith.index_cast %parallel_loop3A_198 : i32 to index
      %parallel_loop3A_200 = tpu.vector_load %arg6[%parallel_loop3A_199] {strides = array<i32>} : memref<65792xi32, #tpu.memory_space<vmem>>, vector<16xi32>,
      %parallel_loop3A_201 = arith.addi %parallel_loop3A_194, %parallel_loop3A_200 : vector<16xi32>
      %parallel_loop3A_202 = arith.constant 16 : i32
      %parallel_loop3A_203 = arith.muli %parallel_loop3A_178, %parallel_loop3A_202 : i32
      %parallel_loop3A_204 = arith.constant 12291 : i32
      %parallel_loop3A_205 = arith.addi %parallel_loop3A_204, %parallel_loop3A_203 : i32
      %parallel_loop3A_206 = arith.index_cast %parallel_loop3A_205 : i32 to index
      %parallel_loop3A_207 = tpu.vector_load %arg6[%parallel_loop3A_206] {strides = array<i32>} : memref<65792xi32, #tpu.memory_space<vmem>>, vector<16xi32>,
      %parallel_loop3A_208 = arith.addi %parallel_loop3A_201, %parallel_loop3A_207 : vector<16xi32>
      %parallel_loop3A_209 = arith.constant 16 : i32
      %parallel_loop3A_210 = arith.muli %parallel_loop3A_178, %parallel_loop3A_209 : i32
      %parallel_loop3A_211 = arith.constant 16388 : i32
      %parallel_loop3A_212 = arith.addi %parallel_loop3A_211, %parallel_loop3A_210 : i32
      %parallel_loop3A_213 = arith.index_cast %parallel_loop3A_212 : i32 to index
      %parallel_loop3A_214 = tpu.vector_load %arg6[%parallel_loop3A_213] {strides = array<i32>} : memref<65792xi32, #tpu.memory_space<vmem>>, vector<16xi32>,
      %parallel_loop3A_215 = arith.addi %parallel_loop3A_208, %parallel_loop3A_214 : vector<16xi32>
      %parallel_loop3A_216 = arith.constant 16 : i32
      %parallel_loop3A_217 = arith.muli %parallel_loop3A_178, %parallel_loop3A_216 : i32
      %parallel_loop3A_218 = arith.constant 20485 : i32
      %parallel_loop3A_219 = arith.addi %parallel_loop3A_218, %parallel_loop3A_217 : i32
      %parallel_loop3A_220 = arith.index_cast %parallel_loop3A_219 : i32 to index
      %parallel_loop3A_221 = tpu.vector_load %arg6[%parallel_loop3A_220] {strides = array<i32>} : memref<65792xi32, #tpu.memory_space<vmem>>, vector<16xi32>,
      %parallel_loop3A_222 = arith.addi %parallel_loop3A_215, %parallel_loop3A_221 : vector<16xi32>
      %parallel_loop3A_223 = arith.constant 16 : i32
      %parallel_loop3A_224 = arith.muli %parallel_loop3A_178, %parallel_loop3A_223 : i32
      %parallel_loop3A_225 = arith.constant 24582 : i32
      %parallel_loop3A_226 = arith.addi %parallel_loop3A_225, %parallel_loop3A_224 : i32
      %parallel_loop3A_227 = arith.index_cast %parallel_loop3A_226 : i32 to index
      %parallel_loop3A_228 = tpu.vector_load %arg6[%parallel_loop3A_227] {strides = array<i32>} : memref<65792xi32, #tpu.memory_space<vmem>>, vector<16xi32>,
      %parallel_loop3A_229 = arith.addi %parallel_loop3A_222, %parallel_loop3A_228 : vector<16xi32>
      %parallel_loop3A_230 = arith.constant 16 : i32
      %parallel_loop3A_231 = arith.muli %parallel_loop3A_178, %parallel_loop3A_230 : i32
      %parallel_loop3A_232 = arith.constant 28679 : i32
      %parallel_loop3A_233 = arith.addi %parallel_loop3A_232, %parallel_loop3A_231 : i32
      %parallel_loop3A_234 = arith.index_cast %parallel_loop3A_233 : i32 to index
      %parallel_loop3A_235 = tpu.vector_load %arg6[%parallel_loop3A_234] {strides = array<i32>} : memref<65792xi32, #tpu.memory_space<vmem>>, vector<16xi32>,
      %parallel_loop3A_236 = arith.addi %parallel_loop3A_229, %parallel_loop3A_235 : vector<16xi32>
      %parallel_loop3A_237 = arith.constant 16 : i32
      %parallel_loop3A_238 = arith.muli %parallel_loop3A_178, %parallel_loop3A_237 : i32
      %parallel_loop3A_239 = arith.constant 32776 : i32
      %parallel_loop3A_240 = arith.addi %parallel_loop3A_239, %parallel_loop3A_238 : i32
      %parallel_loop3A_241 = arith.index_cast %parallel_loop3A_240 : i32 to index
      %parallel_loop3A_242 = tpu.vector_load %arg6[%parallel_loop3A_241] {strides = array<i32>} : memref<65792xi32, #tpu.memory_space<vmem>>, vector<16xi32>,
      %parallel_loop3A_243 = arith.addi %parallel_loop3A_236, %parallel_loop3A_242 : vector<16xi32>
      %parallel_loop3A_244 = arith.constant 16 : i32
      %parallel_loop3A_245 = arith.muli %parallel_loop3A_178, %parallel_loop3A_244 : i32
      %parallel_loop3A_246 = arith.constant 36873 : i32
      %parallel_loop3A_247 = arith.addi %parallel_loop3A_246, %parallel_loop3A_245 : i32
      %parallel_loop3A_248 = arith.index_cast %parallel_loop3A_247 : i32 to index
      %parallel_loop3A_249 = tpu.vector_load %arg6[%parallel_loop3A_248] {strides = array<i32>} : memref<65792xi32, #tpu.memory_space<vmem>>, vector<16xi32>,
      %parallel_loop3A_250 = arith.addi %parallel_loop3A_243, %parallel_loop3A_249 : vector<16xi32>
      %parallel_loop3A_251 = arith.constant 16 : i32
      %parallel_loop3A_252 = arith.muli %parallel_loop3A_178, %parallel_loop3A_251 : i32
      %parallel_loop3A_253 = arith.constant 40970 : i32
      %parallel_loop3A_254 = arith.addi %parallel_loop3A_253, %parallel_loop3A_252 : i32
      %parallel_loop3A_255 = arith.index_cast %parallel_loop3A_254 : i32 to index
      %parallel_loop3A_256 = tpu.vector_load %arg6[%parallel_loop3A_255] {strides = array<i32>} : memref<65792xi32, #tpu.memory_space<vmem>>, vector<16xi32>,
      %parallel_loop3A_257 = arith.addi %parallel_loop3A_250, %parallel_loop3A_256 : vector<16xi32>
      %parallel_loop3A_258 = arith.constant 16 : i32
      %parallel_loop3A_259 = arith.muli %parallel_loop3A_178, %parallel_loop3A_258 : i32
      %parallel_loop3A_260 = arith.constant 45067 : i32
      %parallel_loop3A_261 = arith.addi %parallel_loop3A_260, %parallel_loop3A_259 : i32
      %parallel_loop3A_262 = arith.index_cast %parallel_loop3A_261 : i32 to index
      %parallel_loop3A_263 = tpu.vector_load %arg6[%parallel_loop3A_262] {strides = array<i32>} : memref<65792xi32, #tpu.memory_space<vmem>>, vector<16xi32>,
      %parallel_loop3A_264 = arith.addi %parallel_loop3A_257, %parallel_loop3A_263 : vector<16xi32>
      %parallel_loop3A_265 = arith.constant 16 : i32
      %parallel_loop3A_266 = arith.muli %parallel_loop3A_178, %parallel_loop3A_265 : i32
      %parallel_loop3A_267 = arith.constant 49164 : i32
      %parallel_loop3A_268 = arith.addi %parallel_loop3A_267, %parallel_loop3A_266 : i32
      %parallel_loop3A_269 = arith.index_cast %parallel_loop3A_268 : i32 to index
      %parallel_loop3A_270 = tpu.vector_load %arg6[%parallel_loop3A_269] {strides = array<i32>} : memref<65792xi32, #tpu.memory_space<vmem>>, vector<16xi32>,
      %parallel_loop3A_271 = arith.addi %parallel_loop3A_264, %parallel_loop3A_270 : vector<16xi32>
      %parallel_loop3A_272 = arith.constant 16 : i32
      %parallel_loop3A_273 = arith.muli %parallel_loop3A_178, %parallel_loop3A_272 : i32
      %parallel_loop3A_274 = arith.constant 53261 : i32
      %parallel_loop3A_275 = arith.addi %parallel_loop3A_274, %parallel_loop3A_273 : i32
      %parallel_loop3A_276 = arith.index_cast %parallel_loop3A_275 : i32 to index
      %parallel_loop3A_277 = tpu.vector_load %arg6[%parallel_loop3A_276] {strides = array<i32>} : memref<65792xi32, #tpu.memory_space<vmem>>, vector<16xi32>,
      %parallel_loop3A_278 = arith.addi %parallel_loop3A_271, %parallel_loop3A_277 : vector<16xi32>
      %parallel_loop3A_279 = arith.constant 16 : i32
      %parallel_loop3A_280 = arith.muli %parallel_loop3A_178, %parallel_loop3A_279 : i32
      %parallel_loop3A_281 = arith.constant 57358 : i32
      %parallel_loop3A_282 = arith.addi %parallel_loop3A_281, %parallel_loop3A_280 : i32
      %parallel_loop3A_283 = arith.index_cast %parallel_loop3A_282 : i32 to index
      %parallel_loop3A_284 = tpu.vector_load %arg6[%parallel_loop3A_283] {strides = array<i32>} : memref<65792xi32, #tpu.memory_space<vmem>>, vector<16xi32>,
      %parallel_loop3A_285 = arith.addi %parallel_loop3A_278, %parallel_loop3A_284 : vector<16xi32>
      %parallel_loop3A_286 = arith.constant 16 : i32
      %parallel_loop3A_287 = arith.muli %parallel_loop3A_178, %parallel_loop3A_286 : i32
      %parallel_loop3A_288 = arith.constant 61455 : i32
      %parallel_loop3A_289 = arith.addi %parallel_loop3A_288, %parallel_loop3A_287 : i32
      %parallel_loop3A_290 = arith.index_cast %parallel_loop3A_289 : i32 to index
      %parallel_loop3A_291 = tpu.vector_load %arg6[%parallel_loop3A_290] {strides = array<i32>} : memref<65792xi32, #tpu.memory_space<vmem>>, vector<16xi32>,
      %parallel_loop3A_292 = arith.addi %parallel_loop3A_285, %parallel_loop3A_291 : vector<16xi32>
      %parallel_loop3A_293 = arith.constant 16 : i32
      %parallel_loop3A_294 = arith.muli %parallel_loop3A_178, %parallel_loop3A_293 : i32
      %parallel_loop3A_295 = arith.index_cast %parallel_loop3A_294 : i32 to index
      %parallel_loop3A_296 = tpu.vector_load %arg7[%parallel_loop3A_295] {strides = array<i32>} : memref<4096xi32, #tpu.memory_space<vmem>>, vector<16xi32>,
      tpu.vector_store %arg7[%parallel_loop3A_295], %parallel_loop3A_292 {strides = array<i32>} : memref<4096xi32, #tpu.memory_space<vmem>>, vector<16xi32>,
    } {sc.loop_unroll_factor = 2 : i64, sc.parallel_access}
    "tpu.region"() ({
      %run_scoped3A = tpu.sem_alloc : memref<!tpu.dma_semaphore, #tpu.memory_space<semaphore_mem>>
      %dma_start3A_178 = arith.constant 0 : i32
      %dma_start3A_179 = tpu.memref_slice %arg3[%add3A, %dma_start3A_178] : memref<32x4096xi32, #tpu.memory_space<hbm>> -> memref<1x4096xi32, #tpu.memory_space<hbm>>
      %dma_start3A_180 = tpu.memref_squeeze %dma_start3A_179 : memref<1x4096xi32, #tpu.memory_space<hbm>> -> memref<4096xi32, #tpu.memory_space<hbm>>
      %dma_start3A_181 = arith.constant 0 : i32
      %dma_start3A_182 = tpu.memref_slice %arg3[%add3A, %dma_start3A_181] : memref<32x4096xi32, #tpu.memory_space<hbm>> -> memref<1x4096xi32, #tpu.memory_space<hbm>>
      %dma_start3A_183 = tpu.memref_squeeze %dma_start3A_182 : memref<1x4096xi32, #tpu.memory_space<hbm>> -> memref<4096xi32, #tpu.memory_space<hbm>>
      tpu.enqueue_dma source(%arg7 : memref<4096xi32, #tpu.memory_space<vmem>>) target(%dma_start3A_183 : memref<4096xi32, #tpu.memory_space<hbm>>) target_semaphore(%run_scoped3A : memref<!tpu.dma_semaphore, #tpu.memory_space<semaphore_mem>>)
      %dma_wait3A_184 = arith.constant 0 : i32
      %dma_wait3A_185 = tpu.memref_slice %arg3[%add3A, %dma_wait3A_184] : memref<32x4096xi32, #tpu.memory_space<hbm>> -> memref<1x4096xi32, #tpu.memory_space<hbm>>
      %dma_wait3A_186 = tpu.memref_squeeze %dma_wait3A_185 : memref<1x4096xi32, #tpu.memory_space<hbm>> -> memref<4096xi32, #tpu.memory_space<hbm>>
      %dma_wait3A_187 = arith.constant 0 : i32
      %dma_wait3A_188 = tpu.memref_slice %arg3[%add3A, %dma_wait3A_187] : memref<32x4096xi32, #tpu.memory_space<hbm>> -> memref<1x4096xi32, #tpu.memory_space<hbm>>
      %dma_wait3A_189 = tpu.memref_squeeze %dma_wait3A_188 : memref<1x4096xi32, #tpu.memory_space<hbm>> -> memref<4096xi32, #tpu.memory_space<hbm>>
      tpu.wait_dma2 semaphore(%run_scoped3A : memref<!tpu.dma_semaphore, #tpu.memory_space<semaphore_mem>>) src(%arg7 : memref<4096xi32, #tpu.memory_space<vmem>>) dst(%dma_wait3A_189 : memref<4096xi32, #tpu.memory_space<hbm>>)
      tpu.yield
    }) : () -> ()
    return
  }
}

#map = affine_map<(d0, d1) -> (0, 0, 0)>
#map1 = affine_map<(d0, d1) -> (0, 0)>
module attributes {stable_mosaic.version = 14 : i64} {
  func.func @_hist2_sc_body(%arg0: i32, %arg1: i32, %arg2: memref<16x512x512xf32, #tpu.memory_space<hbm>>, %arg3: memref<8x16xf32, #tpu.memory_space<hbm>>, %arg4: memref<32x4096xi32, #tpu.memory_space<hbm>>, %arg5: memref<32x16xf32, #tpu.memory_space<hbm>>, %arg6: memref<32x512xf32, #tpu.memory_space<vmem>>, %arg7: memref<32x512xf32, #tpu.memory_space<vmem>>, %arg8: memref<8x16xf32, #tpu.memory_space<vmem>>, %arg9: memref<65792xi32, #tpu.memory_space<vmem>>, %arg10: memref<4096xi32, #tpu.memory_space<vmem>>, %arg11: memref<16xf32, #tpu.memory_space<vmem>>, %arg12: memref<!tpu.dma_semaphore, #tpu.memory_space<semaphore_mem>>, %arg13: memref<!tpu.dma_semaphore, #tpu.memory_space<semaphore_mem>>) attributes {dimension_semantics = [#tpu.dimension_semantics<core_parallel>, #tpu.dimension_semantics<subcore_parallel>], iteration_bounds = array<i64: 2, 16>, scalar_prefetch = 0 : i64, scratch_operands = 8 : i64, tpu.core_type = #tpu.core_type<sc_vector_subcore>, window_params = [{transform_indices = #map}, {transform_indices = #map1}, {transform_indices = #map1}, {transform_indices = #map1}]} {
    %mul3A = arith.constant 2 : i32
    %mul3A_0 = arith.muli %arg1, %mul3A : i32
    %add3A = arith.addi %mul3A_0, %arg0 : i32
    %iota3A = tpu.iota {dimensions = array<i32: 0>} : vector<16xi32>
    %mul3A_1 = arith.constant 4097 : i32
    %mul3A_2 = vector.broadcast %mul3A_1 : i32 to vector<16xi32>
    %mul3A_3 = arith.muli %iota3A, %mul3A_2 : vector<16xi32>
    %broadcast_in_dim3A = arith.constant 1 : i32
    %broadcast_in_dim3A_4 = vector.broadcast %broadcast_in_dim3A : i32 to vector<16xi32>
    %broadcast_in_dim3A_5 = arith.constant 0.000000e+00 : f32
    %broadcast_in_dim3A_6 = vector.broadcast %broadcast_in_dim3A_5 : f32 to vector<16xf32>
    "tpu.region"() ({
      %run_scoped3A = tpu.sem_alloc : memref<!tpu.dma_semaphore, #tpu.memory_space<semaphore_mem>>
      tpu.enqueue_dma source(%arg3 : memref<8x16xf32, #tpu.memory_space<hbm>>) target(%arg8 : memref<8x16xf32, #tpu.memory_space<vmem>>) target_semaphore(%run_scoped3A : memref<!tpu.dma_semaphore, #tpu.memory_space<semaphore_mem>>)
      tpu.wait_dma2 semaphore(%run_scoped3A : memref<!tpu.dma_semaphore, #tpu.memory_space<semaphore_mem>>) src(%arg3 : memref<8x16xf32, #tpu.memory_space<hbm>>) dst(%arg8 : memref<8x16xf32, #tpu.memory_space<vmem>>)
      tpu.yield
    }) : () -> ()
    %get3A = arith.constant 0 : i32
    %get3A_7 = arith.index_cast %get3A : i32 to index
    %get3A_8 = arith.constant 0 : index
    %get3A_9 = tpu.vector_load %arg8[%get3A_7, %get3A_8] {strides = array<i32>} : memref<8x16xf32, #tpu.memory_space<vmem>>, vector<16xf32>,
    %convert_element_type3A = arith.fptosi %get3A_9 : vector<16xf32> to vector<16xi32>
    %mul3A_10 = arith.constant 4096 : i32
    %mul3A_11 = vector.broadcast %mul3A_10 : i32 to vector<16xi32>
    %mul3A_12 = arith.muli %convert_element_type3A, %mul3A_11 : vector<16xi32>
    %broadcast_in_dim3A_13 = arith.constant 0 : i32
    %broadcast_in_dim3A_14 = vector.broadcast %broadcast_in_dim3A_13 : i32 to vector<16xi32>
    %parallel_loop3A = arith.constant 0 : i32
    %parallel_loop3A_15 = arith.constant 4112 : i32
    %parallel_loop3A_16 = arith.constant 1 : i32
    scf.for %parallel_loop3A_195 = %parallel_loop3A to %parallel_loop3A_15 step %parallel_loop3A_16  : i32 {
      %parallel_loop3A_196 = arith.constant 16 : i32
      %parallel_loop3A_197 = arith.muli %parallel_loop3A_195, %parallel_loop3A_196 : i32
      %parallel_loop3A_198 = arith.index_cast %parallel_loop3A_197 : i32 to index
      %parallel_loop3A_199 = tpu.vector_load %arg9[%parallel_loop3A_198] {strides = array<i32>} : memref<65792xi32, #tpu.memory_space<vmem>>, vector<16xi32>,
      tpu.vector_store %arg9[%parallel_loop3A_198], %broadcast_in_dim3A_14 {strides = array<i32>} : memref<65792xi32, #tpu.memory_space<vmem>>, vector<16xi32>,
    } {sc.loop_unroll_factor = 8 : i64, sc.parallel_access}
    %jit3A = arith.constant 2 : i32
    %div3A = arith.divsi %add3A, %jit3A : i32
    %sign3A = arith.constant 0 : i32
    %sign3A_17 = arith.cmpi sgt, %add3A, %sign3A : i32
    %sign3A_18 = arith.extui %sign3A_17 : i1 to i32
    %sign3A_19 = arith.constant 0 : i32
    %sign3A_20 = arith.cmpi slt, %add3A, %sign3A_19 : i32
    %sign3A_21 = arith.extui %sign3A_20 : i1 to i32
    %sign3A_22 = arith.subi %sign3A_18, %sign3A_21 : i32
    %sign3A_23 = arith.constant 0 : i32
    %sign3A_24 = arith.cmpi sgt, %jit3A, %sign3A_23 : i32
    %sign3A_25 = arith.extui %sign3A_24 : i1 to i32
    %sign3A_26 = arith.constant 0 : i32
    %sign3A_27 = arith.cmpi slt, %jit3A, %sign3A_26 : i32
    %sign3A_28 = arith.extui %sign3A_27 : i1 to i32
    %sign3A_29 = arith.subi %sign3A_25, %sign3A_28 : i32
    %ne3A = arith.cmpi ne, %sign3A_22, %sign3A_29 : i32
    %rem3A = arith.remsi %add3A, %jit3A : i32
    %ne3A_30 = arith.constant 0 : i32
    %ne3A_31 = arith.cmpi ne, %rem3A, %ne3A_30 : i32
    %and3A = arith.andi %ne3A, %ne3A_31 : i1
    %sub3A = arith.constant 1 : i32
    %sub3A_32 = arith.subi %div3A, %sub3A : i32
    %select_n3A = arith.select %and3A, %sub3A_32, %div3A : i32
    %jit3A_33 = arith.constant 2 : i32
    %eq3A = arith.constant 0 : i32
    %eq3A_34 = arith.cmpi eq, %jit3A_33, %eq3A : i32
    %jit3A_35 = arith.constant 1 : i32
    %select_n3A_36 = arith.select %eq3A_34, %jit3A_35, %jit3A_33 : i32
    %rem3A_37 = arith.remsi %add3A, %select_n3A_36 : i32
    %ne3A_38 = arith.constant 0 : i32
    %ne3A_39 = arith.cmpi ne, %rem3A_37, %ne3A_38 : i32
    %lt3A = arith.constant 0 : i32
    %lt3A_40 = arith.cmpi slt, %rem3A_37, %lt3A : i32
    %lt3A_41 = arith.constant 0 : i32
    %lt3A_42 = arith.cmpi slt, %select_n3A_36, %lt3A_41 : i32
    %ne3A_43 = arith.xori %lt3A_40, %lt3A_42 : i1
    %and3A_44 = arith.andi %ne3A_43, %ne3A_39 : i1
    %add3A_45 = arith.addi %rem3A_37, %select_n3A_36 : i32
    %select_n3A_46 = arith.select %and3A_44, %add3A_45, %rem3A_37 : i32
    %mul3A_47 = arith.constant 256 : i32
    %mul3A_48 = arith.muli %select_n3A_46, %mul3A_47 : i32
    %add3A_49 = arith.constant 0 : i32
    %add3A_50 = arith.addi %mul3A_48, %add3A_49 : i32
    %dma_start3A = arith.constant 0 : i32
    %dma_start3A_51 = tpu.memref_slice %arg2[%select_n3A, %add3A_50, %dma_start3A] : memref<16x512x512xf32, #tpu.memory_space<hbm>> -> memref<1x32x512xf32, #tpu.memory_space<hbm>>
    %dma_start3A_52 = tpu.memref_squeeze %dma_start3A_51 : memref<1x32x512xf32, #tpu.memory_space<hbm>> -> memref<32x512xf32, #tpu.memory_space<hbm>>
    %dma_start3A_53 = arith.constant 0 : i32
    %dma_start3A_54 = tpu.memref_slice %arg2[%select_n3A, %add3A_50, %dma_start3A_53] : memref<16x512x512xf32, #tpu.memory_space<hbm>> -> memref<1x32x512xf32, #tpu.memory_space<hbm>>
    %dma_start3A_55 = tpu.memref_squeeze %dma_start3A_54 : memref<1x32x512xf32, #tpu.memory_space<hbm>> -> memref<32x512xf32, #tpu.memory_space<hbm>>
    tpu.enqueue_dma source(%dma_start3A_55 : memref<32x512xf32, #tpu.memory_space<hbm>>) target(%arg6 : memref<32x512xf32, #tpu.memory_space<vmem>>) target_semaphore(%arg12 : memref<!tpu.dma_semaphore, #tpu.memory_space<semaphore_mem>>)
    %add3A_56 = arith.constant 32 : i32
    %add3A_57 = arith.addi %mul3A_48, %add3A_56 : i32
    %dma_start3A_58 = arith.constant 0 : i32
    %dma_start3A_59 = tpu.memref_slice %arg2[%select_n3A, %add3A_57, %dma_start3A_58] : memref<16x512x512xf32, #tpu.memory_space<hbm>> -> memref<1x32x512xf32, #tpu.memory_space<hbm>>
    %dma_start3A_60 = tpu.memref_squeeze %dma_start3A_59 : memref<1x32x512xf32, #tpu.memory_space<hbm>> -> memref<32x512xf32, #tpu.memory_space<hbm>>
    %dma_start3A_61 = arith.constant 0 : i32
    %dma_start3A_62 = tpu.memref_slice %arg2[%select_n3A, %add3A_57, %dma_start3A_61] : memref<16x512x512xf32, #tpu.memory_space<hbm>> -> memref<1x32x512xf32, #tpu.memory_space<hbm>>
    %dma_start3A_63 = tpu.memref_squeeze %dma_start3A_62 : memref<1x32x512xf32, #tpu.memory_space<hbm>> -> memref<32x512xf32, #tpu.memory_space<hbm>>
    tpu.enqueue_dma source(%dma_start3A_63 : memref<32x512xf32, #tpu.memory_space<hbm>>) target(%arg7 : memref<32x512xf32, #tpu.memory_space<vmem>>) target_semaphore(%arg13 : memref<!tpu.dma_semaphore, #tpu.memory_space<semaphore_mem>>)
    %dma_wait3A = arith.constant 0 : i32
    %dma_wait3A_64 = tpu.memref_slice %arg2[%select_n3A, %add3A_50, %dma_wait3A] : memref<16x512x512xf32, #tpu.memory_space<hbm>> -> memref<1x32x512xf32, #tpu.memory_space<hbm>>
    %dma_wait3A_65 = tpu.memref_squeeze %dma_wait3A_64 : memref<1x32x512xf32, #tpu.memory_space<hbm>> -> memref<32x512xf32, #tpu.memory_space<hbm>>
    %dma_wait3A_66 = arith.constant 0 : i32
    %dma_wait3A_67 = tpu.memref_slice %arg2[%select_n3A, %add3A_50, %dma_wait3A_66] : memref<16x512x512xf32, #tpu.memory_space<hbm>> -> memref<1x32x512xf32, #tpu.memory_space<hbm>>
    %dma_wait3A_68 = tpu.memref_squeeze %dma_wait3A_67 : memref<1x32x512xf32, #tpu.memory_space<hbm>> -> memref<32x512xf32, #tpu.memory_space<hbm>>
    tpu.wait_dma2 semaphore(%arg12 : memref<!tpu.dma_semaphore, #tpu.memory_space<semaphore_mem>>) src(%dma_wait3A_68 : memref<32x512xf32, #tpu.memory_space<hbm>>) dst(%arg6 : memref<32x512xf32, #tpu.memory_space<vmem>>)
    %parallel_loop3A_69 = arith.constant 0 : i32
    %parallel_loop3A_70 = arith.constant 1024 : i32
    %parallel_loop3A_71 = arith.constant 1 : i32
    %parallel_loop3A_72 = scf.for %parallel_loop3A_195 = %parallel_loop3A_69 to %parallel_loop3A_70 step %parallel_loop3A_71 iter_args(%parallel_loop3A_196 = %broadcast_in_dim3A_6) -> (vector<16xf32>)  : i32 {
      %parallel_loop3A_197 = arith.constant 5 : i32
      %parallel_loop3A_198 = arith.shrsi %parallel_loop3A_195, %parallel_loop3A_197 : i32
      %parallel_loop3A_199 = arith.constant 31 : i32
      %parallel_loop3A_200 = arith.andi %parallel_loop3A_195, %parallel_loop3A_199 : i32
      %parallel_loop3A_201 = arith.constant 16 : i32
      %parallel_loop3A_202 = arith.muli %parallel_loop3A_200, %parallel_loop3A_201 : i32
      %parallel_loop3A_203 = arith.index_cast %parallel_loop3A_198 : i32 to index
      %parallel_loop3A_204 = arith.index_cast %parallel_loop3A_202 : i32 to index
      %parallel_loop3A_205 = tpu.vector_load %arg6[%parallel_loop3A_203, %parallel_loop3A_204] {strides = array<i32>} : memref<32x512xf32, #tpu.memory_space<vmem>>, vector<16xf32>,
      %parallel_loop3A_206 = arith.constant 1035630.63 : f32
      %parallel_loop3A_207 = vector.broadcast %parallel_loop3A_206 : f32 to vector<16xf32>
      %parallel_loop3A_208 = arith.mulf %parallel_loop3A_205, %parallel_loop3A_207 : vector<16xf32>
      %parallel_loop3A_209 = arith.fptosi %parallel_loop3A_208 : vector<16xf32> to vector<16xi32>
      %parallel_loop3A_210 = arith.constant 12 : i32
      %parallel_loop3A_211 = vector.broadcast %parallel_loop3A_210 : i32 to vector<16xi32>
      %parallel_loop3A_212 = arith.shrsi %parallel_loop3A_209, %parallel_loop3A_211 : vector<16xi32>
      %parallel_loop3A_213 = arith.cmpi sgt, %parallel_loop3A_212, %convert_element_type3A : vector<16xi32>
      %parallel_loop3A_214 = arith.constant 4096 : i32
      %parallel_loop3A_215 = vector.broadcast %parallel_loop3A_214 : i32 to vector<16xi32>
      %parallel_loop3A_216 = arith.cmpi slt, %parallel_loop3A_212, %parallel_loop3A_215 : vector<16xi32>
      %parallel_loop3A_217 = arith.andi %parallel_loop3A_213, %parallel_loop3A_216 : vector<16xi1>
      %parallel_loop3A_218 = arith.cmpi eq, %parallel_loop3A_212, %convert_element_type3A : vector<16xi32>
      %parallel_loop3A_219 = arith.subi %parallel_loop3A_209, %mul3A_12 : vector<16xi32>
      %parallel_loop3A_220 = arith.addi %mul3A_3, %parallel_loop3A_219 : vector<16xi32>
      tpu.vector_store_idx %arg9[%parallel_loop3A_220], %broadcast_in_dim3A_4 masked %parallel_loop3A_218 {add = true} : memref<65792xi32, #tpu.memory_space<vmem>>[vector<16xi32>], vector<16xi32>, vector<16xi1>
      %parallel_loop3A_221 = arith.constant 0.000000e+00 : f32
      %parallel_loop3A_222 = vector.broadcast %parallel_loop3A_221 : f32 to vector<16xf32>
      %parallel_loop3A_223 = arith.select %parallel_loop3A_217, %parallel_loop3A_205, %parallel_loop3A_222 : vector<16xi1>, vector<16xf32>
      %parallel_loop3A_224 = arith.addf %parallel_loop3A_196, %parallel_loop3A_223 : vector<16xf32>
      scf.yield %parallel_loop3A_224 : vector<16xf32>
    } {sc.loop_unroll_factor = 8 : i64, sc.parallel_access}
    %add3A_73 = arith.constant 64 : i32
    %add3A_74 = arith.addi %mul3A_48, %add3A_73 : i32
    %dma_start3A_75 = arith.constant 0 : i32
    %dma_start3A_76 = tpu.memref_slice %arg2[%select_n3A, %add3A_74, %dma_start3A_75] : memref<16x512x512xf32, #tpu.memory_space<hbm>> -> memref<1x32x512xf32, #tpu.memory_space<hbm>>
    %dma_start3A_77 = tpu.memref_squeeze %dma_start3A_76 : memref<1x32x512xf32, #tpu.memory_space<hbm>> -> memref<32x512xf32, #tpu.memory_space<hbm>>
    %dma_start3A_78 = arith.constant 0 : i32
    %dma_start3A_79 = tpu.memref_slice %arg2[%select_n3A, %add3A_74, %dma_start3A_78] : memref<16x512x512xf32, #tpu.memory_space<hbm>> -> memref<1x32x512xf32, #tpu.memory_space<hbm>>
    %dma_start3A_80 = tpu.memref_squeeze %dma_start3A_79 : memref<1x32x512xf32, #tpu.memory_space<hbm>> -> memref<32x512xf32, #tpu.memory_space<hbm>>
    tpu.enqueue_dma source(%dma_start3A_80 : memref<32x512xf32, #tpu.memory_space<hbm>>) target(%arg6 : memref<32x512xf32, #tpu.memory_space<vmem>>) target_semaphore(%arg12 : memref<!tpu.dma_semaphore, #tpu.memory_space<semaphore_mem>>)
    %dma_wait3A_81 = arith.constant 0 : i32
    %dma_wait3A_82 = tpu.memref_slice %arg2[%select_n3A, %add3A_57, %dma_wait3A_81] : memref<16x512x512xf32, #tpu.memory_space<hbm>> -> memref<1x32x512xf32, #tpu.memory_space<hbm>>
    %dma_wait3A_83 = tpu.memref_squeeze %dma_wait3A_82 : memref<1x32x512xf32, #tpu.memory_space<hbm>> -> memref<32x512xf32, #tpu.memory_space<hbm>>
    %dma_wait3A_84 = arith.constant 0 : i32
    %dma_wait3A_85 = tpu.memref_slice %arg2[%select_n3A, %add3A_57, %dma_wait3A_84] : memref<16x512x512xf32, #tpu.memory_space<hbm>> -> memref<1x32x512xf32, #tpu.memory_space<hbm>>
    %dma_wait3A_86 = tpu.memref_squeeze %dma_wait3A_85 : memref<1x32x512xf32, #tpu.memory_space<hbm>> -> memref<32x512xf32, #tpu.memory_space<hbm>>
    tpu.wait_dma2 semaphore(%arg13 : memref<!tpu.dma_semaphore, #tpu.memory_space<semaphore_mem>>) src(%dma_wait3A_86 : memref<32x512xf32, #tpu.memory_space<hbm>>) dst(%arg7 : memref<32x512xf32, #tpu.memory_space<vmem>>)
    %parallel_loop3A_87 = arith.constant 0 : i32
    %parallel_loop3A_88 = arith.constant 1024 : i32
    %parallel_loop3A_89 = arith.constant 1 : i32
    %parallel_loop3A_90 = scf.for %parallel_loop3A_195 = %parallel_loop3A_87 to %parallel_loop3A_88 step %parallel_loop3A_89 iter_args(%parallel_loop3A_196 = %parallel_loop3A_72) -> (vector<16xf32>)  : i32 {
      %parallel_loop3A_197 = arith.constant 5 : i32
      %parallel_loop3A_198 = arith.shrsi %parallel_loop3A_195, %parallel_loop3A_197 : i32
      %parallel_loop3A_199 = arith.constant 31 : i32
      %parallel_loop3A_200 = arith.andi %parallel_loop3A_195, %parallel_loop3A_199 : i32
      %parallel_loop3A_201 = arith.constant 16 : i32
      %parallel_loop3A_202 = arith.muli %parallel_loop3A_200, %parallel_loop3A_201 : i32
      %parallel_loop3A_203 = arith.index_cast %parallel_loop3A_198 : i32 to index
      %parallel_loop3A_204 = arith.index_cast %parallel_loop3A_202 : i32 to index
      %parallel_loop3A_205 = tpu.vector_load %arg7[%parallel_loop3A_203, %parallel_loop3A_204] {strides = array<i32>} : memref<32x512xf32, #tpu.memory_space<vmem>>, vector<16xf32>,
      %parallel_loop3A_206 = arith.constant 1035630.63 : f32
      %parallel_loop3A_207 = vector.broadcast %parallel_loop3A_206 : f32 to vector<16xf32>
      %parallel_loop3A_208 = arith.mulf %parallel_loop3A_205, %parallel_loop3A_207 : vector<16xf32>
      %parallel_loop3A_209 = arith.fptosi %parallel_loop3A_208 : vector<16xf32> to vector<16xi32>
      %parallel_loop3A_210 = arith.constant 12 : i32
      %parallel_loop3A_211 = vector.broadcast %parallel_loop3A_210 : i32 to vector<16xi32>
      %parallel_loop3A_212 = arith.shrsi %parallel_loop3A_209, %parallel_loop3A_211 : vector<16xi32>
      %parallel_loop3A_213 = arith.cmpi sgt, %parallel_loop3A_212, %convert_element_type3A : vector<16xi32>
      %parallel_loop3A_214 = arith.constant 4096 : i32
      %parallel_loop3A_215 = vector.broadcast %parallel_loop3A_214 : i32 to vector<16xi32>
      %parallel_loop3A_216 = arith.cmpi slt, %parallel_loop3A_212, %parallel_loop3A_215 : vector<16xi32>
      %parallel_loop3A_217 = arith.andi %parallel_loop3A_213, %parallel_loop3A_216 : vector<16xi1>
      %parallel_loop3A_218 = arith.cmpi eq, %parallel_loop3A_212, %convert_element_type3A : vector<16xi32>
      %parallel_loop3A_219 = arith.subi %parallel_loop3A_209, %mul3A_12 : vector<16xi32>
      %parallel_loop3A_220 = arith.addi %mul3A_3, %parallel_loop3A_219 : vector<16xi32>
      tpu.vector_store_idx %arg9[%parallel_loop3A_220], %broadcast_in_dim3A_4 masked %parallel_loop3A_218 {add = true} : memref<65792xi32, #tpu.memory_space<vmem>>[vector<16xi32>], vector<16xi32>, vector<16xi1>
      %parallel_loop3A_221 = arith.constant 0.000000e+00 : f32
      %parallel_loop3A_222 = vector.broadcast %parallel_loop3A_221 : f32 to vector<16xf32>
      %parallel_loop3A_223 = arith.select %parallel_loop3A_217, %parallel_loop3A_205, %parallel_loop3A_222 : vector<16xi1>, vector<16xf32>
      %parallel_loop3A_224 = arith.addf %parallel_loop3A_196, %parallel_loop3A_223 : vector<16xf32>
      scf.yield %parallel_loop3A_224 : vector<16xf32>
    } {sc.loop_unroll_factor = 8 : i64, sc.parallel_access}
    %add3A_91 = arith.constant 96 : i32
    %add3A_92 = arith.addi %mul3A_48, %add3A_91 : i32
    %dma_start3A_93 = arith.constant 0 : i32
    %dma_start3A_94 = tpu.memref_slice %arg2[%select_n3A, %add3A_92, %dma_start3A_93] : memref<16x512x512xf32, #tpu.memory_space<hbm>> -> memref<1x32x512xf32, #tpu.memory_space<hbm>>
    %dma_start3A_95 = tpu.memref_squeeze %dma_start3A_94 : memref<1x32x512xf32, #tpu.memory_space<hbm>> -> memref<32x512xf32, #tpu.memory_space<hbm>>
    %dma_start3A_96 = arith.constant 0 : i32
    %dma_start3A_97 = tpu.memref_slice %arg2[%select_n3A, %add3A_92, %dma_start3A_96] : memref<16x512x512xf32, #tpu.memory_space<hbm>> -> memref<1x32x512xf32, #tpu.memory_space<hbm>>
    %dma_start3A_98 = tpu.memref_squeeze %dma_start3A_97 : memref<1x32x512xf32, #tpu.memory_space<hbm>> -> memref<32x512xf32, #tpu.memory_space<hbm>>
    tpu.enqueue_dma source(%dma_start3A_98 : memref<32x512xf32, #tpu.memory_space<hbm>>) target(%arg7 : memref<32x512xf32, #tpu.memory_space<vmem>>) target_semaphore(%arg13 : memref<!tpu.dma_semaphore, #tpu.memory_space<semaphore_mem>>)
    %dma_wait3A_99 = arith.constant 0 : i32
    %dma_wait3A_100 = tpu.memref_slice %arg2[%select_n3A, %add3A_74, %dma_wait3A_99] : memref<16x512x512xf32, #tpu.memory_space<hbm>> -> memref<1x32x512xf32, #tpu.memory_space<hbm>>
    %dma_wait3A_101 = tpu.memref_squeeze %dma_wait3A_100 : memref<1x32x512xf32, #tpu.memory_space<hbm>> -> memref<32x512xf32, #tpu.memory_space<hbm>>
    %dma_wait3A_102 = arith.constant 0 : i32
    %dma_wait3A_103 = tpu.memref_slice %arg2[%select_n3A, %add3A_74, %dma_wait3A_102] : memref<16x512x512xf32, #tpu.memory_space<hbm>> -> memref<1x32x512xf32, #tpu.memory_space<hbm>>
    %dma_wait3A_104 = tpu.memref_squeeze %dma_wait3A_103 : memref<1x32x512xf32, #tpu.memory_space<hbm>> -> memref<32x512xf32, #tpu.memory_space<hbm>>
    tpu.wait_dma2 semaphore(%arg12 : memref<!tpu.dma_semaphore, #tpu.memory_space<semaphore_mem>>) src(%dma_wait3A_104 : memref<32x512xf32, #tpu.memory_space<hbm>>) dst(%arg6 : memref<32x512xf32, #tpu.memory_space<vmem>>)
    %parallel_loop3A_105 = arith.constant 0 : i32
    %parallel_loop3A_106 = arith.constant 1024 : i32
    %parallel_loop3A_107 = arith.constant 1 : i32
    %parallel_loop3A_108 = scf.for %parallel_loop3A_195 = %parallel_loop3A_105 to %parallel_loop3A_106 step %parallel_loop3A_107 iter_args(%parallel_loop3A_196 = %parallel_loop3A_90) -> (vector<16xf32>)  : i32 {
      %parallel_loop3A_197 = arith.constant 5 : i32
      %parallel_loop3A_198 = arith.shrsi %parallel_loop3A_195, %parallel_loop3A_197 : i32
      %parallel_loop3A_199 = arith.constant 31 : i32
      %parallel_loop3A_200 = arith.andi %parallel_loop3A_195, %parallel_loop3A_199 : i32
      %parallel_loop3A_201 = arith.constant 16 : i32
      %parallel_loop3A_202 = arith.muli %parallel_loop3A_200, %parallel_loop3A_201 : i32
      %parallel_loop3A_203 = arith.index_cast %parallel_loop3A_198 : i32 to index
      %parallel_loop3A_204 = arith.index_cast %parallel_loop3A_202 : i32 to index
      %parallel_loop3A_205 = tpu.vector_load %arg6[%parallel_loop3A_203, %parallel_loop3A_204] {strides = array<i32>} : memref<32x512xf32, #tpu.memory_space<vmem>>, vector<16xf32>,
      %parallel_loop3A_206 = arith.constant 1035630.63 : f32
      %parallel_loop3A_207 = vector.broadcast %parallel_loop3A_206 : f32 to vector<16xf32>
      %parallel_loop3A_208 = arith.mulf %parallel_loop3A_205, %parallel_loop3A_207 : vector<16xf32>
      %parallel_loop3A_209 = arith.fptosi %parallel_loop3A_208 : vector<16xf32> to vector<16xi32>
      %parallel_loop3A_210 = arith.constant 12 : i32
      %parallel_loop3A_211 = vector.broadcast %parallel_loop3A_210 : i32 to vector<16xi32>
      %parallel_loop3A_212 = arith.shrsi %parallel_loop3A_209, %parallel_loop3A_211 : vector<16xi32>
      %parallel_loop3A_213 = arith.cmpi sgt, %parallel_loop3A_212, %convert_element_type3A : vector<16xi32>
      %parallel_loop3A_214 = arith.constant 4096 : i32
      %parallel_loop3A_215 = vector.broadcast %parallel_loop3A_214 : i32 to vector<16xi32>
      %parallel_loop3A_216 = arith.cmpi slt, %parallel_loop3A_212, %parallel_loop3A_215 : vector<16xi32>
      %parallel_loop3A_217 = arith.andi %parallel_loop3A_213, %parallel_loop3A_216 : vector<16xi1>
      %parallel_loop3A_218 = arith.cmpi eq, %parallel_loop3A_212, %convert_element_type3A : vector<16xi32>
      %parallel_loop3A_219 = arith.subi %parallel_loop3A_209, %mul3A_12 : vector<16xi32>
      %parallel_loop3A_220 = arith.addi %mul3A_3, %parallel_loop3A_219 : vector<16xi32>
      tpu.vector_store_idx %arg9[%parallel_loop3A_220], %broadcast_in_dim3A_4 masked %parallel_loop3A_218 {add = true} : memref<65792xi32, #tpu.memory_space<vmem>>[vector<16xi32>], vector<16xi32>, vector<16xi1>
      %parallel_loop3A_221 = arith.constant 0.000000e+00 : f32
      %parallel_loop3A_222 = vector.broadcast %parallel_loop3A_221 : f32 to vector<16xf32>
      %parallel_loop3A_223 = arith.select %parallel_loop3A_217, %parallel_loop3A_205, %parallel_loop3A_222 : vector<16xi1>, vector<16xf32>
      %parallel_loop3A_224 = arith.addf %parallel_loop3A_196, %parallel_loop3A_223 : vector<16xf32>
      scf.yield %parallel_loop3A_224 : vector<16xf32>
    } {sc.loop_unroll_factor = 8 : i64, sc.parallel_access}
    %add3A_109 = arith.constant 128 : i32
    %add3A_110 = arith.addi %mul3A_48, %add3A_109 : i32
    %dma_start3A_111 = arith.constant 0 : i32
    %dma_start3A_112 = tpu.memref_slice %arg2[%select_n3A, %add3A_110, %dma_start3A_111] : memref<16x512x512xf32, #tpu.memory_space<hbm>> -> memref<1x32x512xf32, #tpu.memory_space<hbm>>
    %dma_start3A_113 = tpu.memref_squeeze %dma_start3A_112 : memref<1x32x512xf32, #tpu.memory_space<hbm>> -> memref<32x512xf32, #tpu.memory_space<hbm>>
    %dma_start3A_114 = arith.constant 0 : i32
    %dma_start3A_115 = tpu.memref_slice %arg2[%select_n3A, %add3A_110, %dma_start3A_114] : memref<16x512x512xf32, #tpu.memory_space<hbm>> -> memref<1x32x512xf32, #tpu.memory_space<hbm>>
    %dma_start3A_116 = tpu.memref_squeeze %dma_start3A_115 : memref<1x32x512xf32, #tpu.memory_space<hbm>> -> memref<32x512xf32, #tpu.memory_space<hbm>>
    tpu.enqueue_dma source(%dma_start3A_116 : memref<32x512xf32, #tpu.memory_space<hbm>>) target(%arg6 : memref<32x512xf32, #tpu.memory_space<vmem>>) target_semaphore(%arg12 : memref<!tpu.dma_semaphore, #tpu.memory_space<semaphore_mem>>)
    %dma_wait3A_117 = arith.constant 0 : i32
    %dma_wait3A_118 = tpu.memref_slice %arg2[%select_n3A, %add3A_92, %dma_wait3A_117] : memref<16x512x512xf32, #tpu.memory_space<hbm>> -> memref<1x32x512xf32, #tpu.memory_space<hbm>>
    %dma_wait3A_119 = tpu.memref_squeeze %dma_wait3A_118 : memref<1x32x512xf32, #tpu.memory_space<hbm>> -> memref<32x512xf32, #tpu.memory_space<hbm>>
    %dma_wait3A_120 = arith.constant 0 : i32
    %dma_wait3A_121 = tpu.memref_slice %arg2[%select_n3A, %add3A_92, %dma_wait3A_120] : memref<16x512x512xf32, #tpu.memory_space<hbm>> -> memref<1x32x512xf32, #tpu.memory_space<hbm>>
    %dma_wait3A_122 = tpu.memref_squeeze %dma_wait3A_121 : memref<1x32x512xf32, #tpu.memory_space<hbm>> -> memref<32x512xf32, #tpu.memory_space<hbm>>
    tpu.wait_dma2 semaphore(%arg13 : memref<!tpu.dma_semaphore, #tpu.memory_space<semaphore_mem>>) src(%dma_wait3A_122 : memref<32x512xf32, #tpu.memory_space<hbm>>) dst(%arg7 : memref<32x512xf32, #tpu.memory_space<vmem>>)
    %parallel_loop3A_123 = arith.constant 0 : i32
    %parallel_loop3A_124 = arith.constant 1024 : i32
    %parallel_loop3A_125 = arith.constant 1 : i32
    %parallel_loop3A_126 = scf.for %parallel_loop3A_195 = %parallel_loop3A_123 to %parallel_loop3A_124 step %parallel_loop3A_125 iter_args(%parallel_loop3A_196 = %parallel_loop3A_108) -> (vector<16xf32>)  : i32 {
      %parallel_loop3A_197 = arith.constant 5 : i32
      %parallel_loop3A_198 = arith.shrsi %parallel_loop3A_195, %parallel_loop3A_197 : i32
      %parallel_loop3A_199 = arith.constant 31 : i32
      %parallel_loop3A_200 = arith.andi %parallel_loop3A_195, %parallel_loop3A_199 : i32
      %parallel_loop3A_201 = arith.constant 16 : i32
      %parallel_loop3A_202 = arith.muli %parallel_loop3A_200, %parallel_loop3A_201 : i32
      %parallel_loop3A_203 = arith.index_cast %parallel_loop3A_198 : i32 to index
      %parallel_loop3A_204 = arith.index_cast %parallel_loop3A_202 : i32 to index
      %parallel_loop3A_205 = tpu.vector_load %arg7[%parallel_loop3A_203, %parallel_loop3A_204] {strides = array<i32>} : memref<32x512xf32, #tpu.memory_space<vmem>>, vector<16xf32>,
      %parallel_loop3A_206 = arith.constant 1035630.63 : f32
      %parallel_loop3A_207 = vector.broadcast %parallel_loop3A_206 : f32 to vector<16xf32>
      %parallel_loop3A_208 = arith.mulf %parallel_loop3A_205, %parallel_loop3A_207 : vector<16xf32>
      %parallel_loop3A_209 = arith.fptosi %parallel_loop3A_208 : vector<16xf32> to vector<16xi32>
      %parallel_loop3A_210 = arith.constant 12 : i32
      %parallel_loop3A_211 = vector.broadcast %parallel_loop3A_210 : i32 to vector<16xi32>
      %parallel_loop3A_212 = arith.shrsi %parallel_loop3A_209, %parallel_loop3A_211 : vector<16xi32>
      %parallel_loop3A_213 = arith.cmpi sgt, %parallel_loop3A_212, %convert_element_type3A : vector<16xi32>
      %parallel_loop3A_214 = arith.constant 4096 : i32
      %parallel_loop3A_215 = vector.broadcast %parallel_loop3A_214 : i32 to vector<16xi32>
      %parallel_loop3A_216 = arith.cmpi slt, %parallel_loop3A_212, %parallel_loop3A_215 : vector<16xi32>
      %parallel_loop3A_217 = arith.andi %parallel_loop3A_213, %parallel_loop3A_216 : vector<16xi1>
      %parallel_loop3A_218 = arith.cmpi eq, %parallel_loop3A_212, %convert_element_type3A : vector<16xi32>
      %parallel_loop3A_219 = arith.subi %parallel_loop3A_209, %mul3A_12 : vector<16xi32>
      %parallel_loop3A_220 = arith.addi %mul3A_3, %parallel_loop3A_219 : vector<16xi32>
      tpu.vector_store_idx %arg9[%parallel_loop3A_220], %broadcast_in_dim3A_4 masked %parallel_loop3A_218 {add = true} : memref<65792xi32, #tpu.memory_space<vmem>>[vector<16xi32>], vector<16xi32>, vector<16xi1>
      %parallel_loop3A_221 = arith.constant 0.000000e+00 : f32
      %parallel_loop3A_222 = vector.broadcast %parallel_loop3A_221 : f32 to vector<16xf32>
      %parallel_loop3A_223 = arith.select %parallel_loop3A_217, %parallel_loop3A_205, %parallel_loop3A_222 : vector<16xi1>, vector<16xf32>
      %parallel_loop3A_224 = arith.addf %parallel_loop3A_196, %parallel_loop3A_223 : vector<16xf32>
      scf.yield %parallel_loop3A_224 : vector<16xf32>
    } {sc.loop_unroll_factor = 8 : i64, sc.parallel_access}
    %add3A_127 = arith.constant 160 : i32
    %add3A_128 = arith.addi %mul3A_48, %add3A_127 : i32
    %dma_start3A_129 = arith.constant 0 : i32
    %dma_start3A_130 = tpu.memref_slice %arg2[%select_n3A, %add3A_128, %dma_start3A_129] : memref<16x512x512xf32, #tpu.memory_space<hbm>> -> memref<1x32x512xf32, #tpu.memory_space<hbm>>
    %dma_start3A_131 = tpu.memref_squeeze %dma_start3A_130 : memref<1x32x512xf32, #tpu.memory_space<hbm>> -> memref<32x512xf32, #tpu.memory_space<hbm>>
    %dma_start3A_132 = arith.constant 0 : i32
    %dma_start3A_133 = tpu.memref_slice %arg2[%select_n3A, %add3A_128, %dma_start3A_132] : memref<16x512x512xf32, #tpu.memory_space<hbm>> -> memref<1x32x512xf32, #tpu.memory_space<hbm>>
    %dma_start3A_134 = tpu.memref_squeeze %dma_start3A_133 : memref<1x32x512xf32, #tpu.memory_space<hbm>> -> memref<32x512xf32, #tpu.memory_space<hbm>>
    tpu.enqueue_dma source(%dma_start3A_134 : memref<32x512xf32, #tpu.memory_space<hbm>>) target(%arg7 : memref<32x512xf32, #tpu.memory_space<vmem>>) target_semaphore(%arg13 : memref<!tpu.dma_semaphore, #tpu.memory_space<semaphore_mem>>)
    %dma_wait3A_135 = arith.constant 0 : i32
    %dma_wait3A_136 = tpu.memref_slice %arg2[%select_n3A, %add3A_110, %dma_wait3A_135] : memref<16x512x512xf32, #tpu.memory_space<hbm>> -> memref<1x32x512xf32, #tpu.memory_space<hbm>>
    %dma_wait3A_137 = tpu.memref_squeeze %dma_wait3A_136 : memref<1x32x512xf32, #tpu.memory_space<hbm>> -> memref<32x512xf32, #tpu.memory_space<hbm>>
    %dma_wait3A_138 = arith.constant 0 : i32
    %dma_wait3A_139 = tpu.memref_slice %arg2[%select_n3A, %add3A_110, %dma_wait3A_138] : memref<16x512x512xf32, #tpu.memory_space<hbm>> -> memref<1x32x512xf32, #tpu.memory_space<hbm>>
    %dma_wait3A_140 = tpu.memref_squeeze %dma_wait3A_139 : memref<1x32x512xf32, #tpu.memory_space<hbm>> -> memref<32x512xf32, #tpu.memory_space<hbm>>
    tpu.wait_dma2 semaphore(%arg12 : memref<!tpu.dma_semaphore, #tpu.memory_space<semaphore_mem>>) src(%dma_wait3A_140 : memref<32x512xf32, #tpu.memory_space<hbm>>) dst(%arg6 : memref<32x512xf32, #tpu.memory_space<vmem>>)
    %parallel_loop3A_141 = arith.constant 0 : i32
    %parallel_loop3A_142 = arith.constant 1024 : i32
    %parallel_loop3A_143 = arith.constant 1 : i32
    %parallel_loop3A_144 = scf.for %parallel_loop3A_195 = %parallel_loop3A_141 to %parallel_loop3A_142 step %parallel_loop3A_143 iter_args(%parallel_loop3A_196 = %parallel_loop3A_126) -> (vector<16xf32>)  : i32 {
      %parallel_loop3A_197 = arith.constant 5 : i32
      %parallel_loop3A_198 = arith.shrsi %parallel_loop3A_195, %parallel_loop3A_197 : i32
      %parallel_loop3A_199 = arith.constant 31 : i32
      %parallel_loop3A_200 = arith.andi %parallel_loop3A_195, %parallel_loop3A_199 : i32
      %parallel_loop3A_201 = arith.constant 16 : i32
      %parallel_loop3A_202 = arith.muli %parallel_loop3A_200, %parallel_loop3A_201 : i32
      %parallel_loop3A_203 = arith.index_cast %parallel_loop3A_198 : i32 to index
      %parallel_loop3A_204 = arith.index_cast %parallel_loop3A_202 : i32 to index
      %parallel_loop3A_205 = tpu.vector_load %arg6[%parallel_loop3A_203, %parallel_loop3A_204] {strides = array<i32>} : memref<32x512xf32, #tpu.memory_space<vmem>>, vector<16xf32>,
      %parallel_loop3A_206 = arith.constant 1035630.63 : f32
      %parallel_loop3A_207 = vector.broadcast %parallel_loop3A_206 : f32 to vector<16xf32>
      %parallel_loop3A_208 = arith.mulf %parallel_loop3A_205, %parallel_loop3A_207 : vector<16xf32>
      %parallel_loop3A_209 = arith.fptosi %parallel_loop3A_208 : vector<16xf32> to vector<16xi32>
      %parallel_loop3A_210 = arith.constant 12 : i32
      %parallel_loop3A_211 = vector.broadcast %parallel_loop3A_210 : i32 to vector<16xi32>
      %parallel_loop3A_212 = arith.shrsi %parallel_loop3A_209, %parallel_loop3A_211 : vector<16xi32>
      %parallel_loop3A_213 = arith.cmpi sgt, %parallel_loop3A_212, %convert_element_type3A : vector<16xi32>
      %parallel_loop3A_214 = arith.constant 4096 : i32
      %parallel_loop3A_215 = vector.broadcast %parallel_loop3A_214 : i32 to vector<16xi32>
      %parallel_loop3A_216 = arith.cmpi slt, %parallel_loop3A_212, %parallel_loop3A_215 : vector<16xi32>
      %parallel_loop3A_217 = arith.andi %parallel_loop3A_213, %parallel_loop3A_216 : vector<16xi1>
      %parallel_loop3A_218 = arith.cmpi eq, %parallel_loop3A_212, %convert_element_type3A : vector<16xi32>
      %parallel_loop3A_219 = arith.subi %parallel_loop3A_209, %mul3A_12 : vector<16xi32>
      %parallel_loop3A_220 = arith.addi %mul3A_3, %parallel_loop3A_219 : vector<16xi32>
      tpu.vector_store_idx %arg9[%parallel_loop3A_220], %broadcast_in_dim3A_4 masked %parallel_loop3A_218 {add = true} : memref<65792xi32, #tpu.memory_space<vmem>>[vector<16xi32>], vector<16xi32>, vector<16xi1>
      %parallel_loop3A_221 = arith.constant 0.000000e+00 : f32
      %parallel_loop3A_222 = vector.broadcast %parallel_loop3A_221 : f32 to vector<16xf32>
      %parallel_loop3A_223 = arith.select %parallel_loop3A_217, %parallel_loop3A_205, %parallel_loop3A_222 : vector<16xi1>, vector<16xf32>
      %parallel_loop3A_224 = arith.addf %parallel_loop3A_196, %parallel_loop3A_223 : vector<16xf32>
      scf.yield %parallel_loop3A_224 : vector<16xf32>
    } {sc.loop_unroll_factor = 8 : i64, sc.parallel_access}
    %add3A_145 = arith.constant 192 : i32
    %add3A_146 = arith.addi %mul3A_48, %add3A_145 : i32
    %dma_start3A_147 = arith.constant 0 : i32
    %dma_start3A_148 = tpu.memref_slice %arg2[%select_n3A, %add3A_146, %dma_start3A_147] : memref<16x512x512xf32, #tpu.memory_space<hbm>> -> memref<1x32x512xf32, #tpu.memory_space<hbm>>
    %dma_start3A_149 = tpu.memref_squeeze %dma_start3A_148 : memref<1x32x512xf32, #tpu.memory_space<hbm>> -> memref<32x512xf32, #tpu.memory_space<hbm>>
    %dma_start3A_150 = arith.constant 0 : i32
    %dma_start3A_151 = tpu.memref_slice %arg2[%select_n3A, %add3A_146, %dma_start3A_150] : memref<16x512x512xf32, #tpu.memory_space<hbm>> -> memref<1x32x512xf32, #tpu.memory_space<hbm>>
    %dma_start3A_152 = tpu.memref_squeeze %dma_start3A_151 : memref<1x32x512xf32, #tpu.memory_space<hbm>> -> memref<32x512xf32, #tpu.memory_space<hbm>>
    tpu.enqueue_dma source(%dma_start3A_152 : memref<32x512xf32, #tpu.memory_space<hbm>>) target(%arg6 : memref<32x512xf32, #tpu.memory_space<vmem>>) target_semaphore(%arg12 : memref<!tpu.dma_semaphore, #tpu.memory_space<semaphore_mem>>)
    %dma_wait3A_153 = arith.constant 0 : i32
    %dma_wait3A_154 = tpu.memref_slice %arg2[%select_n3A, %add3A_128, %dma_wait3A_153] : memref<16x512x512xf32, #tpu.memory_space<hbm>> -> memref<1x32x512xf32, #tpu.memory_space<hbm>>
    %dma_wait3A_155 = tpu.memref_squeeze %dma_wait3A_154 : memref<1x32x512xf32, #tpu.memory_space<hbm>> -> memref<32x512xf32, #tpu.memory_space<hbm>>
    %dma_wait3A_156 = arith.constant 0 : i32
    %dma_wait3A_157 = tpu.memref_slice %arg2[%select_n3A, %add3A_128, %dma_wait3A_156] : memref<16x512x512xf32, #tpu.memory_space<hbm>> -> memref<1x32x512xf32, #tpu.memory_space<hbm>>
    %dma_wait3A_158 = tpu.memref_squeeze %dma_wait3A_157 : memref<1x32x512xf32, #tpu.memory_space<hbm>> -> memref<32x512xf32, #tpu.memory_space<hbm>>
    tpu.wait_dma2 semaphore(%arg13 : memref<!tpu.dma_semaphore, #tpu.memory_space<semaphore_mem>>) src(%dma_wait3A_158 : memref<32x512xf32, #tpu.memory_space<hbm>>) dst(%arg7 : memref<32x512xf32, #tpu.memory_space<vmem>>)
    %parallel_loop3A_159 = arith.constant 0 : i32
    %parallel_loop3A_160 = arith.constant 1024 : i32
    %parallel_loop3A_161 = arith.constant 1 : i32
    %parallel_loop3A_162 = scf.for %parallel_loop3A_195 = %parallel_loop3A_159 to %parallel_loop3A_160 step %parallel_loop3A_161 iter_args(%parallel_loop3A_196 = %parallel_loop3A_144) -> (vector<16xf32>)  : i32 {
      %parallel_loop3A_197 = arith.constant 5 : i32
      %parallel_loop3A_198 = arith.shrsi %parallel_loop3A_195, %parallel_loop3A_197 : i32
      %parallel_loop3A_199 = arith.constant 31 : i32
      %parallel_loop3A_200 = arith.andi %parallel_loop3A_195, %parallel_loop3A_199 : i32
      %parallel_loop3A_201 = arith.constant 16 : i32
      %parallel_loop3A_202 = arith.muli %parallel_loop3A_200, %parallel_loop3A_201 : i32
      %parallel_loop3A_203 = arith.index_cast %parallel_loop3A_198 : i32 to index
      %parallel_loop3A_204 = arith.index_cast %parallel_loop3A_202 : i32 to index
      %parallel_loop3A_205 = tpu.vector_load %arg7[%parallel_loop3A_203, %parallel_loop3A_204] {strides = array<i32>} : memref<32x512xf32, #tpu.memory_space<vmem>>, vector<16xf32>,
      %parallel_loop3A_206 = arith.constant 1035630.63 : f32
      %parallel_loop3A_207 = vector.broadcast %parallel_loop3A_206 : f32 to vector<16xf32>
      %parallel_loop3A_208 = arith.mulf %parallel_loop3A_205, %parallel_loop3A_207 : vector<16xf32>
      %parallel_loop3A_209 = arith.fptosi %parallel_loop3A_208 : vector<16xf32> to vector<16xi32>
      %parallel_loop3A_210 = arith.constant 12 : i32
      %parallel_loop3A_211 = vector.broadcast %parallel_loop3A_210 : i32 to vector<16xi32>
      %parallel_loop3A_212 = arith.shrsi %parallel_loop3A_209, %parallel_loop3A_211 : vector<16xi32>
      %parallel_loop3A_213 = arith.cmpi sgt, %parallel_loop3A_212, %convert_element_type3A : vector<16xi32>
      %parallel_loop3A_214 = arith.constant 4096 : i32
      %parallel_loop3A_215 = vector.broadcast %parallel_loop3A_214 : i32 to vector<16xi32>
      %parallel_loop3A_216 = arith.cmpi slt, %parallel_loop3A_212, %parallel_loop3A_215 : vector<16xi32>
      %parallel_loop3A_217 = arith.andi %parallel_loop3A_213, %parallel_loop3A_216 : vector<16xi1>
      %parallel_loop3A_218 = arith.cmpi eq, %parallel_loop3A_212, %convert_element_type3A : vector<16xi32>
      %parallel_loop3A_219 = arith.subi %parallel_loop3A_209, %mul3A_12 : vector<16xi32>
      %parallel_loop3A_220 = arith.addi %mul3A_3, %parallel_loop3A_219 : vector<16xi32>
      tpu.vector_store_idx %arg9[%parallel_loop3A_220], %broadcast_in_dim3A_4 masked %parallel_loop3A_218 {add = true} : memref<65792xi32, #tpu.memory_space<vmem>>[vector<16xi32>], vector<16xi32>, vector<16xi1>
      %parallel_loop3A_221 = arith.constant 0.000000e+00 : f32
      %parallel_loop3A_222 = vector.broadcast %parallel_loop3A_221 : f32 to vector<16xf32>
      %parallel_loop3A_223 = arith.select %parallel_loop3A_217, %parallel_loop3A_205, %parallel_loop3A_222 : vector<16xi1>, vector<16xf32>
      %parallel_loop3A_224 = arith.addf %parallel_loop3A_196, %parallel_loop3A_223 : vector<16xf32>
      scf.yield %parallel_loop3A_224 : vector<16xf32>
    } {sc.loop_unroll_factor = 8 : i64, sc.parallel_access}
    %add3A_163 = arith.constant 224 : i32
    %add3A_164 = arith.addi %mul3A_48, %add3A_163 : i32
    %dma_start3A_165 = arith.constant 0 : i32
    %dma_start3A_166 = tpu.memref_slice %arg2[%select_n3A, %add3A_164, %dma_start3A_165] : memref<16x512x512xf32, #tpu.memory_space<hbm>> -> memref<1x32x512xf32, #tpu.memory_space<hbm>>
    %dma_start3A_167 = tpu.memref_squeeze %dma_start3A_166 : memref<1x32x512xf32, #tpu.memory_space<hbm>> -> memref<32x512xf32, #tpu.memory_space<hbm>>
    %dma_start3A_168 = arith.constant 0 : i32
    %dma_start3A_169 = tpu.memref_slice %arg2[%select_n3A, %add3A_164, %dma_start3A_168] : memref<16x512x512xf32, #tpu.memory_space<hbm>> -> memref<1x32x512xf32, #tpu.memory_space<hbm>>
    %dma_start3A_170 = tpu.memref_squeeze %dma_start3A_169 : memref<1x32x512xf32, #tpu.memory_space<hbm>> -> memref<32x512xf32, #tpu.memory_space<hbm>>
    tpu.enqueue_dma source(%dma_start3A_170 : memref<32x512xf32, #tpu.memory_space<hbm>>) target(%arg7 : memref<32x512xf32, #tpu.memory_space<vmem>>) target_semaphore(%arg13 : memref<!tpu.dma_semaphore, #tpu.memory_space<semaphore_mem>>)
    %dma_wait3A_171 = arith.constant 0 : i32
    %dma_wait3A_172 = tpu.memref_slice %arg2[%select_n3A, %add3A_146, %dma_wait3A_171] : memref<16x512x512xf32, #tpu.memory_space<hbm>> -> memref<1x32x512xf32, #tpu.memory_space<hbm>>
    %dma_wait3A_173 = tpu.memref_squeeze %dma_wait3A_172 : memref<1x32x512xf32, #tpu.memory_space<hbm>> -> memref<32x512xf32, #tpu.memory_space<hbm>>
    %dma_wait3A_174 = arith.constant 0 : i32
    %dma_wait3A_175 = tpu.memref_slice %arg2[%select_n3A, %add3A_146, %dma_wait3A_174] : memref<16x512x512xf32, #tpu.memory_space<hbm>> -> memref<1x32x512xf32, #tpu.memory_space<hbm>>
    %dma_wait3A_176 = tpu.memref_squeeze %dma_wait3A_175 : memref<1x32x512xf32, #tpu.memory_space<hbm>> -> memref<32x512xf32, #tpu.memory_space<hbm>>
    tpu.wait_dma2 semaphore(%arg12 : memref<!tpu.dma_semaphore, #tpu.memory_space<semaphore_mem>>) src(%dma_wait3A_176 : memref<32x512xf32, #tpu.memory_space<hbm>>) dst(%arg6 : memref<32x512xf32, #tpu.memory_space<vmem>>)
    %parallel_loop3A_177 = arith.constant 0 : i32
    %parallel_loop3A_178 = arith.constant 1024 : i32
    %parallel_loop3A_179 = arith.constant 1 : i32
    %parallel_loop3A_180 = scf.for %parallel_loop3A_195 = %parallel_loop3A_177 to %parallel_loop3A_178 step %parallel_loop3A_179 iter_args(%parallel_loop3A_196 = %parallel_loop3A_162) -> (vector<16xf32>)  : i32 {
      %parallel_loop3A_197 = arith.constant 5 : i32
      %parallel_loop3A_198 = arith.shrsi %parallel_loop3A_195, %parallel_loop3A_197 : i32
      %parallel_loop3A_199 = arith.constant 31 : i32
      %parallel_loop3A_200 = arith.andi %parallel_loop3A_195, %parallel_loop3A_199 : i32
      %parallel_loop3A_201 = arith.constant 16 : i32
      %parallel_loop3A_202 = arith.muli %parallel_loop3A_200, %parallel_loop3A_201 : i32
      %parallel_loop3A_203 = arith.index_cast %parallel_loop3A_198 : i32 to index
      %parallel_loop3A_204 = arith.index_cast %parallel_loop3A_202 : i32 to index
      %parallel_loop3A_205 = tpu.vector_load %arg6[%parallel_loop3A_203, %parallel_loop3A_204] {strides = array<i32>} : memref<32x512xf32, #tpu.memory_space<vmem>>, vector<16xf32>,
      %parallel_loop3A_206 = arith.constant 1035630.63 : f32
      %parallel_loop3A_207 = vector.broadcast %parallel_loop3A_206 : f32 to vector<16xf32>
      %parallel_loop3A_208 = arith.mulf %parallel_loop3A_205, %parallel_loop3A_207 : vector<16xf32>
      %parallel_loop3A_209 = arith.fptosi %parallel_loop3A_208 : vector<16xf32> to vector<16xi32>
      %parallel_loop3A_210 = arith.constant 12 : i32
      %parallel_loop3A_211 = vector.broadcast %parallel_loop3A_210 : i32 to vector<16xi32>
      %parallel_loop3A_212 = arith.shrsi %parallel_loop3A_209, %parallel_loop3A_211 : vector<16xi32>
      %parallel_loop3A_213 = arith.cmpi sgt, %parallel_loop3A_212, %convert_element_type3A : vector<16xi32>
      %parallel_loop3A_214 = arith.constant 4096 : i32
      %parallel_loop3A_215 = vector.broadcast %parallel_loop3A_214 : i32 to vector<16xi32>
      %parallel_loop3A_216 = arith.cmpi slt, %parallel_loop3A_212, %parallel_loop3A_215 : vector<16xi32>
      %parallel_loop3A_217 = arith.andi %parallel_loop3A_213, %parallel_loop3A_216 : vector<16xi1>
      %parallel_loop3A_218 = arith.cmpi eq, %parallel_loop3A_212, %convert_element_type3A : vector<16xi32>
      %parallel_loop3A_219 = arith.subi %parallel_loop3A_209, %mul3A_12 : vector<16xi32>
      %parallel_loop3A_220 = arith.addi %mul3A_3, %parallel_loop3A_219 : vector<16xi32>
      tpu.vector_store_idx %arg9[%parallel_loop3A_220], %broadcast_in_dim3A_4 masked %parallel_loop3A_218 {add = true} : memref<65792xi32, #tpu.memory_space<vmem>>[vector<16xi32>], vector<16xi32>, vector<16xi1>
      %parallel_loop3A_221 = arith.constant 0.000000e+00 : f32
      %parallel_loop3A_222 = vector.broadcast %parallel_loop3A_221 : f32 to vector<16xf32>
      %parallel_loop3A_223 = arith.select %parallel_loop3A_217, %parallel_loop3A_205, %parallel_loop3A_222 : vector<16xi1>, vector<16xf32>
      %parallel_loop3A_224 = arith.addf %parallel_loop3A_196, %parallel_loop3A_223 : vector<16xf32>
      scf.yield %parallel_loop3A_224 : vector<16xf32>
    } {sc.loop_unroll_factor = 8 : i64, sc.parallel_access}
    %dma_wait3A_181 = arith.constant 0 : i32
    %dma_wait3A_182 = tpu.memref_slice %arg2[%select_n3A, %add3A_164, %dma_wait3A_181] : memref<16x512x512xf32, #tpu.memory_space<hbm>> -> memref<1x32x512xf32, #tpu.memory_space<hbm>>
    %dma_wait3A_183 = tpu.memref_squeeze %dma_wait3A_182 : memref<1x32x512xf32, #tpu.memory_space<hbm>> -> memref<32x512xf32, #tpu.memory_space<hbm>>
    %dma_wait3A_184 = arith.constant 0 : i32
    %dma_wait3A_185 = tpu.memref_slice %arg2[%select_n3A, %add3A_164, %dma_wait3A_184] : memref<16x512x512xf32, #tpu.memory_space<hbm>> -> memref<1x32x512xf32, #tpu.memory_space<hbm>>
    %dma_wait3A_186 = tpu.memref_squeeze %dma_wait3A_185 : memref<1x32x512xf32, #tpu.memory_space<hbm>> -> memref<32x512xf32, #tpu.memory_space<hbm>>
    tpu.wait_dma2 semaphore(%arg13 : memref<!tpu.dma_semaphore, #tpu.memory_space<semaphore_mem>>) src(%dma_wait3A_186 : memref<32x512xf32, #tpu.memory_space<hbm>>) dst(%arg7 : memref<32x512xf32, #tpu.memory_space<vmem>>)
    %parallel_loop3A_187 = arith.constant 0 : i32
    %parallel_loop3A_188 = arith.constant 1024 : i32
    %parallel_loop3A_189 = arith.constant 1 : i32
    %parallel_loop3A_190 = scf.for %parallel_loop3A_195 = %parallel_loop3A_187 to %parallel_loop3A_188 step %parallel_loop3A_189 iter_args(%parallel_loop3A_196 = %parallel_loop3A_180) -> (vector<16xf32>)  : i32 {
      %parallel_loop3A_197 = arith.constant 5 : i32
      %parallel_loop3A_198 = arith.shrsi %parallel_loop3A_195, %parallel_loop3A_197 : i32
      %parallel_loop3A_199 = arith.constant 31 : i32
      %parallel_loop3A_200 = arith.andi %parallel_loop3A_195, %parallel_loop3A_199 : i32
      %parallel_loop3A_201 = arith.constant 16 : i32
      %parallel_loop3A_202 = arith.muli %parallel_loop3A_200, %parallel_loop3A_201 : i32
      %parallel_loop3A_203 = arith.index_cast %parallel_loop3A_198 : i32 to index
      %parallel_loop3A_204 = arith.index_cast %parallel_loop3A_202 : i32 to index
      %parallel_loop3A_205 = tpu.vector_load %arg7[%parallel_loop3A_203, %parallel_loop3A_204] {strides = array<i32>} : memref<32x512xf32, #tpu.memory_space<vmem>>, vector<16xf32>,
      %parallel_loop3A_206 = arith.constant 1035630.63 : f32
      %parallel_loop3A_207 = vector.broadcast %parallel_loop3A_206 : f32 to vector<16xf32>
      %parallel_loop3A_208 = arith.mulf %parallel_loop3A_205, %parallel_loop3A_207 : vector<16xf32>
      %parallel_loop3A_209 = arith.fptosi %parallel_loop3A_208 : vector<16xf32> to vector<16xi32>
      %parallel_loop3A_210 = arith.constant 12 : i32
      %parallel_loop3A_211 = vector.broadcast %parallel_loop3A_210 : i32 to vector<16xi32>
      %parallel_loop3A_212 = arith.shrsi %parallel_loop3A_209, %parallel_loop3A_211 : vector<16xi32>
      %parallel_loop3A_213 = arith.cmpi sgt, %parallel_loop3A_212, %convert_element_type3A : vector<16xi32>
      %parallel_loop3A_214 = arith.constant 4096 : i32
      %parallel_loop3A_215 = vector.broadcast %parallel_loop3A_214 : i32 to vector<16xi32>
      %parallel_loop3A_216 = arith.cmpi slt, %parallel_loop3A_212, %parallel_loop3A_215 : vector<16xi32>
      %parallel_loop3A_217 = arith.andi %parallel_loop3A_213, %parallel_loop3A_216 : vector<16xi1>
      %parallel_loop3A_218 = arith.cmpi eq, %parallel_loop3A_212, %convert_element_type3A : vector<16xi32>
      %parallel_loop3A_219 = arith.subi %parallel_loop3A_209, %mul3A_12 : vector<16xi32>
      %parallel_loop3A_220 = arith.addi %mul3A_3, %parallel_loop3A_219 : vector<16xi32>
      tpu.vector_store_idx %arg9[%parallel_loop3A_220], %broadcast_in_dim3A_4 masked %parallel_loop3A_218 {add = true} : memref<65792xi32, #tpu.memory_space<vmem>>[vector<16xi32>], vector<16xi32>, vector<16xi1>
      %parallel_loop3A_221 = arith.constant 0.000000e+00 : f32
      %parallel_loop3A_222 = vector.broadcast %parallel_loop3A_221 : f32 to vector<16xf32>
      %parallel_loop3A_223 = arith.select %parallel_loop3A_217, %parallel_loop3A_205, %parallel_loop3A_222 : vector<16xi1>, vector<16xf32>
      %parallel_loop3A_224 = arith.addf %parallel_loop3A_196, %parallel_loop3A_223 : vector<16xf32>
      scf.yield %parallel_loop3A_224 : vector<16xf32>
    } {sc.loop_unroll_factor = 8 : i64, sc.parallel_access}
    %swap3A = arith.constant 0 : index
    %swap3A_191 = tpu.vector_load %arg11[%swap3A] {strides = array<i32>} : memref<16xf32, #tpu.memory_space<vmem>>, vector<16xf32>,
    tpu.vector_store %arg11[%swap3A], %parallel_loop3A_190 {strides = array<i32>} : memref<16xf32, #tpu.memory_space<vmem>>, vector<16xf32>,
    %parallel_loop3A_192 = arith.constant 0 : i32
    %parallel_loop3A_193 = arith.constant 256 : i32
    %parallel_loop3A_194 = arith.constant 1 : i32
    scf.for %parallel_loop3A_195 = %parallel_loop3A_192 to %parallel_loop3A_193 step %parallel_loop3A_194  : i32 {
      %parallel_loop3A_196 = arith.constant 0 : i32
      %parallel_loop3A_197 = vector.broadcast %parallel_loop3A_196 : i32 to vector<16xi32>
      %parallel_loop3A_198 = arith.constant 16 : i32
      %parallel_loop3A_199 = arith.muli %parallel_loop3A_195, %parallel_loop3A_198 : i32
      %parallel_loop3A_200 = arith.constant 0 : i32
      %parallel_loop3A_201 = arith.addi %parallel_loop3A_200, %parallel_loop3A_199 : i32
      %parallel_loop3A_202 = arith.index_cast %parallel_loop3A_201 : i32 to index
      %parallel_loop3A_203 = tpu.vector_load %arg9[%parallel_loop3A_202] {strides = array<i32>} : memref<65792xi32, #tpu.memory_space<vmem>>, vector<16xi32>,
      %parallel_loop3A_204 = arith.addi %parallel_loop3A_197, %parallel_loop3A_203 : vector<16xi32>
      %parallel_loop3A_205 = arith.constant 16 : i32
      %parallel_loop3A_206 = arith.muli %parallel_loop3A_195, %parallel_loop3A_205 : i32
      %parallel_loop3A_207 = arith.constant 4097 : i32
      %parallel_loop3A_208 = arith.addi %parallel_loop3A_207, %parallel_loop3A_206 : i32
      %parallel_loop3A_209 = arith.index_cast %parallel_loop3A_208 : i32 to index
      %parallel_loop3A_210 = tpu.vector_load %arg9[%parallel_loop3A_209] {strides = array<i32>} : memref<65792xi32, #tpu.memory_space<vmem>>, vector<16xi32>,
      %parallel_loop3A_211 = arith.addi %parallel_loop3A_204, %parallel_loop3A_210 : vector<16xi32>
      %parallel_loop3A_212 = arith.constant 16 : i32
      %parallel_loop3A_213 = arith.muli %parallel_loop3A_195, %parallel_loop3A_212 : i32
      %parallel_loop3A_214 = arith.constant 8194 : i32
      %parallel_loop3A_215 = arith.addi %parallel_loop3A_214, %parallel_loop3A_213 : i32
      %parallel_loop3A_216 = arith.index_cast %parallel_loop3A_215 : i32 to index
      %parallel_loop3A_217 = tpu.vector_load %arg9[%parallel_loop3A_216] {strides = array<i32>} : memref<65792xi32, #tpu.memory_space<vmem>>, vector<16xi32>,
      %parallel_loop3A_218 = arith.addi %parallel_loop3A_211, %parallel_loop3A_217 : vector<16xi32>
      %parallel_loop3A_219 = arith.constant 16 : i32
      %parallel_loop3A_220 = arith.muli %parallel_loop3A_195, %parallel_loop3A_219 : i32
      %parallel_loop3A_221 = arith.constant 12291 : i32
      %parallel_loop3A_222 = arith.addi %parallel_loop3A_221, %parallel_loop3A_220 : i32
      %parallel_loop3A_223 = arith.index_cast %parallel_loop3A_222 : i32 to index
      %parallel_loop3A_224 = tpu.vector_load %arg9[%parallel_loop3A_223] {strides = array<i32>} : memref<65792xi32, #tpu.memory_space<vmem>>, vector<16xi32>,
      %parallel_loop3A_225 = arith.addi %parallel_loop3A_218, %parallel_loop3A_224 : vector<16xi32>
      %parallel_loop3A_226 = arith.constant 16 : i32
      %parallel_loop3A_227 = arith.muli %parallel_loop3A_195, %parallel_loop3A_226 : i32
      %parallel_loop3A_228 = arith.constant 16388 : i32
      %parallel_loop3A_229 = arith.addi %parallel_loop3A_228, %parallel_loop3A_227 : i32
      %parallel_loop3A_230 = arith.index_cast %parallel_loop3A_229 : i32 to index
      %parallel_loop3A_231 = tpu.vector_load %arg9[%parallel_loop3A_230] {strides = array<i32>} : memref<65792xi32, #tpu.memory_space<vmem>>, vector<16xi32>,
      %parallel_loop3A_232 = arith.addi %parallel_loop3A_225, %parallel_loop3A_231 : vector<16xi32>
      %parallel_loop3A_233 = arith.constant 16 : i32
      %parallel_loop3A_234 = arith.muli %parallel_loop3A_195, %parallel_loop3A_233 : i32
      %parallel_loop3A_235 = arith.constant 20485 : i32
      %parallel_loop3A_236 = arith.addi %parallel_loop3A_235, %parallel_loop3A_234 : i32
      %parallel_loop3A_237 = arith.index_cast %parallel_loop3A_236 : i32 to index
      %parallel_loop3A_238 = tpu.vector_load %arg9[%parallel_loop3A_237] {strides = array<i32>} : memref<65792xi32, #tpu.memory_space<vmem>>, vector<16xi32>,
      %parallel_loop3A_239 = arith.addi %parallel_loop3A_232, %parallel_loop3A_238 : vector<16xi32>
      %parallel_loop3A_240 = arith.constant 16 : i32
      %parallel_loop3A_241 = arith.muli %parallel_loop3A_195, %parallel_loop3A_240 : i32
      %parallel_loop3A_242 = arith.constant 24582 : i32
      %parallel_loop3A_243 = arith.addi %parallel_loop3A_242, %parallel_loop3A_241 : i32
      %parallel_loop3A_244 = arith.index_cast %parallel_loop3A_243 : i32 to index
      %parallel_loop3A_245 = tpu.vector_load %arg9[%parallel_loop3A_244] {strides = array<i32>} : memref<65792xi32, #tpu.memory_space<vmem>>, vector<16xi32>,
      %parallel_loop3A_246 = arith.addi %parallel_loop3A_239, %parallel_loop3A_245 : vector<16xi32>
      %parallel_loop3A_247 = arith.constant 16 : i32
      %parallel_loop3A_248 = arith.muli %parallel_loop3A_195, %parallel_loop3A_247 : i32
      %parallel_loop3A_249 = arith.constant 28679 : i32
      %parallel_loop3A_250 = arith.addi %parallel_loop3A_249, %parallel_loop3A_248 : i32
      %parallel_loop3A_251 = arith.index_cast %parallel_loop3A_250 : i32 to index
      %parallel_loop3A_252 = tpu.vector_load %arg9[%parallel_loop3A_251] {strides = array<i32>} : memref<65792xi32, #tpu.memory_space<vmem>>, vector<16xi32>,
      %parallel_loop3A_253 = arith.addi %parallel_loop3A_246, %parallel_loop3A_252 : vector<16xi32>
      %parallel_loop3A_254 = arith.constant 16 : i32
      %parallel_loop3A_255 = arith.muli %parallel_loop3A_195, %parallel_loop3A_254 : i32
      %parallel_loop3A_256 = arith.constant 32776 : i32
      %parallel_loop3A_257 = arith.addi %parallel_loop3A_256, %parallel_loop3A_255 : i32
      %parallel_loop3A_258 = arith.index_cast %parallel_loop3A_257 : i32 to index
      %parallel_loop3A_259 = tpu.vector_load %arg9[%parallel_loop3A_258] {strides = array<i32>} : memref<65792xi32, #tpu.memory_space<vmem>>, vector<16xi32>,
      %parallel_loop3A_260 = arith.addi %parallel_loop3A_253, %parallel_loop3A_259 : vector<16xi32>
      %parallel_loop3A_261 = arith.constant 16 : i32
      %parallel_loop3A_262 = arith.muli %parallel_loop3A_195, %parallel_loop3A_261 : i32
      %parallel_loop3A_263 = arith.constant 36873 : i32
      %parallel_loop3A_264 = arith.addi %parallel_loop3A_263, %parallel_loop3A_262 : i32
      %parallel_loop3A_265 = arith.index_cast %parallel_loop3A_264 : i32 to index
      %parallel_loop3A_266 = tpu.vector_load %arg9[%parallel_loop3A_265] {strides = array<i32>} : memref<65792xi32, #tpu.memory_space<vmem>>, vector<16xi32>,
      %parallel_loop3A_267 = arith.addi %parallel_loop3A_260, %parallel_loop3A_266 : vector<16xi32>
      %parallel_loop3A_268 = arith.constant 16 : i32
      %parallel_loop3A_269 = arith.muli %parallel_loop3A_195, %parallel_loop3A_268 : i32
      %parallel_loop3A_270 = arith.constant 40970 : i32
      %parallel_loop3A_271 = arith.addi %parallel_loop3A_270, %parallel_loop3A_269 : i32
      %parallel_loop3A_272 = arith.index_cast %parallel_loop3A_271 : i32 to index
      %parallel_loop3A_273 = tpu.vector_load %arg9[%parallel_loop3A_272] {strides = array<i32>} : memref<65792xi32, #tpu.memory_space<vmem>>, vector<16xi32>,
      %parallel_loop3A_274 = arith.addi %parallel_loop3A_267, %parallel_loop3A_273 : vector<16xi32>
      %parallel_loop3A_275 = arith.constant 16 : i32
      %parallel_loop3A_276 = arith.muli %parallel_loop3A_195, %parallel_loop3A_275 : i32
      %parallel_loop3A_277 = arith.constant 45067 : i32
      %parallel_loop3A_278 = arith.addi %parallel_loop3A_277, %parallel_loop3A_276 : i32
      %parallel_loop3A_279 = arith.index_cast %parallel_loop3A_278 : i32 to index
      %parallel_loop3A_280 = tpu.vector_load %arg9[%parallel_loop3A_279] {strides = array<i32>} : memref<65792xi32, #tpu.memory_space<vmem>>, vector<16xi32>,
      %parallel_loop3A_281 = arith.addi %parallel_loop3A_274, %parallel_loop3A_280 : vector<16xi32>
      %parallel_loop3A_282 = arith.constant 16 : i32
      %parallel_loop3A_283 = arith.muli %parallel_loop3A_195, %parallel_loop3A_282 : i32
      %parallel_loop3A_284 = arith.constant 49164 : i32
      %parallel_loop3A_285 = arith.addi %parallel_loop3A_284, %parallel_loop3A_283 : i32
      %parallel_loop3A_286 = arith.index_cast %parallel_loop3A_285 : i32 to index
      %parallel_loop3A_287 = tpu.vector_load %arg9[%parallel_loop3A_286] {strides = array<i32>} : memref<65792xi32, #tpu.memory_space<vmem>>, vector<16xi32>,
      %parallel_loop3A_288 = arith.addi %parallel_loop3A_281, %parallel_loop3A_287 : vector<16xi32>
      %parallel_loop3A_289 = arith.constant 16 : i32
      %parallel_loop3A_290 = arith.muli %parallel_loop3A_195, %parallel_loop3A_289 : i32
      %parallel_loop3A_291 = arith.constant 53261 : i32
      %parallel_loop3A_292 = arith.addi %parallel_loop3A_291, %parallel_loop3A_290 : i32
      %parallel_loop3A_293 = arith.index_cast %parallel_loop3A_292 : i32 to index
      %parallel_loop3A_294 = tpu.vector_load %arg9[%parallel_loop3A_293] {strides = array<i32>} : memref<65792xi32, #tpu.memory_space<vmem>>, vector<16xi32>,
      %parallel_loop3A_295 = arith.addi %parallel_loop3A_288, %parallel_loop3A_294 : vector<16xi32>
      %parallel_loop3A_296 = arith.constant 16 : i32
      %parallel_loop3A_297 = arith.muli %parallel_loop3A_195, %parallel_loop3A_296 : i32
      %parallel_loop3A_298 = arith.constant 57358 : i32
      %parallel_loop3A_299 = arith.addi %parallel_loop3A_298, %parallel_loop3A_297 : i32
      %parallel_loop3A_300 = arith.index_cast %parallel_loop3A_299 : i32 to index
      %parallel_loop3A_301 = tpu.vector_load %arg9[%parallel_loop3A_300] {strides = array<i32>} : memref<65792xi32, #tpu.memory_space<vmem>>, vector<16xi32>,
      %parallel_loop3A_302 = arith.addi %parallel_loop3A_295, %parallel_loop3A_301 : vector<16xi32>
      %parallel_loop3A_303 = arith.constant 16 : i32
      %parallel_loop3A_304 = arith.muli %parallel_loop3A_195, %parallel_loop3A_303 : i32
      %parallel_loop3A_305 = arith.constant 61455 : i32
      %parallel_loop3A_306 = arith.addi %parallel_loop3A_305, %parallel_loop3A_304 : i32
      %parallel_loop3A_307 = arith.index_cast %parallel_loop3A_306 : i32 to index
      %parallel_loop3A_308 = tpu.vector_load %arg9[%parallel_loop3A_307] {strides = array<i32>} : memref<65792xi32, #tpu.memory_space<vmem>>, vector<16xi32>,
      %parallel_loop3A_309 = arith.addi %parallel_loop3A_302, %parallel_loop3A_308 : vector<16xi32>
      %parallel_loop3A_310 = arith.constant 16 : i32
      %parallel_loop3A_311 = arith.muli %parallel_loop3A_195, %parallel_loop3A_310 : i32
      %parallel_loop3A_312 = arith.index_cast %parallel_loop3A_311 : i32 to index
      %parallel_loop3A_313 = tpu.vector_load %arg10[%parallel_loop3A_312] {strides = array<i32>} : memref<4096xi32, #tpu.memory_space<vmem>>, vector<16xi32>,
      tpu.vector_store %arg10[%parallel_loop3A_312], %parallel_loop3A_309 {strides = array<i32>} : memref<4096xi32, #tpu.memory_space<vmem>>, vector<16xi32>,
    } {sc.loop_unroll_factor = 2 : i64, sc.parallel_access}
    "tpu.region"() ({
      %run_scoped3A = tpu.sem_alloc : memref<!tpu.dma_semaphore, #tpu.memory_space<semaphore_mem>>
      %dma_start3A_195 = arith.constant 0 : i32
      %dma_start3A_196 = tpu.memref_slice %arg4[%add3A, %dma_start3A_195] : memref<32x4096xi32, #tpu.memory_space<hbm>> -> memref<1x4096xi32, #tpu.memory_space<hbm>>
      %dma_start3A_197 = tpu.memref_squeeze %dma_start3A_196 : memref<1x4096xi32, #tpu.memory_space<hbm>> -> memref<4096xi32, #tpu.memory_space<hbm>>
      %dma_start3A_198 = arith.constant 0 : i32
      %dma_start3A_199 = tpu.memref_slice %arg4[%add3A, %dma_start3A_198] : memref<32x4096xi32, #tpu.memory_space<hbm>> -> memref<1x4096xi32, #tpu.memory_space<hbm>>
      %dma_start3A_200 = tpu.memref_squeeze %dma_start3A_199 : memref<1x4096xi32, #tpu.memory_space<hbm>> -> memref<4096xi32, #tpu.memory_space<hbm>>
      tpu.enqueue_dma source(%arg10 : memref<4096xi32, #tpu.memory_space<vmem>>) target(%dma_start3A_200 : memref<4096xi32, #tpu.memory_space<hbm>>) target_semaphore(%run_scoped3A : memref<!tpu.dma_semaphore, #tpu.memory_space<semaphore_mem>>)
      %dma_wait3A_201 = arith.constant 0 : i32
      %dma_wait3A_202 = tpu.memref_slice %arg4[%add3A, %dma_wait3A_201] : memref<32x4096xi32, #tpu.memory_space<hbm>> -> memref<1x4096xi32, #tpu.memory_space<hbm>>
      %dma_wait3A_203 = tpu.memref_squeeze %dma_wait3A_202 : memref<1x4096xi32, #tpu.memory_space<hbm>> -> memref<4096xi32, #tpu.memory_space<hbm>>
      %dma_wait3A_204 = arith.constant 0 : i32
      %dma_wait3A_205 = tpu.memref_slice %arg4[%add3A, %dma_wait3A_204] : memref<32x4096xi32, #tpu.memory_space<hbm>> -> memref<1x4096xi32, #tpu.memory_space<hbm>>
      %dma_wait3A_206 = tpu.memref_squeeze %dma_wait3A_205 : memref<1x4096xi32, #tpu.memory_space<hbm>> -> memref<4096xi32, #tpu.memory_space<hbm>>
      tpu.wait_dma2 semaphore(%run_scoped3A : memref<!tpu.dma_semaphore, #tpu.memory_space<semaphore_mem>>) src(%arg10 : memref<4096xi32, #tpu.memory_space<vmem>>) dst(%dma_wait3A_206 : memref<4096xi32, #tpu.memory_space<hbm>>)
      tpu.yield
    }) : () -> ()
    "tpu.region"() ({
      %run_scoped3A = tpu.sem_alloc : memref<!tpu.dma_semaphore, #tpu.memory_space<semaphore_mem>>
      %dma_start3A_195 = arith.constant 0 : i32
      %dma_start3A_196 = tpu.memref_slice %arg5[%add3A, %dma_start3A_195] : memref<32x16xf32, #tpu.memory_space<hbm>> -> memref<1x16xf32, #tpu.memory_space<hbm>>
      %dma_start3A_197 = tpu.memref_squeeze %dma_start3A_196 : memref<1x16xf32, #tpu.memory_space<hbm>> -> memref<16xf32, #tpu.memory_space<hbm>>
      %dma_start3A_198 = arith.constant 0 : i32
      %dma_start3A_199 = tpu.memref_slice %arg5[%add3A, %dma_start3A_198] : memref<32x16xf32, #tpu.memory_space<hbm>> -> memref<1x16xf32, #tpu.memory_space<hbm>>
      %dma_start3A_200 = tpu.memref_squeeze %dma_start3A_199 : memref<1x16xf32, #tpu.memory_space<hbm>> -> memref<16xf32, #tpu.memory_space<hbm>>
      tpu.enqueue_dma source(%arg11 : memref<16xf32, #tpu.memory_space<vmem>>) target(%dma_start3A_200 : memref<16xf32, #tpu.memory_space<hbm>>) target_semaphore(%run_scoped3A : memref<!tpu.dma_semaphore, #tpu.memory_space<semaphore_mem>>)
      %dma_wait3A_201 = arith.constant 0 : i32
      %dma_wait3A_202 = tpu.memref_slice %arg5[%add3A, %dma_wait3A_201] : memref<32x16xf32, #tpu.memory_space<hbm>> -> memref<1x16xf32, #tpu.memory_space<hbm>>
      %dma_wait3A_203 = tpu.memref_squeeze %dma_wait3A_202 : memref<1x16xf32, #tpu.memory_space<hbm>> -> memref<16xf32, #tpu.memory_space<hbm>>
      %dma_wait3A_204 = arith.constant 0 : i32
      %dma_wait3A_205 = tpu.memref_slice %arg5[%add3A, %dma_wait3A_204] : memref<32x16xf32, #tpu.memory_space<hbm>> -> memref<1x16xf32, #tpu.memory_space<hbm>>
      %dma_wait3A_206 = tpu.memref_squeeze %dma_wait3A_205 : memref<1x16xf32, #tpu.memory_space<hbm>> -> memref<16xf32, #tpu.memory_space<hbm>>
      tpu.wait_dma2 semaphore(%run_scoped3A : memref<!tpu.dma_semaphore, #tpu.memory_space<semaphore_mem>>) src(%arg11 : memref<16xf32, #tpu.memory_space<vmem>>) dst(%dma_wait3A_206 : memref<16xf32, #tpu.memory_space<hbm>>)
      tpu.yield
    }) : () -> ()
    return
  }
}

module attributes {stable_mosaic.version = 14 : i64} {
  func.func @_pass_a_body(%arg0: i32, %arg1: memref<1x3x512x512xf32, #tpu.memory_space<vmem>>, %arg2: memref<1x512x512xf32, #tpu.memory_space<vmem>>, %arg3: memref<1x512x512xf32, #tpu.memory_space<vmem>>, %arg4: memref<1x512x512xf32, #tpu.memory_space<vmem>>, %arg5: memref<1x512x512xf32, #tpu.memory_space<vmem>>, %arg6: memref<1x1x128xf32, #tpu.memory_space<vmem>>, %arg7: memref<1x512x512xf32, #tpu.memory_space<vmem>>) attributes {dimension_semantics = [#tpu.dimension_semantics<arbitrary>], iteration_bounds = array<i64: 16>, scalar_prefetch = 0 : i64, scratch_operands = 0 : i64, tpu.core_type = #tpu.core_type<tc>, window_params = [{transform_indices = @transform_0, window_bounds = array<i64: 1, 3, 512, 512>}, {transform_indices = @transform_1, window_bounds = array<i64: 1, 512, 512>}, {transform_indices = @transform_2, window_bounds = array<i64: 1, 512, 512>}, {transform_indices = @transform_3, window_bounds = array<i64: 1, 512, 512>}, {transform_indices = @transform_4, window_bounds = array<i64: 1, 512, 512>}, {transform_indices = @transform_5, window_bounds = array<i64: 1, 1, 128>}, {transform_indices = @transform_6, window_bounds = array<i64: 1, 512, 512>}]} {
    %get3A = arith.constant 0 : index
    %get3A_0 = arith.constant 0 : index
    %get3A_1 = arith.constant 0 : index
    %get3A_2 = arith.constant 0 : index
    %get3A_3 = vector.load %arg1[%get3A, %get3A_0, %get3A_1, %get3A_2] : memref<1x3x512x512xf32, #tpu.memory_space<vmem>>, vector<1x1x512x512xf32>
    %get3A_4 = vector.shape_cast %get3A_3 : vector<1x1x512x512xf32> to vector<512x512xf32>
    %get3A_5 = arith.constant 0 : index
    %get3A_6 = arith.constant 1 : index
    %get3A_7 = arith.constant 0 : index
    %get3A_8 = arith.constant 0 : index
    %get3A_9 = vector.load %arg1[%get3A_5, %get3A_6, %get3A_7, %get3A_8] : memref<1x3x512x512xf32, #tpu.memory_space<vmem>>, vector<1x1x512x512xf32>
    %get3A_10 = vector.shape_cast %get3A_9 : vector<1x1x512x512xf32> to vector<512x512xf32>
    %get3A_11 = arith.constant 0 : index
    %get3A_12 = arith.constant 2 : index
    %get3A_13 = arith.constant 0 : index
    %get3A_14 = arith.constant 0 : index
    %get3A_15 = vector.load %arg1[%get3A_11, %get3A_12, %get3A_13, %get3A_14] : memref<1x3x512x512xf32, #tpu.memory_space<vmem>>, vector<1x1x512x512xf32>
    %get3A_16 = vector.shape_cast %get3A_15 : vector<1x1x512x512xf32> to vector<512x512xf32>
    %get3A_17 = arith.constant 0 : index
    %get3A_18 = arith.constant 0 : index
    %get3A_19 = arith.constant 0 : index
    %get3A_20 = vector.load %arg2[%get3A_17, %get3A_18, %get3A_19] : memref<1x512x512xf32, #tpu.memory_space<vmem>>, vector<1x512x512xf32>
    %get3A_21 = vector.shape_cast %get3A_20 : vector<1x512x512xf32> to vector<512x512xf32>
    %get3A_22 = arith.constant 0 : index
    %get3A_23 = arith.constant 0 : index
    %get3A_24 = arith.constant 0 : index
    %get3A_25 = vector.load %arg3[%get3A_22, %get3A_23, %get3A_24] : memref<1x512x512xf32, #tpu.memory_space<vmem>>, vector<1x512x512xf32>
    %get3A_26 = vector.shape_cast %get3A_25 : vector<1x512x512xf32> to vector<512x512xf32>
    %get3A_27 = arith.constant 0 : index
    %get3A_28 = arith.constant 0 : index
    %get3A_29 = arith.constant 0 : index
    %get3A_30 = vector.load %arg4[%get3A_27, %get3A_28, %get3A_29] : memref<1x512x512xf32, #tpu.memory_space<vmem>>, vector<1x512x512xf32>
    %get3A_31 = vector.shape_cast %get3A_30 : vector<1x512x512xf32> to vector<512x512xf32>
    %get3A_32 = arith.constant 0 : index
    %get3A_33 = arith.constant 0 : index
    %get3A_34 = arith.constant 0 : index
    %get3A_35 = vector.load %arg5[%get3A_32, %get3A_33, %get3A_34] : memref<1x512x512xf32, #tpu.memory_space<vmem>>, vector<1x512x512xf32>
    %get3A_36 = vector.shape_cast %get3A_35 : vector<1x512x512xf32> to vector<512x512xf32>
    %mul3A = arith.mulf %get3A_21, %get3A_26 : vector<512x512xf32>
    %sub3A = arith.constant 1.000000e+00 : f32
    %sub3A_37 = vector.broadcast %sub3A : f32 to vector<512x512xf32>
    %sub3A_38 = arith.subf %sub3A_37, %get3A_21 : vector<512x512xf32>
    %mul3A_39 = arith.mulf %sub3A_38, %get3A_26 : vector<512x512xf32>
    %jit3A = arith.constant 1.000000e-07 : f32
    %jit3A_40 = arith.constant 0.99999988 : f32
    %max3A = vector.broadcast %jit3A : f32 to vector<512x512xf32>
    %max3A_41 = arith.maximumf %max3A, %get3A_4 : vector<512x512xf32>
    %min3A = vector.broadcast %jit3A_40 : f32 to vector<512x512xf32>
    %min3A_42 = arith.minimumf %min3A, %max3A_41 : vector<512x512xf32>
    %gt3A = arith.constant 5.000000e-01 : f32
    %gt3A_43 = vector.broadcast %gt3A : f32 to vector<512x512xf32>
    %gt3A_44 = arith.cmpf ogt, %get3A_21, %gt3A_43 : vector<512x512xf32>
    %sub3A_45 = arith.constant 1.000000e+00 : f32
    %sub3A_46 = vector.broadcast %sub3A_45 : f32 to vector<512x512xf32>
    %sub3A_47 = arith.subf %sub3A_46, %min3A_42 : vector<512x512xf32>
    %select_n3A = arith.select %gt3A_44, %min3A_42, %sub3A_47 : vector<512x512xi1>, vector<512x512xf32>
    %log3A = math.log %select_n3A : vector<512x512xf32>
    %neg3A = arith.constant 0.000000e+00 : f32
    %neg3A_48 = vector.broadcast %neg3A : f32 to vector<512x512xf32>
    %neg3A_49 = arith.subf %neg3A_48, %log3A : vector<512x512xf32>
    %mul3A_50 = arith.mulf %neg3A_49, %mul3A : vector<512x512xf32>
    %mul3A_51 = arith.mulf %neg3A_49, %mul3A_39 : vector<512x512xf32>
    %gt3A_52 = arith.constant 5.000000e-01 : f32
    %gt3A_53 = vector.broadcast %gt3A_52 : f32 to vector<512x512xf32>
    %gt3A_54 = arith.cmpf ogt, %mul3A_39, %gt3A_53 : vector<512x512xf32>
    %jit3A_55 = arith.constant 1.620200e+01 : f32
    %broadcast_in_dim3A = vector.broadcast %jit3A_55 : f32 to vector<512x512xf32>
    %select_n3A_56 = arith.select %gt3A_54, %mul3A_51, %broadcast_in_dim3A : vector<512x512xi1>, vector<512x512xf32>
    %swap3A = arith.constant 0 : index
    %swap3A_57 = arith.constant 0 : index
    %swap3A_58 = arith.constant 0 : index
    %swap3A_59 = vector.load %arg7[%swap3A, %swap3A_57, %swap3A_58] : memref<1x512x512xf32, #tpu.memory_space<vmem>>, vector<1x512x512xf32>
    %swap3A_60 = vector.shape_cast %swap3A_59 : vector<1x512x512xf32> to vector<512x512xf32>
    %swap3A_61 = vector.shape_cast %select_n3A_56 : vector<512x512xf32> to vector<1x512x512xf32>
    tpu.vector_store %arg7[%swap3A, %swap3A_57, %swap3A_58], %swap3A_61 {strides = array<i32>} : memref<1x512x512xf32, #tpu.memory_space<vmem>>, vector<1x512x512xf32>,
    %reduce_sum3A = vector.shape_cast %mul3A_50 : vector<512x512xf32> to vector<1x512x512xf32>
    %reduce_sum3A_62 = arith.constant dense<0.000000e+00> : vector<1xf32>
    %reduce_sum3A_63 = vector.multi_reduction <add>, %reduce_sum3A, %reduce_sum3A_62 [1, 2] : vector<1x512x512xf32> to vector<1xf32>
    %reduce_sum3A_64 = vector.shape_cast %reduce_sum3A_63 : vector<1xf32> to vector<1x1x1xf32>
    %reduce_sum3A_65 = vector.extract %reduce_sum3A_64[0, 0, 0] : f32 from vector<1x1x1xf32>
    %reduce_sum3A_66 = vector.shape_cast %mul3A : vector<512x512xf32> to vector<1x512x512xf32>
    %reduce_sum3A_67 = arith.constant dense<0.000000e+00> : vector<1xf32>
    %reduce_sum3A_68 = vector.multi_reduction <add>, %reduce_sum3A_66, %reduce_sum3A_67 [1, 2] : vector<1x512x512xf32> to vector<1xf32>
    %reduce_sum3A_69 = vector.shape_cast %reduce_sum3A_68 : vector<1xf32> to vector<1x1x1xf32>
    %reduce_sum3A_70 = vector.extract %reduce_sum3A_69[0, 0, 0] : f32 from vector<1x1x1xf32>
    %reduce_sum3A_71 = vector.shape_cast %mul3A_39 : vector<512x512xf32> to vector<1x512x512xf32>
    %reduce_sum3A_72 = arith.constant dense<0.000000e+00> : vector<1xf32>
    %reduce_sum3A_73 = vector.multi_reduction <add>, %reduce_sum3A_71, %reduce_sum3A_72 [1, 2] : vector<1x512x512xf32> to vector<1xf32>
    %reduce_sum3A_74 = vector.shape_cast %reduce_sum3A_73 : vector<1xf32> to vector<1x1x1xf32>
    %reduce_sum3A_75 = vector.extract %reduce_sum3A_74[0, 0, 0] : f32 from vector<1x1x1xf32>
    %reduce_sum3A_76 = vector.shape_cast %mul3A_51 : vector<512x512xf32> to vector<1x512x512xf32>
    %reduce_sum3A_77 = arith.constant dense<0.000000e+00> : vector<1xf32>
    %reduce_sum3A_78 = vector.multi_reduction <add>, %reduce_sum3A_76, %reduce_sum3A_77 [1, 2] : vector<1x512x512xf32> to vector<1xf32>
    %reduce_sum3A_79 = vector.shape_cast %reduce_sum3A_78 : vector<1xf32> to vector<1x1x1xf32>
    %reduce_sum3A_80 = vector.extract %reduce_sum3A_79[0, 0, 0] : f32 from vector<1x1x1xf32>
    %sub3A_81 = arith.subf %get3A_10, %get3A_31 : vector<512x512xf32>
    %abs3A = math.absf %sub3A_81 : vector<512x512xf32>
    %mul3A_82 = arith.mulf %abs3A, %get3A_36 : vector<512x512xf32>
    %reduce_sum3A_83 = vector.shape_cast %mul3A_82 : vector<512x512xf32> to vector<1x512x512xf32>
    %reduce_sum3A_84 = arith.constant dense<0.000000e+00> : vector<1xf32>
    %reduce_sum3A_85 = vector.multi_reduction <add>, %reduce_sum3A_83, %reduce_sum3A_84 [1, 2] : vector<1x512x512xf32> to vector<1xf32>
    %reduce_sum3A_86 = vector.shape_cast %reduce_sum3A_85 : vector<1xf32> to vector<1x1x1xf32>
    %reduce_sum3A_87 = vector.extract %reduce_sum3A_86[0, 0, 0] : f32 from vector<1x1x1xf32>
    %reduce_sum3A_88 = vector.shape_cast %get3A_36 : vector<512x512xf32> to vector<1x512x512xf32>
    %reduce_sum3A_89 = arith.constant dense<0.000000e+00> : vector<1xf32>
    %reduce_sum3A_90 = vector.multi_reduction <add>, %reduce_sum3A_88, %reduce_sum3A_89 [1, 2] : vector<1x512x512xf32> to vector<1xf32>
    %reduce_sum3A_91 = vector.shape_cast %reduce_sum3A_90 : vector<1xf32> to vector<1x1x1xf32>
    %reduce_sum3A_92 = vector.extract %reduce_sum3A_91[0, 0, 0] : f32 from vector<1x1x1xf32>
    %mul3A_93 = arith.mulf %get3A_16, %get3A_21 : vector<512x512xf32>
    %mul3A_94 = arith.mulf %mul3A_93, %get3A_26 : vector<512x512xf32>
    %reduce_sum3A_95 = vector.shape_cast %mul3A_94 : vector<512x512xf32> to vector<1x512x512xf32>
    %reduce_sum3A_96 = arith.constant dense<0.000000e+00> : vector<1xf32>
    %reduce_sum3A_97 = vector.multi_reduction <add>, %reduce_sum3A_95, %reduce_sum3A_96 [1, 2] : vector<1x512x512xf32> to vector<1xf32>
    %reduce_sum3A_98 = vector.shape_cast %reduce_sum3A_97 : vector<1xf32> to vector<1x1x1xf32>
    %reduce_sum3A_99 = vector.extract %reduce_sum3A_98[0, 0, 0] : f32 from vector<1x1x1xf32>
    %mul3A_100 = arith.mulf %get3A_16, %get3A_26 : vector<512x512xf32>
    %reduce_sum3A_101 = vector.shape_cast %mul3A_100 : vector<512x512xf32> to vector<1x512x512xf32>
    %reduce_sum3A_102 = arith.constant dense<0.000000e+00> : vector<1xf32>
    %reduce_sum3A_103 = vector.multi_reduction <add>, %reduce_sum3A_101, %reduce_sum3A_102 [1, 2] : vector<1x512x512xf32> to vector<1xf32>
    %reduce_sum3A_104 = vector.shape_cast %reduce_sum3A_103 : vector<1xf32> to vector<1x1x1xf32>
    %reduce_sum3A_105 = vector.extract %reduce_sum3A_104[0, 0, 0] : f32 from vector<1x1x1xf32>
    %mul3A_106 = arith.mulf %get3A_21, %get3A_26 : vector<512x512xf32>
    %reduce_sum3A_107 = vector.shape_cast %mul3A_106 : vector<512x512xf32> to vector<1x512x512xf32>
    %reduce_sum3A_108 = arith.constant dense<0.000000e+00> : vector<1xf32>
    %reduce_sum3A_109 = vector.multi_reduction <add>, %reduce_sum3A_107, %reduce_sum3A_108 [1, 2] : vector<1x512x512xf32> to vector<1xf32>
    %reduce_sum3A_110 = vector.shape_cast %reduce_sum3A_109 : vector<1xf32> to vector<1x1x1xf32>
    %reduce_sum3A_111 = vector.extract %reduce_sum3A_110[0, 0, 0] : f32 from vector<1x1x1xf32>
    %iota3A = tpu.iota {dimensions = array<i32: 2>} : vector<1x1x128xi32>
    %broadcast_in_dim3A_112 = arith.constant 0.000000e+00 : f32
    %broadcast_in_dim3A_113 = vector.broadcast %broadcast_in_dim3A_112 : f32 to vector<1x1x128xf32>
    %eq3A = arith.constant 0 : i32
    %eq3A_114 = vector.broadcast %eq3A : i32 to vector<1x1x128xi32>
    %eq3A_115 = arith.cmpi eq, %iota3A, %eq3A_114 : vector<1x1x128xi32>
    %broadcast_in_dim3A_116 = vector.broadcast %reduce_sum3A_65 : f32 to vector<1x1x128xf32>
    %select_n3A_117 = arith.select %eq3A_115, %broadcast_in_dim3A_116, %broadcast_in_dim3A_113 : vector<1x1x128xi1>, vector<1x1x128xf32>
    %eq3A_118 = arith.constant 1 : i32
    %eq3A_119 = vector.broadcast %eq3A_118 : i32 to vector<1x1x128xi32>
    %eq3A_120 = arith.cmpi eq, %iota3A, %eq3A_119 : vector<1x1x128xi32>
    %broadcast_in_dim3A_121 = vector.broadcast %reduce_sum3A_70 : f32 to vector<1x1x128xf32>
    %select_n3A_122 = arith.select %eq3A_120, %broadcast_in_dim3A_121, %select_n3A_117 : vector<1x1x128xi1>, vector<1x1x128xf32>
    %eq3A_123 = arith.constant 2 : i32
    %eq3A_124 = vector.broadcast %eq3A_123 : i32 to vector<1x1x128xi32>
    %eq3A_125 = arith.cmpi eq, %iota3A, %eq3A_124 : vector<1x1x128xi32>
    %broadcast_in_dim3A_126 = vector.broadcast %reduce_sum3A_75 : f32 to vector<1x1x128xf32>
    %select_n3A_127 = arith.select %eq3A_125, %broadcast_in_dim3A_126, %select_n3A_122 : vector<1x1x128xi1>, vector<1x1x128xf32>
    %eq3A_128 = arith.constant 3 : i32
    %eq3A_129 = vector.broadcast %eq3A_128 : i32 to vector<1x1x128xi32>
    %eq3A_130 = arith.cmpi eq, %iota3A, %eq3A_129 : vector<1x1x128xi32>
    %broadcast_in_dim3A_131 = vector.broadcast %reduce_sum3A_80 : f32 to vector<1x1x128xf32>
    %select_n3A_132 = arith.select %eq3A_130, %broadcast_in_dim3A_131, %select_n3A_127 : vector<1x1x128xi1>, vector<1x1x128xf32>
    %eq3A_133 = arith.constant 4 : i32
    %eq3A_134 = vector.broadcast %eq3A_133 : i32 to vector<1x1x128xi32>
    %eq3A_135 = arith.cmpi eq, %iota3A, %eq3A_134 : vector<1x1x128xi32>
    %broadcast_in_dim3A_136 = vector.broadcast %reduce_sum3A_87 : f32 to vector<1x1x128xf32>
    %select_n3A_137 = arith.select %eq3A_135, %broadcast_in_dim3A_136, %select_n3A_132 : vector<1x1x128xi1>, vector<1x1x128xf32>
    %eq3A_138 = arith.constant 5 : i32
    %eq3A_139 = vector.broadcast %eq3A_138 : i32 to vector<1x1x128xi32>
    %eq3A_140 = arith.cmpi eq, %iota3A, %eq3A_139 : vector<1x1x128xi32>
    %broadcast_in_dim3A_141 = vector.broadcast %reduce_sum3A_92 : f32 to vector<1x1x128xf32>
    %select_n3A_142 = arith.select %eq3A_140, %broadcast_in_dim3A_141, %select_n3A_137 : vector<1x1x128xi1>, vector<1x1x128xf32>
    %eq3A_143 = arith.constant 6 : i32
    %eq3A_144 = vector.broadcast %eq3A_143 : i32 to vector<1x1x128xi32>
    %eq3A_145 = arith.cmpi eq, %iota3A, %eq3A_144 : vector<1x1x128xi32>
    %broadcast_in_dim3A_146 = vector.broadcast %reduce_sum3A_99 : f32 to vector<1x1x128xf32>
    %select_n3A_147 = arith.select %eq3A_145, %broadcast_in_dim3A_146, %select_n3A_142 : vector<1x1x128xi1>, vector<1x1x128xf32>
    %eq3A_148 = arith.constant 7 : i32
    %eq3A_149 = vector.broadcast %eq3A_148 : i32 to vector<1x1x128xi32>
    %eq3A_150 = arith.cmpi eq, %iota3A, %eq3A_149 : vector<1x1x128xi32>
    %broadcast_in_dim3A_151 = vector.broadcast %reduce_sum3A_105 : f32 to vector<1x1x128xf32>
    %select_n3A_152 = arith.select %eq3A_150, %broadcast_in_dim3A_151, %select_n3A_147 : vector<1x1x128xi1>, vector<1x1x128xf32>
    %eq3A_153 = arith.constant 8 : i32
    %eq3A_154 = vector.broadcast %eq3A_153 : i32 to vector<1x1x128xi32>
    %eq3A_155 = arith.cmpi eq, %iota3A, %eq3A_154 : vector<1x1x128xi32>
    %broadcast_in_dim3A_156 = vector.broadcast %reduce_sum3A_111 : f32 to vector<1x1x128xf32>
    %select_n3A_157 = arith.select %eq3A_155, %broadcast_in_dim3A_156, %select_n3A_152 : vector<1x1x128xi1>, vector<1x1x128xf32>
    %swap3A_158 = arith.constant 0 : index
    %swap3A_159 = arith.constant 0 : index
    %swap3A_160 = arith.constant 0 : index
    %swap3A_161 = vector.load %arg6[%swap3A_158, %swap3A_159, %swap3A_160] : memref<1x1x128xf32, #tpu.memory_space<vmem>>, vector<1x1x128xf32>
    tpu.vector_store %arg6[%swap3A_158, %swap3A_159, %swap3A_160], %select_n3A_157 {strides = array<i32>} : memref<1x1x128xf32, #tpu.memory_space<vmem>>, vector<1x1x128xf32>,
    return
  }
  func.func @transform_0(%arg0: i32) -> (i32, i32, i32, i32) {
    %c0_i32 = arith.constant 0 : i32
    %c0_i32_0 = arith.constant 0 : i32
    %c0_i32_1 = arith.constant 0 : i32
    %c0_i32_2 = arith.constant 0 : i32
    return %arg0, %c0_i32, %c0_i32_0, %c0_i32_1 : i32, i32, i32, i32
  }
  func.func @transform_1(%arg0: i32) -> (i32, i32, i32) {
    %c0_i32 = arith.constant 0 : i32
    %c0_i32_0 = arith.constant 0 : i32
    %c0_i32_1 = arith.constant 0 : i32
    return %arg0, %c0_i32, %c0_i32_0 : i32, i32, i32
  }
  func.func @transform_2(%arg0: i32) -> (i32, i32, i32) {
    %c0_i32 = arith.constant 0 : i32
    %c0_i32_0 = arith.constant 0 : i32
    %c0_i32_1 = arith.constant 0 : i32
    return %arg0, %c0_i32, %c0_i32_0 : i32, i32, i32
  }
  func.func @transform_3(%arg0: i32) -> (i32, i32, i32) {
    %c0_i32 = arith.constant 0 : i32
    %c0_i32_0 = arith.constant 0 : i32
    %c0_i32_1 = arith.constant 0 : i32
    return %arg0, %c0_i32, %c0_i32_0 : i32, i32, i32
  }
  func.func @transform_4(%arg0: i32) -> (i32, i32, i32) {
    %c0_i32 = arith.constant 0 : i32
    %c0_i32_0 = arith.constant 0 : i32
    %c0_i32_1 = arith.constant 0 : i32
    return %arg0, %c0_i32, %c0_i32_0 : i32, i32, i32
  }
  func.func @transform_5(%arg0: i32) -> (i32, i32, i32) {
    %c0_i32 = arith.constant 0 : i32
    %c0_i32_0 = arith.constant 0 : i32
    %c0_i32_1 = arith.constant 0 : i32
    return %arg0, %c0_i32, %c0_i32_0 : i32, i32, i32
  }
  func.func @transform_6(%arg0: i32) -> (i32, i32, i32) {
    %c0_i32 = arith.constant 0 : i32
    %c0_i32_0 = arith.constant 0 : i32
    %c0_i32_1 = arith.constant 0 : i32
    return %arg0, %c0_i32, %c0_i32_0 : i32, i32, i32
  }
}

</mosaic_0001>

<sc_bundles>
// kernel: branch_0_fun.3.cloned.1.call-start
scs
__scs_entry_jumppad:
0x0: {  	(pc) =	sbr.rel $0x88, $3  }
0x1: {  	(tag) =	ssettag $0x0;
	lr =	simm.s32 $0x1  }
0x2: {  	[smem:$0x3F9C] =	sst lr;
	_ =	strace $0xD0000000  }
0x3: {  	_ = 	snop  }
0x4: {  	_ = 	snop  }
0x5: {  	_ = 	snop  }
0x6: {  	_ = 	snop  }
0x7: {  	_ = 	snop  }
__scs_overlays_trampoline_lowered:
0x8: {  	[smem:$0x3FAB] =	sst s0  }
0x9: {  	[smem:$0x3FAC] =	sst s1  }
0xa: {  	[smem:$0x3FAD] =	sst s2  }
0xb: {  	[smem:$0x3FAE] =	sst s3  }
0xc: {  	[smem:$0x3FAF] =	sst s4  }
0xd: {  	[smem:$0x3FB0] =	sst s5  }
0xe: {  	[smem:$0x3FB1] =	sst s6  }
0xf: {  	[smem:$0x3FB2] =	sst s7  }
0x10: {  	[smem:$0x3FB3] =	sst s8  }
0x11: {  	[smem:$0x3FB4] =	sst s9;
	s0 =	simm.s32 @!p0 $0x0  }
0x12: {  	s1 =	sld [smem:$0x3F9A];
	s0 =	simm.s32 @p0 $0x1  }
0x13: {  	[smem:$0x3FB5] =	sst s0;
	s0 =	simm.s32 @!p1 $0x0  }
0x14: {  	s2 =	sld [smem:$0x3F99];
	s0 =	simm.s32 @p1 $0x1  }
0x15: {  	[smem:$0x3FB6] =	sst s0;
	s0 =	simm.s32 @!p2 $0x0  }
0x16: {  	s3 =	sld [smem:$0x3FDB];
	s0 =	simm.s32 @p2 $0x1  }
0x17: {  	s4 =	simm.s32 $0x1BF5;
	[smem:$0x3FB8] =	sst s0  }
0x18: {  	s0 =	sld [smem:$0x3F9B];
	_ =	swait.ge [sflag:s4], $0x0  }
0x19: {  	s7 =	sld [smem:$0x3F9C]  }
0x1a: {  	s8 =	sadd.s32 $0xFFFFE003, lr  }
0x1b: {  	s9 =	sadd.s32 $0xFFFFFEF7, lr;
	s5 =	simm.s32 $0xFFFFFFFF;
	p2 =	slt.u32 s8, $0xFFFFF086  }
0x1c: {  	p1 =	slt.u32 s9, $0xF7A;
	s5 =	simm.s32 @!p2 $0x0  }
0x1d: {  	s5 =	simm.s32 @p1 $0x1;
	p0 =	seq.s32 s7, s2  }
0x1e: {  	s7 =	smul.u32 @!p0 $0xF7A, s2;
	p2 =	seq.s32 @!p0 s5, $0x0  }
0x1f: {  	s9 =	smul.u32 $0xF7A, s1;
	s8 =	simm.s32 @!p0 $0x1BF5;
	p2 =	por !p2, p0  }
0x20: {  	[sflag:s8] =	ssyncset.s32 @!p0 $0xFFFFF086;
	s6 =	sadd.s32 @!p0 s3, s7;
	s7 =	simm.s32 @!p0 $0x108  }
0x21: {  	s3 =	sadd.s32 s3, s9;
	s6 =	sadd.s32 @!p0 $0x88, s6;
	s7 =	simm.s32 @p2 $0x1082  }
0x22: {  	[simem:s7], [sflag:s8] =	dma.local @!p0 [hbm:s6], $0xF7A  }
0x23: {  	s9 =	sor.u32 $0xD0000000, s2;
	s6 =	simm.s32 $0x108;
	_ =	swait.ge @!p0 [sflag:s8], $0x0  }
0x24: {  	s3 =	sadd.s32 $0x88, s3;
	s6 =	simm.s32 @!p1 $0x1082;
	[sflag:s4] =	ssyncset.s32 $0xFFFFF086  }
0x25: {  	[simem:s6], [sflag:s4] =	dma.local [hbm:s3], $0xF7A  }
0x26: {  	[smem:$0x3F9C] =	sst s1;
	(tag) =	ssettag s2;
	_ =	strace s9  }
0x27: {  	s1 =	sld [smem:$0x3FAC]  }
0x28: {  	s2 =	sld [smem:$0x3FAD]  }
0x29: {  	s4 =	sld [smem:$0x3FAF]  }
0x2a: {  	p0 =	seq.s32 s5, $0x0;
	s5 =	sld [smem:$0x3FB0]  }
0x2b: {  	s6 =	sld [smem:$0x3FB1]  }
0x2c: {  	s7 =	sld [smem:$0x3FB2]  }
0x2d: {  	s3 =	simm.s32 $0x108;
	s8 =	sld [smem:$0x3FB3]  }
0x2e: {  	s3 =	simm.s32 @!p0 $0x1082;
	s9 =	sld [smem:$0x3FB4]  }
0x2f: {  	lr =	sadd.s32 s0, s3;
	s0 =	sld [smem:$0x3FAB]  }
0x30: {  	s3 =	sld [smem:$0x3FAE]  }
0x31: {  	[smem:$0x3FB7] =	sst s10  }
0x32: {  	s10 =	sld [smem:$0x3FB5];
	_ =	sdelay $0x3  }
0x33: {  	p0 =	seq.s32 s10, $0x1;
	s10 =	sld [smem:$0x3FB7];
	_ =	sdelay $0x3  }
0x34: {  	[smem:$0x3FB7] =	sst s10  }
0x35: {  	s10 =	sld [smem:$0x3FB6];
	_ =	sdelay $0x3  }
0x36: {  	p1 =	seq.s32 s10, $0x1;
	s10 =	sld [smem:$0x3FB7];
	_ =	sdelay $0x3  }
0x37: {  	[smem:$0x3FB7] =	sst s10  }
0x38: {  	s10 =	sld [smem:$0x3FB8]  }
0x39: {  	_ = 	snop;
	(pc) =	sbr.ind lr, $3  }
0x3a: {  	_ = 	snop  }
0x3b: {  	_ = 	snop  }
0x3c: {  	p2 =	seq.s32 s10, $0x1;
	s10 =	sld [smem:$0x3FB7]  }
0x3d: {  	_ =	shalt  }
0x3e: {  	_ =	shalt  }
0x3f: {  	_ =	shalt  }
0x40: {  	_ =	shalt  }
0x41: {  	_ =	shalt  }
0x42: {  	_ =	shalt  }
0x43: {  	_ =	shalt  }
0x44: {  	_ =	shalt  }
0x45: {  	_ =	shalt  }
0x46: {  	_ =	shalt  }
0x47: {  	_ =	shalt  }
0x48: {  	_ =	shalt  }
0x49: {  	_ =	shalt  }
0x4a: {  	_ =	shalt  }
0x4b: {  	_ =	shalt  }
0x4c: {  	_ =	shalt  }
0x4d: {  	_ =	shalt  }
0x4e: {  	_ =	shalt  }
0x4f: {  	_ =	shalt  }
0x50: {  	_ =	shalt  }
0x51: {  	_ =	shalt  }
0x52: {  	_ =	shalt  }
0x53: {  	_ =	shalt  }
0x54: {  	_ =	shalt  }
0x55: {  	_ =	shalt  }
0x56: {  	_ =	shalt  }
0x57: {  	_ =	shalt  }
0x58: {  	_ =	shalt  }
0x59: {  	_ =	shalt  }
0x5a: {  	_ =	shalt  }
0x5b: {  	_ =	shalt  }
0x5c: {  	_ =	shalt  }
0x5d: {  	_ =	shalt  }
0x5e: {  	_ =	shalt  }
0x5f: {  	_ =	shalt  }
0x60: {  	_ =	shalt  }
0x61: {  	_ =	shalt  }
0x62: {  	_ =	shalt  }
0x63: {  	_ =	shalt  }
0x64: {  	_ =	shalt  }
0x65: {  	_ =	shalt  }
0x66: {  	_ =	shalt  }
0x67: {  	_ =	shalt  }
0x68: {  	_ =	shalt  }
0x69: {  	_ =	shalt  }
0x6a: {  	_ =	shalt  }
0x6b: {  	_ =	shalt  }
0x6c: {  	_ =	shalt  }
0x6d: {  	_ =	shalt  }
0x6e: {  	_ =	shalt  }
0x6f: {  	_ =	shalt  }
0x70: {  	_ =	shalt  }
0x71: {  	_ =	shalt  }
0x72: {  	_ =	shalt  }
0x73: {  	_ =	shalt  }
0x74: {  	_ =	shalt  }
0x75: {  	_ =	shalt  }
0x76: {  	_ =	shalt  }
0x77: {  	_ =	shalt  }
0x78: {  	_ =	shalt  }
0x79: {  	_ =	shalt  }
0x7a: {  	_ =	shalt  }
0x7b: {  	_ =	shalt  }
0x7c: {  	_ =	shalt  }
0x7d: {  	_ =	shalt  }
0x7e: {  	_ =	shalt  }
0x7f: {  	_ =	shalt  }
0x80: {  	_ =	shalt  }
0x81: {  	_ =	shalt  }
0x82: {  	_ =	shalt  }
0x83: {  	_ =	shalt  }
0x84: {  	_ =	shalt  }
0x85: {  	_ =	shalt  }
0x86: {  	_ =	shalt  }
0x87: {  	_ =	shalt  }
.Lfunc_end0:
.L_simem_size_0:
called_computation_lowered:
.L_overlay_start_0:
0x88: {  	s2 =	sld [smem:$0x3FD9]  }
0x89: {  	s3 =	sld [smem:$0x3FFE];
	_ =	sdelay $0x1  }
0x8a: {  	s1 =	srdreg.scid  }
0x8b: {  	s0 =	sand.u32 $0x1, s1  }
0x8c: {  	s16 =	sshll.u32 s0, $0xA;
	s2 =	sadd.s32 s3, s2  }
0x8d: {  	s2 =	sadd.s32 s2, s16  }
0x8e: {  	[smem:$0x3FC3] =	sst s2  }
0x8f: {  	_ = 	snop  }
0x90: {  	(tm) =	ssettm $0x1  }
0x91: {  	s17 =	sld [smem:$0x3FFB];
	_ =	sdelay $0x3  }
0x92: {  	_ =	strace s17  }
0x93: {  	s2 =	sld [smem:$0x3FFC];
	_ =	sdelay $0x3  }
0x94: {  	_ =	strace s2  }
0x95: {  	s2 =	sld [smem:$0x3FFD];
	_ =	sdelay $0x3  }
0x96: {  	_ =	strace s2  }
0x97: {  	_ =	strace $0x8FFFFFFF  }
0x98: {  	s18 =	sld [smem:$0x3FDB];
	_ =	sdelay $0x1  }
0x99: {  	s19 =	simm.s32 $_scs_section_size  }
0x9a: {  	s4 =	simm.s32 $_size__tile_overlayer_lowered;
	s5 =	simm.s32 $_tile_overlayer_lowered  }
0x9b: {  	s22 =	simm.s32 $0x1BFF;
	s21 =	sshll.u32 s5, $0x1;
	s2 =	sadd.s32 s19, s18  }
0x9c: {  	s6 =	simm.s32 $0x0;
	s20 =	sshll.u32 s4, $0x1;
	s4 =	sadd.s32 s21, s2  }
0x9d: {  	[timem:s6], [sflag:s22] =	dma.local [hbm:s4], s20  }
0x9e: {  	_ =	swait.ge [sflag:s22], s20  }
0x9f: {  	s3 =	ssub.s32 $0x0, s20;
	[sflag:s22] =	ssyncset.done $0x0  }
0xa0: {  	[sflag:s22] =	ssyncadd.s32 s3;
	_ =	sdelay $0x1  }
0xa1: {  	s23 =	simm.s32 $0x1B8B  }
0xa2: {  	_ =	swait.ge [sflag:s23], $0x1  }
0xa3: {  	[sflag:s23] =	ssyncset.done $0x0  }
0xa4: {  	s25 =	simm.s32 $0x1B8E;
	s24 =	sld [smem:$0x3FFE];
	[sflag:s23] =	ssyncadd.s32 $0xFFFFFFFF  }
0xa5: {  	s26 =	simm.s32 $execute0_lowered;
	[smem:$0x3FD2] =	sst s25  }
0xa6: {  	s4 =	sshll.u32 s26, $0x1;
	_ =	strace $0x80000046;
	[dreg:$0x1] =	wrdreg $0xFFFFFFFF  }
0xa7: {  	s28 =	simm.s32 $_size_execute0_lowered;
	s2 =	sadd.s32 s2, s4;
	[dreg:$0x0] =	wrdreg $0x0  }
0xa8: {  	s4 =	sshll.u32 s28, $0x1;
	[dreg:$0x2] =	wrdreg s2  }
0xa9: {  	[dreg:$0x3] =	wrdreg s4  }
0xaa: {  	[dreg:$0x4] =	wrdreg $0xC0  }
0xab: {  	_ =	task [dreg:s6], $0x5FFFF  }
0xac: {  	[dreg:$0x1] =	wrdreg $0xFFFFFFFF  }
0xad: {  	[dreg:$0x0] =	wrdreg $0x60  }
0xae: {  	[dreg:$0x2] =	wrdreg s24  }
0xaf: {  	[dreg:$0x3] =	wrdreg $0x9  }
0xb0: {  	_ =	task.clear_ibuf [dreg:s6], $0x4FFFF;
	_ =	strace $0x90000046  }
0xb1: {  	s29 =	simm.s32 $0x9;
	_ =	strace $0x80000048  }
0xb2: {  	_ =	swait.ge [sflag:s29], $0x1  }
0xb3: {  	[sflag:s29] =	ssyncadd.s32 $0xFFFFFFFF  }
0xb4: {  	_ =	strace $0x90000048  }
0xb5: {  	_ =	sfence  }
0xb6: {  	s30 =	sld [smem:$0x0];
	_ =	sdelay $0x2  }
0xb7: {  	s31 =	sshll.u32 s1, $0xD;
	s1 =	sshrl.u32 s1, $0x2  }
0xb8: {  	s3 =	sand.u32 $0x4000, s31;
	s1 =	sadd.s32 s1, s30  }
0xb9: {  	s0 =	sor.u32 s3, s0;
	s1 =	sshll.u32 s1, $0x11  }
0xba: {  	s0 =	sor.u32 s1, s0  }
0xbb: {  	s0 =	sadd.s32 $0x8F2B, s0  }
0xbc: {  	[sflag:s0] =	ssyncadd.remote.s32 $0x1  }
0xbd: {  	_ =	sfence.sel $0xFFFF  }
0xbe: {  	[dreg:$0x0] =	wrdreg $0xFFFFFFFF;
	(pc) =	sbr.abs _section_cstart, $3  }
0xbf: {  	[dreg:$0x1] =	wrdreg $0xFFFFFFFF  }
0xc0: {  	_ =	task.clear_ibuf [dreg:s6], $0x2FFFF;
	_ =	strace $0x9FFFFFFF  }
0xc1: {  	(tm) =	ssettm $0x7FFFFFFF  }
tec
execute0_lowered:
.L_overlay_start_1:
0x0: {  	(tag) =	ssettag $0x1  }
0x1: {  	s4 =	rddreg [dreg:$0x0]  }
0x2: {  	s0 =	rddreg [dreg:$0x1]  }
0x3: {  	s3 =	srdreg.scid;
	s1 =	stileid.u32  }
0x4: {  	s2 =	simm.s32 $0x0;
	s8 =	simm.s32 $0x1;
	s16 =	simm.s32 $0x8000  }
0x5: {  	s17 =	simm.s32 $0x3;
	s18 =	simm.s32 $0x4000;
	s19 =	simm.s32 $0x8400  }
0x6: {  	s20 =	simm.s32 $0x2;
	s21 =	simm.s32 $0x80;
	s22 =	simm.s32 $0x400  }
0x7: {  	s23 =	simm.s32 $0x18500;
	s24 =	simm.s32 $0x19500;
	s25 =	simm.s32 $0x0  }
0x8: {  	s5 =	sand.u32 $0x1, s3;
	s26 =	sshll.u32 s1, $0x1;
	[smem:$0x7FF] =	sst s2  }
0x9: {  	s6 =	sshrl.u32 s1, $0x2;
	s3 =	sor.u32 s5, s26;
	p1 =	seq.s32 s5, $0x1  }
0xa: {  	s28 =	sshll.u32 s6, $0xF;
	_ =	strace $0x80000047;
	p0 =	seq.s32 s3, $0x0  }
0xb: {  	s6 =	sshll.u32 s6, $0xA;
	s29 =	sshll.u32 s5, $0x11;
	p0 =	por !p0, !p1  }
0xc: {  	s5 =	ssub.s32 $0x2, s5;
	s7 =	sshll.u32 s3, $0x7;
	p0 =	por !p0, !p0  }
0xd: {  	s31 =	sshrl.u32 s5, $0x1;
	s7 =	sand.u32 $0x380, s7;
	s8 =	simm.s32 @!p0 $0x0  }
0xe: {  	s15 =	ssub.s32 s5, s31;
	s5 =	simm.s32 $0x1;
	s8 =	ssub.s32 s1, s8  }
0xf: {  	s3 =	sor.u32 s28, s7;
	s6 =	sor.u32 s6, s7;
	s8 =	sshll.u32 s8, $0x12  }
0x10: {  	s15 =	smax.u32 s15, $0x1;
	s9 =	sshrl.u32 s3, $0x3;
	s30 =	sor.u32 s29, s8  }
0x11: {  	s3 =	sadd.s32 $0x84A00, s4;
	s6 =	sshrl.u32 s6, $0x3;
	s7 =	sshrl.u32 s30, $0x3  }
0x12: {  	s13 =	sadd.s32 s9, s4;
	s14 =	sadd.s32 s6, s4;
	s4 =	sadd.s32 s4, s7  }
0x13: {  	s13 =	sadd.s32 $0x84C00, s13;
	s14 =	sadd.s32 $0x88C00, s14;
	s6 =	sadd.s32 $0x800, s4  }
0x14: {  	v1 =	vlaneseq.u32;
	s7 =	sadd.s32 $0x1000, s4;
	s8 =	sadd.s32 $0x1800, s4;
	s9 =	sadd.s32 $0x2000, s4  }
0x15: {  	v0 =	vimm.s32 $0x0;
	v2 =	vimm.s32 $0x1;
	v1 =	vmul.u32 $0x1001, v1;
	s10 =	sadd.s32 $0x2800, s4;
	s11 =	sadd.s32 $0x3000, s4;
	s12 =	sadd.s32 $0x3800, s4  }
.LBB2_1:
0x16: {  	[tilespmem:s16], [sflag:$0x3] =	stream.linear.gather [hbm4b:s3+s2], $0x400, $0x38;
	[tilespmem:$0x19580] =	vst v63  }
0x17: {  	_ =	swait.ge [sflag:s17], $0x400  }
0x18: {  	[sflag:s17] =	ssyncset.done $0x0  }
0x19: {  	s26 =	simm.s32 $0x8440;
	[sflag:s17] =	ssyncadd.s32 $0xFFFFFC00  }
0x1a: {  	v3 =	vld [tilespmem:$0x8000];
	[tilespmem:s26+$0xFFFFFFC0] =	vst v0  }
0x1b: {  	[tilespmem:s26+$0x30] =	vst v0  }
0x1c: {  	[tilespmem:s26+$0x20] =	vst v0  }
0x1d: {  	[tilespmem:s26+$0x10] =	vst v0  }
0x1e: {  	[tilespmem:s26+$0x0] =	vst v0  }
0x1f: {  	[tilespmem:s26+$0xFFFFFFF0] =	vst v0  }
0x20: {  	s28 =	simm.s32 $0x0;
	[tilespmem:s26+$0xFFFFFFE0] =	vst v0  }
.LBB2_2:
0x21: {  	s28 =	sadd.s32 $0x8, s28;
	[tilespmem:s26+$0xFFFFFFD0] =	vst v0;
	s26 =	sadd.s32 $0x80, s26  }
0x22: {  	[tilespmem:s26+$0xFFFFFFC0] =	vst v0;
	p0 =	slt.u32 s28, $0x1008  }
0x23: {  	[tilespmem:s26+$0x30] =	vst v0  }
.Ltmp0:
0x24: {  	[tilespmem:s26+$0x20] =	vst v0;
	(pc) =	sbr.rel @p0 .LBB2_2-.Ltmp0, $4  }
0x25: {  	[tilespmem:s26+$0x10] =	vst v0  }
0x26: {  	[tilespmem:s26+$0x0] =	vst v0  }
0x27: {  	[tilespmem:s26+$0xFFFFFFF0] =	vst v0  }
0x28: {  	[tilespmem:s26+$0xFFFFFFE0] =	vst v0  }
0x29: {  	[tilespmem:s26+$0xFFFFFFD0] =	vst v0;
	s26 =	simm.s32 $0x0  }
0x2a: {  	[tilespmem:s26], [sflag:$0x1] =	stream.linear.gather [hbm4b:s4+s26], $0x4000, $0x38;
	[tilespmem:$0x19580] =	vst v63  }
0x2b: {  	s28 =	simm.s32 $0x0;
	s30 =	simm.s32 $0x0  }
0x2c: {  	[tilespmem:s18], [sflag:$0x2] =	stream.linear.gather [hbm4b:s6+s26], $0x4000, $0x38;
	[tilespmem:$0x19580] =	vst v63  }
0x2d: {  	s28 =	sand.u32 $0x3000, s28;
	s29 =	sand.u32 $0xC00, s26;
	_ =	swait.ge [sflag:s5], $0x4000  }
0x2e: {  	s30 =	sand.u32 $0x380, s30;
	s28 =	sor.u32 s29, s28;
	[sflag:s5] =	ssyncset.done $0x0  }
0x2f: {  	s28 =	sor.u32 s30, s28;
	[sflag:s5] =	ssyncadd.s32 $0xFFFFC000  }
0x30: {  	v8 =	vld [tilespmem:s28+$0x60]  }
0x31: {  	v6 =	vld [tilespmem:s28+$0x70]  }
0x32: {  	v10 =	vld [tilespmem:s28+$0x50]  }
0x33: {  	v12 =	vld [tilespmem:s28+$0x40]  }
0x34: {  	v13 =	vld [tilespmem:s28+$0x30]  }
0x35: {  	v9 =	vld [tilespmem:s28+$0x20]  }
0x36: {  	v23 =	vld [tilespmem:s28+$0x10]  }
0x37: {  	v3 =	vtrunc.f32 v3;
	v21 =	vld [tilespmem:s28+$0x0]  }
0x38: {  	v3 =	vcvt.f32.s32 v3  }
0x39: {  	v4 =	vmul.f32 $1.035630630e+06, v8;
	v5 =	vmul.f32 $1.035630630e+06, v6  }
0x3a: {  	v7 =	vmul.f32 $1.035630630e+06, v12;
	v11 =	vmul.f32 $1.035630630e+06, v10  }
0x3b: {  	v14 =	vmul.f32 $1.035630630e+06, v9;
	v15 =	vmul.f32 $1.035630630e+06, v13  }
0x3c: {  	v16 =	vmul.f32 $1.035630630e+06, v21;
	v17 =	vmul.f32 $1.035630630e+06, v23  }
0x3d: {  	v18 =	vtrunc.f32 v4;
	v19 =	vtrunc.f32 v5  }
0x3e: {  	v20 =	vtrunc.f32 v7;
	v7 =	vtrunc.f32 v11  }
0x3f: {  	v22 =	vtrunc.f32 v14;
	v24 =	vtrunc.f32 v15  }
0x40: {  	v25 =	vimm.f32 $0.0e+00;
	v5 =	vtrunc.f32 v16;
	v14 =	vtrunc.f32 v17  }
0x41: {  	v4 =	vshll.u32 v3, $0xC;
	v15 =	vcvt.f32.s32 v5;
	v5 =	vcvt.f32.s32 v18  }
0x42: {  	v4 =	vsub.s32 v1, v4;
	v11 =	vcvt.f32.s32 v7;
	v7 =	vcvt.f32.s32 v19  }
0x43: {  	v17 =	vcvt.f32.s32 v14;
	v14 =	vcvt.f32.s32 v20;
	v19 =	vshra.s32 v15, $0xC  }
0x44: {  	v16 =	vcvt.f32.s32 v24;
	vm0 =	vgt.s32 v19, v3;
	vm1 =	vlt.s32 v19, $0x1000  }
0x45: {  	v18 =	vcvt.f32.s32 v22;
	v20 =	vshra.s32 v17, $0xC;
	vm0 =	vmand vm0, vm1  }
0x46: {  	vm1 =	vlt.s32 v20, $0x1000;
	v21 =	vnsel vm0, $0x0, v21;
	vm0 =	vgt.s32 v20, v3  }
0x47: {  	v22 =	vadd.f32 v21, v25;
	vm0 =	vmand vm0, vm1;
	v21 =	vshra.s32 v18, $0xC  }
0x48: {  	s28 =	simm.s32 $0x0;
	v23 =	vnsel vm0, $0x0, v23;
	vm0 =	vgt.s32 v21, v3;
	vm1 =	vlt.s32 v21, $0x1000  }
.LBB2_4:
0x49: {  	s28 =	sadd.s32 $0x8, s28;
	v22 =	vadd.f32 v23, v22;
	vm0 =	vmand vm0, vm1;
	v23 =	vshra.s32 v16, $0xC  }
0x4a: {  	s26 =	sadd.s32 $0x400, s26;
	s29 =	sshll.u32 s28, $0x4;
	p0 =	slt.u32 s28, $0x3F8;
	v9 =	vnsel vm0, $0x0, v9;
	vm0 =	vgt.s32 v23, v3;
	vm1 =	vlt.s32 v23, $0x1000  }
0x4b: {  	s30 =	sand.u32 $0xC00, s26;
	s31 =	sshll.u32 s28, $0x2;
	s29 =	sand.u32 $0x3000, s29;
	v9 =	vadd.f32 v9, v22;
	vm0 =	vmand vm0, vm1;
	v22 =	vshra.s32 v14, $0xC  }
0x4c: {  	s31 =	sand.u32 $0x380, s31;
	s29 =	sor.u32 s30, s29;
	v13 =	vnsel vm0, $0x0, v13;
	vm0 =	vgt.s32 v22, v3;
	vm1 =	vlt.s32 v22, $0x1000  }
0x4d: {  	v24 =	vshra.s32 v11, $0xC;
	s29 =	sor.u32 s31, s29;
	v9 =	vadd.f32 v13, v9;
	vm0 =	vmand vm0, vm1  }
0x4e: {  	vm1 =	vlt.s32 v24, $0x1000;
	v25 =	vld [tilespmem:s29+$0x60];
	v12 =	vnsel vm0, $0x0, v12;
	vm0 =	vgt.s32 v24, v3  }
0x4f: {  	v27 =	vshra.s32 v5, $0xC;
	v26 =	vld [tilespmem:s29+$0x70];
	v9 =	vadd.f32 v12, v9;
	vm0 =	vmand vm0, vm1  }
0x50: {  	vm1 =	vlt.s32 v27, $0x1000;
	v13 =	vnsel vm0, $0x0, v10;
	v10 =	vld [tilespmem:s29+$0x50];
	vm0 =	vgt.s32 v27, v3  }
0x51: {  	v29 =	vshra.s32 v7, $0xC;
	v12 =	vld [tilespmem:s29+$0x40];
	v28 =	vadd.f32 v13, v9;
	vm0 =	vmand vm0, vm1  }
0x52: {  	vm1 =	vlt.s32 v29, $0x1000;
	v13 =	vld [tilespmem:s29+$0x30];
	v30 =	vnsel vm0, $0x0, v8;
	vm0 =	vgt.s32 v29, v3  }
0x53: {  	vm6 =	veq.s32 v19, v3;
	v9 =	vld [tilespmem:s29+$0x20];
	v19 =	vadd.f32 v30, v28;
	vm0 =	vmand vm0, vm1;
	v8 =	vmovc v25  }
0x54: {  	vm7 =	veq.s32 v20, v3;
	vm4 =	veq.s32 v21, v3;
	v25 =	vld [tilespmem:s29+$0x10];
	v20 =	vnsel vm0, $0x0, v6;
	v6 =	vmovc v26  }
0x55: {  	vm5 =	veq.s32 v23, v3;
	vm3 =	veq.s32 v22, v3;
	v21 =	vld [tilespmem:s29+$0x0];
	v22 =	vadd.f32 v20, v19  }
0x56: {  	vm2 =	veq.s32 v24, v3;
	vm1 =	veq.s32 v27, v3;
	vm0 =	veq.s32 v29, v3  }
0x57: {  	v15 =	vadd.s32 v15, v4;
	v19 =	vmul.f32 $1.035630630e+06, v8;
	v20 =	vmul.f32 $1.035630630e+06, v6  }
0x58: {  	v17 =	vadd.s32 v17, v4;
	v24 =	vmul.f32 $1.035630630e+06, v10;
	v23 =	vmul.f32 $1.035630630e+06, v12  }
0x59: {  	v18 =	vadd.s32 v18, v4;
	v27 =	vmul.f32 $1.035630630e+06, v13;
	v26 =	vmul.f32 $1.035630630e+06, v9  }
0x5a: {  	v16 =	vadd.s32 v16, v4;
	v29 =	vmul.f32 $1.035630630e+06, v25;
	v28 =	vmul.f32 $1.035630630e+06, v21  }
0x5b: {  	v14 =	vadd.s32 v14, v4;
	v19 =	vtrunc.f32 v19;
	v20 =	vtrunc.f32 v20  }
0x5c: {  	v30 =	vadd.s32 v11, v4;
	v24 =	vtrunc.f32 v24;
	v23 =	vtrunc.f32 v23;
	[tilespmem:v15+s19+$0x0] =	vst.idx.add.s32.msk vm6, v2  }
0x5d: {  	v31 =	vadd.s32 v5, v4;
	v27 =	vtrunc.f32 v27;
	v26 =	vtrunc.f32 v26;
	[tilespmem:v17+s19+$0x0] =	vst.idx.add.s32.msk vm7, v2  }
0x5e: {  	v5 =	vtrunc.f32 v28;
	v28 =	vadd.s32 v7, v4;
	v17 =	vtrunc.f32 v29;
	[tilespmem:v18+s19+$0x0] =	vst.idx.add.s32.msk vm4, v2  }
0x5f: {  	v15 =	vcvt.f32.s32 v5;
	v5 =	vcvt.f32.s32 v19;
	[tilespmem:v16+s19+$0x0] =	vst.idx.add.s32.msk vm5, v2  }
0x60: {  	v11 =	vcvt.f32.s32 v24;
	v7 =	vcvt.f32.s32 v20;
	[tilespmem:v14+s19+$0x0] =	vst.idx.add.s32.msk vm3, v2  }
0x61: {  	v17 =	vcvt.f32.s32 v17;
	v19 =	vshra.s32 v15, $0xC;
	v14 =	vcvt.f32.s32 v23;
	[tilespmem:v30+s19+$0x0] =	vst.idx.add.s32.msk vm2, v2  }
.Ltmp1:
0x62: {  	v16 =	vcvt.f32.s32 v27;
	vm3 =	vlt.s32 v19, $0x1000;
	vm2 =	vgt.s32 v19, v3;
	[tilespmem:v31+s19+$0x0] =	vst.idx.add.s32.msk vm1, v2;
	(pc) =	sbr.rel @p0 .LBB2_4-.Ltmp1, $4  }
0x63: {  	v18 =	vcvt.f32.s32 v26;
	v20 =	vshra.s32 v17, $0xC;
	vm1 =	vmand vm2, vm3;
	[tilespmem:v28+s19+$0x0] =	vst.idx.add.s32.msk vm0, v2  }
0x64: {  	v21 =	vnsel vm1, $0x0, v21;
	vm0 =	vgt.s32 v20, v3;
	vm1 =	vlt.s32 v20, $0x1000  }
0x65: {  	v22 =	vadd.f32 v21, v22;
	vm0 =	vmand vm0, vm1;
	v21 =	vshra.s32 v18, $0xC  }
0x66: {  	v23 =	vnsel vm0, $0x0, v25;
	vm0 =	vgt.s32 v21, v3;
	vm1 =	vlt.s32 v21, $0x1000  }
0x67: {  	vm2 =	veq.s32 v19, v3  }
0x68: {  	vm3 =	veq.s32 v20, v3;
	v15 =	vadd.s32 v15, v4  }
0x69: {  	v19 =	vshra.s32 v16, $0xC;
	vm4 =	veq.s32 v21, v3;
	v17 =	vadd.s32 v17, v4  }
0x6a: {  	v20 =	vshra.s32 v14, $0xC;
	v18 =	vadd.s32 v18, v4;
	vm5 =	veq.s32 v19, v3  }
0x6b: {  	v21 =	vshra.s32 v11, $0xC;
	v16 =	vadd.s32 v16, v4;
	vm6 =	veq.s32 v20, v3  }
0x6c: {  	v24 =	vshra.s32 v5, $0xC;
	v14 =	vadd.s32 v14, v4;
	vm7 =	veq.s32 v21, v3  }
0x6d: {  	v11 =	vadd.s32 v11, v4;
	[tilespmem:v15+s19+$0x0] =	vst.idx.add.s32.msk vm2, v2;
	v15 =	vshra.s32 v7, $0xC;
	vm2 =	veq.s32 v24, v3  }
0x6e: {  	v5 =	vadd.s32 v5, v4;
	[tilespmem:v17+s19+$0x0] =	vst.idx.add.s32.msk vm3, v2;
	vm3 =	veq.s32 v15, v3  }
0x6f: {  	[tilespmem:v18+s19+$0x0] =	vst.idx.add.s32.msk vm4, v2;
	v7 =	vadd.s32 v7, v4  }
0x70: {  	[tilespmem:v16+s19+$0x0] =	vst.idx.add.s32.msk vm5, v2  }
0x71: {  	[tilespmem:v14+s19+$0x0] =	vst.idx.add.s32.msk vm6, v2  }
0x72: {  	[tilespmem:v11+s19+$0x0] =	vst.idx.add.s32.msk vm7, v2  }
0x73: {  	[tilespmem:v5+s19+$0x0] =	vst.idx.add.s32.msk vm2, v2  }
0x74: {  	s26 =	simm.s32 $0x0;
	s28 =	simm.s32 $0x0;
	s30 =	simm.s32 $0x0;
	[tilespmem:v7+s19+$0x0] =	vst.idx.add.s32.msk vm3, v2  }
0x75: {  	[tilespmem:s26], [sflag:$0x1] =	stream.linear.gather [hbm4b:s7+s26], $0x4000, $0x38;
	[tilespmem:$0x19580] =	vst v63  }
0x76: {  	s28 =	sand.u32 $0x3000, s28;
	s29 =	sand.u32 $0xC00, s26;
	_ =	swait.ge [sflag:s20], $0x4000  }
0x77: {  	s30 =	sand.u32 $0x380, s30;
	s28 =	sor.u32 s29, s28;
	[sflag:s20] =	ssyncset.done $0x0  }
0x78: {  	s28 =	sor.u32 s30, s28;
	[sflag:s20] =	ssyncadd.s32 $0xFFFFC000  }
0x79: {  	v7 =	vld [tilespmem:s28+$0x4060]  }
0x7a: {  	vm0 =	vmand vm0, vm1;
	v11 =	vadd.f32 v23, v22;
	v5 =	vld [tilespmem:s28+$0x4070]  }
0x7b: {  	vm1 =	vlt.s32 v19, $0x1000;
	v14 =	vnsel vm0, $0x0, v9;
	vm0 =	vgt.s32 v19, v3;
	v9 =	vld [tilespmem:s28+$0x4050]  }
0x7c: {  	vm0 =	vmand vm0, vm1;
	v14 =	vadd.f32 v14, v11;
	v11 =	vld [tilespmem:s28+$0x4040]  }
0x7d: {  	v16 =	vnsel vm0, $0x0, v13;
	v13 =	vld [tilespmem:s28+$0x4030]  }
0x7e: {  	vm1 =	vlt.s32 v20, $0x1000;
	vm0 =	vgt.s32 v20, v3;
	v16 =	vadd.f32 v16, v14;
	v14 =	vld [tilespmem:s28+$0x4020]  }
0x7f: {  	vm0 =	vmand vm0, vm1;
	vm1 =	vgt.s32 v21, v3;
	vm2 =	vlt.s32 v21, $0x1000;
	v23 =	vld [tilespmem:s28+$0x4010]  }
0x80: {  	v12 =	vnsel vm0, $0x0, v12;
	vm0 =	vmand vm1, vm2;
	v21 =	vld [tilespmem:s28+$0x4000]  }
0x81: {  	v12 =	vadd.f32 v12, v16;
	vm1 =	vlt.s32 v24, $0x1000;
	vm2 =	vgt.s32 v15, v3  }
0x82: {  	v10 =	vnsel vm0, $0x0, v10;
	v16 =	vmul.f32 $1.035630630e+06, v7;
	v17 =	vmul.f32 $1.035630630e+06, v5  }
0x83: {  	v10 =	vadd.f32 v10, v12;
	v12 =	vmul.f32 $1.035630630e+06, v11;
	v18 =	vmul.f32 $1.035630630e+06, v9  }
0x84: {  	vm3 =	vlt.s32 v15, $0x1000;
	v19 =	vmul.f32 $1.035630630e+06, v14;
	v20 =	vmul.f32 $1.035630630e+06, v13  }
0x85: {  	vm0 =	vgt.s32 v24, v3;
	v15 =	vmul.f32 $1.035630630e+06, v21;
	v22 =	vmul.f32 $1.035630630e+06, v23  }
0x86: {  	vm0 =	vmand vm0, vm1;
	v16 =	vtrunc.f32 v16;
	v17 =	vtrunc.f32 v17  }
0x87: {  	v8 =	vnsel vm0, $0x0, v8;
	v12 =	vtrunc.f32 v12;
	v18 =	vtrunc.f32 v18  }
0x88: {  	vm0 =	vmand vm2, vm3;
	v63 =	vtrunc.f32 v19;
	v20 =	vtrunc.f32 v20  }
0x89: {  	v8 =	vadd.f32 v8, v10;
	v10 =	vtrunc.f32 v15;
	v22 =	vtrunc.f32 v22  }
0x8a: {  	v19 =	vnsel vm0, $0x0, v6;
	v15 =	vcvt.f32.s32 v10;
	v6 =	vcvt.f32.s32 v16  }
0x8b: {  	v25 =	vadd.f32 v19, v8;
	v10 =	vcvt.f32.s32 v18;
	v8 =	vcvt.f32.s32 v17  }
0x8c: {  	v17 =	vcvt.f32.s32 v22;
	v12 =	vcvt.f32.s32 v12;
	v19 =	vshra.s32 v15, $0xC  }
0x8d: {  	v16 =	vcvt.f32.s32 v20;
	vm0 =	vgt.s32 v19, v3;
	vm1 =	vlt.s32 v19, $0x1000  }
0x8e: {  	v18 =	vcvt.f32.s32 v63;
	v20 =	vshra.s32 v17, $0xC;
	vm0 =	vmand vm0, vm1  }
0x8f: {  	vm1 =	vlt.s32 v20, $0x1000;
	v21 =	vnsel vm0, $0x0, v21;
	vm0 =	vgt.s32 v20, v3  }
0x90: {  	v22 =	vadd.f32 v21, v25;
	vm0 =	vmand vm0, vm1;
	v21 =	vshra.s32 v18, $0xC  }
0x91: {  	s28 =	simm.s32 $0x0;
	v23 =	vnsel vm0, $0x0, v23;
	vm0 =	vgt.s32 v21, v3;
	vm1 =	vlt.s32 v21, $0x1000  }
.LBB2_6:
0x92: {  	s28 =	sadd.s32 $0x8, s28;
	v22 =	vadd.f32 v23, v22;
	vm0 =	vmand vm0, vm1;
	v23 =	vshra.s32 v16, $0xC  }
0x93: {  	s26 =	sadd.s32 $0x400, s26;
	s29 =	sshll.u32 s28, $0x4;
	p0 =	slt.u32 s28, $0x3F8;
	v14 =	vnsel vm0, $0x0, v14;
	vm0 =	vgt.s32 v23, v3;
	vm1 =	vlt.s32 v23, $0x1000  }
0x94: {  	s30 =	sand.u32 $0xC00, s26;
	s31 =	sshll.u32 s28, $0x2;
	s29 =	sand.u32 $0x3000, s29;
	v14 =	vadd.f32 v14, v22;
	vm0 =	vmand vm0, vm1;
	v22 =	vshra.s32 v12, $0xC  }
0x95: {  	s31 =	sand.u32 $0x380, s31;
	s29 =	sor.u32 s30, s29;
	v13 =	vnsel vm0, $0x0, v13;
	vm0 =	vgt.s32 v22, v3;
	vm1 =	vlt.s32 v22, $0x1000  }
0x96: {  	v24 =	vshra.s32 v10, $0xC;
	s29 =	sor.u32 s31, s29;
	v13 =	vadd.f32 v13, v14;
	vm0 =	vmand vm0, vm1  }
0x97: {  	vm1 =	vlt.s32 v24, $0x1000;
	v25 =	vld [tilespmem:s29+$0x4060];
	v11 =	vnsel vm0, $0x0, v11;
	vm0 =	vgt.s32 v24, v3  }
0x98: {  	v27 =	vshra.s32 v6, $0xC;
	v26 =	vld [tilespmem:s29+$0x4070];
	v13 =	vadd.f32 v11, v13;
	vm0 =	vmand vm0, vm1  }
0x99: {  	vm1 =	vlt.s32 v27, $0x1000;
	v14 =	vnsel vm0, $0x0, v9;
	v9 =	vld [tilespmem:s29+$0x4050];
	vm0 =	vgt.s32 v27, v3  }
0x9a: {  	v29 =	vshra.s32 v8, $0xC;
	v11 =	vld [tilespmem:s29+$0x4040];
	v28 =	vadd.f32 v14, v13;
	vm0 =	vmand vm0, vm1  }
0x9b: {  	vm1 =	vlt.s32 v29, $0x1000;
	v13 =	vld [tilespmem:s29+$0x4030];
	v30 =	vnsel vm0, $0x0, v7;
	vm0 =	vgt.s32 v29, v3  }
0x9c: {  	vm6 =	veq.s32 v19, v3;
	v14 =	vld [tilespmem:s29+$0x4020];
	v19 =	vadd.f32 v30, v28;
	vm0 =	vmand vm0, vm1;
	v7 =	vmovc v25  }
0x9d: {  	vm7 =	veq.s32 v20, v3;
	vm4 =	veq.s32 v21, v3;
	v25 =	vld [tilespmem:s29+$0x4010];
	v20 =	vnsel vm0, $0x0, v5;
	v5 =	vmovc v26  }
0x9e: {  	vm5 =	veq.s32 v23, v3;
	vm3 =	veq.s32 v22, v3;
	v21 =	vld [tilespmem:s29+$0x4000];
	v22 =	vadd.f32 v20, v19  }
0x9f: {  	vm2 =	veq.s32 v24, v3;
	vm1 =	veq.s32 v27, v3;
	vm0 =	veq.s32 v29, v3  }
0xa0: {  	v15 =	vadd.s32 v15, v4;
	v19 =	vmul.f32 $1.035630630e+06, v7;
	v20 =	vmul.f32 $1.035630630e+06, v5  }
0xa1: {  	v17 =	vadd.s32 v17, v4;
	v24 =	vmul.f32 $1.035630630e+06, v9;
	v23 =	vmul.f32 $1.035630630e+06, v11  }
0xa2: {  	v18 =	vadd.s32 v18, v4;
	v27 =	vmul.f32 $1.035630630e+06, v13;
	v26 =	vmul.f32 $1.035630630e+06, v14  }
0xa3: {  	v16 =	vadd.s32 v16, v4;
	v29 =	vmul.f32 $1.035630630e+06, v25;
	v28 =	vmul.f32 $1.035630630e+06, v21  }
0xa4: {  	v12 =	vadd.s32 v12, v4;
	v19 =	vtrunc.f32 v19;
	v20 =	vtrunc.f32 v20  }
0xa5: {  	v30 =	vadd.s32 v10, v4;
	v24 =	vtrunc.f32 v24;
	v23 =	vtrunc.f32 v23;
	[tilespmem:v15+s19+$0x0] =	vst.idx.add.s32.msk vm6, v2  }
0xa6: {  	v31 =	vadd.s32 v6, v4;
	v27 =	vtrunc.f32 v27;
	v26 =	vtrunc.f32 v26;
	[tilespmem:v17+s19+$0x0] =	vst.idx.add.s32.msk vm7, v2  }
0xa7: {  	v6 =	vtrunc.f32 v28;
	v28 =	vadd.s32 v8, v4;
	v17 =	vtrunc.f32 v29;
	[tilespmem:v18+s19+$0x0] =	vst.idx.add.s32.msk vm4, v2  }
0xa8: {  	v15 =	vcvt.f32.s32 v6;
	v6 =	vcvt.f32.s32 v19;
	[tilespmem:v16+s19+$0x0] =	vst.idx.add.s32.msk vm5, v2  }
0xa9: {  	v10 =	vcvt.f32.s32 v24;
	v8 =	vcvt.f32.s32 v20;
	[tilespmem:v12+s19+$0x0] =	vst.idx.add.s32.msk vm3, v2  }
0xaa: {  	v17 =	vcvt.f32.s32 v17;
	v19 =	vshra.s32 v15, $0xC;
	v12 =	vcvt.f32.s32 v23;
	[tilespmem:v30+s19+$0x0] =	vst.idx.add.s32.msk vm2, v2  }
.Ltmp2:
0xab: {  	v16 =	vcvt.f32.s32 v27;
	vm3 =	vlt.s32 v19, $0x1000;
	vm2 =	vgt.s32 v19, v3;
	[tilespmem:v31+s19+$0x0] =	vst.idx.add.s32.msk vm1, v2;
	(pc) =	sbr.rel @p0 .LBB2_6-.Ltmp2, $4  }
0xac: {  	v18 =	vcvt.f32.s32 v26;
	v20 =	vshra.s32 v17, $0xC;
	vm1 =	vmand vm2, vm3;
	[tilespmem:v28+s19+$0x0] =	vst.idx.add.s32.msk vm0, v2  }
0xad: {  	v21 =	vnsel vm1, $0x0, v21;
	vm0 =	vgt.s32 v20, v3;
	vm1 =	vlt.s32 v20, $0x1000  }
0xae: {  	v22 =	vadd.f32 v21, v22;
	vm0 =	vmand vm0, vm1;
	v21 =	vshra.s32 v18, $0xC  }
0xaf: {  	v23 =	vnsel vm0, $0x0, v25;
	vm0 =	vgt.s32 v21, v3;
	vm1 =	vlt.s32 v21, $0x1000  }
0xb0: {  	vm2 =	veq.s32 v19, v3  }
0xb1: {  	vm3 =	veq.s32 v20, v3;
	v15 =	vadd.s32 v15, v4  }
0xb2: {  	v19 =	vshra.s32 v16, $0xC;
	vm4 =	veq.s32 v21, v3;
	v17 =	vadd.s32 v17, v4  }
0xb3: {  	v20 =	vshra.s32 v12, $0xC;
	v18 =	vadd.s32 v18, v4;
	vm5 =	veq.s32 v19, v3  }
0xb4: {  	v21 =	vshra.s32 v10, $0xC;
	v16 =	vadd.s32 v16, v4;
	vm6 =	veq.s32 v20, v3  }
0xb5: {  	v24 =	vshra.s32 v6, $0xC;
	v12 =	vadd.s32 v12, v4;
	vm7 =	veq.s32 v21, v3  }
0xb6: {  	v10 =	vadd.s32 v10, v4;
	[tilespmem:v15+s19+$0x0] =	vst.idx.add.s32.msk vm2, v2;
	v15 =	vshra.s32 v8, $0xC;
	vm2 =	veq.s32 v24, v3  }
0xb7: {  	v6 =	vadd.s32 v6, v4;
	[tilespmem:v17+s19+$0x0] =	vst.idx.add.s32.msk vm3, v2;
	vm3 =	veq.s32 v15, v3  }
0xb8: {  	[tilespmem:v18+s19+$0x0] =	vst.idx.add.s32.msk vm4, v2;
	v8 =	vadd.s32 v8, v4  }
0xb9: {  	[tilespmem:v16+s19+$0x0] =	vst.idx.add.s32.msk vm5, v2  }
0xba: {  	[tilespmem:v12+s19+$0x0] =	vst.idx.add.s32.msk vm6, v2  }
0xbb: {  	[tilespmem:v10+s19+$0x0] =	vst.idx.add.s32.msk vm7, v2  }
0xbc: {  	[tilespmem:v6+s19+$0x0] =	vst.idx.add.s32.msk vm2, v2  }
0xbd: {  	s26 =	simm.s32 $0x0;
	s28 =	simm.s32 $0x0;
	s30 =	simm.s32 $0x0;
	[tilespmem:v8+s19+$0x0] =	vst.idx.add.s32.msk vm3, v2  }
0xbe: {  	[tilespmem:s18], [sflag:$0x2] =	stream.linear.gather [hbm4b:s8+s26], $0x4000, $0x38;
	[tilespmem:$0x19580] =	vst v63  }
0xbf: {  	s28 =	sand.u32 $0x3000, s28;
	s29 =	sand.u32 $0xC00, s26;
	_ =	swait.ge [sflag:s5], $0x4000  }
0xc0: {  	s30 =	sand.u32 $0x380, s30;
	s28 =	sor.u32 s29, s28;
	[sflag:s5] =	ssyncset.done $0x0  }
0xc1: {  	s28 =	sor.u32 s30, s28;
	[sflag:s5] =	ssyncadd.s32 $0xFFFFC000  }
0xc2: {  	v8 =	vld [tilespmem:s28+$0x60]  }
0xc3: {  	vm0 =	vmand vm0, vm1;
	v12 =	vadd.f32 v23, v22;
	v6 =	vld [tilespmem:s28+$0x70]  }
0xc4: {  	v14 =	vnsel vm0, $0x0, v14;
	vm0 =	vgt.s32 v19, v3;
	vm1 =	vlt.s32 v19, $0x1000;
	v10 =	vld [tilespmem:s28+$0x50]  }
0xc5: {  	vm0 =	vmand vm0, vm1;
	v14 =	vadd.f32 v14, v12;
	v12 =	vld [tilespmem:s28+$0x40]  }
0xc6: {  	v16 =	vnsel vm0, $0x0, v13;
	v13 =	vld [tilespmem:s28+$0x30]  }
0xc7: {  	vm1 =	vlt.s32 v20, $0x1000;
	vm0 =	vgt.s32 v20, v3;
	v16 =	vadd.f32 v16, v14;
	v14 =	vld [tilespmem:s28+$0x20]  }
0xc8: {  	vm0 =	vmand vm0, vm1;
	vm1 =	vgt.s32 v21, v3;
	vm2 =	vlt.s32 v21, $0x1000;
	v23 =	vld [tilespmem:s28+$0x10]  }
0xc9: {  	v11 =	vnsel vm0, $0x0, v11;
	vm0 =	vmand vm1, vm2;
	v21 =	vld [tilespmem:s28+$0x0]  }
0xca: {  	v11 =	vadd.f32 v11, v16;
	vm1 =	vlt.s32 v24, $0x1000;
	vm2 =	vgt.s32 v15, v3  }
0xcb: {  	v9 =	vnsel vm0, $0x0, v9;
	v16 =	vmul.f32 $1.035630630e+06, v8;
	v17 =	vmul.f32 $1.035630630e+06, v6  }
0xcc: {  	v9 =	vadd.f32 v9, v11;
	v11 =	vmul.f32 $1.035630630e+06, v12;
	v18 =	vmul.f32 $1.035630630e+06, v10  }
0xcd: {  	vm3 =	vlt.s32 v15, $0x1000;
	v19 =	vmul.f32 $1.035630630e+06, v14;
	v20 =	vmul.f32 $1.035630630e+06, v13  }
0xce: {  	vm0 =	vgt.s32 v24, v3;
	v15 =	vmul.f32 $1.035630630e+06, v21;
	v22 =	vmul.f32 $1.035630630e+06, v23  }
0xcf: {  	vm0 =	vmand vm0, vm1;
	v16 =	vtrunc.f32 v16;
	v17 =	vtrunc.f32 v17  }
0xd0: {  	v7 =	vnsel vm0, $0x0, v7;
	v11 =	vtrunc.f32 v11;
	v18 =	vtrunc.f32 v18  }
0xd1: {  	vm0 =	vmand vm2, vm3;
	v63 =	vtrunc.f32 v19;
	v20 =	vtrunc.f32 v20  }
0xd2: {  	v7 =	vadd.f32 v7, v9;
	v9 =	vtrunc.f32 v15;
	v22 =	vtrunc.f32 v22  }
0xd3: {  	v19 =	vnsel vm0, $0x0, v5;
	v15 =	vcvt.f32.s32 v9;
	v5 =	vcvt.f32.s32 v16  }
0xd4: {  	v25 =	vadd.f32 v19, v7;
	v9 =	vcvt.f32.s32 v18;
	v7 =	vcvt.f32.s32 v17  }
0xd5: {  	v17 =	vcvt.f32.s32 v22;
	v11 =	vcvt.f32.s32 v11;
	v19 =	vshra.s32 v15, $0xC  }
0xd6: {  	v16 =	vcvt.f32.s32 v20;
	vm0 =	vgt.s32 v19, v3;
	vm1 =	vlt.s32 v19, $0x1000  }
0xd7: {  	v18 =	vcvt.f32.s32 v63;
	v20 =	vshra.s32 v17, $0xC;
	vm0 =	vmand vm0, vm1  }
0xd8: {  	vm1 =	vlt.s32 v20, $0x1000;
	v21 =	vnsel vm0, $0x0, v21;
	vm0 =	vgt.s32 v20, v3  }
0xd9: {  	v22 =	vadd.f32 v21, v25;
	vm0 =	vmand vm0, vm1;
	v21 =	vshra.s32 v18, $0xC  }
0xda: {  	s28 =	simm.s32 $0x0;
	v23 =	vnsel vm0, $0x0, v23;
	vm0 =	vgt.s32 v21, v3;
	vm1 =	vlt.s32 v21, $0x1000  }
.LBB2_8:
0xdb: {  	s28 =	sadd.s32 $0x8, s28;
	v22 =	vadd.f32 v23, v22;
	vm0 =	vmand vm0, vm1;
	v23 =	vshra.s32 v16, $0xC  }
0xdc: {  	s26 =	sadd.s32 $0x400, s26;
	s29 =	sshll.u32 s28, $0x4;
	p0 =	slt.u32 s28, $0x3F8;
	v14 =	vnsel vm0, $0x0, v14;
	vm0 =	vgt.s32 v23, v3;
	vm1 =	vlt.s32 v23, $0x1000  }
0xdd: {  	s30 =	sand.u32 $0xC00, s26;
	s31 =	sshll.u32 s28, $0x2;
	s29 =	sand.u32 $0x3000, s29;
	v14 =	vadd.f32 v14, v22;
	vm0 =	vmand vm0, vm1;
	v22 =	vshra.s32 v11, $0xC  }
0xde: {  	s31 =	sand.u32 $0x380, s31;
	s29 =	sor.u32 s30, s29;
	v13 =	vnsel vm0, $0x0, v13;
	vm0 =	vgt.s32 v22, v3;
	vm1 =	vlt.s32 v22, $0x1000  }
0xdf: {  	v24 =	vshra.s32 v9, $0xC;
	s29 =	sor.u32 s31, s29;
	v13 =	vadd.f32 v13, v14;
	vm0 =	vmand vm0, vm1  }
0xe0: {  	vm1 =	vlt.s32 v24, $0x1000;
	v25 =	vld [tilespmem:s29+$0x60];
	v12 =	vnsel vm0, $0x0, v12;
	vm0 =	vgt.s32 v24, v3  }
0xe1: {  	v27 =	vshra.s32 v5, $0xC;
	v26 =	vld [tilespmem:s29+$0x70];
	v13 =	vadd.f32 v12, v13;
	vm0 =	vmand vm0, vm1  }
0xe2: {  	vm1 =	vlt.s32 v27, $0x1000;
	v14 =	vnsel vm0, $0x0, v10;
	v10 =	vld [tilespmem:s29+$0x50];
	vm0 =	vgt.s32 v27, v3  }
0xe3: {  	v29 =	vshra.s32 v7, $0xC;
	v12 =	vld [tilespmem:s29+$0x40];
	v28 =	vadd.f32 v14, v13;
	vm0 =	vmand vm0, vm1  }
0xe4: {  	vm1 =	vlt.s32 v29, $0x1000;
	v13 =	vld [tilespmem:s29+$0x30];
	v30 =	vnsel vm0, $0x0, v8;
	vm0 =	vgt.s32 v29, v3  }
0xe5: {  	vm6 =	veq.s32 v19, v3;
	v14 =	vld [tilespmem:s29+$0x20];
	v19 =	vadd.f32 v30, v28;
	vm0 =	vmand vm0, vm1;
	v8 =	vmovc v25  }
0xe6: {  	vm7 =	veq.s32 v20, v3;
	vm4 =	veq.s32 v21, v3;
	v25 =	vld [tilespmem:s29+$0x10];
	v20 =	vnsel vm0, $0x0, v6;
	v6 =	vmovc v26  }
0xe7: {  	vm5 =	veq.s32 v23, v3;
	vm3 =	veq.s32 v22, v3;
	v21 =	vld [tilespmem:s29+$0x0];
	v22 =	vadd.f32 v20, v19  }
0xe8: {  	vm2 =	veq.s32 v24, v3;
	vm1 =	veq.s32 v27, v3;
	vm0 =	veq.s32 v29, v3  }
0xe9: {  	v15 =	vadd.s32 v15, v4;
	v19 =	vmul.f32 $1.035630630e+06, v8;
	v20 =	vmul.f32 $1.035630630e+06, v6  }
0xea: {  	v17 =	vadd.s32 v17, v4;
	v24 =	vmul.f32 $1.035630630e+06, v10;
	v23 =	vmul.f32 $1.035630630e+06, v12  }
0xeb: {  	v18 =	vadd.s32 v18, v4;
	v27 =	vmul.f32 $1.035630630e+06, v13;
	v26 =	vmul.f32 $1.035630630e+06, v14  }
0xec: {  	v16 =	vadd.s32 v16, v4;
	v29 =	vmul.f32 $1.035630630e+06, v25;
	v28 =	vmul.f32 $1.035630630e+06, v21  }
0xed: {  	v11 =	vadd.s32 v11, v4;
	v19 =	vtrunc.f32 v19;
	v20 =	vtrunc.f32 v20  }
0xee: {  	v30 =	vadd.s32 v9, v4;
	v24 =	vtrunc.f32 v24;
	v23 =	vtrunc.f32 v23;
	[tilespmem:v15+s19+$0x0] =	vst.idx.add.s32.msk vm6, v2  }
0xef: {  	v31 =	vadd.s32 v5, v4;
	v27 =	vtrunc.f32 v27;
	v26 =	vtrunc.f32 v26;
	[tilespmem:v17+s19+$0x0] =	vst.idx.add.s32.msk vm7, v2  }
0xf0: {  	v5 =	vtrunc.f32 v28;
	v28 =	vadd.s32 v7, v4;
	v17 =	vtrunc.f32 v29;
	[tilespmem:v18+s19+$0x0] =	vst.idx.add.s32.msk vm4, v2  }
0xf1: {  	v15 =	vcvt.f32.s32 v5;
	v5 =	vcvt.f32.s32 v19;
	[tilespmem:v16+s19+$0x0] =	vst.idx.add.s32.msk vm5, v2  }
0xf2: {  	v9 =	vcvt.f32.s32 v24;
	v7 =	vcvt.f32.s32 v20;
	[tilespmem:v11+s19+$0x0] =	vst.idx.add.s32.msk vm3, v2  }
0xf3: {  	v17 =	vcvt.f32.s32 v17;
	v19 =	vshra.s32 v15, $0xC;
	v11 =	vcvt.f32.s32 v23;
	[tilespmem:v30+s19+$0x0] =	vst.idx.add.s32.msk vm2, v2  }
.Ltmp3:
0xf4: {  	v16 =	vcvt.f32.s32 v27;
	vm3 =	vlt.s32 v19, $0x1000;
	vm2 =	vgt.s32 v19, v3;
	[tilespmem:v31+s19+$0x0] =	vst.idx.add.s32.msk vm1, v2;
	(pc) =	sbr.rel @p0 .LBB2_8-.Ltmp3, $4  }
0xf5: {  	v18 =	vcvt.f32.s32 v26;
	v20 =	vshra.s32 v17, $0xC;
	vm1 =	vmand vm2, vm3;
	[tilespmem:v28+s19+$0x0] =	vst.idx.add.s32.msk vm0, v2  }
0xf6: {  	v21 =	vnsel vm1, $0x0, v21;
	vm0 =	vgt.s32 v20, v3;
	vm1 =	vlt.s32 v20, $0x1000  }
0xf7: {  	v22 =	vadd.f32 v21, v22;
	vm0 =	vmand vm0, vm1;
	v21 =	vshra.s32 v18, $0xC  }
0xf8: {  	v23 =	vnsel vm0, $0x0, v25;
	vm0 =	vgt.s32 v21, v3;
	vm1 =	vlt.s32 v21, $0x1000  }
0xf9: {  	vm2 =	veq.s32 v19, v3  }
0xfa: {  	vm3 =	veq.s32 v20, v3;
	v15 =	vadd.s32 v15, v4  }
0xfb: {  	v19 =	vshra.s32 v16, $0xC;
	vm4 =	veq.s32 v21, v3;
	v17 =	vadd.s32 v17, v4  }
0xfc: {  	v20 =	vshra.s32 v11, $0xC;
	v18 =	vadd.s32 v18, v4;
	vm5 =	veq.s32 v19, v3  }
0xfd: {  	v21 =	vshra.s32 v9, $0xC;
	v16 =	vadd.s32 v16, v4;
	vm6 =	veq.s32 v20, v3  }
0xfe: {  	v24 =	vshra.s32 v5, $0xC;
	v11 =	vadd.s32 v11, v4;
	vm7 =	veq.s32 v21, v3  }
0xff: {  	v9 =	vadd.s32 v9, v4;
	[tilespmem:v15+s19+$0x0] =	vst.idx.add.s32.msk vm2, v2;
	v15 =	vshra.s32 v7, $0xC;
	vm2 =	veq.s32 v24, v3  }
0x100: {  	v5 =	vadd.s32 v5, v4;
	[tilespmem:v17+s19+$0x0] =	vst.idx.add.s32.msk vm3, v2;
	vm3 =	veq.s32 v15, v3  }
0x101: {  	[tilespmem:v18+s19+$0x0] =	vst.idx.add.s32.msk vm4, v2;
	v7 =	vadd.s32 v7, v4  }
0x102: {  	[tilespmem:v16+s19+$0x0] =	vst.idx.add.s32.msk vm5, v2  }
0x103: {  	[tilespmem:v11+s19+$0x0] =	vst.idx.add.s32.msk vm6, v2  }
0x104: {  	[tilespmem:v9+s19+$0x0] =	vst.idx.add.s32.msk vm7, v2  }
0x105: {  	[tilespmem:v5+s19+$0x0] =	vst.idx.add.s32.msk vm2, v2  }
0x106: {  	s26 =	simm.s32 $0x0;
	s28 =	simm.s32 $0x0;
	s30 =	simm.s32 $0x0;
	[tilespmem:v7+s19+$0x0] =	vst.idx.add.s32.msk vm3, v2  }
0x107: {  	[tilespmem:s26], [sflag:$0x1] =	stream.linear.gather [hbm4b:s9+s26], $0x4000, $0x38;
	[tilespmem:$0x19580] =	vst v63  }
0x108: {  	s28 =	sand.u32 $0x3000, s28;
	s29 =	sand.u32 $0xC00, s26;
	_ =	swait.ge [sflag:s20], $0x4000  }
0x109: {  	s30 =	sand.u32 $0x380, s30;
	s28 =	sor.u32 s29, s28;
	[sflag:s20] =	ssyncset.done $0x0  }
0x10a: {  	s28 =	sor.u32 s30, s28;
	[sflag:s20] =	ssyncadd.s32 $0xFFFFC000  }
0x10b: {  	v7 =	vld [tilespmem:s28+$0x4060]  }
0x10c: {  	vm0 =	vmand vm0, vm1;
	v11 =	vadd.f32 v23, v22;
	v5 =	vld [tilespmem:s28+$0x4070]  }
0x10d: {  	v14 =	vnsel vm0, $0x0, v14;
	vm0 =	vgt.s32 v19, v3;
	vm1 =	vlt.s32 v19, $0x1000;
	v9 =	vld [tilespmem:s28+$0x4050]  }
0x10e: {  	vm0 =	vmand vm0, vm1;
	v14 =	vadd.f32 v14, v11;
	v11 =	vld [tilespmem:s28+$0x4040]  }
0x10f: {  	v16 =	vnsel vm0, $0x0, v13;
	v13 =	vld [tilespmem:s28+$0x4030]  }
0x110: {  	vm1 =	vlt.s32 v20, $0x1000;
	vm0 =	vgt.s32 v20, v3;
	v16 =	vadd.f32 v16, v14;
	v14 =	vld [tilespmem:s28+$0x4020]  }
0x111: {  	vm0 =	vmand vm0, vm1;
	vm1 =	vgt.s32 v21, v3;
	vm2 =	vlt.s32 v21, $0x1000;
	v23 =	vld [tilespmem:s28+$0x4010]  }
0x112: {  	v12 =	vnsel vm0, $0x0, v12;
	vm0 =	vmand vm1, vm2;
	v21 =	vld [tilespmem:s28+$0x4000]  }
0x113: {  	v12 =	vadd.f32 v12, v16;
	vm1 =	vlt.s32 v24, $0x1000;
	vm2 =	vgt.s32 v15, v3  }
0x114: {  	v10 =	vnsel vm0, $0x0, v10;
	v16 =	vmul.f32 $1.035630630e+06, v7;
	v17 =	vmul.f32 $1.035630630e+06, v5  }
0x115: {  	v10 =	vadd.f32 v10, v12;
	v12 =	vmul.f32 $1.035630630e+06, v11;
	v18 =	vmul.f32 $1.035630630e+06, v9  }
0x116: {  	vm3 =	vlt.s32 v15, $0x1000;
	v19 =	vmul.f32 $1.035630630e+06, v14;
	v20 =	vmul.f32 $1.035630630e+06, v13  }
0x117: {  	vm0 =	vgt.s32 v24, v3;
	v15 =	vmul.f32 $1.035630630e+06, v21;
	v22 =	vmul.f32 $1.035630630e+06, v23  }
0x118: {  	vm0 =	vmand vm0, vm1;
	v16 =	vtrunc.f32 v16;
	v17 =	vtrunc.f32 v17  }
0x119: {  	v8 =	vnsel vm0, $0x0, v8;
	v12 =	vtrunc.f32 v12;
	v18 =	vtrunc.f32 v18  }
0x11a: {  	vm0 =	vmand vm2, vm3;
	v63 =	vtrunc.f32 v19;
	v20 =	vtrunc.f32 v20  }
0x11b: {  	v8 =	vadd.f32 v8, v10;
	v10 =	vtrunc.f32 v15;
	v22 =	vtrunc.f32 v22  }
0x11c: {  	v19 =	vnsel vm0, $0x0, v6;
	v15 =	vcvt.f32.s32 v10;
	v6 =	vcvt.f32.s32 v16  }
0x11d: {  	v25 =	vadd.f32 v19, v8;
	v10 =	vcvt.f32.s32 v18;
	v8 =	vcvt.f32.s32 v17  }
0x11e: {  	v17 =	vcvt.f32.s32 v22;
	v12 =	vcvt.f32.s32 v12;
	v19 =	vshra.s32 v15, $0xC  }
0x11f: {  	v16 =	vcvt.f32.s32 v20;
	vm0 =	vgt.s32 v19, v3;
	vm1 =	vlt.s32 v19, $0x1000  }
0x120: {  	v18 =	vcvt.f32.s32 v63;
	v20 =	vshra.s32 v17, $0xC;
	vm0 =	vmand vm0, vm1  }
0x121: {  	vm1 =	vlt.s32 v20, $0x1000;
	v21 =	vnsel vm0, $0x0, v21;
	vm0 =	vgt.s32 v20, v3  }
0x122: {  	v22 =	vadd.f32 v21, v25;
	vm0 =	vmand vm0, vm1;
	v21 =	vshra.s32 v18, $0xC  }
0x123: {  	s28 =	simm.s32 $0x0;
	v23 =	vnsel vm0, $0x0, v23;
	vm0 =	vgt.s32 v21, v3;
	vm1 =	vlt.s32 v21, $0x1000  }
.LBB2_10:
0x124: {  	s28 =	sadd.s32 $0x8, s28;
	v22 =	vadd.f32 v23, v22;
	vm0 =	vmand vm0, vm1;
	v23 =	vshra.s32 v16, $0xC  }
0x125: {  	s26 =	sadd.s32 $0x400, s26;
	s29 =	sshll.u32 s28, $0x4;
	p0 =	slt.u32 s28, $0x3F8;
	v14 =	vnsel vm0, $0x0, v14;
	vm0 =	vgt.s32 v23, v3;
	vm1 =	vlt.s32 v23, $0x1000  }
0x126: {  	s30 =	sand.u32 $0xC00, s26;
	s31 =	sshll.u32 s28, $0x2;
	s29 =	sand.u32 $0x3000, s29;
	v14 =	vadd.f32 v14, v22;
	vm0 =	vmand vm0, vm1;
	v22 =	vshra.s32 v12, $0xC  }
0x127: {  	s31 =	sand.u32 $0x380, s31;
	s29 =	sor.u32 s30, s29;
	v13 =	vnsel vm0, $0x0, v13;
	vm0 =	vgt.s32 v22, v3;
	vm1 =	vlt.s32 v22, $0x1000  }
0x128: {  	v24 =	vshra.s32 v10, $0xC;
	s29 =	sor.u32 s31, s29;
	v13 =	vadd.f32 v13, v14;
	vm0 =	vmand vm0, vm1  }
0x129: {  	vm1 =	vlt.s32 v24, $0x1000;
	v25 =	vld [tilespmem:s29+$0x4060];
	v11 =	vnsel vm0, $0x0, v11;
	vm0 =	vgt.s32 v24, v3  }
0x12a: {  	v27 =	vshra.s32 v6, $0xC;
	v26 =	vld [tilespmem:s29+$0x4070];
	v13 =	vadd.f32 v11, v13;
	vm0 =	vmand vm0, vm1  }
0x12b: {  	vm1 =	vlt.s32 v27, $0x1000;
	v14 =	vnsel vm0, $0x0, v9;
	v9 =	vld [tilespmem:s29+$0x4050];
	vm0 =	vgt.s32 v27, v3  }
0x12c: {  	v29 =	vshra.s32 v8, $0xC;
	v11 =	vld [tilespmem:s29+$0x4040];
	v28 =	vadd.f32 v14, v13;
	vm0 =	vmand vm0, vm1  }
0x12d: {  	vm1 =	vlt.s32 v29, $0x1000;
	v13 =	vld [tilespmem:s29+$0x4030];
	v30 =	vnsel vm0, $0x0, v7;
	vm0 =	vgt.s32 v29, v3  }
0x12e: {  	vm6 =	veq.s32 v19, v3;
	v14 =	vld [tilespmem:s29+$0x4020];
	v19 =	vadd.f32 v30, v28;
	vm0 =	vmand vm0, vm1;
	v7 =	vmovc v25  }
0x12f: {  	vm7 =	veq.s32 v20, v3;
	vm4 =	veq.s32 v21, v3;
	v25 =	vld [tilespmem:s29+$0x4010];
	v20 =	vnsel vm0, $0x0, v5;
	v5 =	vmovc v26  }
0x130: {  	vm5 =	veq.s32 v23, v3;
	vm3 =	veq.s32 v22, v3;
	v21 =	vld [tilespmem:s29+$0x4000];
	v22 =	vadd.f32 v20, v19  }
0x131: {  	vm2 =	veq.s32 v24, v3;
	vm1 =	veq.s32 v27, v3;
	vm0 =	veq.s32 v29, v3  }
0x132: {  	v15 =	vadd.s32 v15, v4;
	v19 =	vmul.f32 $1.035630630e+06, v7;
	v20 =	vmul.f32 $1.035630630e+06, v5  }
0x133: {  	v17 =	vadd.s32 v17, v4;
	v24 =	vmul.f32 $1.035630630e+06, v9;
	v23 =	vmul.f32 $1.035630630e+06, v11  }
0x134: {  	v18 =	vadd.s32 v18, v4;
	v27 =	vmul.f32 $1.035630630e+06, v13;
	v26 =	vmul.f32 $1.035630630e+06, v14  }
0x135: {  	v16 =	vadd.s32 v16, v4;
	v29 =	vmul.f32 $1.035630630e+06, v25;
	v28 =	vmul.f32 $1.035630630e+06, v21  }
0x136: {  	v12 =	vadd.s32 v12, v4;
	v19 =	vtrunc.f32 v19;
	v20 =	vtrunc.f32 v20  }
0x137: {  	v30 =	vadd.s32 v10, v4;
	v24 =	vtrunc.f32 v24;
	v23 =	vtrunc.f32 v23;
	[tilespmem:v15+s19+$0x0] =	vst.idx.add.s32.msk vm6, v2  }
0x138: {  	v31 =	vadd.s32 v6, v4;
	v27 =	vtrunc.f32 v27;
	v26 =	vtrunc.f32 v26;
	[tilespmem:v17+s19+$0x0] =	vst.idx.add.s32.msk vm7, v2  }
0x139: {  	v6 =	vtrunc.f32 v28;
	v28 =	vadd.s32 v8, v4;
	v17 =	vtrunc.f32 v29;
	[tilespmem:v18+s19+$0x0] =	vst.idx.add.s32.msk vm4, v2  }
0x13a: {  	v15 =	vcvt.f32.s32 v6;
	v6 =	vcvt.f32.s32 v19;
	[tilespmem:v16+s19+$0x0] =	vst.idx.add.s32.msk vm5, v2  }
0x13b: {  	v10 =	vcvt.f32.s32 v24;
	v8 =	vcvt.f32.s32 v20;
	[tilespmem:v12+s19+$0x0] =	vst.idx.add.s32.msk vm3, v2  }
0x13c: {  	v17 =	vcvt.f32.s32 v17;
	v19 =	vshra.s32 v15, $0xC;
	v12 =	vcvt.f32.s32 v23;
	[tilespmem:v30+s19+$0x0] =	vst.idx.add.s32.msk vm2, v2  }
.Ltmp4:
0x13d: {  	v16 =	vcvt.f32.s32 v27;
	vm3 =	vlt.s32 v19, $0x1000;
	vm2 =	vgt.s32 v19, v3;
	[tilespmem:v31+s19+$0x0] =	vst.idx.add.s32.msk vm1, v2;
	(pc) =	sbr.rel @p0 .LBB2_10-.Ltmp4, $4  }
0x13e: {  	v18 =	vcvt.f32.s32 v26;
	v20 =	vshra.s32 v17, $0xC;
	vm1 =	vmand vm2, vm3;
	[tilespmem:v28+s19+$0x0] =	vst.idx.add.s32.msk vm0, v2  }
0x13f: {  	v21 =	vnsel vm1, $0x0, v21;
	vm0 =	vgt.s32 v20, v3;
	vm1 =	vlt.s32 v20, $0x1000  }
0x140: {  	v22 =	vadd.f32 v21, v22;
	vm0 =	vmand vm0, vm1;
	v21 =	vshra.s32 v18, $0xC  }
0x141: {  	v23 =	vnsel vm0, $0x0, v25;
	vm0 =	vgt.s32 v21, v3;
	vm1 =	vlt.s32 v21, $0x1000  }
0x142: {  	vm2 =	veq.s32 v19, v3  }
0x143: {  	vm3 =	veq.s32 v20, v3;
	v15 =	vadd.s32 v15, v4  }
0x144: {  	v19 =	vshra.s32 v16, $0xC;
	vm4 =	veq.s32 v21, v3;
	v17 =	vadd.s32 v17, v4  }
0x145: {  	v20 =	vshra.s32 v12, $0xC;
	v18 =	vadd.s32 v18, v4;
	vm5 =	veq.s32 v19, v3  }
0x146: {  	v21 =	vshra.s32 v10, $0xC;
	v16 =	vadd.s32 v16, v4;
	vm6 =	veq.s32 v20, v3  }
0x147: {  	v24 =	vshra.s32 v6, $0xC;
	v12 =	vadd.s32 v12, v4;
	vm7 =	veq.s32 v21, v3  }
0x148: {  	v10 =	vadd.s32 v10, v4;
	[tilespmem:v15+s19+$0x0] =	vst.idx.add.s32.msk vm2, v2;
	v15 =	vshra.s32 v8, $0xC;
	vm2 =	veq.s32 v24, v3  }
0x149: {  	v6 =	vadd.s32 v6, v4;
	[tilespmem:v17+s19+$0x0] =	vst.idx.add.s32.msk vm3, v2;
	vm3 =	veq.s32 v15, v3  }
0x14a: {  	[tilespmem:v18+s19+$0x0] =	vst.idx.add.s32.msk vm4, v2;
	v8 =	vadd.s32 v8, v4  }
0x14b: {  	[tilespmem:v16+s19+$0x0] =	vst.idx.add.s32.msk vm5, v2  }
0x14c: {  	[tilespmem:v12+s19+$0x0] =	vst.idx.add.s32.msk vm6, v2  }
0x14d: {  	[tilespmem:v10+s19+$0x0] =	vst.idx.add.s32.msk vm7, v2  }
0x14e: {  	[tilespmem:v6+s19+$0x0] =	vst.idx.add.s32.msk vm2, v2  }
0x14f: {  	s26 =	simm.s32 $0x0;
	s28 =	simm.s32 $0x0;
	s30 =	simm.s32 $0x0;
	[tilespmem:v8+s19+$0x0] =	vst.idx.add.s32.msk vm3, v2  }
0x150: {  	[tilespmem:s18], [sflag:$0x2] =	stream.linear.gather [hbm4b:s10+s26], $0x4000, $0x38;
	[tilespmem:$0x19580] =	vst v63  }
0x151: {  	s28 =	sand.u32 $0x3000, s28;
	s29 =	sand.u32 $0xC00, s26;
	_ =	swait.ge [sflag:s5], $0x4000  }
0x152: {  	s30 =	sand.u32 $0x380, s30;
	s28 =	sor.u32 s29, s28;
	[sflag:s5] =	ssyncset.done $0x0  }
0x153: {  	s28 =	sor.u32 s30, s28;
	[sflag:s5] =	ssyncadd.s32 $0xFFFFC000  }
0x154: {  	v8 =	vld [tilespmem:s28+$0x60]  }
0x155: {  	vm0 =	vmand vm0, vm1;
	v12 =	vadd.f32 v23, v22;
	v6 =	vld [tilespmem:s28+$0x70]  }
0x156: {  	v14 =	vnsel vm0, $0x0, v14;
	vm0 =	vgt.s32 v19, v3;
	vm1 =	vlt.s32 v19, $0x1000;
	v10 =	vld [tilespmem:s28+$0x50]  }
0x157: {  	vm0 =	vmand vm0, vm1;
	v14 =	vadd.f32 v14, v12;
	v12 =	vld [tilespmem:s28+$0x40]  }
0x158: {  	v16 =	vnsel vm0, $0x0, v13;
	v13 =	vld [tilespmem:s28+$0x30]  }
0x159: {  	vm1 =	vlt.s32 v20, $0x1000;
	vm0 =	vgt.s32 v20, v3;
	v16 =	vadd.f32 v16, v14;
	v14 =	vld [tilespmem:s28+$0x20]  }
0x15a: {  	vm0 =	vmand vm0, vm1;
	vm1 =	vgt.s32 v21, v3;
	vm2 =	vlt.s32 v21, $0x1000;
	v23 =	vld [tilespmem:s28+$0x10]  }
0x15b: {  	v11 =	vnsel vm0, $0x0, v11;
	vm0 =	vmand vm1, vm2;
	v21 =	vld [tilespmem:s28+$0x0]  }
0x15c: {  	v11 =	vadd.f32 v11, v16;
	vm1 =	vlt.s32 v24, $0x1000;
	vm2 =	vgt.s32 v15, v3  }
0x15d: {  	v9 =	vnsel vm0, $0x0, v9;
	v16 =	vmul.f32 $1.035630630e+06, v8;
	v17 =	vmul.f32 $1.035630630e+06, v6  }
0x15e: {  	v9 =	vadd.f32 v9, v11;
	v11 =	vmul.f32 $1.035630630e+06, v12;
	v18 =	vmul.f32 $1.035630630e+06, v10  }
0x15f: {  	vm3 =	vlt.s32 v15, $0x1000;
	v19 =	vmul.f32 $1.035630630e+06, v14;
	v20 =	vmul.f32 $1.035630630e+06, v13  }
0x160: {  	vm0 =	vgt.s32 v24, v3;
	v15 =	vmul.f32 $1.035630630e+06, v21;
	v22 =	vmul.f32 $1.035630630e+06, v23  }
0x161: {  	vm0 =	vmand vm0, vm1;
	v16 =	vtrunc.f32 v16;
	v17 =	vtrunc.f32 v17  }
0x162: {  	v7 =	vnsel vm0, $0x0, v7;
	v11 =	vtrunc.f32 v11;
	v18 =	vtrunc.f32 v18  }
0x163: {  	vm0 =	vmand vm2, vm3;
	v63 =	vtrunc.f32 v19;
	v20 =	vtrunc.f32 v20  }
0x164: {  	v7 =	vadd.f32 v7, v9;
	v9 =	vtrunc.f32 v15;
	v22 =	vtrunc.f32 v22  }
0x165: {  	v19 =	vnsel vm0, $0x0, v5;
	v15 =	vcvt.f32.s32 v9;
	v5 =	vcvt.f32.s32 v16  }
0x166: {  	v25 =	vadd.f32 v19, v7;
	v9 =	vcvt.f32.s32 v18;
	v7 =	vcvt.f32.s32 v17  }
0x167: {  	v17 =	vcvt.f32.s32 v22;
	v11 =	vcvt.f32.s32 v11;
	v19 =	vshra.s32 v15, $0xC  }
0x168: {  	v16 =	vcvt.f32.s32 v20;
	vm0 =	vgt.s32 v19, v3;
	vm1 =	vlt.s32 v19, $0x1000  }
0x169: {  	v18 =	vcvt.f32.s32 v63;
	v20 =	vshra.s32 v17, $0xC;
	vm0 =	vmand vm0, vm1  }
0x16a: {  	vm1 =	vlt.s32 v20, $0x1000;
	v21 =	vnsel vm0, $0x0, v21;
	vm0 =	vgt.s32 v20, v3  }
0x16b: {  	v22 =	vadd.f32 v21, v25;
	vm0 =	vmand vm0, vm1;
	v21 =	vshra.s32 v18, $0xC  }
0x16c: {  	s28 =	simm.s32 $0x0;
	v23 =	vnsel vm0, $0x0, v23;
	vm0 =	vgt.s32 v21, v3;
	vm1 =	vlt.s32 v21, $0x1000  }
.LBB2_12:
0x16d: {  	s28 =	sadd.s32 $0x8, s28;
	v22 =	vadd.f32 v23, v22;
	vm0 =	vmand vm0, vm1;
	v23 =	vshra.s32 v16, $0xC  }
0x16e: {  	s26 =	sadd.s32 $0x400, s26;
	s29 =	sshll.u32 s28, $0x4;
	p0 =	slt.u32 s28, $0x3F8;
	v14 =	vnsel vm0, $0x0, v14;
	vm0 =	vgt.s32 v23, v3;
	vm1 =	vlt.s32 v23, $0x1000  }
0x16f: {  	s30 =	sand.u32 $0xC00, s26;
	s31 =	sshll.u32 s28, $0x2;
	s29 =	sand.u32 $0x3000, s29;
	v14 =	vadd.f32 v14, v22;
	vm0 =	vmand vm0, vm1;
	v22 =	vshra.s32 v11, $0xC  }
0x170: {  	s31 =	sand.u32 $0x380, s31;
	s29 =	sor.u32 s30, s29;
	v13 =	vnsel vm0, $0x0, v13;
	vm0 =	vgt.s32 v22, v3;
	vm1 =	vlt.s32 v22, $0x1000  }
0x171: {  	v24 =	vshra.s32 v9, $0xC;
	s29 =	sor.u32 s31, s29;
	v13 =	vadd.f32 v13, v14;
	vm0 =	vmand vm0, vm1  }
0x172: {  	vm1 =	vlt.s32 v24, $0x1000;
	v25 =	vld [tilespmem:s29+$0x60];
	v12 =	vnsel vm0, $0x0, v12;
	vm0 =	vgt.s32 v24, v3  }
0x173: {  	v27 =	vshra.s32 v5, $0xC;
	v26 =	vld [tilespmem:s29+$0x70];
	v13 =	vadd.f32 v12, v13;
	vm0 =	vmand vm0, vm1  }
0x174: {  	vm1 =	vlt.s32 v27, $0x1000;
	v14 =	vnsel vm0, $0x0, v10;
	v10 =	vld [tilespmem:s29+$0x50];
	vm0 =	vgt.s32 v27, v3  }
0x175: {  	v29 =	vshra.s32 v7, $0xC;
	v12 =	vld [tilespmem:s29+$0x40];
	v28 =	vadd.f32 v14, v13;
	vm0 =	vmand vm0, vm1  }
0x176: {  	vm1 =	vlt.s32 v29, $0x1000;
	v13 =	vld [tilespmem:s29+$0x30];
	v30 =	vnsel vm0, $0x0, v8;
	vm0 =	vgt.s32 v29, v3  }
0x177: {  	vm6 =	veq.s32 v19, v3;
	v14 =	vld [tilespmem:s29+$0x20];
	v19 =	vadd.f32 v30, v28;
	vm0 =	vmand vm0, vm1;
	v8 =	vmovc v25  }
0x178: {  	vm7 =	veq.s32 v20, v3;
	vm4 =	veq.s32 v21, v3;
	v25 =	vld [tilespmem:s29+$0x10];
	v20 =	vnsel vm0, $0x0, v6;
	v6 =	vmovc v26  }
0x179: {  	vm5 =	veq.s32 v23, v3;
	vm3 =	veq.s32 v22, v3;
	v21 =	vld [tilespmem:s29+$0x0];
	v22 =	vadd.f32 v20, v19  }
0x17a: {  	vm2 =	veq.s32 v24, v3;
	vm1 =	veq.s32 v27, v3;
	vm0 =	veq.s32 v29, v3  }
0x17b: {  	v15 =	vadd.s32 v15, v4;
	v19 =	vmul.f32 $1.035630630e+06, v8;
	v20 =	vmul.f32 $1.035630630e+06, v6  }
0x17c: {  	v17 =	vadd.s32 v17, v4;
	v24 =	vmul.f32 $1.035630630e+06, v10;
	v23 =	vmul.f32 $1.035630630e+06, v12  }
0x17d: {  	v18 =	vadd.s32 v18, v4;
	v27 =	vmul.f32 $1.035630630e+06, v13;
	v26 =	vmul.f32 $1.035630630e+06, v14  }
0x17e: {  	v16 =	vadd.s32 v16, v4;
	v29 =	vmul.f32 $1.035630630e+06, v25;
	v28 =	vmul.f32 $1.035630630e+06, v21  }
0x17f: {  	v11 =	vadd.s32 v11, v4;
	v19 =	vtrunc.f32 v19;
	v20 =	vtrunc.f32 v20  }
0x180: {  	v30 =	vadd.s32 v9, v4;
	v24 =	vtrunc.f32 v24;
	v23 =	vtrunc.f32 v23;
	[tilespmem:v15+s19+$0x0] =	vst.idx.add.s32.msk vm6, v2  }
0x181: {  	v31 =	vadd.s32 v5, v4;
	v27 =	vtrunc.f32 v27;
	v26 =	vtrunc.f32 v26;
	[tilespmem:v17+s19+$0x0] =	vst.idx.add.s32.msk vm7, v2  }
0x182: {  	v5 =	vtrunc.f32 v28;
	v28 =	vadd.s32 v7, v4;
	v17 =	vtrunc.f32 v29;
	[tilespmem:v18+s19+$0x0] =	vst.idx.add.s32.msk vm4, v2  }
0x183: {  	v15 =	vcvt.f32.s32 v5;
	v5 =	vcvt.f32.s32 v19;
	[tilespmem:v16+s19+$0x0] =	vst.idx.add.s32.msk vm5, v2  }
0x184: {  	v9 =	vcvt.f32.s32 v24;
	v7 =	vcvt.f32.s32 v20;
	[tilespmem:v11+s19+$0x0] =	vst.idx.add.s32.msk vm3, v2  }
0x185: {  	v17 =	vcvt.f32.s32 v17;
	v19 =	vshra.s32 v15, $0xC;
	v11 =	vcvt.f32.s32 v23;
	[tilespmem:v30+s19+$0x0] =	vst.idx.add.s32.msk vm2, v2  }
.Ltmp5:
0x186: {  	v16 =	vcvt.f32.s32 v27;
	vm3 =	vlt.s32 v19, $0x1000;
	vm2 =	vgt.s32 v19, v3;
	[tilespmem:v31+s19+$0x0] =	vst.idx.add.s32.msk vm1, v2;
	(pc) =	sbr.rel @p0 .LBB2_12-.Ltmp5, $4  }
0x187: {  	v18 =	vcvt.f32.s32 v26;
	v20 =	vshra.s32 v17, $0xC;
	vm1 =	vmand vm2, vm3;
	[tilespmem:v28+s19+$0x0] =	vst.idx.add.s32.msk vm0, v2  }
0x188: {  	v21 =	vnsel vm1, $0x0, v21;
	vm0 =	vgt.s32 v20, v3;
	vm1 =	vlt.s32 v20, $0x1000  }
0x189: {  	v22 =	vadd.f32 v21, v22;
	vm0 =	vmand vm0, vm1;
	v21 =	vshra.s32 v18, $0xC  }
0x18a: {  	v23 =	vnsel vm0, $0x0, v25;
	vm0 =	vgt.s32 v21, v3;
	vm1 =	vlt.s32 v21, $0x1000  }
0x18b: {  	vm2 =	veq.s32 v19, v3  }
0x18c: {  	vm3 =	veq.s32 v20, v3;
	v15 =	vadd.s32 v15, v4  }
0x18d: {  	v19 =	vshra.s32 v16, $0xC;
	vm4 =	veq.s32 v21, v3;
	v17 =	vadd.s32 v17, v4  }
0x18e: {  	v20 =	vshra.s32 v11, $0xC;
	v18 =	vadd.s32 v18, v4;
	vm5 =	veq.s32 v19, v3  }
0x18f: {  	v21 =	vshra.s32 v9, $0xC;
	v16 =	vadd.s32 v16, v4;
	vm6 =	veq.s32 v20, v3  }
0x190: {  	v24 =	vshra.s32 v5, $0xC;
	v11 =	vadd.s32 v11, v4;
	vm7 =	veq.s32 v21, v3  }
0x191: {  	v9 =	vadd.s32 v9, v4;
	[tilespmem:v15+s19+$0x0] =	vst.idx.add.s32.msk vm2, v2;
	v15 =	vshra.s32 v7, $0xC;
	vm2 =	veq.s32 v24, v3  }
0x192: {  	v5 =	vadd.s32 v5, v4;
	[tilespmem:v17+s19+$0x0] =	vst.idx.add.s32.msk vm3, v2;
	vm3 =	veq.s32 v15, v3  }
0x193: {  	[tilespmem:v18+s19+$0x0] =	vst.idx.add.s32.msk vm4, v2;
	v7 =	vadd.s32 v7, v4  }
0x194: {  	[tilespmem:v16+s19+$0x0] =	vst.idx.add.s32.msk vm5, v2  }
0x195: {  	[tilespmem:v11+s19+$0x0] =	vst.idx.add.s32.msk vm6, v2  }
0x196: {  	[tilespmem:v9+s19+$0x0] =	vst.idx.add.s32.msk vm7, v2  }
0x197: {  	[tilespmem:v5+s19+$0x0] =	vst.idx.add.s32.msk vm2, v2  }
0x198: {  	s26 =	simm.s32 $0x0;
	s28 =	simm.s32 $0x0;
	s30 =	simm.s32 $0x0;
	[tilespmem:v7+s19+$0x0] =	vst.idx.add.s32.msk vm3, v2  }
0x199: {  	[tilespmem:s26], [sflag:$0x1] =	stream.linear.gather [hbm4b:s11+s26], $0x4000, $0x38;
	[tilespmem:$0x19580] =	vst v63  }
0x19a: {  	s28 =	sand.u32 $0x3000, s28;
	s29 =	sand.u32 $0xC00, s26;
	_ =	swait.ge [sflag:s20], $0x4000  }
0x19b: {  	s30 =	sand.u32 $0x380, s30;
	s28 =	sor.u32 s29, s28;
	[sflag:s20] =	ssyncset.done $0x0  }
0x19c: {  	s28 =	sor.u32 s30, s28;
	[sflag:s20] =	ssyncadd.s32 $0xFFFFC000  }
0x19d: {  	v7 =	vld [tilespmem:s28+$0x4060]  }
0x19e: {  	vm0 =	vmand vm0, vm1;
	v11 =	vadd.f32 v23, v22;
	v5 =	vld [tilespmem:s28+$0x4070]  }
0x19f: {  	v14 =	vnsel vm0, $0x0, v14;
	vm0 =	vgt.s32 v19, v3;
	vm1 =	vlt.s32 v19, $0x1000;
	v9 =	vld [tilespmem:s28+$0x4050]  }
0x1a0: {  	vm0 =	vmand vm0, vm1;
	v14 =	vadd.f32 v14, v11;
	v11 =	vld [tilespmem:s28+$0x4040]  }
0x1a1: {  	v16 =	vnsel vm0, $0x0, v13;
	v13 =	vld [tilespmem:s28+$0x4030]  }
0x1a2: {  	vm1 =	vlt.s32 v20, $0x1000;
	vm0 =	vgt.s32 v20, v3;
	v16 =	vadd.f32 v16, v14;
	v14 =	vld [tilespmem:s28+$0x4020]  }
0x1a3: {  	vm0 =	vmand vm0, vm1;
	vm1 =	vgt.s32 v21, v3;
	vm2 =	vlt.s32 v21, $0x1000;
	v23 =	vld [tilespmem:s28+$0x4010]  }
0x1a4: {  	v12 =	vnsel vm0, $0x0, v12;
	vm0 =	vmand vm1, vm2;
	v21 =	vld [tilespmem:s28+$0x4000]  }
0x1a5: {  	v12 =	vadd.f32 v12, v16;
	vm1 =	vlt.s32 v24, $0x1000;
	vm2 =	vgt.s32 v15, v3  }
0x1a6: {  	v10 =	vnsel vm0, $0x0, v10;
	v16 =	vmul.f32 $1.035630630e+06, v7;
	v17 =	vmul.f32 $1.035630630e+06, v5  }
0x1a7: {  	v10 =	vadd.f32 v10, v12;
	v12 =	vmul.f32 $1.035630630e+06, v11;
	v18 =	vmul.f32 $1.035630630e+06, v9  }
0x1a8: {  	vm3 =	vlt.s32 v15, $0x1000;
	v19 =	vmul.f32 $1.035630630e+06, v14;
	v20 =	vmul.f32 $1.035630630e+06, v13  }
0x1a9: {  	vm0 =	vgt.s32 v24, v3;
	v15 =	vmul.f32 $1.035630630e+06, v21;
	v22 =	vmul.f32 $1.035630630e+06, v23  }
0x1aa: {  	vm0 =	vmand vm0, vm1;
	v16 =	vtrunc.f32 v16;
	v17 =	vtrunc.f32 v17  }
0x1ab: {  	v8 =	vnsel vm0, $0x0, v8;
	v12 =	vtrunc.f32 v12;
	v18 =	vtrunc.f32 v18  }
0x1ac: {  	vm0 =	vmand vm2, vm3;
	v63 =	vtrunc.f32 v19;
	v20 =	vtrunc.f32 v20  }
0x1ad: {  	v8 =	vadd.f32 v8, v10;
	v10 =	vtrunc.f32 v15;
	v22 =	vtrunc.f32 v22  }
0x1ae: {  	v19 =	vnsel vm0, $0x0, v6;
	v15 =	vcvt.f32.s32 v10;
	v6 =	vcvt.f32.s32 v16  }
0x1af: {  	v25 =	vadd.f32 v19, v8;
	v10 =	vcvt.f32.s32 v18;
	v8 =	vcvt.f32.s32 v17  }
0x1b0: {  	v17 =	vcvt.f32.s32 v22;
	v12 =	vcvt.f32.s32 v12;
	v19 =	vshra.s32 v15, $0xC  }
0x1b1: {  	v16 =	vcvt.f32.s32 v20;
	vm0 =	vgt.s32 v19, v3;
	vm1 =	vlt.s32 v19, $0x1000  }
0x1b2: {  	v18 =	vcvt.f32.s32 v63;
	v20 =	vshra.s32 v17, $0xC;
	vm0 =	vmand vm0, vm1  }
0x1b3: {  	vm1 =	vlt.s32 v20, $0x1000;
	v21 =	vnsel vm0, $0x0, v21;
	vm0 =	vgt.s32 v20, v3  }
0x1b4: {  	v22 =	vadd.f32 v21, v25;
	vm0 =	vmand vm0, vm1;
	v21 =	vshra.s32 v18, $0xC  }
0x1b5: {  	s28 =	simm.s32 $0x0;
	v23 =	vnsel vm0, $0x0, v23;
	vm0 =	vgt.s32 v21, v3;
	vm1 =	vlt.s32 v21, $0x1000  }
.LBB2_14:
0x1b6: {  	s28 =	sadd.s32 $0x8, s28;
	v22 =	vadd.f32 v23, v22;
	vm0 =	vmand vm0, vm1;
	v23 =	vshra.s32 v16, $0xC  }
0x1b7: {  	s26 =	sadd.s32 $0x400, s26;
	s29 =	sshll.u32 s28, $0x4;
	p0 =	slt.u32 s28, $0x3F8;
	v14 =	vnsel vm0, $0x0, v14;
	vm0 =	vgt.s32 v23, v3;
	vm1 =	vlt.s32 v23, $0x1000  }
0x1b8: {  	s30 =	sand.u32 $0xC00, s26;
	s31 =	sshll.u32 s28, $0x2;
	s29 =	sand.u32 $0x3000, s29;
	v14 =	vadd.f32 v14, v22;
	vm0 =	vmand vm0, vm1;
	v22 =	vshra.s32 v12, $0xC  }
0x1b9: {  	s31 =	sand.u32 $0x380, s31;
	s29 =	sor.u32 s30, s29;
	v13 =	vnsel vm0, $0x0, v13;
	vm0 =	vgt.s32 v22, v3;
	vm1 =	vlt.s32 v22, $0x1000  }
0x1ba: {  	v24 =	vshra.s32 v10, $0xC;
	s29 =	sor.u32 s31, s29;
	v13 =	vadd.f32 v13, v14;
	vm0 =	vmand vm0, vm1  }
0x1bb: {  	vm1 =	vlt.s32 v24, $0x1000;
	v25 =	vld [tilespmem:s29+$0x4060];
	v11 =	vnsel vm0, $0x0, v11;
	vm0 =	vgt.s32 v24, v3  }
0x1bc: {  	v27 =	vshra.s32 v6, $0xC;
	v26 =	vld [tilespmem:s29+$0x4070];
	v13 =	vadd.f32 v11, v13;
	vm0 =	vmand vm0, vm1  }
0x1bd: {  	vm1 =	vlt.s32 v27, $0x1000;
	v14 =	vnsel vm0, $0x0, v9;
	v9 =	vld [tilespmem:s29+$0x4050];
	vm0 =	vgt.s32 v27, v3  }
0x1be: {  	v29 =	vshra.s32 v8, $0xC;
	v11 =	vld [tilespmem:s29+$0x4040];
	v28 =	vadd.f32 v14, v13;
	vm0 =	vmand vm0, vm1  }
0x1bf: {  	vm1 =	vlt.s32 v29, $0x1000;
	v13 =	vld [tilespmem:s29+$0x4030];
	v30 =	vnsel vm0, $0x0, v7;
	vm0 =	vgt.s32 v29, v3  }
0x1c0: {  	vm6 =	veq.s32 v19, v3;
	v14 =	vld [tilespmem:s29+$0x4020];
	v19 =	vadd.f32 v30, v28;
	vm0 =	vmand vm0, vm1;
	v7 =	vmovc v25  }
0x1c1: {  	vm7 =	veq.s32 v20, v3;
	vm4 =	veq.s32 v21, v3;
	v25 =	vld [tilespmem:s29+$0x4010];
	v20 =	vnsel vm0, $0x0, v5;
	v5 =	vmovc v26  }
0x1c2: {  	vm5 =	veq.s32 v23, v3;
	vm3 =	veq.s32 v22, v3;
	v21 =	vld [tilespmem:s29+$0x4000];
	v22 =	vadd.f32 v20, v19  }
0x1c3: {  	vm2 =	veq.s32 v24, v3;
	vm1 =	veq.s32 v27, v3;
	vm0 =	veq.s32 v29, v3  }
0x1c4: {  	v15 =	vadd.s32 v15, v4;
	v19 =	vmul.f32 $1.035630630e+06, v7;
	v20 =	vmul.f32 $1.035630630e+06, v5  }
0x1c5: {  	v17 =	vadd.s32 v17, v4;
	v24 =	vmul.f32 $1.035630630e+06, v9;
	v23 =	vmul.f32 $1.035630630e+06, v11  }
0x1c6: {  	v18 =	vadd.s32 v18, v4;
	v27 =	vmul.f32 $1.035630630e+06, v13;
	v26 =	vmul.f32 $1.035630630e+06, v14  }
0x1c7: {  	v16 =	vadd.s32 v16, v4;
	v29 =	vmul.f32 $1.035630630e+06, v25;
	v28 =	vmul.f32 $1.035630630e+06, v21  }
0x1c8: {  	v12 =	vadd.s32 v12, v4;
	v19 =	vtrunc.f32 v19;
	v20 =	vtrunc.f32 v20  }
0x1c9: {  	v30 =	vadd.s32 v10, v4;
	v24 =	vtrunc.f32 v24;
	v23 =	vtrunc.f32 v23;
	[tilespmem:v15+s19+$0x0] =	vst.idx.add.s32.msk vm6, v2  }
0x1ca: {  	v31 =	vadd.s32 v6, v4;
	v27 =	vtrunc.f32 v27;
	v26 =	vtrunc.f32 v26;
	[tilespmem:v17+s19+$0x0] =	vst.idx.add.s32.msk vm7, v2  }
0x1cb: {  	v6 =	vtrunc.f32 v28;
	v28 =	vadd.s32 v8, v4;
	v17 =	vtrunc.f32 v29;
	[tilespmem:v18+s19+$0x0] =	vst.idx.add.s32.msk vm4, v2  }
0x1cc: {  	v15 =	vcvt.f32.s32 v6;
	v6 =	vcvt.f32.s32 v19;
	[tilespmem:v16+s19+$0x0] =	vst.idx.add.s32.msk vm5, v2  }
0x1cd: {  	v10 =	vcvt.f32.s32 v24;
	v8 =	vcvt.f32.s32 v20;
	[tilespmem:v12+s19+$0x0] =	vst.idx.add.s32.msk vm3, v2  }
0x1ce: {  	v17 =	vcvt.f32.s32 v17;
	v19 =	vshra.s32 v15, $0xC;
	v12 =	vcvt.f32.s32 v23;
	[tilespmem:v30+s19+$0x0] =	vst.idx.add.s32.msk vm2, v2  }
.Ltmp6:
0x1cf: {  	v16 =	vcvt.f32.s32 v27;
	vm3 =	vlt.s32 v19, $0x1000;
	vm2 =	vgt.s32 v19, v3;
	[tilespmem:v31+s19+$0x0] =	vst.idx.add.s32.msk vm1, v2;
	(pc) =	sbr.rel @p0 .LBB2_14-.Ltmp6, $4  }
0x1d0: {  	v18 =	vcvt.f32.s32 v26;
	v20 =	vshra.s32 v17, $0xC;
	vm1 =	vmand vm2, vm3;
	[tilespmem:v28+s19+$0x0] =	vst.idx.add.s32.msk vm0, v2  }
0x1d1: {  	v21 =	vnsel vm1, $0x0, v21;
	vm0 =	vgt.s32 v20, v3;
	vm1 =	vlt.s32 v20, $0x1000  }
0x1d2: {  	v22 =	vadd.f32 v21, v22;
	vm0 =	vmand vm0, vm1;
	v21 =	vshra.s32 v18, $0xC  }
0x1d3: {  	v23 =	vnsel vm0, $0x0, v25;
	vm0 =	vgt.s32 v21, v3;
	vm1 =	vlt.s32 v21, $0x1000  }
0x1d4: {  	vm2 =	veq.s32 v19, v3  }
0x1d5: {  	vm3 =	veq.s32 v20, v3;
	v15 =	vadd.s32 v15, v4  }
0x1d6: {  	v19 =	vshra.s32 v16, $0xC;
	vm4 =	veq.s32 v21, v3;
	v17 =	vadd.s32 v17, v4  }
0x1d7: {  	v20 =	vshra.s32 v12, $0xC;
	v18 =	vadd.s32 v18, v4;
	vm5 =	veq.s32 v19, v3  }
0x1d8: {  	v21 =	vshra.s32 v10, $0xC;
	v16 =	vadd.s32 v16, v4;
	vm6 =	veq.s32 v20, v3  }
0x1d9: {  	v24 =	vshra.s32 v6, $0xC;
	v12 =	vadd.s32 v12, v4;
	vm7 =	veq.s32 v21, v3  }
0x1da: {  	v10 =	vadd.s32 v10, v4;
	[tilespmem:v15+s19+$0x0] =	vst.idx.add.s32.msk vm2, v2;
	v15 =	vshra.s32 v8, $0xC;
	vm2 =	veq.s32 v24, v3  }
0x1db: {  	v6 =	vadd.s32 v6, v4;
	[tilespmem:v17+s19+$0x0] =	vst.idx.add.s32.msk vm3, v2;
	vm3 =	veq.s32 v15, v3  }
0x1dc: {  	[tilespmem:v18+s19+$0x0] =	vst.idx.add.s32.msk vm4, v2;
	v8 =	vadd.s32 v8, v4  }
0x1dd: {  	[tilespmem:v16+s19+$0x0] =	vst.idx.add.s32.msk vm5, v2  }
0x1de: {  	[tilespmem:v12+s19+$0x0] =	vst.idx.add.s32.msk vm6, v2  }
0x1df: {  	[tilespmem:v10+s19+$0x0] =	vst.idx.add.s32.msk vm7, v2  }
0x1e0: {  	[tilespmem:v6+s19+$0x0] =	vst.idx.add.s32.msk vm2, v2  }
0x1e1: {  	s26 =	simm.s32 $0x0;
	s28 =	simm.s32 $0x0;
	s30 =	simm.s32 $0x0;
	[tilespmem:v8+s19+$0x0] =	vst.idx.add.s32.msk vm3, v2  }
0x1e2: {  	[tilespmem:s18], [sflag:$0x2] =	stream.linear.gather [hbm4b:s12+s26], $0x4000, $0x38;
	[tilespmem:$0x19580] =	vst v63  }
0x1e3: {  	s28 =	sand.u32 $0x3000, s28;
	s29 =	sand.u32 $0xC00, s26;
	_ =	swait.ge [sflag:s5], $0x4000  }
0x1e4: {  	s30 =	sand.u32 $0x380, s30;
	s28 =	sor.u32 s29, s28;
	[sflag:s5] =	ssyncset.done $0x0  }
0x1e5: {  	s28 =	sor.u32 s30, s28;
	[sflag:s5] =	ssyncadd.s32 $0xFFFFC000  }
0x1e6: {  	v8 =	vld [tilespmem:s28+$0x60]  }
0x1e7: {  	vm0 =	vmand vm0, vm1;
	v12 =	vadd.f32 v23, v22;
	v6 =	vld [tilespmem:s28+$0x70]  }
0x1e8: {  	v14 =	vnsel vm0, $0x0, v14;
	vm0 =	vgt.s32 v19, v3;
	vm1 =	vlt.s32 v19, $0x1000;
	v10 =	vld [tilespmem:s28+$0x50]  }
0x1e9: {  	vm0 =	vmand vm0, vm1;
	v14 =	vadd.f32 v14, v12;
	v12 =	vld [tilespmem:s28+$0x40]  }
0x1ea: {  	v16 =	vnsel vm0, $0x0, v13;
	v13 =	vld [tilespmem:s28+$0x30]  }
0x1eb: {  	vm1 =	vlt.s32 v20, $0x1000;
	vm0 =	vgt.s32 v20, v3;
	v16 =	vadd.f32 v16, v14;
	v14 =	vld [tilespmem:s28+$0x20]  }
0x1ec: {  	vm0 =	vmand vm0, vm1;
	vm1 =	vgt.s32 v21, v3;
	vm2 =	vlt.s32 v21, $0x1000;
	v23 =	vld [tilespmem:s28+$0x10]  }
0x1ed: {  	v11 =	vnsel vm0, $0x0, v11;
	vm0 =	vmand vm1, vm2;
	v21 =	vld [tilespmem:s28+$0x0]  }
0x1ee: {  	v11 =	vadd.f32 v11, v16;
	vm1 =	vlt.s32 v24, $0x1000;
	vm2 =	vgt.s32 v15, v3  }
0x1ef: {  	v9 =	vnsel vm0, $0x0, v9;
	v16 =	vmul.f32 $1.035630630e+06, v8;
	v17 =	vmul.f32 $1.035630630e+06, v6  }
0x1f0: {  	v9 =	vadd.f32 v9, v11;
	v11 =	vmul.f32 $1.035630630e+06, v12;
	v18 =	vmul.f32 $1.035630630e+06, v10  }
0x1f1: {  	vm3 =	vlt.s32 v15, $0x1000;
	v19 =	vmul.f32 $1.035630630e+06, v14;
	v20 =	vmul.f32 $1.035630630e+06, v13  }
0x1f2: {  	vm0 =	vgt.s32 v24, v3;
	v15 =	vmul.f32 $1.035630630e+06, v21;
	v22 =	vmul.f32 $1.035630630e+06, v23  }
0x1f3: {  	vm0 =	vmand vm0, vm1;
	v16 =	vtrunc.f32 v16;
	v17 =	vtrunc.f32 v17  }
0x1f4: {  	v7 =	vnsel vm0, $0x0, v7;
	v11 =	vtrunc.f32 v11;
	v18 =	vtrunc.f32 v18  }
0x1f5: {  	vm0 =	vmand vm2, vm3;
	v63 =	vtrunc.f32 v19;
	v20 =	vtrunc.f32 v20  }
0x1f6: {  	v7 =	vadd.f32 v7, v9;
	v9 =	vtrunc.f32 v15;
	v22 =	vtrunc.f32 v22  }
0x1f7: {  	v19 =	vnsel vm0, $0x0, v5;
	v15 =	vcvt.f32.s32 v9;
	v5 =	vcvt.f32.s32 v16  }
0x1f8: {  	v25 =	vadd.f32 v19, v7;
	v9 =	vcvt.f32.s32 v18;
	v7 =	vcvt.f32.s32 v17  }
0x1f9: {  	v17 =	vcvt.f32.s32 v22;
	v11 =	vcvt.f32.s32 v11;
	v19 =	vshra.s32 v15, $0xC  }
0x1fa: {  	v16 =	vcvt.f32.s32 v20;
	vm0 =	vgt.s32 v19, v3;
	vm1 =	vlt.s32 v19, $0x1000  }
0x1fb: {  	v18 =	vcvt.f32.s32 v63;
	v20 =	vshra.s32 v17, $0xC;
	vm0 =	vmand vm0, vm1  }
0x1fc: {  	vm1 =	vlt.s32 v20, $0x1000;
	v21 =	vnsel vm0, $0x0, v21;
	vm0 =	vgt.s32 v20, v3  }
0x1fd: {  	v22 =	vadd.f32 v21, v25;
	vm0 =	vmand vm0, vm1;
	v21 =	vshra.s32 v18, $0xC  }
0x1fe: {  	s28 =	simm.s32 $0x0;
	v23 =	vnsel vm0, $0x0, v23;
	vm0 =	vgt.s32 v21, v3;
	vm1 =	vlt.s32 v21, $0x1000  }
.LBB2_16:
0x1ff: {  	s28 =	sadd.s32 $0x8, s28;
	v22 =	vadd.f32 v23, v22;
	vm0 =	vmand vm0, vm1;
	v23 =	vshra.s32 v16, $0xC  }
0x200: {  	s26 =	sadd.s32 $0x400, s26;
	s29 =	sshll.u32 s28, $0x4;
	p0 =	slt.u32 s28, $0x3F8;
	v14 =	vnsel vm0, $0x0, v14;
	vm0 =	vgt.s32 v23, v3;
	vm1 =	vlt.s32 v23, $0x1000  }
0x201: {  	s30 =	sand.u32 $0xC00, s26;
	s31 =	sshll.u32 s28, $0x2;
	s29 =	sand.u32 $0x3000, s29;
	v14 =	vadd.f32 v14, v22;
	vm0 =	vmand vm0, vm1;
	v22 =	vshra.s32 v11, $0xC  }
0x202: {  	s31 =	sand.u32 $0x380, s31;
	s29 =	sor.u32 s30, s29;
	v13 =	vnsel vm0, $0x0, v13;
	vm0 =	vgt.s32 v22, v3;
	vm1 =	vlt.s32 v22, $0x1000  }
0x203: {  	v24 =	vshra.s32 v9, $0xC;
	s29 =	sor.u32 s31, s29;
	v13 =	vadd.f32 v13, v14;
	vm0 =	vmand vm0, vm1  }
0x204: {  	vm1 =	vlt.s32 v24, $0x1000;
	v25 =	vld [tilespmem:s29+$0x60];
	v12 =	vnsel vm0, $0x0, v12;
	vm0 =	vgt.s32 v24, v3  }
0x205: {  	v27 =	vshra.s32 v5, $0xC;
	v26 =	vld [tilespmem:s29+$0x70];
	v13 =	vadd.f32 v12, v13;
	vm0 =	vmand vm0, vm1  }
0x206: {  	vm1 =	vlt.s32 v27, $0x1000;
	v14 =	vnsel vm0, $0x0, v10;
	v10 =	vld [tilespmem:s29+$0x50];
	vm0 =	vgt.s32 v27, v3  }
0x207: {  	v29 =	vshra.s32 v7, $0xC;
	v12 =	vld [tilespmem:s29+$0x40];
	v28 =	vadd.f32 v14, v13;
	vm0 =	vmand vm0, vm1  }
0x208: {  	vm1 =	vlt.s32 v29, $0x1000;
	v13 =	vld [tilespmem:s29+$0x30];
	v30 =	vnsel vm0, $0x0, v8;
	vm0 =	vgt.s32 v29, v3  }
0x209: {  	vm6 =	veq.s32 v19, v3;
	v14 =	vld [tilespmem:s29+$0x20];
	v19 =	vadd.f32 v30, v28;
	vm0 =	vmand vm0, vm1;
	v8 =	vmovc v25  }
0x20a: {  	vm7 =	veq.s32 v20, v3;
	vm4 =	veq.s32 v21, v3;
	v25 =	vld [tilespmem:s29+$0x10];
	v20 =	vnsel vm0, $0x0, v6;
	v6 =	vmovc v26  }
0x20b: {  	vm5 =	veq.s32 v23, v3;
	vm3 =	veq.s32 v22, v3;
	v21 =	vld [tilespmem:s29+$0x0];
	v22 =	vadd.f32 v20, v19  }
0x20c: {  	vm2 =	veq.s32 v24, v3;
	vm1 =	veq.s32 v27, v3;
	vm0 =	veq.s32 v29, v3  }
0x20d: {  	v15 =	vadd.s32 v15, v4;
	v19 =	vmul.f32 $1.035630630e+06, v8;
	v20 =	vmul.f32 $1.035630630e+06, v6  }
0x20e: {  	v17 =	vadd.s32 v17, v4;
	v24 =	vmul.f32 $1.035630630e+06, v10;
	v23 =	vmul.f32 $1.035630630e+06, v12  }
0x20f: {  	v18 =	vadd.s32 v18, v4;
	v27 =	vmul.f32 $1.035630630e+06, v13;
	v26 =	vmul.f32 $1.035630630e+06, v14  }
0x210: {  	v16 =	vadd.s32 v16, v4;
	v29 =	vmul.f32 $1.035630630e+06, v25;
	v28 =	vmul.f32 $1.035630630e+06, v21  }
0x211: {  	v11 =	vadd.s32 v11, v4;
	v19 =	vtrunc.f32 v19;
	v20 =	vtrunc.f32 v20  }
0x212: {  	v30 =	vadd.s32 v9, v4;
	v24 =	vtrunc.f32 v24;
	v23 =	vtrunc.f32 v23;
	[tilespmem:v15+s19+$0x0] =	vst.idx.add.s32.msk vm6, v2  }
0x213: {  	v31 =	vadd.s32 v5, v4;
	v27 =	vtrunc.f32 v27;
	v26 =	vtrunc.f32 v26;
	[tilespmem:v17+s19+$0x0] =	vst.idx.add.s32.msk vm7, v2  }
0x214: {  	v5 =	vtrunc.f32 v28;
	v28 =	vadd.s32 v7, v4;
	v17 =	vtrunc.f32 v29;
	[tilespmem:v18+s19+$0x0] =	vst.idx.add.s32.msk vm4, v2  }
0x215: {  	v15 =	vcvt.f32.s32 v5;
	v5 =	vcvt.f32.s32 v19;
	[tilespmem:v16+s19+$0x0] =	vst.idx.add.s32.msk vm5, v2  }
0x216: {  	v9 =	vcvt.f32.s32 v24;
	v7 =	vcvt.f32.s32 v20;
	[tilespmem:v11+s19+$0x0] =	vst.idx.add.s32.msk vm3, v2  }
0x217: {  	v17 =	vcvt.f32.s32 v17;
	v19 =	vshra.s32 v15, $0xC;
	v11 =	vcvt.f32.s32 v23;
	[tilespmem:v30+s19+$0x0] =	vst.idx.add.s32.msk vm2, v2  }
.Ltmp7:
0x218: {  	v16 =	vcvt.f32.s32 v27;
	vm3 =	vlt.s32 v19, $0x1000;
	vm2 =	vgt.s32 v19, v3;
	[tilespmem:v31+s19+$0x0] =	vst.idx.add.s32.msk vm1, v2;
	(pc) =	sbr.rel @p0 .LBB2_16-.Ltmp7, $4  }
0x219: {  	v18 =	vcvt.f32.s32 v26;
	v20 =	vshra.s32 v17, $0xC;
	vm1 =	vmand vm2, vm3;
	[tilespmem:v28+s19+$0x0] =	vst.idx.add.s32.msk vm0, v2  }
0x21a: {  	v21 =	vnsel vm1, $0x0, v21;
	vm0 =	vgt.s32 v20, v3;
	vm1 =	vlt.s32 v20, $0x1000  }
0x21b: {  	v22 =	vadd.f32 v21, v22;
	vm0 =	vmand vm0, vm1;
	v21 =	vshra.s32 v18, $0xC  }
0x21c: {  	v23 =	vnsel vm0, $0x0, v25;
	vm0 =	vgt.s32 v21, v3;
	vm1 =	vlt.s32 v21, $0x1000  }
0x21d: {  	vm2 =	veq.s32 v19, v3  }
0x21e: {  	vm3 =	veq.s32 v20, v3;
	v15 =	vadd.s32 v15, v4  }
0x21f: {  	v19 =	vshra.s32 v16, $0xC;
	vm4 =	veq.s32 v21, v3;
	v17 =	vadd.s32 v17, v4  }
0x220: {  	v20 =	vshra.s32 v11, $0xC;
	v18 =	vadd.s32 v18, v4;
	vm5 =	veq.s32 v19, v3  }
0x221: {  	v21 =	vshra.s32 v9, $0xC;
	v16 =	vadd.s32 v16, v4;
	vm6 =	veq.s32 v20, v3  }
0x222: {  	v24 =	vshra.s32 v5, $0xC;
	v11 =	vadd.s32 v11, v4;
	vm7 =	veq.s32 v21, v3  }
0x223: {  	v9 =	vadd.s32 v9, v4;
	[tilespmem:v15+s19+$0x0] =	vst.idx.add.s32.msk vm2, v2;
	v15 =	vshra.s32 v7, $0xC;
	vm2 =	veq.s32 v24, v3  }
0x224: {  	v5 =	vadd.s32 v5, v4;
	[tilespmem:v17+s19+$0x0] =	vst.idx.add.s32.msk vm3, v2;
	vm3 =	veq.s32 v15, v3  }
0x225: {  	[tilespmem:v18+s19+$0x0] =	vst.idx.add.s32.msk vm4, v2;
	v7 =	vadd.s32 v7, v4  }
0x226: {  	[tilespmem:v16+s19+$0x0] =	vst.idx.add.s32.msk vm5, v2  }
0x227: {  	[tilespmem:v11+s19+$0x0] =	vst.idx.add.s32.msk vm6, v2  }
0x228: {  	[tilespmem:v9+s19+$0x0] =	vst.idx.add.s32.msk vm7, v2  }
0x229: {  	[tilespmem:v5+s19+$0x0] =	vst.idx.add.s32.msk vm2, v2  }
0x22a: {  	s26 =	simm.s32 $0x0;
	s28 =	simm.s32 $0x0;
	s30 =	simm.s32 $0x0;
	[tilespmem:v7+s19+$0x0] =	vst.idx.add.s32.msk vm3, v2  }
0x22b: {  	s28 =	sand.u32 $0x3000, s28;
	s29 =	sand.u32 $0xC00, s26;
	_ =	swait.ge [sflag:s20], $0x4000  }
0x22c: {  	s30 =	sand.u32 $0x380, s30;
	s28 =	sor.u32 s29, s28;
	[sflag:s20] =	ssyncset.done $0x0  }
0x22d: {  	s28 =	sor.u32 s30, s28;
	[sflag:s20] =	ssyncadd.s32 $0xFFFFC000  }
0x22e: {  	v7 =	vld [tilespmem:s28+$0x4060]  }
0x22f: {  	vm0 =	vmand vm0, vm1;
	v11 =	vadd.f32 v23, v22;
	v5 =	vld [tilespmem:s28+$0x4070]  }
0x230: {  	v14 =	vnsel vm0, $0x0, v14;
	vm0 =	vgt.s32 v19, v3;
	vm1 =	vlt.s32 v19, $0x1000;
	v9 =	vld [tilespmem:s28+$0x4050]  }
0x231: {  	vm0 =	vmand vm0, vm1;
	v14 =	vadd.f32 v14, v11;
	v11 =	vld [tilespmem:s28+$0x4040]  }
0x232: {  	v16 =	vnsel vm0, $0x0, v13;
	v13 =	vld [tilespmem:s28+$0x4030]  }
0x233: {  	vm1 =	vlt.s32 v20, $0x1000;
	vm0 =	vgt.s32 v20, v3;
	v16 =	vadd.f32 v16, v14;
	v14 =	vld [tilespmem:s28+$0x4020]  }
0x234: {  	vm0 =	vmand vm0, vm1;
	vm1 =	vgt.s32 v21, v3;
	vm2 =	vlt.s32 v21, $0x1000;
	v23 =	vld [tilespmem:s28+$0x4010]  }
0x235: {  	v12 =	vnsel vm0, $0x0, v12;
	vm0 =	vmand vm1, vm2;
	v21 =	vld [tilespmem:s28+$0x4000]  }
0x236: {  	v12 =	vadd.f32 v12, v16;
	vm1 =	vlt.s32 v24, $0x1000;
	vm2 =	vgt.s32 v15, v3  }
0x237: {  	v10 =	vnsel vm0, $0x0, v10;
	v16 =	vmul.f32 $1.035630630e+06, v7;
	v17 =	vmul.f32 $1.035630630e+06, v5  }
0x238: {  	v10 =	vadd.f32 v10, v12;
	v12 =	vmul.f32 $1.035630630e+06, v11;
	v18 =	vmul.f32 $1.035630630e+06, v9  }
0x239: {  	vm3 =	vlt.s32 v15, $0x1000;
	v19 =	vmul.f32 $1.035630630e+06, v14;
	v20 =	vmul.f32 $1.035630630e+06, v13  }
0x23a: {  	vm0 =	vgt.s32 v24, v3;
	v15 =	vmul.f32 $1.035630630e+06, v21;
	v22 =	vmul.f32 $1.035630630e+06, v23  }
0x23b: {  	vm0 =	vmand vm0, vm1;
	v16 =	vtrunc.f32 v16;
	v17 =	vtrunc.f32 v17  }
0x23c: {  	v8 =	vnsel vm0, $0x0, v8;
	v12 =	vtrunc.f32 v12;
	v18 =	vtrunc.f32 v18  }
0x23d: {  	vm0 =	vmand vm2, vm3;
	v63 =	vtrunc.f32 v19;
	v20 =	vtrunc.f32 v20  }
0x23e: {  	v10 =	vadd.f32 v8, v10;
	v8 =	vtrunc.f32 v15;
	v22 =	vtrunc.f32 v22  }
0x23f: {  	v6 =	vnsel vm0, $0x0, v6;
	v15 =	vcvt.f32.s32 v8;
	v8 =	vcvt.f32.s32 v16  }
0x240: {  	v25 =	vadd.f32 v6, v10;
	v10 =	vcvt.f32.s32 v18;
	v6 =	vcvt.f32.s32 v17  }
0x241: {  	v17 =	vcvt.f32.s32 v22;
	v12 =	vcvt.f32.s32 v12;
	v19 =	vshra.s32 v15, $0xC  }
0x242: {  	v16 =	vcvt.f32.s32 v20;
	vm0 =	vgt.s32 v19, v3;
	vm1 =	vlt.s32 v19, $0x1000  }
0x243: {  	v18 =	vcvt.f32.s32 v63;
	v20 =	vshra.s32 v17, $0xC;
	vm0 =	vmand vm0, vm1  }
0x244: {  	vm1 =	vlt.s32 v20, $0x1000;
	v21 =	vnsel vm0, $0x0, v21;
	vm0 =	vgt.s32 v20, v3  }
0x245: {  	v22 =	vadd.f32 v21, v25;
	vm0 =	vmand vm0, vm1;
	v21 =	vshra.s32 v18, $0xC  }
0x246: {  	s28 =	simm.s32 $0x0;
	v23 =	vnsel vm0, $0x0, v23;
	vm0 =	vgt.s32 v21, v3;
	vm1 =	vlt.s32 v21, $0x1000  }
.LBB2_18:
0x247: {  	s28 =	sadd.s32 $0x8, s28;
	v22 =	vadd.f32 v23, v22;
	vm0 =	vmand vm0, vm1;
	v23 =	vshra.s32 v16, $0xC  }
0x248: {  	s26 =	sadd.s32 $0x400, s26;
	s29 =	sshll.u32 s28, $0x4;
	p0 =	slt.u32 s28, $0x3F8;
	v14 =	vnsel vm0, $0x0, v14;
	vm0 =	vgt.s32 v23, v3;
	vm1 =	vlt.s32 v23, $0x1000  }
0x249: {  	s30 =	sand.u32 $0xC00, s26;
	s31 =	sshll.u32 s28, $0x2;
	s29 =	sand.u32 $0x3000, s29;
	v14 =	vadd.f32 v14, v22;
	vm0 =	vmand vm0, vm1;
	v22 =	vshra.s32 v12, $0xC  }
0x24a: {  	s31 =	sand.u32 $0x380, s31;
	s29 =	sor.u32 s30, s29;
	v13 =	vnsel vm0, $0x0, v13;
	vm0 =	vgt.s32 v22, v3;
	vm1 =	vlt.s32 v22, $0x1000  }
0x24b: {  	v24 =	vshra.s32 v10, $0xC;
	s29 =	sor.u32 s31, s29;
	v13 =	vadd.f32 v13, v14;
	vm0 =	vmand vm0, vm1  }
0x24c: {  	vm1 =	vlt.s32 v24, $0x1000;
	v25 =	vld [tilespmem:s29+$0x4060];
	v11 =	vnsel vm0, $0x0, v11;
	vm0 =	vgt.s32 v24, v3  }
0x24d: {  	v27 =	vshra.s32 v8, $0xC;
	v26 =	vld [tilespmem:s29+$0x4070];
	v13 =	vadd.f32 v11, v13;
	vm0 =	vmand vm0, vm1  }
0x24e: {  	vm1 =	vlt.s32 v27, $0x1000;
	v14 =	vnsel vm0, $0x0, v9;
	v9 =	vld [tilespmem:s29+$0x4050];
	vm0 =	vgt.s32 v27, v3  }
0x24f: {  	v29 =	vshra.s32 v6, $0xC;
	v11 =	vld [tilespmem:s29+$0x4040];
	v28 =	vadd.f32 v14, v13;
	vm0 =	vmand vm0, vm1  }
0x250: {  	vm1 =	vlt.s32 v29, $0x1000;
	v13 =	vld [tilespmem:s29+$0x4030];
	v30 =	vnsel vm0, $0x0, v7;
	vm0 =	vgt.s32 v29, v3  }
0x251: {  	vm6 =	veq.s32 v19, v3;
	v14 =	vld [tilespmem:s29+$0x4020];
	v19 =	vadd.f32 v30, v28;
	vm0 =	vmand vm0, vm1;
	v7 =	vmovc v25  }
0x252: {  	vm7 =	veq.s32 v20, v3;
	vm4 =	veq.s32 v21, v3;
	v25 =	vld [tilespmem:s29+$0x4010];
	v20 =	vnsel vm0, $0x0, v5;
	v5 =	vmovc v26  }
0x253: {  	vm5 =	veq.s32 v23, v3;
	vm3 =	veq.s32 v22, v3;
	v21 =	vld [tilespmem:s29+$0x4000];
	v22 =	vadd.f32 v20, v19  }
0x254: {  	vm2 =	veq.s32 v24, v3;
	vm1 =	veq.s32 v27, v3;
	vm0 =	veq.s32 v29, v3  }
0x255: {  	v15 =	vadd.s32 v15, v4;
	v19 =	vmul.f32 $1.035630630e+06, v7;
	v20 =	vmul.f32 $1.035630630e+06, v5  }
0x256: {  	v17 =	vadd.s32 v17, v4;
	v24 =	vmul.f32 $1.035630630e+06, v9;
	v23 =	vmul.f32 $1.035630630e+06, v11  }
0x257: {  	v18 =	vadd.s32 v18, v4;
	v27 =	vmul.f32 $1.035630630e+06, v13;
	v26 =	vmul.f32 $1.035630630e+06, v14  }
0x258: {  	v16 =	vadd.s32 v16, v4;
	v29 =	vmul.f32 $1.035630630e+06, v25;
	v28 =	vmul.f32 $1.035630630e+06, v21  }
0x259: {  	v12 =	vadd.s32 v12, v4;
	v19 =	vtrunc.f32 v19;
	v20 =	vtrunc.f32 v20  }
0x25a: {  	v30 =	vadd.s32 v10, v4;
	v24 =	vtrunc.f32 v24;
	v23 =	vtrunc.f32 v23;
	[tilespmem:v15+s19+$0x0] =	vst.idx.add.s32.msk vm6, v2  }
0x25b: {  	v31 =	vadd.s32 v8, v4;
	v27 =	vtrunc.f32 v27;
	v26 =	vtrunc.f32 v26;
	[tilespmem:v17+s19+$0x0] =	vst.idx.add.s32.msk vm7, v2  }
0x25c: {  	v8 =	vtrunc.f32 v28;
	v28 =	vadd.s32 v6, v4;
	v17 =	vtrunc.f32 v29;
	[tilespmem:v18+s19+$0x0] =	vst.idx.add.s32.msk vm4, v2  }
0x25d: {  	v15 =	vcvt.f32.s32 v8;
	v8 =	vcvt.f32.s32 v19;
	[tilespmem:v16+s19+$0x0] =	vst.idx.add.s32.msk vm5, v2  }
0x25e: {  	v10 =	vcvt.f32.s32 v24;
	v6 =	vcvt.f32.s32 v20;
	[tilespmem:v12+s19+$0x0] =	vst.idx.add.s32.msk vm3, v2  }
0x25f: {  	v17 =	vcvt.f32.s32 v17;
	v19 =	vshra.s32 v15, $0xC;
	v12 =	vcvt.f32.s32 v23;
	[tilespmem:v30+s19+$0x0] =	vst.idx.add.s32.msk vm2, v2  }
.Ltmp8:
0x260: {  	v16 =	vcvt.f32.s32 v27;
	vm3 =	vlt.s32 v19, $0x1000;
	vm2 =	vgt.s32 v19, v3;
	[tilespmem:v31+s19+$0x0] =	vst.idx.add.s32.msk vm1, v2;
	(pc) =	sbr.rel @p0 .LBB2_18-.Ltmp8, $4  }
0x261: {  	v18 =	vcvt.f32.s32 v26;
	v20 =	vshra.s32 v17, $0xC;
	vm1 =	vmand vm2, vm3;
	[tilespmem:v28+s19+$0x0] =	vst.idx.add.s32.msk vm0, v2  }
0x262: {  	v21 =	vnsel vm1, $0x0, v21;
	vm0 =	vgt.s32 v20, v3;
	vm1 =	vlt.s32 v20, $0x1000  }
0x263: {  	v22 =	vadd.f32 v21, v22;
	vm0 =	vmand vm0, vm1;
	v21 =	vshra.s32 v18, $0xC  }
0x264: {  	v23 =	vnsel vm0, $0x0, v25;
	vm0 =	vgt.s32 v21, v3;
	vm1 =	vlt.s32 v21, $0x1000  }
0x265: {  	v22 =	vadd.f32 v23, v22;
	vm0 =	vmand vm0, vm1  }
0x266: {  	v53 =	vshra.s32 v16, $0xC;
	v54 =	vshra.s32 v12, $0xC;
	v55 =	vshra.s32 v10, $0xC  }
0x267: {  	vm9 =	veq.s32 v19, v3;
	vm3 =	veq.s32 v20, v3;
	v56 =	vadd.s32 v15, v4  }
0x268: {  	vm10 =	veq.s32 v21, v3;
	v57 =	vadd.s32 v17, v4;
	v58 =	vshra.s32 v8, $0xC  }
0x269: {  	v18 =	vadd.s32 v18, v4;
	v59 =	vadd.s32 v16, v4;
	v60 =	vadd.s32 v12, v4  }
0x26a: {  	v61 =	vshra.s32 v6, $0xC;
	v10 =	vadd.s32 v10, v4;
	v8 =	vadd.s32 v8, v4  }
0x26b: {  	v4 =	vadd.s32 v6, v4;
	v14 =	vnsel vm0, $0x0, v14;
	vm15 =	vgt.s32 v53, v3  }
0x26c: {  	vm4 =	vlt.s32 v53, $0x1000;
	vm5 =	vgt.s32 v54, v3;
	vm2 =	vlt.s32 v54, $0x1000  }
0x26d: {  	vm7 =	vgt.s32 v55, v3;
	v14 =	vadd.f32 v14, v22;
	vm0 =	vmand vm15, vm4  }
0x26e: {  	vm8 =	vlt.s32 v55, $0x1000;
	vm11 =	veq.s32 v54, v3;
	v13 =	vnsel vm0, $0x0, v13  }
0x26f: {  	vm12 =	veq.s32 v58, v3;
	vm6 =	vmand vm5, vm2;
	v13 =	vadd.f32 v13, v14  }
0x270: {  	vm13 =	veq.s32 v61, v3;
	vm4 =	veq.s32 v53, v3;
	v11 =	vnsel vm6, $0x0, v11  }
0x271: {  	vm5 =	vgt.s32 v58, v3;
	vm0 =	vmand vm7, vm8;
	v11 =	vadd.f32 v11, v13;
	[tilespmem:v56+s19+$0x0] =	vst.idx.add.s32.msk vm9, v2  }
0x272: {  	vm6 =	veq.s32 v55, v3;
	vm7 =	vlt.s32 v58, $0x1000;
	v9 =	vnsel vm0, $0x0, v9;
	[tilespmem:v57+s19+$0x0] =	vst.idx.add.s32.msk vm3, v2  }
0x273: {  	vm5 =	vmand vm5, vm7;
	[tilespmem:v18+s19+$0x0] =	vst.idx.add.s32.msk vm10, v2;
	v9 =	vadd.f32 v9, v11  }
0x274: {  	vm14 =	vgt.s32 v61, v3;
	vm15 =	vlt.s32 v61, $0x1000;
	v6 =	vnsel vm5, $0x0, v7;
	[tilespmem:v60+s19+$0x0] =	vst.idx.add.s32.msk vm11, v2  }
0x275: {  	vm1 =	vmand vm14, vm15;
	[tilespmem:v8+s19+$0x0] =	vst.idx.add.s32.msk vm12, v2;
	v3 =	vadd.f32 v6, v9  }
0x276: {  	v5 =	vnsel vm1, $0x0, v5;
	[tilespmem:v4+s19+$0x0] =	vst.idx.add.s32.msk vm13, v2  }
0x277: {  	[tilespmem:v59+s19+$0x0] =	vst.idx.add.s32.msk vm4, v2;
	v3 =	vadd.f32 v5, v3  }
0x278: {  	[tilespmem:v10+s19+$0x0] =	vst.idx.add.s32.msk vm6, v2  }
0x279: {  	s26 =	simm.s32 $0x0;
	[tilespmem:$0x19500] =	vst v3  }
0x27a: {  	v3 =	vld [tilespmem:s26+$0x8410]  }
0x27b: {  	v4 =	vld [tilespmem:s26+$0x9411]  }
0x27c: {  	v5 =	vld [tilespmem:s26+$0xA412]  }
0x27d: {  	v6 =	vld [tilespmem:s26+$0xB413]  }
0x27e: {  	v7 =	vld [tilespmem:s26+$0xC414]  }
0x27f: {  	v8 =	vld [tilespmem:s26+$0xD415]  }
0x280: {  	v9 =	vld [tilespmem:s26+$0xE416]  }
0x281: {  	v10 =	vld [tilespmem:s26+$0xF417]  }
0x282: {  	v11 =	vld [tilespmem:s26+$0x10418]  }
0x283: {  	v12 =	vld [tilespmem:s26+$0x11419]  }
0x284: {  	v13 =	vld [tilespmem:s26+$0x1241A]  }
0x285: {  	v62 =	vld [tilespmem:s26+$0x1341B]  }
0x286: {  	v15 =	vld [tilespmem:s26+$0x1441C]  }
0x287: {  	v16 =	vld [tilespmem:s26+$0x1541D]  }
0x288: {  	v63 =	vld [tilespmem:s26+$0x1641E]  }
0x289: {  	v18 =	vld [tilespmem:s26+$0x1741F];
	v3 =	vadd.s32 v3, v4  }
0x28a: {  	v4 =	vld [tilespmem:s26+$0x8400];
	v3 =	vadd.s32 v5, v3  }
0x28b: {  	v5 =	vld [tilespmem:s26+$0x9401];
	v3 =	vadd.s32 v6, v3  }
0x28c: {  	v6 =	vld [tilespmem:s26+$0xA402];
	v3 =	vadd.s32 v7, v3  }
0x28d: {  	v7 =	vld [tilespmem:s26+$0xB403];
	v3 =	vadd.s32 v8, v3  }
0x28e: {  	v8 =	vld [tilespmem:s26+$0xC404];
	v3 =	vadd.s32 v9, v3  }
0x28f: {  	v9 =	vld [tilespmem:s26+$0xD405];
	v3 =	vadd.s32 v10, v3  }
0x290: {  	v4 =	vadd.s32 v4, v5;
	v5 =	vld [tilespmem:s26+$0xE406];
	v3 =	vadd.s32 v11, v3  }
0x291: {  	v4 =	vadd.s32 v6, v4;
	v6 =	vld [tilespmem:s26+$0xF407];
	v3 =	vadd.s32 v12, v3  }
0x292: {  	v4 =	vadd.s32 v7, v4;
	v7 =	vld [tilespmem:s26+$0x10408];
	v3 =	vadd.s32 v13, v3  }
0x293: {  	v4 =	vadd.s32 v8, v4;
	v8 =	vld [tilespmem:s26+$0x11409];
	v3 =	vadd.s32 v62, v3  }
0x294: {  	v9 =	vadd.s32 v9, v4;
	v4 =	vld [tilespmem:s26+$0x1240A];
	v3 =	vadd.s32 v15, v3  }
0x295: {  	v5 =	vadd.s32 v5, v9;
	v10 =	vadd.s32 v16, v3;
	v3 =	vld [tilespmem:s26+$0x1340B]  }
0x296: {  	v6 =	vadd.s32 v6, v5;
	v5 =	vld [tilespmem:s26+$0x1440C];
	v9 =	vadd.s32 v63, v10  }
0x297: {  	v7 =	vadd.s32 v7, v6;
	v6 =	vld [tilespmem:s26+$0x1540D];
	v9 =	vadd.s32 v18, v9  }
0x298: {  	s28 =	simm.s32 $0x0;
	s29 =	simm.s32 $0x80;
	v8 =	vadd.s32 v8, v7;
	v7 =	vld [tilespmem:s26+$0x1640E];
	[tilespmem:s26+$0x18510] =	vst v9  }
.LBB2_20:
0x299: {  	s30 =	sshra.s32 s29, $0x2;
	v4 =	vadd.s32 v4, v8;
	v8 =	vld [tilespmem:s26+$0x1740F]  }
0x29a: {  	s28 =	sadd.s32 $0x2, s28;
	v9 =	vld [tilespmem:s30+$0x8410];
	v3 =	vadd.s32 v3, v4  }
0x29b: {  	p0 =	slt.u32 s28, $0xFE;
	v4 =	vld [tilespmem:s30+$0x9411];
	v3 =	vadd.s32 v5, v3  }
0x29c: {  	v5 =	vld [tilespmem:s30+$0xA412];
	v3 =	vadd.s32 v6, v3  }
0x29d: {  	v6 =	vld [tilespmem:s30+$0xB413];
	v3 =	vadd.s32 v7, v3  }
0x29e: {  	v7 =	vld [tilespmem:s30+$0xC414];
	v3 =	vadd.s32 v8, v3  }
0x29f: {  	v8 =	vld [tilespmem:s30+$0xD415];
	[tilespmem:s26+$0x18500] =	vst v3;
	s26 =	smov.u32 s30  }
0x2a0: {  	v3 =	vadd.s32 v9, v4;
	v4 =	vld [tilespmem:s26+$0xE416]  }
0x2a1: {  	v3 =	vadd.s32 v5, v3;
	v5 =	vld [tilespmem:s26+$0xF417]  }
0x2a2: {  	v3 =	vadd.s32 v6, v3;
	v6 =	vld [tilespmem:s26+$0x10418]  }
0x2a3: {  	v3 =	vadd.s32 v7, v3;
	v7 =	vld [tilespmem:s26+$0x11419]  }
0x2a4: {  	v3 =	vadd.s32 v8, v3;
	v8 =	vld [tilespmem:s26+$0x1241A]  }
0x2a5: {  	v3 =	vadd.s32 v4, v3;
	v4 =	vld [tilespmem:s26+$0x1341B]  }
0x2a6: {  	v3 =	vadd.s32 v5, v3;
	v5 =	vld [tilespmem:s26+$0x1441C]  }
0x2a7: {  	v3 =	vadd.s32 v6, v3;
	v6 =	vld [tilespmem:s26+$0x1541D]  }
0x2a8: {  	v3 =	vadd.s32 v7, v3;
	v7 =	vld [tilespmem:s26+$0x1641E]  }
0x2a9: {  	v3 =	vadd.s32 v8, v3;
	v8 =	vld [tilespmem:s26+$0x1741F]  }
0x2aa: {  	v9 =	vld [tilespmem:s26+$0x8400];
	v3 =	vadd.s32 v4, v3  }
0x2ab: {  	v4 =	vld [tilespmem:s26+$0x9401];
	v3 =	vadd.s32 v5, v3  }
0x2ac: {  	v5 =	vld [tilespmem:s26+$0xA402];
	v3 =	vadd.s32 v6, v3  }
0x2ad: {  	v6 =	vld [tilespmem:s26+$0xB403];
	v3 =	vadd.s32 v7, v3  }
0x2ae: {  	v7 =	vld [tilespmem:s26+$0xC404];
	v3 =	vadd.s32 v8, v3  }
0x2af: {  	v8 =	vld [tilespmem:s26+$0xD405];
	[tilespmem:s26+$0x18510] =	vst v3  }
0x2b0: {  	v3 =	vadd.s32 v9, v4;
	v9 =	vld [tilespmem:s26+$0xE406]  }
0x2b1: {  	v3 =	vadd.s32 v5, v3;
	v5 =	vld [tilespmem:s26+$0xF407]  }
0x2b2: {  	v3 =	vadd.s32 v6, v3;
	v6 =	vld [tilespmem:s26+$0x10408]  }
0x2b3: {  	v3 =	vadd.s32 v7, v3;
	v7 =	vld [tilespmem:s26+$0x11409]  }
.Ltmp9:
0x2b4: {  	v3 =	vadd.s32 v8, v3;
	v4 =	vld [tilespmem:s26+$0x1240A];
	(pc) =	sbr.rel @p0 .LBB2_20-.Ltmp9, $4  }
0x2b5: {  	v8 =	vadd.s32 v9, v3;
	v3 =	vld [tilespmem:s26+$0x1340B]  }
0x2b6: {  	v8 =	vadd.s32 v5, v8;
	v5 =	vld [tilespmem:s26+$0x1440C]  }
0x2b7: {  	v8 =	vadd.s32 v6, v8;
	v6 =	vld [tilespmem:s26+$0x1540D]  }
0x2b8: {  	s29 =	sadd.s32 $0x80, s29;
	v8 =	vadd.s32 v7, v8;
	v7 =	vld [tilespmem:s26+$0x1640E]  }
0x2b9: {  	v4 =	vadd.s32 v4, v8;
	v63 =	vld [tilespmem:s26+$0x1740F]  }
0x2ba: {  	v3 =	vadd.s32 v3, v4  }
0x2bb: {  	v3 =	vadd.s32 v5, v3  }
0x2bc: {  	v3 =	vadd.s32 v6, v3  }
0x2bd: {  	v3 =	vadd.s32 v7, v3  }
0x2be: {  	v3 =	vadd.s32 v63, v3  }
0x2bf: {  	[tilespmem:s26+$0x18500] =	vst v3  }
0x2c0: {  	[hbm4b:s13+s21] =	stream.strided.scatter [tilespmem:s23], [sflag:$0x3], $0x1000, s22, s21, $0x38;
	[tilespmem:$0x19580] =	vst v63  }
0x2c1: {  	s25 =	sadd.s32 $0x1, s25;
	_ =	swait.ge [sflag:s17], $0x1000  }
0x2c2: {  	p0 =	sne.s32 s25, s15;
	[sflag:s17] =	ssyncset.done $0x0  }
.Ltmp10:
0x2c3: {  	[sflag:s17] =	ssyncadd.s32 $0xFFFFF000;
	(pc) =	sbr.rel @p0 .LBB2_1-.Ltmp10, $4  }
0x2c4: {  	[hbm4b:s14+s2] =	stream.linear.scatter [tilespmem:s24], [sflag:$0x3], $0x80, $0x38;
	[tilespmem:$0x19580] =	vst v63  }
0x2c5: {  	_ =	swait.ge [sflag:s17], $0x80  }
0x2c6: {  	[sflag:s17] =	ssyncset.done $0x0  }
0x2c7: {  	[sflag:s17] =	ssyncadd.s32 $0xFFFFFF80  }
0x2c8: {  	_ =	sfence.sel $0x180000  }
0x2c9: {  	[bflag:$0x0] =	sbarrier.arrive $0xFFFF  }
0x2ca: {  	p0 =	sne.s32 s1, $0x0;
	_ =	strace $0x90000047  }
0x2cb: {  	s0 =	sadd.s32 @!p0 $0x100000, s0;
	[bflag:$0x2] =	sbarrier.arrive $0xFFFF  }
0x2cc: {  	[sflag:s0] =	ssyncadd.tile.s32 @!p0 $0x1;
	_ =	shalt  }
.Lfunc_end2:
_tile_overlayer_lowered:
.L_overlay_start_2:
0x2cd: {  	(tag) =	ssettag $0x2  }
0x2ce: {  	s0 =	rddreg [dreg:$0x0];
	s2 =	stileid.u32  }
0x2cf: {  	s1 =	rddreg [dreg:$0x1];
	p0 =	sne.s32 s2, $0x0  }
0x2d0: {  	s3 =	rddreg [dreg:$0x2];
	[bflag:$0x3] =	sbarrier.arrive $0xFFFF;
	s2 =	simm.s32 @!p0 $0x1C03  }
0x2d1: {  	[timem:s3], [sflag:s2] =	dma.local @!p0 [hbm:s0], s1  }
0x2d2: {  	s0 =	simm.s32 @!p0 $0x3  }
0x2d3: {  	_ =	swait.ge @!p0 [sflag:s0], s1  }
0x2d4: {  	s1 =	ssub.s32 @!p0 $0x0, s1;
	[sflag:s0] =	ssyncset.done @!p0 $0x0  }
0x2d5: {  	[sflag:s0] =	ssyncadd.s32 @!p0 s1  }
0x2d6: {  	[bflag:$0x3] =	sbarrier.arrive $0xFFFF  }
0x2d7: {  	_ =	shalt  }

// kernel: kernel.4.cloned.1.call-start
scs
__scs_entry_jumppad:
0x0: {  	(pc) =	sbr.rel $0x88, $3  }
0x1: {  	(tag) =	ssettag $0x0;
	lr =	simm.s32 $0x1  }
0x2: {  	[smem:$0x3F9C] =	sst lr;
	_ =	strace $0xD0000000  }
0x3: {  	_ = 	snop  }
0x4: {  	_ = 	snop  }
0x5: {  	_ = 	snop  }
0x6: {  	_ = 	snop  }
0x7: {  	_ = 	snop  }
__scs_overlays_trampoline_lowered:
0x8: {  	[smem:$0x3FAB] =	sst s0  }
0x9: {  	[smem:$0x3FAC] =	sst s1  }
0xa: {  	[smem:$0x3FAD] =	sst s2  }
0xb: {  	[smem:$0x3FAE] =	sst s3  }
0xc: {  	[smem:$0x3FAF] =	sst s4  }
0xd: {  	[smem:$0x3FB0] =	sst s5  }
0xe: {  	[smem:$0x3FB1] =	sst s6  }
0xf: {  	[smem:$0x3FB2] =	sst s7  }
0x10: {  	[smem:$0x3FB3] =	sst s8  }
0x11: {  	[smem:$0x3FB4] =	sst s9;
	s0 =	simm.s32 @!p0 $0x0  }
0x12: {  	s1 =	sld [smem:$0x3F9A];
	s0 =	simm.s32 @p0 $0x1  }
0x13: {  	[smem:$0x3FB5] =	sst s0;
	s0 =	simm.s32 @!p1 $0x0  }
0x14: {  	s2 =	sld [smem:$0x3F99];
	s0 =	simm.s32 @p1 $0x1  }
0x15: {  	[smem:$0x3FB6] =	sst s0;
	s0 =	simm.s32 @!p2 $0x0  }
0x16: {  	s3 =	sld [smem:$0x3FDB];
	s0 =	simm.s32 @p2 $0x1  }
0x17: {  	s4 =	simm.s32 $0x1BF5;
	[smem:$0x3FB8] =	sst s0  }
0x18: {  	s0 =	sld [smem:$0x3F9B];
	_ =	swait.ge [sflag:s4], $0x0  }
0x19: {  	s7 =	sld [smem:$0x3F9C]  }
0x1a: {  	s8 =	sadd.s32 $0xFFFFE003, lr  }
0x1b: {  	s9 =	sadd.s32 $0xFFFFFEF7, lr;
	s5 =	simm.s32 $0xFFFFFFFF;
	p2 =	slt.u32 s8, $0xFFFFF086  }
0x1c: {  	p1 =	slt.u32 s9, $0xF7A;
	s5 =	simm.s32 @!p2 $0x0  }
0x1d: {  	s5 =	simm.s32 @p1 $0x1;
	p0 =	seq.s32 s7, s2  }
0x1e: {  	s7 =	smul.u32 @!p0 $0xF7A, s2;
	p2 =	seq.s32 @!p0 s5, $0x0  }
0x1f: {  	s9 =	smul.u32 $0xF7A, s1;
	s8 =	simm.s32 @!p0 $0x1BF5;
	p2 =	por !p2, p0  }
0x20: {  	[sflag:s8] =	ssyncset.s32 @!p0 $0xFFFFF086;
	s6 =	sadd.s32 @!p0 s3, s7;
	s7 =	simm.s32 @!p0 $0x108  }
0x21: {  	s3 =	sadd.s32 s3, s9;
	s6 =	sadd.s32 @!p0 $0x88, s6;
	s7 =	simm.s32 @p2 $0x1082  }
0x22: {  	[simem:s7], [sflag:s8] =	dma.local @!p0 [hbm:s6], $0xF7A  }
0x23: {  	s9 =	sor.u32 $0xD0000000, s2;
	s6 =	simm.s32 $0x108;
	_ =	swait.ge @!p0 [sflag:s8], $0x0  }
0x24: {  	s3 =	sadd.s32 $0x88, s3;
	s6 =	simm.s32 @!p1 $0x1082;
	[sflag:s4] =	ssyncset.s32 $0xFFFFF086  }
0x25: {  	[simem:s6], [sflag:s4] =	dma.local [hbm:s3], $0xF7A  }
0x26: {  	[smem:$0x3F9C] =	sst s1;
	(tag) =	ssettag s2;
	_ =	strace s9  }
0x27: {  	s1 =	sld [smem:$0x3FAC]  }
0x28: {  	s2 =	sld [smem:$0x3FAD]  }
0x29: {  	s4 =	sld [smem:$0x3FAF]  }
0x2a: {  	p0 =	seq.s32 s5, $0x0;
	s5 =	sld [smem:$0x3FB0]  }
0x2b: {  	s6 =	sld [smem:$0x3FB1]  }
0x2c: {  	s7 =	sld [smem:$0x3FB2]  }
0x2d: {  	s3 =	simm.s32 $0x108;
	s8 =	sld [smem:$0x3FB3]  }
0x2e: {  	s3 =	simm.s32 @!p0 $0x1082;
	s9 =	sld [smem:$0x3FB4]  }
0x2f: {  	lr =	sadd.s32 s0, s3;
	s0 =	sld [smem:$0x3FAB]  }
0x30: {  	s3 =	sld [smem:$0x3FAE]  }
0x31: {  	[smem:$0x3FB7] =	sst s10  }
0x32: {  	s10 =	sld [smem:$0x3FB5];
	_ =	sdelay $0x3  }
0x33: {  	p0 =	seq.s32 s10, $0x1;
	s10 =	sld [smem:$0x3FB7];
	_ =	sdelay $0x3  }
0x34: {  	[smem:$0x3FB7] =	sst s10  }
0x35: {  	s10 =	sld [smem:$0x3FB6];
	_ =	sdelay $0x3  }
0x36: {  	p1 =	seq.s32 s10, $0x1;
	s10 =	sld [smem:$0x3FB7];
	_ =	sdelay $0x3  }
0x37: {  	[smem:$0x3FB7] =	sst s10  }
0x38: {  	s10 =	sld [smem:$0x3FB8]  }
0x39: {  	_ = 	snop;
	(pc) =	sbr.ind lr, $3  }
0x3a: {  	_ = 	snop  }
0x3b: {  	_ = 	snop  }
0x3c: {  	p2 =	seq.s32 s10, $0x1;
	s10 =	sld [smem:$0x3FB7]  }
0x3d: {  	_ =	shalt  }
0x3e: {  	_ =	shalt  }
0x3f: {  	_ =	shalt  }
0x40: {  	_ =	shalt  }
0x41: {  	_ =	shalt  }
0x42: {  	_ =	shalt  }
0x43: {  	_ =	shalt  }
0x44: {  	_ =	shalt  }
0x45: {  	_ =	shalt  }
0x46: {  	_ =	shalt  }
0x47: {  	_ =	shalt  }
0x48: {  	_ =	shalt  }
0x49: {  	_ =	shalt  }
0x4a: {  	_ =	shalt  }
0x4b: {  	_ =	shalt  }
0x4c: {  	_ =	shalt  }
0x4d: {  	_ =	shalt  }
0x4e: {  	_ =	shalt  }
0x4f: {  	_ =	shalt  }
0x50: {  	_ =	shalt  }
0x51: {  	_ =	shalt  }
0x52: {  	_ =	shalt  }
0x53: {  	_ =	shalt  }
0x54: {  	_ =	shalt  }
0x55: {  	_ =	shalt  }
0x56: {  	_ =	shalt  }
0x57: {  	_ =	shalt  }
0x58: {  	_ =	shalt  }
0x59: {  	_ =	shalt  }
0x5a: {  	_ =	shalt  }
0x5b: {  	_ =	shalt  }
0x5c: {  	_ =	shalt  }
0x5d: {  	_ =	shalt  }
0x5e: {  	_ =	shalt  }
0x5f: {  	_ =	shalt  }
0x60: {  	_ =	shalt  }
0x61: {  	_ =	shalt  }
0x62: {  	_ =	shalt  }
0x63: {  	_ =	shalt  }
0x64: {  	_ =	shalt  }
0x65: {  	_ =	shalt  }
0x66: {  	_ =	shalt  }
0x67: {  	_ =	shalt  }
0x68: {  	_ =	shalt  }
0x69: {  	_ =	shalt  }
0x6a: {  	_ =	shalt  }
0x6b: {  	_ =	shalt  }
0x6c: {  	_ =	shalt  }
0x6d: {  	_ =	shalt  }
0x6e: {  	_ =	shalt  }
0x6f: {  	_ =	shalt  }
0x70: {  	_ =	shalt  }
0x71: {  	_ =	shalt  }
0x72: {  	_ =	shalt  }
0x73: {  	_ =	shalt  }
0x74: {  	_ =	shalt  }
0x75: {  	_ =	shalt  }
0x76: {  	_ =	shalt  }
0x77: {  	_ =	shalt  }
0x78: {  	_ =	shalt  }
0x79: {  	_ =	shalt  }
0x7a: {  	_ =	shalt  }
0x7b: {  	_ =	shalt  }
0x7c: {  	_ =	shalt  }
0x7d: {  	_ =	shalt  }
0x7e: {  	_ =	shalt  }
0x7f: {  	_ =	shalt  }
0x80: {  	_ =	shalt  }
0x81: {  	_ =	shalt  }
0x82: {  	_ =	shalt  }
0x83: {  	_ =	shalt  }
0x84: {  	_ =	shalt  }
0x85: {  	_ =	shalt  }
0x86: {  	_ =	shalt  }
0x87: {  	_ =	shalt  }
.Lfunc_end0:
.L_simem_size_0:
called_computation.1_lowered:
.L_overlay_start_0:
0x88: {  	s2 =	sld [smem:$0x3FD9]  }
0x89: {  	s3 =	sld [smem:$0x3FFE];
	_ =	sdelay $0x1  }
0x8a: {  	s1 =	srdreg.scid  }
0x8b: {  	s0 =	sand.u32 $0x1, s1  }
0x8c: {  	s16 =	sshll.u32 s0, $0xA;
	s2 =	sadd.s32 s3, s2  }
0x8d: {  	s2 =	sadd.s32 s2, s16  }
0x8e: {  	[smem:$0x3FC3] =	sst s2  }
0x8f: {  	_ = 	snop  }
0x90: {  	(tm) =	ssettm $0x1  }
0x91: {  	s17 =	sld [smem:$0x3FFB];
	_ =	sdelay $0x3  }
0x92: {  	_ =	strace s17  }
0x93: {  	s2 =	sld [smem:$0x3FFC];
	_ =	sdelay $0x3  }
0x94: {  	_ =	strace s2  }
0x95: {  	s2 =	sld [smem:$0x3FFD];
	_ =	sdelay $0x3  }
0x96: {  	_ =	strace s2  }
0x97: {  	_ =	strace $0x8FFFFFFF  }
0x98: {  	s18 =	sld [smem:$0x3FDB];
	_ =	sdelay $0x1  }
0x99: {  	s19 =	simm.s32 $_scs_section_size  }
0x9a: {  	s4 =	simm.s32 $_size__tile_overlayer_lowered;
	s5 =	simm.s32 $_tile_overlayer_lowered  }
0x9b: {  	s22 =	simm.s32 $0x1BFF;
	s21 =	sshll.u32 s5, $0x1;
	s2 =	sadd.s32 s19, s18  }
0x9c: {  	s6 =	simm.s32 $0x0;
	s20 =	sshll.u32 s4, $0x1;
	s4 =	sadd.s32 s21, s2  }
0x9d: {  	[timem:s6], [sflag:s22] =	dma.local [hbm:s4], s20  }
0x9e: {  	_ =	swait.ge [sflag:s22], s20  }
0x9f: {  	s3 =	ssub.s32 $0x0, s20;
	[sflag:s22] =	ssyncset.done $0x0  }
0xa0: {  	[sflag:s22] =	ssyncadd.s32 s3;
	_ =	sdelay $0x1  }
0xa1: {  	s23 =	simm.s32 $0x1B8B  }
0xa2: {  	_ =	swait.ge [sflag:s23], $0x1  }
0xa3: {  	[sflag:s23] =	ssyncset.done $0x0  }
0xa4: {  	s25 =	simm.s32 $0x1B8E;
	s24 =	sld [smem:$0x3FFE];
	[sflag:s23] =	ssyncadd.s32 $0xFFFFFFFF  }
0xa5: {  	s26 =	simm.s32 $execute0_lowered;
	[smem:$0x3FD2] =	sst s25  }
0xa6: {  	s4 =	sshll.u32 s26, $0x1;
	_ =	strace $0x80000049;
	[dreg:$0x1] =	wrdreg $0xFFFFFFFF  }
0xa7: {  	s28 =	simm.s32 $_size_execute0_lowered;
	s2 =	sadd.s32 s2, s4;
	[dreg:$0x0] =	wrdreg $0x0  }
0xa8: {  	s4 =	sshll.u32 s28, $0x1;
	[dreg:$0x2] =	wrdreg s2  }
0xa9: {  	[dreg:$0x3] =	wrdreg s4  }
0xaa: {  	[dreg:$0x4] =	wrdreg $0xC0  }
0xab: {  	_ =	task [dreg:s6], $0x5FFFF  }
0xac: {  	[dreg:$0x1] =	wrdreg $0xFFFFFFFF  }
0xad: {  	[dreg:$0x0] =	wrdreg $0x60  }
0xae: {  	[dreg:$0x2] =	wrdreg s24  }
0xaf: {  	[dreg:$0x3] =	wrdreg $0x9  }
0xb0: {  	_ =	task.clear_ibuf [dreg:s6], $0x4FFFF;
	_ =	strace $0x90000049  }
0xb1: {  	s29 =	simm.s32 $0x9;
	_ =	strace $0x8000004B  }
0xb2: {  	_ =	swait.ge [sflag:s29], $0x1  }
0xb3: {  	[sflag:s29] =	ssyncadd.s32 $0xFFFFFFFF  }
0xb4: {  	_ =	strace $0x9000004B  }
0xb5: {  	_ =	sfence  }
0xb6: {  	s30 =	sld [smem:$0x0];
	_ =	sdelay $0x2  }
0xb7: {  	s31 =	sshll.u32 s1, $0xD;
	s1 =	sshrl.u32 s1, $0x2  }
0xb8: {  	s3 =	sand.u32 $0x4000, s31;
	s1 =	sadd.s32 s1, s30  }
0xb9: {  	s0 =	sor.u32 s3, s0;
	s1 =	sshll.u32 s1, $0x11  }
0xba: {  	s0 =	sor.u32 s1, s0  }
0xbb: {  	s0 =	sadd.s32 $0x8F2B, s0  }
0xbc: {  	[sflag:s0] =	ssyncadd.remote.s32 $0x1  }
0xbd: {  	_ =	sfence.sel $0xFFFF  }
0xbe: {  	[dreg:$0x0] =	wrdreg $0xFFFFFFFF;
	(pc) =	sbr.abs _section_cstart, $3  }
0xbf: {  	[dreg:$0x1] =	wrdreg $0xFFFFFFFF  }
0xc0: {  	_ =	task.clear_ibuf [dreg:s6], $0x2FFFF;
	_ =	strace $0x9FFFFFFF  }
0xc1: {  	(tm) =	ssettm $0x7FFFFFFF  }
tec
execute0_lowered:
.L_overlay_start_1:
0x0: {  	(tag) =	ssettag $0x1  }
0x1: {  	s0 =	stileid.u32;
	s1 =	srdreg.scid;
	s4 =	simm.s32 $0x1  }
0x2: {  	s5 =	rddreg [dreg:$0x0];
	s2 =	simm.s32 $0x0;
	s15 =	simm.s32 $0x8000  }
0x3: {  	s16 =	simm.s32 $0x2;
	s3 =	sand.u32 $0x1, s1;
	s26 =	sshll.u32 s0, $0x1  }
0x4: {  	s17 =	simm.s32 $0x80;
	s18 =	simm.s32 $0x400;
	s8 =	sor.u32 s3, s26  }
0x5: {  	s19 =	simm.s32 $0x18100;
	p1 =	seq.s32 s3, $0x1;
	p0 =	seq.s32 s8, $0x0  }
0x6: {  	s20 =	simm.s32 $0x3;
	s1 =	rddreg [dreg:$0x1];
	p0 =	por !p0, !p1  }
0x7: {  	[smem:$0x7FF] =	sst s2;
	s7 =	sshll.u32 s0, $0xA;
	p0 =	por !p0, !p0  }
0x8: {  	s6 =	sshll.u32 s3, $0x11;
	_ =	strace $0x8000004A;
	s4 =	simm.s32 @!p0 $0x0  }
0x9: {  	s28 =	sand.u32 $0x3000, s7;
	s29 =	ssub.s32 $0x2, s3;
	s4 =	ssub.s32 s0, s4  }
0xa: {  	s12 =	sadd.s32 s28, s5;
	s10 =	sshll.u32 s8, $0x4;
	s4 =	sshll.u32 s4, $0x12  }
0xb: {  	s31 =	sshrl.u32 s29, $0x1;
	s14 =	sand.u32 $0x70, s10;
	s4 =	sor.u32 s6, s4  }
0xc: {  	s13 =	ssub.s32 s29, s31;
	s12 =	sadd.s32 s14, s12;
	s30 =	sshrl.u32 s4, $0x3  }
0xd: {  	s13 =	smax.u32 s13, $0x1;
	s14 =	simm.s32 $0x4000;
	s3 =	sadd.s32 s5, s30  }
0xe: {  	s12 =	sadd.s32 $0x80000, s12;
	s4 =	simm.s32 $0x1;
	s5 =	sadd.s32 $0x800, s3  }
0xf: {  	v1 =	vlaneseq.u32;
	s6 =	sadd.s32 $0x1000, s3;
	s7 =	sadd.s32 $0x1800, s3;
	s8 =	sadd.s32 $0x2000, s3  }
0x10: {  	v0 =	vimm.s32 $0x0;
	v2 =	vimm.s32 $0x1;
	v1 =	vmul.u32 $0x1001, v1;
	s9 =	sadd.s32 $0x2800, s3;
	s10 =	sadd.s32 $0x3000, s3;
	s11 =	sadd.s32 $0x3800, s3  }
.LBB2_1:
0x11: {  	s21 =	simm.s32 $0x8040  }
0x12: {  	[tilespmem:s21+$0xFFFFFFC0] =	vst v0  }
0x13: {  	[tilespmem:s21+$0x30] =	vst v0  }
0x14: {  	[tilespmem:s21+$0x20] =	vst v0  }
0x15: {  	[tilespmem:s21+$0x10] =	vst v0  }
0x16: {  	[tilespmem:s21+$0x0] =	vst v0  }
0x17: {  	[tilespmem:s21+$0xFFFFFFF0] =	vst v0  }
0x18: {  	s22 =	simm.s32 $0x0;
	[tilespmem:s21+$0xFFFFFFE0] =	vst v0  }
.LBB2_2:
0x19: {  	s22 =	sadd.s32 $0x8, s22;
	[tilespmem:s21+$0xFFFFFFD0] =	vst v0;
	s21 =	sadd.s32 $0x80, s21  }
0x1a: {  	[tilespmem:s21+$0xFFFFFFC0] =	vst v0;
	p0 =	slt.u32 s22, $0x1008  }
0x1b: {  	[tilespmem:s21+$0x30] =	vst v0  }
.Ltmp0:
0x1c: {  	[tilespmem:s21+$0x20] =	vst v0;
	(pc) =	sbr.rel @p0 .LBB2_2-.Ltmp0, $4  }
0x1d: {  	[tilespmem:s21+$0x10] =	vst v0  }
0x1e: {  	[tilespmem:s21+$0x0] =	vst v0  }
0x1f: {  	[tilespmem:s21+$0xFFFFFFF0] =	vst v0  }
0x20: {  	[tilespmem:s21+$0xFFFFFFE0] =	vst v0  }
0x21: {  	[tilespmem:s21+$0xFFFFFFD0] =	vst v0;
	s29 =	simm.s32 $0x0  }
0x22: {  	[tilespmem:s29], [sflag:$0x1] =	stream.linear.gather [hbm4b:s3+s29], $0x4000, $0x38;
	[tilespmem:$0x19100] =	vst v63  }
0x23: {  	s22 =	simm.s32 $0x0;
	s23 =	simm.s32 $0x0  }
0x24: {  	[tilespmem:s14], [sflag:$0x2] =	stream.linear.gather [hbm4b:s5+s29], $0x4000, $0x38;
	[tilespmem:$0x19100] =	vst v63  }
0x25: {  	s22 =	sand.u32 $0x3000, s22;
	s21 =	sand.u32 $0xC00, s29;
	_ =	swait.ge [sflag:s4], $0x4000  }
0x26: {  	s23 =	sand.u32 $0x380, s23;
	s21 =	sor.u32 s21, s22;
	[sflag:s4] =	ssyncset.done $0x0  }
0x27: {  	s21 =	sor.u32 s23, s21;
	[sflag:s4] =	ssyncadd.s32 $0xFFFFC000  }
0x28: {  	v3 =	vld [tilespmem:s21+$0x70]  }
0x29: {  	v4 =	vld [tilespmem:s21+$0x0]  }
0x2a: {  	v5 =	vld [tilespmem:s21+$0x10]  }
0x2b: {  	v6 =	vld [tilespmem:s21+$0x20]  }
0x2c: {  	v7 =	vld [tilespmem:s21+$0x30]  }
0x2d: {  	v8 =	vld [tilespmem:s21+$0x40]  }
0x2e: {  	v9 =	vld [tilespmem:s21+$0x50];
	v3 =	vmul.f32 $1.035630630e+06, v3  }
0x2f: {  	v10 =	vld [tilespmem:s21+$0x60]  }
0x30: {  	s30 =	simm.s32 $0x80;
	s21 =	simm.s32 $0x400;
	v4 =	vmul.f32 $1.035630630e+06, v4;
	v3 =	vtrunc.f32 v3  }
0x31: {  	s24 =	simm.s32 $0x20;
	s22 =	sand.u32 $0x3000, s30;
	s31 =	sand.u32 $0xC00, s21;
	v5 =	vmul.f32 $1.035630630e+06, v5;
	v3 =	vcvt.f32.s32 v3  }
0x32: {  	s24 =	sand.u32 $0x380, s24;
	s22 =	sor.u32 s31, s22;
	v6 =	vmul.f32 $1.035630630e+06, v6;
	v7 =	vmul.f32 $1.035630630e+06, v7  }
0x33: {  	s22 =	sor.u32 s24, s22;
	v8 =	vmul.f32 $1.035630630e+06, v8;
	v9 =	vmul.f32 $1.035630630e+06, v9;
	v3 =	vshra.s32 v3, $0xC  }
0x34: {  	v11 =	vld [tilespmem:s22+$0x70];
	v10 =	vmul.f32 $1.035630630e+06, v10;
	v4 =	vtrunc.f32 v4;
	v3 =	vadd.s32 v1, v3  }
0x35: {  	v5 =	vtrunc.f32 v5;
	v6 =	vtrunc.f32 v6  }
0x36: {  	v7 =	vtrunc.f32 v7;
	v8 =	vtrunc.f32 v8  }
0x37: {  	v9 =	vtrunc.f32 v9;
	v4 =	vcvt.f32.s32 v4  }
0x38: {  	v12 =	vld [tilespmem:s22+$0x0];
	v10 =	vtrunc.f32 v10;
	v5 =	vcvt.f32.s32 v5  }
0x39: {  	v19 =	vmul.f32 $1.035630630e+06, v11;
	v4 =	vshra.s32 v4, $0xC;
	[tilespmem:v3+s15+$0x0] =	vst.idx.add.s32.msk $0xffff, v2;
	v3 =	vcvt.f32.s32 v6  }
0x3a: {  	v13 =	vld [tilespmem:s22+$0x10];
	v5 =	vshra.s32 v5, $0xC;
	v6 =	vcvt.f32.s32 v7;
	v7 =	vcvt.f32.s32 v8  }
0x3b: {  	v16 =	vld [tilespmem:s22+$0x30];
	v4 =	vadd.s32 v1, v4;
	v8 =	vcvt.f32.s32 v9;
	v9 =	vcvt.f32.s32 v10  }
0x3c: {  	v17 =	vadd.s32 v1, v5;
	v10 =	vld [tilespmem:s22+$0x20];
	v3 =	vshra.s32 v3, $0xC;
	v6 =	vshra.s32 v6, $0xC  }
0x3d: {  	v14 =	vshra.s32 v7, $0xC;
	v18 =	vshra.s32 v9, $0xC;
	v9 =	vld [tilespmem:s22+$0x40];
	v7 =	vadd.s32 v1, v3  }
0x3e: {  	v20 =	vmul.f32 $1.035630630e+06, v12;
	v11 =	vld [tilespmem:s22+$0x50];
	v15 =	vshra.s32 v8, $0xC;
	v6 =	vadd.s32 v1, v6  }
0x3f: {  	v8 =	vld [tilespmem:s22+$0x60];
	v5 =	vadd.s32 v1, v14;
	v14 =	vmul.f32 $1.035630630e+06, v13;
	v13 =	vtrunc.f32 v19  }
0x40: {  	[tilespmem:v4+s15+$0x0] =	vst.idx.add.s32.msk $0xffff, v2;
	v3 =	vadd.s32 v1, v15;
	v15 =	vcvt.f32.s32 v13;
	v13 =	vmul.f32 $1.035630630e+06, v16  }
0x41: {  	[tilespmem:v17+s15+$0x0] =	vst.idx.add.s32.msk $0xffff, v2;
	s22 =	simm.s32 $0x8;
	v4 =	vadd.s32 v1, v18;
	v12 =	vmul.f32 $1.035630630e+06, v10;
	v10 =	vtrunc.f32 v20  }
.LBB2_4:
0x42: {  	s22 =	sadd.s32 $0x8, s22;
	v14 =	vtrunc.f32 v14;
	v9 =	vmul.f32 $1.035630630e+06, v9;
	v15 =	vshra.s32 v15, $0xC;
	[tilespmem:v7+s15+$0x0] =	vst.idx.add.s32.msk $0xffff, v2  }
0x43: {  	v7 =	vtrunc.f32 v12;
	s21 =	sadd.s32 $0x400, s21;
	s23 =	sshll.u32 s22, $0x4;
	p0 =	slt.u32 s22, $0x3F8;
	v11 =	vmul.f32 $1.035630630e+06, v11;
	v12 =	vadd.s32 v1, v15;
	[tilespmem:v6+s15+$0x0] =	vst.idx.add.s32.msk $0xffff, v2  }
0x44: {  	s24 =	sand.u32 $0xC00, s21;
	s25 =	sshll.u32 s22, $0x2;
	v6 =	vtrunc.f32 v13;
	s23 =	sand.u32 $0x3000, s23;
	v8 =	vmul.f32 $1.035630630e+06, v8;
	[tilespmem:v5+s15+$0x0] =	vst.idx.add.s32.msk $0xffff, v2  }
0x45: {  	s25 =	sand.u32 $0x380, s25;
	v5 =	vtrunc.f32 v9;
	s23 =	sor.u32 s24, s23;
	v9 =	vtrunc.f32 v11;
	[tilespmem:v3+s15+$0x0] =	vst.idx.add.s32.msk $0xffff, v2  }
0x46: {  	v3 =	vcvt.f32.s32 v10;
	s23 =	sor.u32 s25, s23;
	v8 =	vtrunc.f32 v8;
	[tilespmem:v4+s15+$0x0] =	vst.idx.add.s32.msk $0xffff, v2  }
0x47: {  	v7 =	vcvt.f32.s32 v7;
	v10 =	vcvt.f32.s32 v14;
	v4 =	vld [tilespmem:s23+$0x70]  }
0x48: {  	v6 =	vcvt.f32.s32 v6;
	v5 =	vcvt.f32.s32 v5;
	v3 =	vshra.s32 v3, $0xC;
	[tilespmem:v12+s15+$0x0] =	vst.idx.add.s32.msk $0xffff, v2  }
0x49: {  	v9 =	vcvt.f32.s32 v9;
	v10 =	vshra.s32 v10, $0xC;
	v8 =	vcvt.f32.s32 v8;
	v11 =	vld [tilespmem:s23+$0x0]  }
0x4a: {  	v7 =	vshra.s32 v7, $0xC;
	v6 =	vshra.s32 v6, $0xC;
	v5 =	vshra.s32 v5, $0xC;
	v12 =	vld [tilespmem:s23+$0x10]  }
0x4b: {  	v16 =	vadd.s32 v1, v3;
	v3 =	vshra.s32 v9, $0xC;
	v8 =	vshra.s32 v8, $0xC;
	v13 =	vld [tilespmem:s23+$0x20]  }
0x4c: {  	v7 =	vadd.s32 v1, v7;
	v6 =	vadd.s32 v1, v6;
	v18 =	vadd.s32 v1, v10;
	v17 =	vld [tilespmem:s23+$0x30]  }
.Ltmp1:
0x4d: {  	v5 =	vadd.s32 v1, v5;
	v3 =	vadd.s32 v1, v3;
	v10 =	vmul.f32 $1.035630630e+06, v4;
	v9 =	vld [tilespmem:s23+$0x40];
	(pc) =	sbr.rel @p0 .LBB2_4-.Ltmp1, $4  }
0x4e: {  	v4 =	vadd.s32 v1, v8;
	v19 =	vmul.f32 $1.035630630e+06, v11;
	v11 =	vld [tilespmem:s23+$0x50]  }
0x4f: {  	v10 =	vtrunc.f32 v10;
	v14 =	vmul.f32 $1.035630630e+06, v12;
	v8 =	vld [tilespmem:s23+$0x60]  }
0x50: {  	v15 =	vcvt.f32.s32 v10;
	v12 =	vmul.f32 $1.035630630e+06, v13;
	[tilespmem:v16+s15+$0x0] =	vst.idx.add.s32.msk $0xffff, v2  }
0x51: {  	v10 =	vtrunc.f32 v19;
	v13 =	vmul.f32 $1.035630630e+06, v17;
	[tilespmem:v18+s15+$0x0] =	vst.idx.add.s32.msk $0xffff, v2  }
0x52: {  	v14 =	vtrunc.f32 v14  }
0x53: {  	v9 =	vmul.f32 $1.035630630e+06, v9;
	v12 =	vtrunc.f32 v12  }
0x54: {  	v15 =	vshra.s32 v15, $0xC;
	v10 =	vcvt.f32.s32 v10;
	v11 =	vmul.f32 $1.035630630e+06, v11  }
0x55: {  	v13 =	vtrunc.f32 v13;
	v15 =	vadd.s32 v1, v15;
	v14 =	vcvt.f32.s32 v14  }
0x56: {  	[tilespmem:v6+s15+$0x0] =	vst.idx.add.s32.msk $0xffff, v2;
	v8 =	vmul.f32 $1.035630630e+06, v8;
	v9 =	vtrunc.f32 v9;
	v10 =	vshra.s32 v10, $0xC  }
0x57: {  	[tilespmem:v5+s15+$0x0] =	vst.idx.add.s32.msk $0xffff, v2;
	v6 =	vcvt.f32.s32 v13;
	v10 =	vadd.s32 v1, v10;
	v5 =	vcvt.f32.s32 v9  }
0x58: {  	[tilespmem:v7+s15+$0x0] =	vst.idx.add.s32.msk $0xffff, v2;
	v7 =	vtrunc.f32 v8;
	v8 =	vcvt.f32.s32 v12;
	v12 =	vshra.s32 v14, $0xC  }
0x59: {  	v11 =	vtrunc.f32 v11;
	v6 =	vshra.s32 v6, $0xC;
	v9 =	vadd.s32 v1, v12  }
0x5a: {  	[tilespmem:v3+s15+$0x0] =	vst.idx.add.s32.msk $0xffff, v2;
	v3 =	vcvt.f32.s32 v11;
	v5 =	vshra.s32 v5, $0xC;
	v6 =	vadd.s32 v1, v6  }
0x5b: {  	[tilespmem:v4+s15+$0x0] =	vst.idx.add.s32.msk $0xffff, v2;
	v4 =	vcvt.f32.s32 v7;
	v8 =	vshra.s32 v8, $0xC;
	v5 =	vadd.s32 v1, v5  }
0x5c: {  	[tilespmem:v15+s15+$0x0] =	vst.idx.add.s32.msk $0xffff, v2;
	v3 =	vshra.s32 v3, $0xC;
	v8 =	vadd.s32 v1, v8  }
0x5d: {  	v4 =	vshra.s32 v4, $0xC;
	v3 =	vadd.s32 v1, v3;
	[tilespmem:v10+s15+$0x0] =	vst.idx.add.s32.msk $0xffff, v2  }
0x5e: {  	v4 =	vadd.s32 v1, v4;
	[tilespmem:v9+s15+$0x0] =	vst.idx.add.s32.msk $0xffff, v2  }
0x5f: {  	[tilespmem:v6+s15+$0x0] =	vst.idx.add.s32.msk $0xffff, v2  }
0x60: {  	[tilespmem:v5+s15+$0x0] =	vst.idx.add.s32.msk $0xffff, v2  }
0x61: {  	[tilespmem:v8+s15+$0x0] =	vst.idx.add.s32.msk $0xffff, v2  }
0x62: {  	[tilespmem:v3+s15+$0x0] =	vst.idx.add.s32.msk $0xffff, v2  }
0x63: {  	s21 =	simm.s32 $0x0;
	s22 =	simm.s32 $0x0;
	s23 =	simm.s32 $0x0;
	[tilespmem:v4+s15+$0x0] =	vst.idx.add.s32.msk $0xffff, v2  }
0x64: {  	[tilespmem:s21], [sflag:$0x1] =	stream.linear.gather [hbm4b:s6+s21], $0x4000, $0x38;
	[tilespmem:$0x19100] =	vst v63  }
0x65: {  	s22 =	sand.u32 $0x3000, s22;
	s21 =	sand.u32 $0xC00, s21;
	_ =	swait.ge [sflag:s16], $0x4000  }
0x66: {  	s23 =	sand.u32 $0x380, s23;
	s21 =	sor.u32 s21, s22;
	[sflag:s16] =	ssyncset.done $0x0  }
0x67: {  	s21 =	sor.u32 s23, s21;
	[sflag:s16] =	ssyncadd.s32 $0xFFFFC000  }
0x68: {  	v3 =	vld [tilespmem:s21+$0x4070]  }
0x69: {  	v4 =	vld [tilespmem:s21+$0x4000]  }
0x6a: {  	v5 =	vld [tilespmem:s21+$0x4010]  }
0x6b: {  	v6 =	vld [tilespmem:s21+$0x4020]  }
0x6c: {  	v7 =	vld [tilespmem:s21+$0x4030]  }
0x6d: {  	v8 =	vld [tilespmem:s21+$0x4040]  }
0x6e: {  	v9 =	vld [tilespmem:s21+$0x4050];
	v3 =	vmul.f32 $1.035630630e+06, v3  }
0x6f: {  	v10 =	vld [tilespmem:s21+$0x4060]  }
0x70: {  	s30 =	simm.s32 $0x80;
	s21 =	simm.s32 $0x400;
	v4 =	vmul.f32 $1.035630630e+06, v4;
	v3 =	vtrunc.f32 v3  }
0x71: {  	s24 =	simm.s32 $0x20;
	s22 =	sand.u32 $0x3000, s30;
	s31 =	sand.u32 $0xC00, s21;
	v5 =	vmul.f32 $1.035630630e+06, v5;
	v3 =	vcvt.f32.s32 v3  }
0x72: {  	s24 =	sand.u32 $0x380, s24;
	s22 =	sor.u32 s31, s22;
	v6 =	vmul.f32 $1.035630630e+06, v6;
	v7 =	vmul.f32 $1.035630630e+06, v7  }
0x73: {  	s22 =	sor.u32 s24, s22;
	v8 =	vmul.f32 $1.035630630e+06, v8;
	v9 =	vmul.f32 $1.035630630e+06, v9;
	v3 =	vshra.s32 v3, $0xC  }
0x74: {  	v11 =	vld [tilespmem:s22+$0x4070];
	v10 =	vmul.f32 $1.035630630e+06, v10;
	v4 =	vtrunc.f32 v4;
	v3 =	vadd.s32 v1, v3  }
0x75: {  	v5 =	vtrunc.f32 v5;
	v6 =	vtrunc.f32 v6  }
0x76: {  	v7 =	vtrunc.f32 v7;
	v8 =	vtrunc.f32 v8  }
0x77: {  	v9 =	vtrunc.f32 v9;
	v4 =	vcvt.f32.s32 v4  }
0x78: {  	v12 =	vld [tilespmem:s22+$0x4000];
	v10 =	vtrunc.f32 v10;
	v5 =	vcvt.f32.s32 v5  }
0x79: {  	v19 =	vmul.f32 $1.035630630e+06, v11;
	v4 =	vshra.s32 v4, $0xC;
	[tilespmem:v3+s15+$0x0] =	vst.idx.add.s32.msk $0xffff, v2;
	v3 =	vcvt.f32.s32 v6  }
0x7a: {  	v13 =	vld [tilespmem:s22+$0x4010];
	v5 =	vshra.s32 v5, $0xC;
	v6 =	vcvt.f32.s32 v7;
	v7 =	vcvt.f32.s32 v8  }
0x7b: {  	v16 =	vld [tilespmem:s22+$0x4030];
	v4 =	vadd.s32 v1, v4;
	v8 =	vcvt.f32.s32 v9;
	v9 =	vcvt.f32.s32 v10  }
0x7c: {  	v17 =	vadd.s32 v1, v5;
	v10 =	vld [tilespmem:s22+$0x4020];
	v3 =	vshra.s32 v3, $0xC;
	v6 =	vshra.s32 v6, $0xC  }
0x7d: {  	v14 =	vshra.s32 v7, $0xC;
	v18 =	vshra.s32 v9, $0xC;
	v9 =	vld [tilespmem:s22+$0x4040];
	v7 =	vadd.s32 v1, v3  }
0x7e: {  	v20 =	vmul.f32 $1.035630630e+06, v12;
	v11 =	vld [tilespmem:s22+$0x4050];
	v15 =	vshra.s32 v8, $0xC;
	v6 =	vadd.s32 v1, v6  }
0x7f: {  	v8 =	vld [tilespmem:s22+$0x4060];
	v5 =	vadd.s32 v1, v14;
	v14 =	vmul.f32 $1.035630630e+06, v13;
	v13 =	vtrunc.f32 v19  }
0x80: {  	[tilespmem:v4+s15+$0x0] =	vst.idx.add.s32.msk $0xffff, v2;
	v3 =	vadd.s32 v1, v15;
	v15 =	vcvt.f32.s32 v13;
	v13 =	vmul.f32 $1.035630630e+06, v16  }
0x81: {  	[tilespmem:v17+s15+$0x0] =	vst.idx.add.s32.msk $0xffff, v2;
	s22 =	simm.s32 $0x8;
	v4 =	vadd.s32 v1, v18;
	v12 =	vmul.f32 $1.035630630e+06, v10;
	v10 =	vtrunc.f32 v20  }
.LBB2_6:
0x82: {  	s22 =	sadd.s32 $0x8, s22;
	v14 =	vtrunc.f32 v14;
	v9 =	vmul.f32 $1.035630630e+06, v9;
	v15 =	vshra.s32 v15, $0xC;
	[tilespmem:v7+s15+$0x0] =	vst.idx.add.s32.msk $0xffff, v2  }
0x83: {  	v7 =	vtrunc.f32 v12;
	s21 =	sadd.s32 $0x400, s21;
	s23 =	sshll.u32 s22, $0x4;
	p0 =	slt.u32 s22, $0x3F8;
	v11 =	vmul.f32 $1.035630630e+06, v11;
	v12 =	vadd.s32 v1, v15;
	[tilespmem:v6+s15+$0x0] =	vst.idx.add.s32.msk $0xffff, v2  }
0x84: {  	s24 =	sand.u32 $0xC00, s21;
	s25 =	sshll.u32 s22, $0x2;
	v6 =	vtrunc.f32 v13;
	s23 =	sand.u32 $0x3000, s23;
	v8 =	vmul.f32 $1.035630630e+06, v8;
	[tilespmem:v5+s15+$0x0] =	vst.idx.add.s32.msk $0xffff, v2  }
0x85: {  	s25 =	sand.u32 $0x380, s25;
	v5 =	vtrunc.f32 v9;
	s23 =	sor.u32 s24, s23;
	v9 =	vtrunc.f32 v11;
	[tilespmem:v3+s15+$0x0] =	vst.idx.add.s32.msk $0xffff, v2  }
0x86: {  	v3 =	vcvt.f32.s32 v10;
	s23 =	sor.u32 s25, s23;
	v8 =	vtrunc.f32 v8;
	[tilespmem:v4+s15+$0x0] =	vst.idx.add.s32.msk $0xffff, v2  }
0x87: {  	v7 =	vcvt.f32.s32 v7;
	v10 =	vcvt.f32.s32 v14;
	v4 =	vld [tilespmem:s23+$0x4070]  }
0x88: {  	v6 =	vcvt.f32.s32 v6;
	v5 =	vcvt.f32.s32 v5;
	v3 =	vshra.s32 v3, $0xC;
	[tilespmem:v12+s15+$0x0] =	vst.idx.add.s32.msk $0xffff, v2  }
0x89: {  	v9 =	vcvt.f32.s32 v9;
	v10 =	vshra.s32 v10, $0xC;
	v8 =	vcvt.f32.s32 v8;
	v11 =	vld [tilespmem:s23+$0x4000]  }
0x8a: {  	v7 =	vshra.s32 v7, $0xC;
	v6 =	vshra.s32 v6, $0xC;
	v5 =	vshra.s32 v5, $0xC;
	v12 =	vld [tilespmem:s23+$0x4010]  }
0x8b: {  	v16 =	vadd.s32 v1, v3;
	v3 =	vshra.s32 v9, $0xC;
	v8 =	vshra.s32 v8, $0xC;
	v13 =	vld [tilespmem:s23+$0x4020]  }
0x8c: {  	v7 =	vadd.s32 v1, v7;
	v6 =	vadd.s32 v1, v6;
	v18 =	vadd.s32 v1, v10;
	v17 =	vld [tilespmem:s23+$0x4030]  }
.Ltmp2:
0x8d: {  	v5 =	vadd.s32 v1, v5;
	v3 =	vadd.s32 v1, v3;
	v10 =	vmul.f32 $1.035630630e+06, v4;
	v9 =	vld [tilespmem:s23+$0x4040];
	(pc) =	sbr.rel @p0 .LBB2_6-.Ltmp2, $4  }
0x8e: {  	v4 =	vadd.s32 v1, v8;
	v19 =	vmul.f32 $1.035630630e+06, v11;
	v11 =	vld [tilespmem:s23+$0x4050]  }
0x8f: {  	v10 =	vtrunc.f32 v10;
	v14 =	vmul.f32 $1.035630630e+06, v12;
	v8 =	vld [tilespmem:s23+$0x4060]  }
0x90: {  	v15 =	vcvt.f32.s32 v10;
	v12 =	vmul.f32 $1.035630630e+06, v13;
	[tilespmem:v16+s15+$0x0] =	vst.idx.add.s32.msk $0xffff, v2  }
0x91: {  	v10 =	vtrunc.f32 v19;
	v13 =	vmul.f32 $1.035630630e+06, v17;
	[tilespmem:v18+s15+$0x0] =	vst.idx.add.s32.msk $0xffff, v2  }
0x92: {  	v14 =	vtrunc.f32 v14  }
0x93: {  	v9 =	vmul.f32 $1.035630630e+06, v9;
	v12 =	vtrunc.f32 v12  }
0x94: {  	v15 =	vshra.s32 v15, $0xC;
	v10 =	vcvt.f32.s32 v10;
	v11 =	vmul.f32 $1.035630630e+06, v11  }
0x95: {  	v13 =	vtrunc.f32 v13;
	v15 =	vadd.s32 v1, v15;
	v14 =	vcvt.f32.s32 v14  }
0x96: {  	[tilespmem:v6+s15+$0x0] =	vst.idx.add.s32.msk $0xffff, v2;
	v8 =	vmul.f32 $1.035630630e+06, v8;
	v9 =	vtrunc.f32 v9;
	v10 =	vshra.s32 v10, $0xC  }
0x97: {  	[tilespmem:v5+s15+$0x0] =	vst.idx.add.s32.msk $0xffff, v2;
	v6 =	vcvt.f32.s32 v13;
	v10 =	vadd.s32 v1, v10;
	v5 =	vcvt.f32.s32 v9  }
0x98: {  	[tilespmem:v7+s15+$0x0] =	vst.idx.add.s32.msk $0xffff, v2;
	v7 =	vtrunc.f32 v8;
	v8 =	vcvt.f32.s32 v12;
	v12 =	vshra.s32 v14, $0xC  }
0x99: {  	v11 =	vtrunc.f32 v11;
	v6 =	vshra.s32 v6, $0xC;
	v9 =	vadd.s32 v1, v12  }
0x9a: {  	[tilespmem:v3+s15+$0x0] =	vst.idx.add.s32.msk $0xffff, v2;
	v3 =	vcvt.f32.s32 v11;
	v5 =	vshra.s32 v5, $0xC;
	v6 =	vadd.s32 v1, v6  }
0x9b: {  	[tilespmem:v4+s15+$0x0] =	vst.idx.add.s32.msk $0xffff, v2;
	v4 =	vcvt.f32.s32 v7;
	v8 =	vshra.s32 v8, $0xC;
	v5 =	vadd.s32 v1, v5  }
0x9c: {  	[tilespmem:v15+s15+$0x0] =	vst.idx.add.s32.msk $0xffff, v2;
	v3 =	vshra.s32 v3, $0xC;
	v8 =	vadd.s32 v1, v8  }
0x9d: {  	v4 =	vshra.s32 v4, $0xC;
	v3 =	vadd.s32 v1, v3;
	[tilespmem:v10+s15+$0x0] =	vst.idx.add.s32.msk $0xffff, v2  }
0x9e: {  	v4 =	vadd.s32 v1, v4;
	[tilespmem:v9+s15+$0x0] =	vst.idx.add.s32.msk $0xffff, v2  }
0x9f: {  	[tilespmem:v6+s15+$0x0] =	vst.idx.add.s32.msk $0xffff, v2  }
0xa0: {  	[tilespmem:v5+s15+$0x0] =	vst.idx.add.s32.msk $0xffff, v2  }
0xa1: {  	[tilespmem:v8+s15+$0x0] =	vst.idx.add.s32.msk $0xffff, v2  }
0xa2: {  	[tilespmem:v3+s15+$0x0] =	vst.idx.add.s32.msk $0xffff, v2  }
0xa3: {  	s21 =	simm.s32 $0x0;
	s22 =	simm.s32 $0x0;
	s23 =	simm.s32 $0x0;
	[tilespmem:v4+s15+$0x0] =	vst.idx.add.s32.msk $0xffff, v2  }
0xa4: {  	[tilespmem:s14], [sflag:$0x2] =	stream.linear.gather [hbm4b:s7+s21], $0x4000, $0x38;
	[tilespmem:$0x19100] =	vst v63  }
0xa5: {  	s22 =	sand.u32 $0x3000, s22;
	s21 =	sand.u32 $0xC00, s21;
	_ =	swait.ge [sflag:s4], $0x4000  }
0xa6: {  	s23 =	sand.u32 $0x380, s23;
	s21 =	sor.u32 s21, s22;
	[sflag:s4] =	ssyncset.done $0x0  }
0xa7: {  	s21 =	sor.u32 s23, s21;
	[sflag:s4] =	ssyncadd.s32 $0xFFFFC000  }
0xa8: {  	v3 =	vld [tilespmem:s21+$0x70]  }
0xa9: {  	v4 =	vld [tilespmem:s21+$0x0]  }
0xaa: {  	v5 =	vld [tilespmem:s21+$0x10]  }
0xab: {  	v6 =	vld [tilespmem:s21+$0x20]  }
0xac: {  	v7 =	vld [tilespmem:s21+$0x30]  }
0xad: {  	v8 =	vld [tilespmem:s21+$0x40]  }
0xae: {  	v9 =	vld [tilespmem:s21+$0x50];
	v3 =	vmul.f32 $1.035630630e+06, v3  }
0xaf: {  	v10 =	vld [tilespmem:s21+$0x60]  }
0xb0: {  	s30 =	simm.s32 $0x80;
	s21 =	simm.s32 $0x400;
	v4 =	vmul.f32 $1.035630630e+06, v4;
	v3 =	vtrunc.f32 v3  }
0xb1: {  	s24 =	simm.s32 $0x20;
	s22 =	sand.u32 $0x3000, s30;
	s31 =	sand.u32 $0xC00, s21;
	v5 =	vmul.f32 $1.035630630e+06, v5;
	v3 =	vcvt.f32.s32 v3  }
0xb2: {  	s24 =	sand.u32 $0x380, s24;
	s22 =	sor.u32 s31, s22;
	v6 =	vmul.f32 $1.035630630e+06, v6;
	v7 =	vmul.f32 $1.035630630e+06, v7  }
0xb3: {  	s22 =	sor.u32 s24, s22;
	v8 =	vmul.f32 $1.035630630e+06, v8;
	v9 =	vmul.f32 $1.035630630e+06, v9;
	v3 =	vshra.s32 v3, $0xC  }
0xb4: {  	v11 =	vld [tilespmem:s22+$0x70];
	v10 =	vmul.f32 $1.035630630e+06, v10;
	v4 =	vtrunc.f32 v4;
	v3 =	vadd.s32 v1, v3  }
0xb5: {  	v5 =	vtrunc.f32 v5;
	v6 =	vtrunc.f32 v6  }
0xb6: {  	v7 =	vtrunc.f32 v7;
	v8 =	vtrunc.f32 v8  }
0xb7: {  	v9 =	vtrunc.f32 v9;
	v4 =	vcvt.f32.s32 v4  }
0xb8: {  	v12 =	vld [tilespmem:s22+$0x0];
	v10 =	vtrunc.f32 v10;
	v5 =	vcvt.f32.s32 v5  }
0xb9: {  	v19 =	vmul.f32 $1.035630630e+06, v11;
	v4 =	vshra.s32 v4, $0xC;
	[tilespmem:v3+s15+$0x0] =	vst.idx.add.s32.msk $0xffff, v2;
	v3 =	vcvt.f32.s32 v6  }
0xba: {  	v13 =	vld [tilespmem:s22+$0x10];
	v5 =	vshra.s32 v5, $0xC;
	v6 =	vcvt.f32.s32 v7;
	v7 =	vcvt.f32.s32 v8  }
0xbb: {  	v16 =	vld [tilespmem:s22+$0x30];
	v4 =	vadd.s32 v1, v4;
	v8 =	vcvt.f32.s32 v9;
	v9 =	vcvt.f32.s32 v10  }
0xbc: {  	v17 =	vadd.s32 v1, v5;
	v10 =	vld [tilespmem:s22+$0x20];
	v3 =	vshra.s32 v3, $0xC;
	v6 =	vshra.s32 v6, $0xC  }
0xbd: {  	v14 =	vshra.s32 v7, $0xC;
	v18 =	vshra.s32 v9, $0xC;
	v9 =	vld [tilespmem:s22+$0x40];
	v7 =	vadd.s32 v1, v3  }
0xbe: {  	v20 =	vmul.f32 $1.035630630e+06, v12;
	v11 =	vld [tilespmem:s22+$0x50];
	v15 =	vshra.s32 v8, $0xC;
	v6 =	vadd.s32 v1, v6  }
0xbf: {  	v8 =	vld [tilespmem:s22+$0x60];
	v5 =	vadd.s32 v1, v14;
	v14 =	vmul.f32 $1.035630630e+06, v13;
	v13 =	vtrunc.f32 v19  }
0xc0: {  	[tilespmem:v4+s15+$0x0] =	vst.idx.add.s32.msk $0xffff, v2;
	v3 =	vadd.s32 v1, v15;
	v15 =	vcvt.f32.s32 v13;
	v13 =	vmul.f32 $1.035630630e+06, v16  }
0xc1: {  	[tilespmem:v17+s15+$0x0] =	vst.idx.add.s32.msk $0xffff, v2;
	s22 =	simm.s32 $0x8;
	v4 =	vadd.s32 v1, v18;
	v12 =	vmul.f32 $1.035630630e+06, v10;
	v10 =	vtrunc.f32 v20  }
.LBB2_8:
0xc2: {  	s22 =	sadd.s32 $0x8, s22;
	v14 =	vtrunc.f32 v14;
	v9 =	vmul.f32 $1.035630630e+06, v9;
	v15 =	vshra.s32 v15, $0xC;
	[tilespmem:v7+s15+$0x0] =	vst.idx.add.s32.msk $0xffff, v2  }
0xc3: {  	v7 =	vtrunc.f32 v12;
	s21 =	sadd.s32 $0x400, s21;
	s23 =	sshll.u32 s22, $0x4;
	p0 =	slt.u32 s22, $0x3F8;
	v11 =	vmul.f32 $1.035630630e+06, v11;
	v12 =	vadd.s32 v1, v15;
	[tilespmem:v6+s15+$0x0] =	vst.idx.add.s32.msk $0xffff, v2  }
0xc4: {  	s24 =	sand.u32 $0xC00, s21;
	s25 =	sshll.u32 s22, $0x2;
	v6 =	vtrunc.f32 v13;
	s23 =	sand.u32 $0x3000, s23;
	v8 =	vmul.f32 $1.035630630e+06, v8;
	[tilespmem:v5+s15+$0x0] =	vst.idx.add.s32.msk $0xffff, v2  }
0xc5: {  	s25 =	sand.u32 $0x380, s25;
	v5 =	vtrunc.f32 v9;
	s23 =	sor.u32 s24, s23;
	v9 =	vtrunc.f32 v11;
	[tilespmem:v3+s15+$0x0] =	vst.idx.add.s32.msk $0xffff, v2  }
0xc6: {  	v3 =	vcvt.f32.s32 v10;
	s23 =	sor.u32 s25, s23;
	v8 =	vtrunc.f32 v8;
	[tilespmem:v4+s15+$0x0] =	vst.idx.add.s32.msk $0xffff, v2  }
0xc7: {  	v7 =	vcvt.f32.s32 v7;
	v10 =	vcvt.f32.s32 v14;
	v4 =	vld [tilespmem:s23+$0x70]  }
0xc8: {  	v6 =	vcvt.f32.s32 v6;
	v5 =	vcvt.f32.s32 v5;
	v3 =	vshra.s32 v3, $0xC;
	[tilespmem:v12+s15+$0x0] =	vst.idx.add.s32.msk $0xffff, v2  }
0xc9: {  	v9 =	vcvt.f32.s32 v9;
	v10 =	vshra.s32 v10, $0xC;
	v8 =	vcvt.f32.s32 v8;
	v11 =	vld [tilespmem:s23+$0x0]  }
0xca: {  	v7 =	vshra.s32 v7, $0xC;
	v6 =	vshra.s32 v6, $0xC;
	v5 =	vshra.s32 v5, $0xC;
	v12 =	vld [tilespmem:s23+$0x10]  }
0xcb: {  	v16 =	vadd.s32 v1, v3;
	v3 =	vshra.s32 v9, $0xC;
	v8 =	vshra.s32 v8, $0xC;
	v13 =	vld [tilespmem:s23+$0x20]  }
0xcc: {  	v7 =	vadd.s32 v1, v7;
	v6 =	vadd.s32 v1, v6;
	v18 =	vadd.s32 v1, v10;
	v17 =	vld [tilespmem:s23+$0x30]  }
.Ltmp3:
0xcd: {  	v5 =	vadd.s32 v1, v5;
	v3 =	vadd.s32 v1, v3;
	v10 =	vmul.f32 $1.035630630e+06, v4;
	v9 =	vld [tilespmem:s23+$0x40];
	(pc) =	sbr.rel @p0 .LBB2_8-.Ltmp3, $4  }
0xce: {  	v4 =	vadd.s32 v1, v8;
	v19 =	vmul.f32 $1.035630630e+06, v11;
	v11 =	vld [tilespmem:s23+$0x50]  }
0xcf: {  	v10 =	vtrunc.f32 v10;
	v14 =	vmul.f32 $1.035630630e+06, v12;
	v8 =	vld [tilespmem:s23+$0x60]  }
0xd0: {  	v15 =	vcvt.f32.s32 v10;
	v12 =	vmul.f32 $1.035630630e+06, v13;
	[tilespmem:v16+s15+$0x0] =	vst.idx.add.s32.msk $0xffff, v2  }
0xd1: {  	v10 =	vtrunc.f32 v19;
	v13 =	vmul.f32 $1.035630630e+06, v17;
	[tilespmem:v18+s15+$0x0] =	vst.idx.add.s32.msk $0xffff, v2  }
0xd2: {  	v14 =	vtrunc.f32 v14  }
0xd3: {  	v9 =	vmul.f32 $1.035630630e+06, v9;
	v12 =	vtrunc.f32 v12  }
0xd4: {  	v15 =	vshra.s32 v15, $0xC;
	v10 =	vcvt.f32.s32 v10;
	v11 =	vmul.f32 $1.035630630e+06, v11  }
0xd5: {  	v13 =	vtrunc.f32 v13;
	v15 =	vadd.s32 v1, v15;
	v14 =	vcvt.f32.s32 v14  }
0xd6: {  	[tilespmem:v6+s15+$0x0] =	vst.idx.add.s32.msk $0xffff, v2;
	v8 =	vmul.f32 $1.035630630e+06, v8;
	v9 =	vtrunc.f32 v9;
	v10 =	vshra.s32 v10, $0xC  }
0xd7: {  	[tilespmem:v5+s15+$0x0] =	vst.idx.add.s32.msk $0xffff, v2;
	v6 =	vcvt.f32.s32 v13;
	v10 =	vadd.s32 v1, v10;
	v5 =	vcvt.f32.s32 v9  }
0xd8: {  	[tilespmem:v7+s15+$0x0] =	vst.idx.add.s32.msk $0xffff, v2;
	v7 =	vtrunc.f32 v8;
	v8 =	vcvt.f32.s32 v12;
	v12 =	vshra.s32 v14, $0xC  }
0xd9: {  	v11 =	vtrunc.f32 v11;
	v6 =	vshra.s32 v6, $0xC;
	v9 =	vadd.s32 v1, v12  }
0xda: {  	[tilespmem:v3+s15+$0x0] =	vst.idx.add.s32.msk $0xffff, v2;
	v3 =	vcvt.f32.s32 v11;
	v5 =	vshra.s32 v5, $0xC;
	v6 =	vadd.s32 v1, v6  }
0xdb: {  	[tilespmem:v4+s15+$0x0] =	vst.idx.add.s32.msk $0xffff, v2;
	v4 =	vcvt.f32.s32 v7;
	v8 =	vshra.s32 v8, $0xC;
	v5 =	vadd.s32 v1, v5  }
0xdc: {  	[tilespmem:v15+s15+$0x0] =	vst.idx.add.s32.msk $0xffff, v2;
	v3 =	vshra.s32 v3, $0xC;
	v8 =	vadd.s32 v1, v8  }
0xdd: {  	v4 =	vshra.s32 v4, $0xC;
	v3 =	vadd.s32 v1, v3;
	[tilespmem:v10+s15+$0x0] =	vst.idx.add.s32.msk $0xffff, v2  }
0xde: {  	v4 =	vadd.s32 v1, v4;
	[tilespmem:v9+s15+$0x0] =	vst.idx.add.s32.msk $0xffff, v2  }
0xdf: {  	[tilespmem:v6+s15+$0x0] =	vst.idx.add.s32.msk $0xffff, v2  }
0xe0: {  	[tilespmem:v5+s15+$0x0] =	vst.idx.add.s32.msk $0xffff, v2  }
0xe1: {  	[tilespmem:v8+s15+$0x0] =	vst.idx.add.s32.msk $0xffff, v2  }
0xe2: {  	[tilespmem:v3+s15+$0x0] =	vst.idx.add.s32.msk $0xffff, v2  }
0xe3: {  	s21 =	simm.s32 $0x0;
	s22 =	simm.s32 $0x0;
	s23 =	simm.s32 $0x0;
	[tilespmem:v4+s15+$0x0] =	vst.idx.add.s32.msk $0xffff, v2  }
0xe4: {  	[tilespmem:s21], [sflag:$0x1] =	stream.linear.gather [hbm4b:s8+s21], $0x4000, $0x38;
	[tilespmem:$0x19100] =	vst v63  }
0xe5: {  	s22 =	sand.u32 $0x3000, s22;
	s21 =	sand.u32 $0xC00, s21;
	_ =	swait.ge [sflag:s16], $0x4000  }
0xe6: {  	s23 =	sand.u32 $0x380, s23;
	s21 =	sor.u32 s21, s22;
	[sflag:s16] =	ssyncset.done $0x0  }
0xe7: {  	s21 =	sor.u32 s23, s21;
	[sflag:s16] =	ssyncadd.s32 $0xFFFFC000  }
0xe8: {  	v3 =	vld [tilespmem:s21+$0x4070]  }
0xe9: {  	v4 =	vld [tilespmem:s21+$0x4000]  }
0xea: {  	v5 =	vld [tilespmem:s21+$0x4010]  }
0xeb: {  	v6 =	vld [tilespmem:s21+$0x4020]  }
0xec: {  	v7 =	vld [tilespmem:s21+$0x4030]  }
0xed: {  	v8 =	vld [tilespmem:s21+$0x4040]  }
0xee: {  	v9 =	vld [tilespmem:s21+$0x4050];
	v3 =	vmul.f32 $1.035630630e+06, v3  }
0xef: {  	v10 =	vld [tilespmem:s21+$0x4060]  }
0xf0: {  	s30 =	simm.s32 $0x80;
	s21 =	simm.s32 $0x400;
	v4 =	vmul.f32 $1.035630630e+06, v4;
	v3 =	vtrunc.f32 v3  }
0xf1: {  	s24 =	simm.s32 $0x20;
	s22 =	sand.u32 $0x3000, s30;
	s31 =	sand.u32 $0xC00, s21;
	v5 =	vmul.f32 $1.035630630e+06, v5;
	v3 =	vcvt.f32.s32 v3  }
0xf2: {  	s24 =	sand.u32 $0x380, s24;
	s22 =	sor.u32 s31, s22;
	v6 =	vmul.f32 $1.035630630e+06, v6;
	v7 =	vmul.f32 $1.035630630e+06, v7  }
0xf3: {  	s22 =	sor.u32 s24, s22;
	v8 =	vmul.f32 $1.035630630e+06, v8;
	v9 =	vmul.f32 $1.035630630e+06, v9;
	v3 =	vshra.s32 v3, $0xC  }
0xf4: {  	v11 =	vld [tilespmem:s22+$0x4070];
	v10 =	vmul.f32 $1.035630630e+06, v10;
	v4 =	vtrunc.f32 v4;
	v3 =	vadd.s32 v1, v3  }
0xf5: {  	v5 =	vtrunc.f32 v5;
	v6 =	vtrunc.f32 v6  }
0xf6: {  	v7 =	vtrunc.f32 v7;
	v8 =	vtrunc.f32 v8  }
0xf7: {  	v9 =	vtrunc.f32 v9;
	v4 =	vcvt.f32.s32 v4  }
0xf8: {  	v12 =	vld [tilespmem:s22+$0x4000];
	v10 =	vtrunc.f32 v10;
	v5 =	vcvt.f32.s32 v5  }
0xf9: {  	v19 =	vmul.f32 $1.035630630e+06, v11;
	v4 =	vshra.s32 v4, $0xC;
	[tilespmem:v3+s15+$0x0] =	vst.idx.add.s32.msk $0xffff, v2;
	v3 =	vcvt.f32.s32 v6  }
0xfa: {  	v13 =	vld [tilespmem:s22+$0x4010];
	v5 =	vshra.s32 v5, $0xC;
	v6 =	vcvt.f32.s32 v7;
	v7 =	vcvt.f32.s32 v8  }
0xfb: {  	v16 =	vld [tilespmem:s22+$0x4030];
	v4 =	vadd.s32 v1, v4;
	v8 =	vcvt.f32.s32 v9;
	v9 =	vcvt.f32.s32 v10  }
0xfc: {  	v17 =	vadd.s32 v1, v5;
	v10 =	vld [tilespmem:s22+$0x4020];
	v3 =	vshra.s32 v3, $0xC;
	v6 =	vshra.s32 v6, $0xC  }
0xfd: {  	v14 =	vshra.s32 v7, $0xC;
	v18 =	vshra.s32 v9, $0xC;
	v9 =	vld [tilespmem:s22+$0x4040];
	v7 =	vadd.s32 v1, v3  }
0xfe: {  	v20 =	vmul.f32 $1.035630630e+06, v12;
	v11 =	vld [tilespmem:s22+$0x4050];
	v15 =	vshra.s32 v8, $0xC;
	v6 =	vadd.s32 v1, v6  }
0xff: {  	v8 =	vld [tilespmem:s22+$0x4060];
	v5 =	vadd.s32 v1, v14;
	v14 =	vmul.f32 $1.035630630e+06, v13;
	v13 =	vtrunc.f32 v19  }
0x100: {  	[tilespmem:v4+s15+$0x0] =	vst.idx.add.s32.msk $0xffff, v2;
	v3 =	vadd.s32 v1, v15;
	v15 =	vcvt.f32.s32 v13;
	v13 =	vmul.f32 $1.035630630e+06, v16  }
0x101: {  	[tilespmem:v17+s15+$0x0] =	vst.idx.add.s32.msk $0xffff, v2;
	s22 =	simm.s32 $0x8;
	v4 =	vadd.s32 v1, v18;
	v12 =	vmul.f32 $1.035630630e+06, v10;
	v10 =	vtrunc.f32 v20  }
.LBB2_10:
0x102: {  	s22 =	sadd.s32 $0x8, s22;
	v14 =	vtrunc.f32 v14;
	v9 =	vmul.f32 $1.035630630e+06, v9;
	v15 =	vshra.s32 v15, $0xC;
	[tilespmem:v7+s15+$0x0] =	vst.idx.add.s32.msk $0xffff, v2  }
0x103: {  	v7 =	vtrunc.f32 v12;
	s21 =	sadd.s32 $0x400, s21;
	s23 =	sshll.u32 s22, $0x4;
	p0 =	slt.u32 s22, $0x3F8;
	v11 =	vmul.f32 $1.035630630e+06, v11;
	v12 =	vadd.s32 v1, v15;
	[tilespmem:v6+s15+$0x0] =	vst.idx.add.s32.msk $0xffff, v2  }
0x104: {  	s24 =	sand.u32 $0xC00, s21;
	s25 =	sshll.u32 s22, $0x2;
	v6 =	vtrunc.f32 v13;
	s23 =	sand.u32 $0x3000, s23;
	v8 =	vmul.f32 $1.035630630e+06, v8;
	[tilespmem:v5+s15+$0x0] =	vst.idx.add.s32.msk $0xffff, v2  }
0x105: {  	s25 =	sand.u32 $0x380, s25;
	v5 =	vtrunc.f32 v9;
	s23 =	sor.u32 s24, s23;
	v9 =	vtrunc.f32 v11;
	[tilespmem:v3+s15+$0x0] =	vst.idx.add.s32.msk $0xffff, v2  }
0x106: {  	v3 =	vcvt.f32.s32 v10;
	s23 =	sor.u32 s25, s23;
	v8 =	vtrunc.f32 v8;
	[tilespmem:v4+s15+$0x0] =	vst.idx.add.s32.msk $0xffff, v2  }
0x107: {  	v7 =	vcvt.f32.s32 v7;
	v10 =	vcvt.f32.s32 v14;
	v4 =	vld [tilespmem:s23+$0x4070]  }
0x108: {  	v6 =	vcvt.f32.s32 v6;
	v5 =	vcvt.f32.s32 v5;
	v3 =	vshra.s32 v3, $0xC;
	[tilespmem:v12+s15+$0x0] =	vst.idx.add.s32.msk $0xffff, v2  }
0x109: {  	v9 =	vcvt.f32.s32 v9;
	v10 =	vshra.s32 v10, $0xC;
	v8 =	vcvt.f32.s32 v8;
	v11 =	vld [tilespmem:s23+$0x4000]  }
0x10a: {  	v7 =	vshra.s32 v7, $0xC;
	v6 =	vshra.s32 v6, $0xC;
	v5 =	vshra.s32 v5, $0xC;
	v12 =	vld [tilespmem:s23+$0x4010]  }
0x10b: {  	v16 =	vadd.s32 v1, v3;
	v3 =	vshra.s32 v9, $0xC;
	v8 =	vshra.s32 v8, $0xC;
	v13 =	vld [tilespmem:s23+$0x4020]  }
0x10c: {  	v7 =	vadd.s32 v1, v7;
	v6 =	vadd.s32 v1, v6;
	v18 =	vadd.s32 v1, v10;
	v17 =	vld [tilespmem:s23+$0x4030]  }
.Ltmp4:
0x10d: {  	v5 =	vadd.s32 v1, v5;
	v3 =	vadd.s32 v1, v3;
	v10 =	vmul.f32 $1.035630630e+06, v4;
	v9 =	vld [tilespmem:s23+$0x4040];
	(pc) =	sbr.rel @p0 .LBB2_10-.Ltmp4, $4  }
0x10e: {  	v4 =	vadd.s32 v1, v8;
	v19 =	vmul.f32 $1.035630630e+06, v11;
	v11 =	vld [tilespmem:s23+$0x4050]  }
0x10f: {  	v10 =	vtrunc.f32 v10;
	v14 =	vmul.f32 $1.035630630e+06, v12;
	v8 =	vld [tilespmem:s23+$0x4060]  }
0x110: {  	v15 =	vcvt.f32.s32 v10;
	v12 =	vmul.f32 $1.035630630e+06, v13;
	[tilespmem:v16+s15+$0x0] =	vst.idx.add.s32.msk $0xffff, v2  }
0x111: {  	v10 =	vtrunc.f32 v19;
	v13 =	vmul.f32 $1.035630630e+06, v17;
	[tilespmem:v18+s15+$0x0] =	vst.idx.add.s32.msk $0xffff, v2  }
0x112: {  	v14 =	vtrunc.f32 v14  }
0x113: {  	v9 =	vmul.f32 $1.035630630e+06, v9;
	v12 =	vtrunc.f32 v12  }
0x114: {  	v15 =	vshra.s32 v15, $0xC;
	v10 =	vcvt.f32.s32 v10;
	v11 =	vmul.f32 $1.035630630e+06, v11  }
0x115: {  	v13 =	vtrunc.f32 v13;
	v15 =	vadd.s32 v1, v15;
	v14 =	vcvt.f32.s32 v14  }
0x116: {  	[tilespmem:v6+s15+$0x0] =	vst.idx.add.s32.msk $0xffff, v2;
	v8 =	vmul.f32 $1.035630630e+06, v8;
	v9 =	vtrunc.f32 v9;
	v10 =	vshra.s32 v10, $0xC  }
0x117: {  	[tilespmem:v5+s15+$0x0] =	vst.idx.add.s32.msk $0xffff, v2;
	v6 =	vcvt.f32.s32 v13;
	v10 =	vadd.s32 v1, v10;
	v5 =	vcvt.f32.s32 v9  }
0x118: {  	[tilespmem:v7+s15+$0x0] =	vst.idx.add.s32.msk $0xffff, v2;
	v7 =	vtrunc.f32 v8;
	v8 =	vcvt.f32.s32 v12;
	v12 =	vshra.s32 v14, $0xC  }
0x119: {  	v11 =	vtrunc.f32 v11;
	v6 =	vshra.s32 v6, $0xC;
	v9 =	vadd.s32 v1, v12  }
0x11a: {  	[tilespmem:v3+s15+$0x0] =	vst.idx.add.s32.msk $0xffff, v2;
	v3 =	vcvt.f32.s32 v11;
	v5 =	vshra.s32 v5, $0xC;
	v6 =	vadd.s32 v1, v6  }
0x11b: {  	[tilespmem:v4+s15+$0x0] =	vst.idx.add.s32.msk $0xffff, v2;
	v4 =	vcvt.f32.s32 v7;
	v8 =	vshra.s32 v8, $0xC;
	v5 =	vadd.s32 v1, v5  }
0x11c: {  	[tilespmem:v15+s15+$0x0] =	vst.idx.add.s32.msk $0xffff, v2;
	v3 =	vshra.s32 v3, $0xC;
	v8 =	vadd.s32 v1, v8  }
0x11d: {  	v4 =	vshra.s32 v4, $0xC;
	v3 =	vadd.s32 v1, v3;
	[tilespmem:v10+s15+$0x0] =	vst.idx.add.s32.msk $0xffff, v2  }
0x11e: {  	v4 =	vadd.s32 v1, v4;
	[tilespmem:v9+s15+$0x0] =	vst.idx.add.s32.msk $0xffff, v2  }
0x11f: {  	[tilespmem:v6+s15+$0x0] =	vst.idx.add.s32.msk $0xffff, v2  }
0x120: {  	[tilespmem:v5+s15+$0x0] =	vst.idx.add.s32.msk $0xffff, v2  }
0x121: {  	[tilespmem:v8+s15+$0x0] =	vst.idx.add.s32.msk $0xffff, v2  }
0x122: {  	[tilespmem:v3+s15+$0x0] =	vst.idx.add.s32.msk $0xffff, v2  }
0x123: {  	s21 =	simm.s32 $0x0;
	s22 =	simm.s32 $0x0;
	s23 =	simm.s32 $0x0;
	[tilespmem:v4+s15+$0x0] =	vst.idx.add.s32.msk $0xffff, v2  }
0x124: {  	[tilespmem:s14], [sflag:$0x2] =	stream.linear.gather [hbm4b:s9+s21], $0x4000, $0x38;
	[tilespmem:$0x19100] =	vst v63  }
0x125: {  	s22 =	sand.u32 $0x3000, s22;
	s21 =	sand.u32 $0xC00, s21;
	_ =	swait.ge [sflag:s4], $0x4000  }
0x126: {  	s23 =	sand.u32 $0x380, s23;
	s21 =	sor.u32 s21, s22;
	[sflag:s4] =	ssyncset.done $0x0  }
0x127: {  	s21 =	sor.u32 s23, s21;
	[sflag:s4] =	ssyncadd.s32 $0xFFFFC000  }
0x128: {  	v3 =	vld [tilespmem:s21+$0x70]  }
0x129: {  	v4 =	vld [tilespmem:s21+$0x0]  }
0x12a: {  	v5 =	vld [tilespmem:s21+$0x10]  }
0x12b: {  	v6 =	vld [tilespmem:s21+$0x20]  }
0x12c: {  	v7 =	vld [tilespmem:s21+$0x30]  }
0x12d: {  	v8 =	vld [tilespmem:s21+$0x40]  }
0x12e: {  	v9 =	vld [tilespmem:s21+$0x50];
	v3 =	vmul.f32 $1.035630630e+06, v3  }
0x12f: {  	v10 =	vld [tilespmem:s21+$0x60]  }
0x130: {  	s30 =	simm.s32 $0x80;
	s21 =	simm.s32 $0x400;
	v4 =	vmul.f32 $1.035630630e+06, v4;
	v3 =	vtrunc.f32 v3  }
0x131: {  	s24 =	simm.s32 $0x20;
	s22 =	sand.u32 $0x3000, s30;
	s31 =	sand.u32 $0xC00, s21;
	v5 =	vmul.f32 $1.035630630e+06, v5;
	v3 =	vcvt.f32.s32 v3  }
0x132: {  	s24 =	sand.u32 $0x380, s24;
	s22 =	sor.u32 s31, s22;
	v6 =	vmul.f32 $1.035630630e+06, v6;
	v7 =	vmul.f32 $1.035630630e+06, v7  }
0x133: {  	s22 =	sor.u32 s24, s22;
	v8 =	vmul.f32 $1.035630630e+06, v8;
	v9 =	vmul.f32 $1.035630630e+06, v9;
	v3 =	vshra.s32 v3, $0xC  }
0x134: {  	v11 =	vld [tilespmem:s22+$0x70];
	v10 =	vmul.f32 $1.035630630e+06, v10;
	v4 =	vtrunc.f32 v4;
	v3 =	vadd.s32 v1, v3  }
0x135: {  	v5 =	vtrunc.f32 v5;
	v6 =	vtrunc.f32 v6  }
0x136: {  	v7 =	vtrunc.f32 v7;
	v8 =	vtrunc.f32 v8  }
0x137: {  	v9 =	vtrunc.f32 v9;
	v4 =	vcvt.f32.s32 v4  }
0x138: {  	v12 =	vld [tilespmem:s22+$0x0];
	v10 =	vtrunc.f32 v10;
	v5 =	vcvt.f32.s32 v5  }
0x139: {  	v19 =	vmul.f32 $1.035630630e+06, v11;
	v4 =	vshra.s32 v4, $0xC;
	[tilespmem:v3+s15+$0x0] =	vst.idx.add.s32.msk $0xffff, v2;
	v3 =	vcvt.f32.s32 v6  }
0x13a: {  	v13 =	vld [tilespmem:s22+$0x10];
	v5 =	vshra.s32 v5, $0xC;
	v6 =	vcvt.f32.s32 v7;
	v7 =	vcvt.f32.s32 v8  }
0x13b: {  	v16 =	vld [tilespmem:s22+$0x30];
	v4 =	vadd.s32 v1, v4;
	v8 =	vcvt.f32.s32 v9;
	v9 =	vcvt.f32.s32 v10  }
0x13c: {  	v17 =	vadd.s32 v1, v5;
	v10 =	vld [tilespmem:s22+$0x20];
	v3 =	vshra.s32 v3, $0xC;
	v6 =	vshra.s32 v6, $0xC  }
0x13d: {  	v14 =	vshra.s32 v7, $0xC;
	v18 =	vshra.s32 v9, $0xC;
	v9 =	vld [tilespmem:s22+$0x40];
	v7 =	vadd.s32 v1, v3  }
0x13e: {  	v20 =	vmul.f32 $1.035630630e+06, v12;
	v11 =	vld [tilespmem:s22+$0x50];
	v15 =	vshra.s32 v8, $0xC;
	v6 =	vadd.s32 v1, v6  }
0x13f: {  	v8 =	vld [tilespmem:s22+$0x60];
	v5 =	vadd.s32 v1, v14;
	v14 =	vmul.f32 $1.035630630e+06, v13;
	v13 =	vtrunc.f32 v19  }
0x140: {  	[tilespmem:v4+s15+$0x0] =	vst.idx.add.s32.msk $0xffff, v2;
	v3 =	vadd.s32 v1, v15;
	v15 =	vcvt.f32.s32 v13;
	v13 =	vmul.f32 $1.035630630e+06, v16  }
0x141: {  	[tilespmem:v17+s15+$0x0] =	vst.idx.add.s32.msk $0xffff, v2;
	s22 =	simm.s32 $0x8;
	v4 =	vadd.s32 v1, v18;
	v12 =	vmul.f32 $1.035630630e+06, v10;
	v10 =	vtrunc.f32 v20  }
.LBB2_12:
0x142: {  	s22 =	sadd.s32 $0x8, s22;
	v14 =	vtrunc.f32 v14;
	v9 =	vmul.f32 $1.035630630e+06, v9;
	v15 =	vshra.s32 v15, $0xC;
	[tilespmem:v7+s15+$0x0] =	vst.idx.add.s32.msk $0xffff, v2  }
0x143: {  	v7 =	vtrunc.f32 v12;
	s21 =	sadd.s32 $0x400, s21;
	s23 =	sshll.u32 s22, $0x4;
	p0 =	slt.u32 s22, $0x3F8;
	v11 =	vmul.f32 $1.035630630e+06, v11;
	v12 =	vadd.s32 v1, v15;
	[tilespmem:v6+s15+$0x0] =	vst.idx.add.s32.msk $0xffff, v2  }
0x144: {  	s24 =	sand.u32 $0xC00, s21;
	s25 =	sshll.u32 s22, $0x2;
	v6 =	vtrunc.f32 v13;
	s23 =	sand.u32 $0x3000, s23;
	v8 =	vmul.f32 $1.035630630e+06, v8;
	[tilespmem:v5+s15+$0x0] =	vst.idx.add.s32.msk $0xffff, v2  }
0x145: {  	s25 =	sand.u32 $0x380, s25;
	v5 =	vtrunc.f32 v9;
	s23 =	sor.u32 s24, s23;
	v9 =	vtrunc.f32 v11;
	[tilespmem:v3+s15+$0x0] =	vst.idx.add.s32.msk $0xffff, v2  }
0x146: {  	v3 =	vcvt.f32.s32 v10;
	s23 =	sor.u32 s25, s23;
	v8 =	vtrunc.f32 v8;
	[tilespmem:v4+s15+$0x0] =	vst.idx.add.s32.msk $0xffff, v2  }
0x147: {  	v7 =	vcvt.f32.s32 v7;
	v10 =	vcvt.f32.s32 v14;
	v4 =	vld [tilespmem:s23+$0x70]  }
0x148: {  	v6 =	vcvt.f32.s32 v6;
	v5 =	vcvt.f32.s32 v5;
	v3 =	vshra.s32 v3, $0xC;
	[tilespmem:v12+s15+$0x0] =	vst.idx.add.s32.msk $0xffff, v2  }
0x149: {  	v9 =	vcvt.f32.s32 v9;
	v10 =	vshra.s32 v10, $0xC;
	v8 =	vcvt.f32.s32 v8;
	v11 =	vld [tilespmem:s23+$0x0]  }
0x14a: {  	v7 =	vshra.s32 v7, $0xC;
	v6 =	vshra.s32 v6, $0xC;
	v5 =	vshra.s32 v5, $0xC;
	v12 =	vld [tilespmem:s23+$0x10]  }
0x14b: {  	v16 =	vadd.s32 v1, v3;
	v3 =	vshra.s32 v9, $0xC;
	v8 =	vshra.s32 v8, $0xC;
	v13 =	vld [tilespmem:s23+$0x20]  }
0x14c: {  	v7 =	vadd.s32 v1, v7;
	v6 =	vadd.s32 v1, v6;
	v18 =	vadd.s32 v1, v10;
	v17 =	vld [tilespmem:s23+$0x30]  }
.Ltmp5:
0x14d: {  	v5 =	vadd.s32 v1, v5;
	v3 =	vadd.s32 v1, v3;
	v10 =	vmul.f32 $1.035630630e+06, v4;
	v9 =	vld [tilespmem:s23+$0x40];
	(pc) =	sbr.rel @p0 .LBB2_12-.Ltmp5, $4  }
0x14e: {  	v4 =	vadd.s32 v1, v8;
	v19 =	vmul.f32 $1.035630630e+06, v11;
	v11 =	vld [tilespmem:s23+$0x50]  }
0x14f: {  	v10 =	vtrunc.f32 v10;
	v14 =	vmul.f32 $1.035630630e+06, v12;
	v8 =	vld [tilespmem:s23+$0x60]  }
0x150: {  	v15 =	vcvt.f32.s32 v10;
	v12 =	vmul.f32 $1.035630630e+06, v13;
	[tilespmem:v16+s15+$0x0] =	vst.idx.add.s32.msk $0xffff, v2  }
0x151: {  	v10 =	vtrunc.f32 v19;
	v13 =	vmul.f32 $1.035630630e+06, v17;
	[tilespmem:v18+s15+$0x0] =	vst.idx.add.s32.msk $0xffff, v2  }
0x152: {  	v14 =	vtrunc.f32 v14  }
0x153: {  	v9 =	vmul.f32 $1.035630630e+06, v9;
	v12 =	vtrunc.f32 v12  }
0x154: {  	v15 =	vshra.s32 v15, $0xC;
	v10 =	vcvt.f32.s32 v10;
	v11 =	vmul.f32 $1.035630630e+06, v11  }
0x155: {  	v13 =	vtrunc.f32 v13;
	v15 =	vadd.s32 v1, v15;
	v14 =	vcvt.f32.s32 v14  }
0x156: {  	[tilespmem:v6+s15+$0x0] =	vst.idx.add.s32.msk $0xffff, v2;
	v8 =	vmul.f32 $1.035630630e+06, v8;
	v9 =	vtrunc.f32 v9;
	v10 =	vshra.s32 v10, $0xC  }
0x157: {  	[tilespmem:v5+s15+$0x0] =	vst.idx.add.s32.msk $0xffff, v2;
	v6 =	vcvt.f32.s32 v13;
	v10 =	vadd.s32 v1, v10;
	v5 =	vcvt.f32.s32 v9  }
0x158: {  	[tilespmem:v7+s15+$0x0] =	vst.idx.add.s32.msk $0xffff, v2;
	v7 =	vtrunc.f32 v8;
	v8 =	vcvt.f32.s32 v12;
	v12 =	vshra.s32 v14, $0xC  }
0x159: {  	v11 =	vtrunc.f32 v11;
	v6 =	vshra.s32 v6, $0xC;
	v9 =	vadd.s32 v1, v12  }
0x15a: {  	[tilespmem:v3+s15+$0x0] =	vst.idx.add.s32.msk $0xffff, v2;
	v3 =	vcvt.f32.s32 v11;
	v5 =	vshra.s32 v5, $0xC;
	v6 =	vadd.s32 v1, v6  }
0x15b: {  	[tilespmem:v4+s15+$0x0] =	vst.idx.add.s32.msk $0xffff, v2;
	v4 =	vcvt.f32.s32 v7;
	v8 =	vshra.s32 v8, $0xC;
	v5 =	vadd.s32 v1, v5  }
0x15c: {  	[tilespmem:v15+s15+$0x0] =	vst.idx.add.s32.msk $0xffff, v2;
	v3 =	vshra.s32 v3, $0xC;
	v8 =	vadd.s32 v1, v8  }
0x15d: {  	v4 =	vshra.s32 v4, $0xC;
	v3 =	vadd.s32 v1, v3;
	[tilespmem:v10+s15+$0x0] =	vst.idx.add.s32.msk $0xffff, v2  }
0x15e: {  	v4 =	vadd.s32 v1, v4;
	[tilespmem:v9+s15+$0x0] =	vst.idx.add.s32.msk $0xffff, v2  }
0x15f: {  	[tilespmem:v6+s15+$0x0] =	vst.idx.add.s32.msk $0xffff, v2  }
0x160: {  	[tilespmem:v5+s15+$0x0] =	vst.idx.add.s32.msk $0xffff, v2  }
0x161: {  	[tilespmem:v8+s15+$0x0] =	vst.idx.add.s32.msk $0xffff, v2  }
0x162: {  	[tilespmem:v3+s15+$0x0] =	vst.idx.add.s32.msk $0xffff, v2  }
0x163: {  	s21 =	simm.s32 $0x0;
	s22 =	simm.s32 $0x0;
	s23 =	simm.s32 $0x0;
	[tilespmem:v4+s15+$0x0] =	vst.idx.add.s32.msk $0xffff, v2  }
0x164: {  	[tilespmem:s21], [sflag:$0x1] =	stream.linear.gather [hbm4b:s10+s21], $0x4000, $0x38;
	[tilespmem:$0x19100] =	vst v63  }
0x165: {  	s22 =	sand.u32 $0x3000, s22;
	s21 =	sand.u32 $0xC00, s21;
	_ =	swait.ge [sflag:s16], $0x4000  }
0x166: {  	s23 =	sand.u32 $0x380, s23;
	s21 =	sor.u32 s21, s22;
	[sflag:s16] =	ssyncset.done $0x0  }
0x167: {  	s21 =	sor.u32 s23, s21;
	[sflag:s16] =	ssyncadd.s32 $0xFFFFC000  }
0x168: {  	v3 =	vld [tilespmem:s21+$0x4070]  }
0x169: {  	v4 =	vld [tilespmem:s21+$0x4000]  }
0x16a: {  	v5 =	vld [tilespmem:s21+$0x4010]  }
0x16b: {  	v6 =	vld [tilespmem:s21+$0x4020]  }
0x16c: {  	v7 =	vld [tilespmem:s21+$0x4030]  }
0x16d: {  	v8 =	vld [tilespmem:s21+$0x4040]  }
0x16e: {  	v9 =	vld [tilespmem:s21+$0x4050];
	v3 =	vmul.f32 $1.035630630e+06, v3  }
0x16f: {  	v10 =	vld [tilespmem:s21+$0x4060]  }
0x170: {  	s30 =	simm.s32 $0x80;
	s21 =	simm.s32 $0x400;
	v4 =	vmul.f32 $1.035630630e+06, v4;
	v3 =	vtrunc.f32 v3  }
0x171: {  	s24 =	simm.s32 $0x20;
	s22 =	sand.u32 $0x3000, s30;
	s31 =	sand.u32 $0xC00, s21;
	v5 =	vmul.f32 $1.035630630e+06, v5;
	v3 =	vcvt.f32.s32 v3  }
0x172: {  	s24 =	sand.u32 $0x380, s24;
	s22 =	sor.u32 s31, s22;
	v6 =	vmul.f32 $1.035630630e+06, v6;
	v7 =	vmul.f32 $1.035630630e+06, v7  }
0x173: {  	s22 =	sor.u32 s24, s22;
	v8 =	vmul.f32 $1.035630630e+06, v8;
	v9 =	vmul.f32 $1.035630630e+06, v9;
	v3 =	vshra.s32 v3, $0xC  }
0x174: {  	v11 =	vld [tilespmem:s22+$0x4070];
	v10 =	vmul.f32 $1.035630630e+06, v10;
	v4 =	vtrunc.f32 v4;
	v3 =	vadd.s32 v1, v3  }
0x175: {  	v5 =	vtrunc.f32 v5;
	v6 =	vtrunc.f32 v6  }
0x176: {  	v7 =	vtrunc.f32 v7;
	v8 =	vtrunc.f32 v8  }
0x177: {  	v9 =	vtrunc.f32 v9;
	v4 =	vcvt.f32.s32 v4  }
0x178: {  	v12 =	vld [tilespmem:s22+$0x4000];
	v10 =	vtrunc.f32 v10;
	v5 =	vcvt.f32.s32 v5  }
0x179: {  	v19 =	vmul.f32 $1.035630630e+06, v11;
	v4 =	vshra.s32 v4, $0xC;
	[tilespmem:v3+s15+$0x0] =	vst.idx.add.s32.msk $0xffff, v2;
	v3 =	vcvt.f32.s32 v6  }
0x17a: {  	v13 =	vld [tilespmem:s22+$0x4010];
	v5 =	vshra.s32 v5, $0xC;
	v6 =	vcvt.f32.s32 v7;
	v7 =	vcvt.f32.s32 v8  }
0x17b: {  	v16 =	vld [tilespmem:s22+$0x4030];
	v4 =	vadd.s32 v1, v4;
	v8 =	vcvt.f32.s32 v9;
	v9 =	vcvt.f32.s32 v10  }
0x17c: {  	v17 =	vadd.s32 v1, v5;
	v10 =	vld [tilespmem:s22+$0x4020];
	v3 =	vshra.s32 v3, $0xC;
	v6 =	vshra.s32 v6, $0xC  }
0x17d: {  	v14 =	vshra.s32 v7, $0xC;
	v18 =	vshra.s32 v9, $0xC;
	v9 =	vld [tilespmem:s22+$0x4040];
	v7 =	vadd.s32 v1, v3  }
0x17e: {  	v20 =	vmul.f32 $1.035630630e+06, v12;
	v11 =	vld [tilespmem:s22+$0x4050];
	v15 =	vshra.s32 v8, $0xC;
	v6 =	vadd.s32 v1, v6  }
0x17f: {  	v8 =	vld [tilespmem:s22+$0x4060];
	v5 =	vadd.s32 v1, v14;
	v14 =	vmul.f32 $1.035630630e+06, v13;
	v13 =	vtrunc.f32 v19  }
0x180: {  	[tilespmem:v4+s15+$0x0] =	vst.idx.add.s32.msk $0xffff, v2;
	v3 =	vadd.s32 v1, v15;
	v15 =	vcvt.f32.s32 v13;
	v13 =	vmul.f32 $1.035630630e+06, v16  }
0x181: {  	[tilespmem:v17+s15+$0x0] =	vst.idx.add.s32.msk $0xffff, v2;
	s22 =	simm.s32 $0x8;
	v4 =	vadd.s32 v1, v18;
	v12 =	vmul.f32 $1.035630630e+06, v10;
	v10 =	vtrunc.f32 v20  }
.LBB2_14:
0x182: {  	s22 =	sadd.s32 $0x8, s22;
	v14 =	vtrunc.f32 v14;
	v9 =	vmul.f32 $1.035630630e+06, v9;
	v15 =	vshra.s32 v15, $0xC;
	[tilespmem:v7+s15+$0x0] =	vst.idx.add.s32.msk $0xffff, v2  }
0x183: {  	v7 =	vtrunc.f32 v12;
	s21 =	sadd.s32 $0x400, s21;
	s23 =	sshll.u32 s22, $0x4;
	p0 =	slt.u32 s22, $0x3F8;
	v11 =	vmul.f32 $1.035630630e+06, v11;
	v12 =	vadd.s32 v1, v15;
	[tilespmem:v6+s15+$0x0] =	vst.idx.add.s32.msk $0xffff, v2  }
0x184: {  	s24 =	sand.u32 $0xC00, s21;
	s25 =	sshll.u32 s22, $0x2;
	v6 =	vtrunc.f32 v13;
	s23 =	sand.u32 $0x3000, s23;
	v8 =	vmul.f32 $1.035630630e+06, v8;
	[tilespmem:v5+s15+$0x0] =	vst.idx.add.s32.msk $0xffff, v2  }
0x185: {  	s25 =	sand.u32 $0x380, s25;
	v5 =	vtrunc.f32 v9;
	s23 =	sor.u32 s24, s23;
	v9 =	vtrunc.f32 v11;
	[tilespmem:v3+s15+$0x0] =	vst.idx.add.s32.msk $0xffff, v2  }
0x186: {  	v3 =	vcvt.f32.s32 v10;
	s23 =	sor.u32 s25, s23;
	v8 =	vtrunc.f32 v8;
	[tilespmem:v4+s15+$0x0] =	vst.idx.add.s32.msk $0xffff, v2  }
0x187: {  	v7 =	vcvt.f32.s32 v7;
	v10 =	vcvt.f32.s32 v14;
	v4 =	vld [tilespmem:s23+$0x4070]  }
0x188: {  	v6 =	vcvt.f32.s32 v6;
	v5 =	vcvt.f32.s32 v5;
	v3 =	vshra.s32 v3, $0xC;
	[tilespmem:v12+s15+$0x0] =	vst.idx.add.s32.msk $0xffff, v2  }
0x189: {  	v9 =	vcvt.f32.s32 v9;
	v10 =	vshra.s32 v10, $0xC;
	v8 =	vcvt.f32.s32 v8;
	v11 =	vld [tilespmem:s23+$0x4000]  }
0x18a: {  	v7 =	vshra.s32 v7, $0xC;
	v6 =	vshra.s32 v6, $0xC;
	v5 =	vshra.s32 v5, $0xC;
	v12 =	vld [tilespmem:s23+$0x4010]  }
0x18b: {  	v16 =	vadd.s32 v1, v3;
	v3 =	vshra.s32 v9, $0xC;
	v8 =	vshra.s32 v8, $0xC;
	v13 =	vld [tilespmem:s23+$0x4020]  }
0x18c: {  	v7 =	vadd.s32 v1, v7;
	v6 =	vadd.s32 v1, v6;
	v18 =	vadd.s32 v1, v10;
	v17 =	vld [tilespmem:s23+$0x4030]  }
.Ltmp6:
0x18d: {  	v5 =	vadd.s32 v1, v5;
	v3 =	vadd.s32 v1, v3;
	v10 =	vmul.f32 $1.035630630e+06, v4;
	v9 =	vld [tilespmem:s23+$0x4040];
	(pc) =	sbr.rel @p0 .LBB2_14-.Ltmp6, $4  }
0x18e: {  	v4 =	vadd.s32 v1, v8;
	v19 =	vmul.f32 $1.035630630e+06, v11;
	v11 =	vld [tilespmem:s23+$0x4050]  }
0x18f: {  	v10 =	vtrunc.f32 v10;
	v14 =	vmul.f32 $1.035630630e+06, v12;
	v8 =	vld [tilespmem:s23+$0x4060]  }
0x190: {  	v15 =	vcvt.f32.s32 v10;
	v12 =	vmul.f32 $1.035630630e+06, v13;
	[tilespmem:v16+s15+$0x0] =	vst.idx.add.s32.msk $0xffff, v2  }
0x191: {  	v10 =	vtrunc.f32 v19;
	v13 =	vmul.f32 $1.035630630e+06, v17;
	[tilespmem:v18+s15+$0x0] =	vst.idx.add.s32.msk $0xffff, v2  }
0x192: {  	v14 =	vtrunc.f32 v14  }
0x193: {  	v9 =	vmul.f32 $1.035630630e+06, v9;
	v12 =	vtrunc.f32 v12  }
0x194: {  	v15 =	vshra.s32 v15, $0xC;
	v10 =	vcvt.f32.s32 v10;
	v11 =	vmul.f32 $1.035630630e+06, v11  }
0x195: {  	v13 =	vtrunc.f32 v13;
	v15 =	vadd.s32 v1, v15;
	v14 =	vcvt.f32.s32 v14  }
0x196: {  	[tilespmem:v6+s15+$0x0] =	vst.idx.add.s32.msk $0xffff, v2;
	v8 =	vmul.f32 $1.035630630e+06, v8;
	v9 =	vtrunc.f32 v9;
	v10 =	vshra.s32 v10, $0xC  }
0x197: {  	[tilespmem:v5+s15+$0x0] =	vst.idx.add.s32.msk $0xffff, v2;
	v6 =	vcvt.f32.s32 v13;
	v10 =	vadd.s32 v1, v10;
	v5 =	vcvt.f32.s32 v9  }
0x198: {  	[tilespmem:v7+s15+$0x0] =	vst.idx.add.s32.msk $0xffff, v2;
	v7 =	vtrunc.f32 v8;
	v8 =	vcvt.f32.s32 v12;
	v12 =	vshra.s32 v14, $0xC  }
0x199: {  	v11 =	vtrunc.f32 v11;
	v6 =	vshra.s32 v6, $0xC;
	v9 =	vadd.s32 v1, v12  }
0x19a: {  	[tilespmem:v3+s15+$0x0] =	vst.idx.add.s32.msk $0xffff, v2;
	v3 =	vcvt.f32.s32 v11;
	v5 =	vshra.s32 v5, $0xC;
	v6 =	vadd.s32 v1, v6  }
0x19b: {  	[tilespmem:v4+s15+$0x0] =	vst.idx.add.s32.msk $0xffff, v2;
	v4 =	vcvt.f32.s32 v7;
	v8 =	vshra.s32 v8, $0xC;
	v5 =	vadd.s32 v1, v5  }
0x19c: {  	[tilespmem:v15+s15+$0x0] =	vst.idx.add.s32.msk $0xffff, v2;
	v3 =	vshra.s32 v3, $0xC;
	v8 =	vadd.s32 v1, v8  }
0x19d: {  	v4 =	vshra.s32 v4, $0xC;
	v3 =	vadd.s32 v1, v3;
	[tilespmem:v10+s15+$0x0] =	vst.idx.add.s32.msk $0xffff, v2  }
0x19e: {  	v4 =	vadd.s32 v1, v4;
	[tilespmem:v9+s15+$0x0] =	vst.idx.add.s32.msk $0xffff, v2  }
0x19f: {  	[tilespmem:v6+s15+$0x0] =	vst.idx.add.s32.msk $0xffff, v2  }
0x1a0: {  	[tilespmem:v5+s15+$0x0] =	vst.idx.add.s32.msk $0xffff, v2  }
0x1a1: {  	[tilespmem:v8+s15+$0x0] =	vst.idx.add.s32.msk $0xffff, v2  }
0x1a2: {  	[tilespmem:v3+s15+$0x0] =	vst.idx.add.s32.msk $0xffff, v2  }
0x1a3: {  	s21 =	simm.s32 $0x0;
	s22 =	simm.s32 $0x0;
	s23 =	simm.s32 $0x0;
	[tilespmem:v4+s15+$0x0] =	vst.idx.add.s32.msk $0xffff, v2  }
0x1a4: {  	[tilespmem:s14], [sflag:$0x2] =	stream.linear.gather [hbm4b:s11+s21], $0x4000, $0x38;
	[tilespmem:$0x19100] =	vst v63  }
0x1a5: {  	s22 =	sand.u32 $0x3000, s22;
	s21 =	sand.u32 $0xC00, s21;
	_ =	swait.ge [sflag:s4], $0x4000  }
0x1a6: {  	s23 =	sand.u32 $0x380, s23;
	s21 =	sor.u32 s21, s22;
	[sflag:s4] =	ssyncset.done $0x0  }
0x1a7: {  	s21 =	sor.u32 s23, s21;
	[sflag:s4] =	ssyncadd.s32 $0xFFFFC000  }
0x1a8: {  	v3 =	vld [tilespmem:s21+$0x70]  }
0x1a9: {  	v4 =	vld [tilespmem:s21+$0x0]  }
0x1aa: {  	v5 =	vld [tilespmem:s21+$0x10]  }
0x1ab: {  	v6 =	vld [tilespmem:s21+$0x20]  }
0x1ac: {  	v7 =	vld [tilespmem:s21+$0x30]  }
0x1ad: {  	v8 =	vld [tilespmem:s21+$0x40]  }
0x1ae: {  	v9 =	vld [tilespmem:s21+$0x50];
	v3 =	vmul.f32 $1.035630630e+06, v3  }
0x1af: {  	v10 =	vld [tilespmem:s21+$0x60]  }
0x1b0: {  	s30 =	simm.s32 $0x80;
	s21 =	simm.s32 $0x400;
	v4 =	vmul.f32 $1.035630630e+06, v4;
	v3 =	vtrunc.f32 v3  }
0x1b1: {  	s24 =	simm.s32 $0x20;
	s22 =	sand.u32 $0x3000, s30;
	s31 =	sand.u32 $0xC00, s21;
	v5 =	vmul.f32 $1.035630630e+06, v5;
	v3 =	vcvt.f32.s32 v3  }
0x1b2: {  	s24 =	sand.u32 $0x380, s24;
	s22 =	sor.u32 s31, s22;
	v6 =	vmul.f32 $1.035630630e+06, v6;
	v7 =	vmul.f32 $1.035630630e+06, v7  }
0x1b3: {  	s22 =	sor.u32 s24, s22;
	v8 =	vmul.f32 $1.035630630e+06, v8;
	v9 =	vmul.f32 $1.035630630e+06, v9;
	v3 =	vshra.s32 v3, $0xC  }
0x1b4: {  	v11 =	vld [tilespmem:s22+$0x70];
	v10 =	vmul.f32 $1.035630630e+06, v10;
	v4 =	vtrunc.f32 v4;
	v3 =	vadd.s32 v1, v3  }
0x1b5: {  	v5 =	vtrunc.f32 v5;
	v6 =	vtrunc.f32 v6  }
0x1b6: {  	v7 =	vtrunc.f32 v7;
	v8 =	vtrunc.f32 v8  }
0x1b7: {  	v9 =	vtrunc.f32 v9;
	v4 =	vcvt.f32.s32 v4  }
0x1b8: {  	v12 =	vld [tilespmem:s22+$0x0];
	v10 =	vtrunc.f32 v10;
	v5 =	vcvt.f32.s32 v5  }
0x1b9: {  	v19 =	vmul.f32 $1.035630630e+06, v11;
	v4 =	vshra.s32 v4, $0xC;
	[tilespmem:v3+s15+$0x0] =	vst.idx.add.s32.msk $0xffff, v2;
	v3 =	vcvt.f32.s32 v6  }
0x1ba: {  	v13 =	vld [tilespmem:s22+$0x10];
	v5 =	vshra.s32 v5, $0xC;
	v6 =	vcvt.f32.s32 v7;
	v7 =	vcvt.f32.s32 v8  }
0x1bb: {  	v16 =	vld [tilespmem:s22+$0x30];
	v4 =	vadd.s32 v1, v4;
	v8 =	vcvt.f32.s32 v9;
	v9 =	vcvt.f32.s32 v10  }
0x1bc: {  	v17 =	vadd.s32 v1, v5;
	v10 =	vld [tilespmem:s22+$0x20];
	v3 =	vshra.s32 v3, $0xC;
	v6 =	vshra.s32 v6, $0xC  }
0x1bd: {  	v14 =	vshra.s32 v7, $0xC;
	v18 =	vshra.s32 v9, $0xC;
	v9 =	vld [tilespmem:s22+$0x40];
	v7 =	vadd.s32 v1, v3  }
0x1be: {  	v20 =	vmul.f32 $1.035630630e+06, v12;
	v11 =	vld [tilespmem:s22+$0x50];
	v15 =	vshra.s32 v8, $0xC;
	v6 =	vadd.s32 v1, v6  }
0x1bf: {  	v8 =	vld [tilespmem:s22+$0x60];
	v5 =	vadd.s32 v1, v14;
	v14 =	vmul.f32 $1.035630630e+06, v13;
	v13 =	vtrunc.f32 v19  }
0x1c0: {  	[tilespmem:v4+s15+$0x0] =	vst.idx.add.s32.msk $0xffff, v2;
	v3 =	vadd.s32 v1, v15;
	v15 =	vcvt.f32.s32 v13;
	v13 =	vmul.f32 $1.035630630e+06, v16  }
0x1c1: {  	[tilespmem:v17+s15+$0x0] =	vst.idx.add.s32.msk $0xffff, v2;
	s22 =	simm.s32 $0x8;
	v4 =	vadd.s32 v1, v18;
	v12 =	vmul.f32 $1.035630630e+06, v10;
	v10 =	vtrunc.f32 v20  }
.LBB2_16:
0x1c2: {  	s22 =	sadd.s32 $0x8, s22;
	v14 =	vtrunc.f32 v14;
	v9 =	vmul.f32 $1.035630630e+06, v9;
	v15 =	vshra.s32 v15, $0xC;
	[tilespmem:v7+s15+$0x0] =	vst.idx.add.s32.msk $0xffff, v2  }
0x1c3: {  	v7 =	vtrunc.f32 v12;
	s21 =	sadd.s32 $0x400, s21;
	s23 =	sshll.u32 s22, $0x4;
	p0 =	slt.u32 s22, $0x3F8;
	v11 =	vmul.f32 $1.035630630e+06, v11;
	v12 =	vadd.s32 v1, v15;
	[tilespmem:v6+s15+$0x0] =	vst.idx.add.s32.msk $0xffff, v2  }
0x1c4: {  	s24 =	sand.u32 $0xC00, s21;
	s25 =	sshll.u32 s22, $0x2;
	v6 =	vtrunc.f32 v13;
	s23 =	sand.u32 $0x3000, s23;
	v8 =	vmul.f32 $1.035630630e+06, v8;
	[tilespmem:v5+s15+$0x0] =	vst.idx.add.s32.msk $0xffff, v2  }
0x1c5: {  	s25 =	sand.u32 $0x380, s25;
	v5 =	vtrunc.f32 v9;
	s23 =	sor.u32 s24, s23;
	v9 =	vtrunc.f32 v11;
	[tilespmem:v3+s15+$0x0] =	vst.idx.add.s32.msk $0xffff, v2  }
0x1c6: {  	v3 =	vcvt.f32.s32 v10;
	s23 =	sor.u32 s25, s23;
	v8 =	vtrunc.f32 v8;
	[tilespmem:v4+s15+$0x0] =	vst.idx.add.s32.msk $0xffff, v2  }
0x1c7: {  	v7 =	vcvt.f32.s32 v7;
	v10 =	vcvt.f32.s32 v14;
	v4 =	vld [tilespmem:s23+$0x70]  }
0x1c8: {  	v6 =	vcvt.f32.s32 v6;
	v5 =	vcvt.f32.s32 v5;
	v3 =	vshra.s32 v3, $0xC;
	[tilespmem:v12+s15+$0x0] =	vst.idx.add.s32.msk $0xffff, v2  }
0x1c9: {  	v9 =	vcvt.f32.s32 v9;
	v10 =	vshra.s32 v10, $0xC;
	v8 =	vcvt.f32.s32 v8;
	v11 =	vld [tilespmem:s23+$0x0]  }
0x1ca: {  	v7 =	vshra.s32 v7, $0xC;
	v6 =	vshra.s32 v6, $0xC;
	v5 =	vshra.s32 v5, $0xC;
	v12 =	vld [tilespmem:s23+$0x10]  }
0x1cb: {  	v16 =	vadd.s32 v1, v3;
	v3 =	vshra.s32 v9, $0xC;
	v8 =	vshra.s32 v8, $0xC;
	v13 =	vld [tilespmem:s23+$0x20]  }
0x1cc: {  	v7 =	vadd.s32 v1, v7;
	v6 =	vadd.s32 v1, v6;
	v18 =	vadd.s32 v1, v10;
	v17 =	vld [tilespmem:s23+$0x30]  }
.Ltmp7:
0x1cd: {  	v5 =	vadd.s32 v1, v5;
	v3 =	vadd.s32 v1, v3;
	v10 =	vmul.f32 $1.035630630e+06, v4;
	v9 =	vld [tilespmem:s23+$0x40];
	(pc) =	sbr.rel @p0 .LBB2_16-.Ltmp7, $4  }
0x1ce: {  	v4 =	vadd.s32 v1, v8;
	v19 =	vmul.f32 $1.035630630e+06, v11;
	v11 =	vld [tilespmem:s23+$0x50]  }
0x1cf: {  	v10 =	vtrunc.f32 v10;
	v14 =	vmul.f32 $1.035630630e+06, v12;
	v8 =	vld [tilespmem:s23+$0x60]  }
0x1d0: {  	v15 =	vcvt.f32.s32 v10;
	v12 =	vmul.f32 $1.035630630e+06, v13;
	[tilespmem:v16+s15+$0x0] =	vst.idx.add.s32.msk $0xffff, v2  }
0x1d1: {  	v10 =	vtrunc.f32 v19;
	v13 =	vmul.f32 $1.035630630e+06, v17;
	[tilespmem:v18+s15+$0x0] =	vst.idx.add.s32.msk $0xffff, v2  }
0x1d2: {  	v14 =	vtrunc.f32 v14  }
0x1d3: {  	v9 =	vmul.f32 $1.035630630e+06, v9;
	v12 =	vtrunc.f32 v12  }
0x1d4: {  	v15 =	vshra.s32 v15, $0xC;
	v10 =	vcvt.f32.s32 v10;
	v11 =	vmul.f32 $1.035630630e+06, v11  }
0x1d5: {  	v13 =	vtrunc.f32 v13;
	v15 =	vadd.s32 v1, v15;
	v14 =	vcvt.f32.s32 v14  }
0x1d6: {  	[tilespmem:v6+s15+$0x0] =	vst.idx.add.s32.msk $0xffff, v2;
	v8 =	vmul.f32 $1.035630630e+06, v8;
	v9 =	vtrunc.f32 v9;
	v10 =	vshra.s32 v10, $0xC  }
0x1d7: {  	[tilespmem:v5+s15+$0x0] =	vst.idx.add.s32.msk $0xffff, v2;
	v6 =	vcvt.f32.s32 v13;
	v10 =	vadd.s32 v1, v10;
	v5 =	vcvt.f32.s32 v9  }
0x1d8: {  	[tilespmem:v7+s15+$0x0] =	vst.idx.add.s32.msk $0xffff, v2;
	v7 =	vtrunc.f32 v8;
	v8 =	vcvt.f32.s32 v12;
	v12 =	vshra.s32 v14, $0xC  }
0x1d9: {  	v11 =	vtrunc.f32 v11;
	v6 =	vshra.s32 v6, $0xC;
	v9 =	vadd.s32 v1, v12  }
0x1da: {  	[tilespmem:v3+s15+$0x0] =	vst.idx.add.s32.msk $0xffff, v2;
	v3 =	vcvt.f32.s32 v11;
	v5 =	vshra.s32 v5, $0xC;
	v6 =	vadd.s32 v1, v6  }
0x1db: {  	[tilespmem:v4+s15+$0x0] =	vst.idx.add.s32.msk $0xffff, v2;
	v4 =	vcvt.f32.s32 v7;
	v8 =	vshra.s32 v8, $0xC;
	v5 =	vadd.s32 v1, v5  }
0x1dc: {  	[tilespmem:v15+s15+$0x0] =	vst.idx.add.s32.msk $0xffff, v2;
	v3 =	vshra.s32 v3, $0xC;
	v8 =	vadd.s32 v1, v8  }
0x1dd: {  	v4 =	vshra.s32 v4, $0xC;
	v3 =	vadd.s32 v1, v3;
	[tilespmem:v10+s15+$0x0] =	vst.idx.add.s32.msk $0xffff, v2  }
0x1de: {  	v4 =	vadd.s32 v1, v4;
	[tilespmem:v9+s15+$0x0] =	vst.idx.add.s32.msk $0xffff, v2  }
0x1df: {  	[tilespmem:v6+s15+$0x0] =	vst.idx.add.s32.msk $0xffff, v2  }
0x1e0: {  	[tilespmem:v5+s15+$0x0] =	vst.idx.add.s32.msk $0xffff, v2  }
0x1e1: {  	[tilespmem:v8+s15+$0x0] =	vst.idx.add.s32.msk $0xffff, v2  }
0x1e2: {  	[tilespmem:v3+s15+$0x0] =	vst.idx.add.s32.msk $0xffff, v2  }
0x1e3: {  	s21 =	simm.s32 $0x0;
	s22 =	simm.s32 $0x0;
	s23 =	simm.s32 $0x0;
	[tilespmem:v4+s15+$0x0] =	vst.idx.add.s32.msk $0xffff, v2  }
0x1e4: {  	s22 =	sand.u32 $0x3000, s22;
	s21 =	sand.u32 $0xC00, s21;
	_ =	swait.ge [sflag:s16], $0x4000  }
0x1e5: {  	s23 =	sand.u32 $0x380, s23;
	s21 =	sor.u32 s21, s22;
	[sflag:s16] =	ssyncset.done $0x0  }
0x1e6: {  	s21 =	sor.u32 s23, s21;
	[sflag:s16] =	ssyncadd.s32 $0xFFFFC000  }
0x1e7: {  	v3 =	vld [tilespmem:s21+$0x4070]  }
0x1e8: {  	v4 =	vld [tilespmem:s21+$0x4000]  }
0x1e9: {  	v5 =	vld [tilespmem:s21+$0x4010]  }
0x1ea: {  	v6 =	vld [tilespmem:s21+$0x4020]  }
0x1eb: {  	v7 =	vld [tilespmem:s21+$0x4030]  }
0x1ec: {  	v8 =	vld [tilespmem:s21+$0x4040]  }
0x1ed: {  	v9 =	vld [tilespmem:s21+$0x4050];
	v3 =	vmul.f32 $1.035630630e+06, v3  }
0x1ee: {  	v10 =	vld [tilespmem:s21+$0x4060]  }
0x1ef: {  	s30 =	simm.s32 $0x80;
	s21 =	simm.s32 $0x400;
	v4 =	vmul.f32 $1.035630630e+06, v4;
	v3 =	vtrunc.f32 v3  }
0x1f0: {  	s24 =	simm.s32 $0x20;
	s22 =	sand.u32 $0x3000, s30;
	s31 =	sand.u32 $0xC00, s21;
	v5 =	vmul.f32 $1.035630630e+06, v5;
	v3 =	vcvt.f32.s32 v3  }
0x1f1: {  	s24 =	sand.u32 $0x380, s24;
	s22 =	sor.u32 s31, s22;
	v6 =	vmul.f32 $1.035630630e+06, v6;
	v7 =	vmul.f32 $1.035630630e+06, v7  }
0x1f2: {  	s22 =	sor.u32 s24, s22;
	v8 =	vmul.f32 $1.035630630e+06, v8;
	v9 =	vmul.f32 $1.035630630e+06, v9;
	v3 =	vshra.s32 v3, $0xC  }
0x1f3: {  	v11 =	vld [tilespmem:s22+$0x4070];
	v10 =	vmul.f32 $1.035630630e+06, v10;
	v4 =	vtrunc.f32 v4;
	v3 =	vadd.s32 v1, v3  }
0x1f4: {  	v5 =	vtrunc.f32 v5;
	v6 =	vtrunc.f32 v6  }
0x1f5: {  	v7 =	vtrunc.f32 v7;
	v8 =	vtrunc.f32 v8  }
0x1f6: {  	v9 =	vtrunc.f32 v9;
	v4 =	vcvt.f32.s32 v4  }
0x1f7: {  	v12 =	vld [tilespmem:s22+$0x4000];
	v10 =	vtrunc.f32 v10;
	v5 =	vcvt.f32.s32 v5  }
0x1f8: {  	v19 =	vmul.f32 $1.035630630e+06, v11;
	v4 =	vshra.s32 v4, $0xC;
	[tilespmem:v3+s15+$0x0] =	vst.idx.add.s32.msk $0xffff, v2;
	v3 =	vcvt.f32.s32 v6  }
0x1f9: {  	v13 =	vld [tilespmem:s22+$0x4010];
	v5 =	vshra.s32 v5, $0xC;
	v6 =	vcvt.f32.s32 v7;
	v7 =	vcvt.f32.s32 v8  }
0x1fa: {  	v16 =	vld [tilespmem:s22+$0x4030];
	v4 =	vadd.s32 v1, v4;
	v8 =	vcvt.f32.s32 v9;
	v9 =	vcvt.f32.s32 v10  }
0x1fb: {  	v17 =	vadd.s32 v1, v5;
	v10 =	vld [tilespmem:s22+$0x4020];
	v3 =	vshra.s32 v3, $0xC;
	v6 =	vshra.s32 v6, $0xC  }
0x1fc: {  	v14 =	vshra.s32 v7, $0xC;
	v18 =	vshra.s32 v9, $0xC;
	v9 =	vld [tilespmem:s22+$0x4040];
	v7 =	vadd.s32 v1, v3  }
0x1fd: {  	v20 =	vmul.f32 $1.035630630e+06, v12;
	v11 =	vld [tilespmem:s22+$0x4050];
	v15 =	vshra.s32 v8, $0xC;
	v6 =	vadd.s32 v1, v6  }
0x1fe: {  	v8 =	vld [tilespmem:s22+$0x4060];
	v5 =	vadd.s32 v1, v14;
	v14 =	vmul.f32 $1.035630630e+06, v13;
	v13 =	vtrunc.f32 v19  }
0x1ff: {  	[tilespmem:v4+s15+$0x0] =	vst.idx.add.s32.msk $0xffff, v2;
	v3 =	vadd.s32 v1, v15;
	v15 =	vcvt.f32.s32 v13;
	v13 =	vmul.f32 $1.035630630e+06, v16  }
0x200: {  	[tilespmem:v17+s15+$0x0] =	vst.idx.add.s32.msk $0xffff, v2;
	s22 =	simm.s32 $0x8;
	v4 =	vadd.s32 v1, v18;
	v12 =	vmul.f32 $1.035630630e+06, v10;
	v10 =	vtrunc.f32 v20  }
.LBB2_18:
0x201: {  	s22 =	sadd.s32 $0x8, s22;
	v14 =	vtrunc.f32 v14;
	v9 =	vmul.f32 $1.035630630e+06, v9;
	v15 =	vshra.s32 v15, $0xC;
	[tilespmem:v7+s15+$0x0] =	vst.idx.add.s32.msk $0xffff, v2  }
0x202: {  	v7 =	vtrunc.f32 v12;
	s21 =	sadd.s32 $0x400, s21;
	s23 =	sshll.u32 s22, $0x4;
	p0 =	slt.u32 s22, $0x3F8;
	v11 =	vmul.f32 $1.035630630e+06, v11;
	v12 =	vadd.s32 v1, v15;
	[tilespmem:v6+s15+$0x0] =	vst.idx.add.s32.msk $0xffff, v2  }
0x203: {  	s24 =	sand.u32 $0xC00, s21;
	s25 =	sshll.u32 s22, $0x2;
	v6 =	vtrunc.f32 v13;
	s23 =	sand.u32 $0x3000, s23;
	v8 =	vmul.f32 $1.035630630e+06, v8;
	[tilespmem:v5+s15+$0x0] =	vst.idx.add.s32.msk $0xffff, v2  }
0x204: {  	s25 =	sand.u32 $0x380, s25;
	v5 =	vtrunc.f32 v9;
	s23 =	sor.u32 s24, s23;
	v9 =	vtrunc.f32 v11;
	[tilespmem:v3+s15+$0x0] =	vst.idx.add.s32.msk $0xffff, v2  }
0x205: {  	v3 =	vcvt.f32.s32 v10;
	s23 =	sor.u32 s25, s23;
	v8 =	vtrunc.f32 v8;
	[tilespmem:v4+s15+$0x0] =	vst.idx.add.s32.msk $0xffff, v2  }
0x206: {  	v7 =	vcvt.f32.s32 v7;
	v10 =	vcvt.f32.s32 v14;
	v4 =	vld [tilespmem:s23+$0x4070]  }
0x207: {  	v6 =	vcvt.f32.s32 v6;
	v5 =	vcvt.f32.s32 v5;
	v3 =	vshra.s32 v3, $0xC;
	[tilespmem:v12+s15+$0x0] =	vst.idx.add.s32.msk $0xffff, v2  }
0x208: {  	v9 =	vcvt.f32.s32 v9;
	v10 =	vshra.s32 v10, $0xC;
	v8 =	vcvt.f32.s32 v8;
	v11 =	vld [tilespmem:s23+$0x4000]  }
0x209: {  	v7 =	vshra.s32 v7, $0xC;
	v6 =	vshra.s32 v6, $0xC;
	v5 =	vshra.s32 v5, $0xC;
	v12 =	vld [tilespmem:s23+$0x4010]  }
0x20a: {  	v16 =	vadd.s32 v1, v3;
	v3 =	vshra.s32 v9, $0xC;
	v8 =	vshra.s32 v8, $0xC;
	v13 =	vld [tilespmem:s23+$0x4020]  }
0x20b: {  	v7 =	vadd.s32 v1, v7;
	v6 =	vadd.s32 v1, v6;
	v18 =	vadd.s32 v1, v10;
	v17 =	vld [tilespmem:s23+$0x4030]  }
.Ltmp8:
0x20c: {  	v5 =	vadd.s32 v1, v5;
	v3 =	vadd.s32 v1, v3;
	v10 =	vmul.f32 $1.035630630e+06, v4;
	v9 =	vld [tilespmem:s23+$0x4040];
	(pc) =	sbr.rel @p0 .LBB2_18-.Ltmp8, $4  }
0x20d: {  	v4 =	vadd.s32 v1, v8;
	v19 =	vmul.f32 $1.035630630e+06, v11;
	v11 =	vld [tilespmem:s23+$0x4050]  }
0x20e: {  	v10 =	vtrunc.f32 v10;
	v14 =	vmul.f32 $1.035630630e+06, v12;
	v8 =	vld [tilespmem:s23+$0x4060]  }
0x20f: {  	v15 =	vcvt.f32.s32 v10;
	v12 =	vmul.f32 $1.035630630e+06, v13;
	[tilespmem:v16+s15+$0x0] =	vst.idx.add.s32.msk $0xffff, v2  }
0x210: {  	v10 =	vtrunc.f32 v19;
	v13 =	vmul.f32 $1.035630630e+06, v17;
	[tilespmem:v18+s15+$0x0] =	vst.idx.add.s32.msk $0xffff, v2  }
0x211: {  	v14 =	vtrunc.f32 v14  }
0x212: {  	v9 =	vmul.f32 $1.035630630e+06, v9;
	v12 =	vtrunc.f32 v12  }
0x213: {  	v15 =	vshra.s32 v15, $0xC;
	v10 =	vcvt.f32.s32 v10;
	v11 =	vmul.f32 $1.035630630e+06, v11  }
0x214: {  	v13 =	vtrunc.f32 v13;
	v15 =	vadd.s32 v1, v15;
	v14 =	vcvt.f32.s32 v14  }
0x215: {  	[tilespmem:v7+s15+$0x0] =	vst.idx.add.s32.msk $0xffff, v2;
	v8 =	vmul.f32 $1.035630630e+06, v8;
	v9 =	vtrunc.f32 v9;
	v10 =	vshra.s32 v10, $0xC  }
0x216: {  	[tilespmem:v6+s15+$0x0] =	vst.idx.add.s32.msk $0xffff, v2;
	v6 =	vcvt.f32.s32 v13;
	v11 =	vtrunc.f32 v11;
	v60 =	vshra.s32 v14, $0xC  }
0x217: {  	[tilespmem:v5+s15+$0x0] =	vst.idx.add.s32.msk $0xffff, v2;
	v10 =	vadd.s32 v1, v10;
	v5 =	vcvt.f32.s32 v9;
	v7 =	vtrunc.f32 v8  }
0x218: {  	v8 =	vcvt.f32.s32 v12;
	v9 =	vadd.s32 v1, v60;
	v6 =	vshra.s32 v6, $0xC  }
0x219: {  	[tilespmem:v3+s15+$0x0] =	vst.idx.add.s32.msk $0xffff, v2;
	v3 =	vcvt.f32.s32 v11;
	v5 =	vshra.s32 v5, $0xC;
	v6 =	vadd.s32 v1, v6  }
0x21a: {  	[tilespmem:v4+s15+$0x0] =	vst.idx.add.s32.msk $0xffff, v2;
	v4 =	vcvt.f32.s32 v7;
	v8 =	vshra.s32 v8, $0xC;
	v5 =	vadd.s32 v1, v5  }
0x21b: {  	[tilespmem:v15+s15+$0x0] =	vst.idx.add.s32.msk $0xffff, v2;
	v3 =	vshra.s32 v3, $0xC;
	v8 =	vadd.s32 v1, v8  }
0x21c: {  	v4 =	vshra.s32 v4, $0xC;
	v3 =	vadd.s32 v1, v3;
	[tilespmem:v10+s15+$0x0] =	vst.idx.add.s32.msk $0xffff, v2  }
0x21d: {  	v4 =	vadd.s32 v1, v4;
	[tilespmem:v9+s15+$0x0] =	vst.idx.add.s32.msk $0xffff, v2  }
0x21e: {  	[tilespmem:v6+s15+$0x0] =	vst.idx.add.s32.msk $0xffff, v2  }
0x21f: {  	[tilespmem:v5+s15+$0x0] =	vst.idx.add.s32.msk $0xffff, v2  }
0x220: {  	[tilespmem:v8+s15+$0x0] =	vst.idx.add.s32.msk $0xffff, v2  }
0x221: {  	[tilespmem:v3+s15+$0x0] =	vst.idx.add.s32.msk $0xffff, v2  }
0x222: {  	s21 =	simm.s32 $0x0;
	[tilespmem:v4+s15+$0x0] =	vst.idx.add.s32.msk $0xffff, v2  }
0x223: {  	v3 =	vld [tilespmem:s21+$0x8010]  }
0x224: {  	v4 =	vld [tilespmem:s21+$0x9011]  }
0x225: {  	v5 =	vld [tilespmem:s21+$0xA012]  }
0x226: {  	v6 =	vld [tilespmem:s21+$0xB013]  }
0x227: {  	v7 =	vld [tilespmem:s21+$0xC014]  }
0x228: {  	v8 =	vld [tilespmem:s21+$0xD015]  }
0x229: {  	v9 =	vld [tilespmem:s21+$0xE016]  }
0x22a: {  	v10 =	vld [tilespmem:s21+$0xF017]  }
0x22b: {  	v11 =	vld [tilespmem:s21+$0x10018]  }
0x22c: {  	v61 =	vld [tilespmem:s21+$0x11019]  }
0x22d: {  	v62 =	vld [tilespmem:s21+$0x1201A]  }
0x22e: {  	v63 =	vld [tilespmem:s21+$0x1301B]  }
0x22f: {  	v15 =	vld [tilespmem:s21+$0x1401C]  }
0x230: {  	v16 =	vld [tilespmem:s21+$0x1501D]  }
0x231: {  	v17 =	vld [tilespmem:s21+$0x1601E]  }
0x232: {  	v18 =	vld [tilespmem:s21+$0x1701F];
	v3 =	vadd.s32 v3, v4  }
0x233: {  	v4 =	vld [tilespmem:s21+$0x8000];
	v3 =	vadd.s32 v5, v3  }
0x234: {  	v5 =	vld [tilespmem:s21+$0x9001];
	v3 =	vadd.s32 v6, v3  }
0x235: {  	v6 =	vld [tilespmem:s21+$0xA002];
	v3 =	vadd.s32 v7, v3  }
0x236: {  	v7 =	vld [tilespmem:s21+$0xB003];
	v3 =	vadd.s32 v8, v3  }
0x237: {  	v8 =	vld [tilespmem:s21+$0xC004];
	v3 =	vadd.s32 v9, v3  }
0x238: {  	v9 =	vld [tilespmem:s21+$0xD005];
	v3 =	vadd.s32 v10, v3  }
0x239: {  	v4 =	vadd.s32 v4, v5;
	v5 =	vld [tilespmem:s21+$0xE006];
	v3 =	vadd.s32 v11, v3  }
0x23a: {  	v4 =	vadd.s32 v6, v4;
	v6 =	vld [tilespmem:s21+$0xF007];
	v3 =	vadd.s32 v61, v3  }
0x23b: {  	v4 =	vadd.s32 v7, v4;
	v7 =	vld [tilespmem:s21+$0x10008];
	v3 =	vadd.s32 v62, v3  }
0x23c: {  	p0 =	por $0x1, $0x1;
	v4 =	vadd.s32 v8, v4;
	v8 =	vld [tilespmem:s21+$0x11009];
	v3 =	vadd.s32 v63, v3  }
.Ltmp9:
0x23d: {  	v9 =	vadd.s32 v9, v4;
	v4 =	vld [tilespmem:s21+$0x1200A];
	v3 =	vadd.s32 v15, v3;
	(pc) =	sbr.rel @!p0 .LBB2_21-.Ltmp9, $4  }
0x23e: {  	v5 =	vadd.s32 v5, v9;
	v10 =	vadd.s32 v16, v3;
	v3 =	vld [tilespmem:s21+$0x1300B]  }
0x23f: {  	v6 =	vadd.s32 v6, v5;
	v5 =	vld [tilespmem:s21+$0x1400C];
	v9 =	vadd.s32 v17, v10  }
0x240: {  	v7 =	vadd.s32 v7, v6;
	v6 =	vld [tilespmem:s21+$0x1500D];
	v9 =	vadd.s32 v18, v9  }
0x241: {  	s22 =	simm.s32 $0x0;
	s23 =	simm.s32 $0x80;
	v8 =	vadd.s32 v8, v7;
	v7 =	vld [tilespmem:s21+$0x1600E];
	[tilespmem:s21+$0x18110] =	vst v9  }
.LBB2_20:
0x242: {  	s24 =	sshra.s32 s23, $0x2;
	v4 =	vadd.s32 v4, v8;
	v8 =	vld [tilespmem:s21+$0x1700F]  }
0x243: {  	s22 =	sadd.s32 $0x2, s22;
	v9 =	vld [tilespmem:s24+$0x8010];
	v3 =	vadd.s32 v3, v4  }
0x244: {  	p0 =	slt.u32 s22, $0xFE;
	v4 =	vld [tilespmem:s24+$0x9011];
	v3 =	vadd.s32 v5, v3  }
0x245: {  	v5 =	vld [tilespmem:s24+$0xA012];
	v3 =	vadd.s32 v6, v3  }
0x246: {  	v6 =	vld [tilespmem:s24+$0xB013];
	v3 =	vadd.s32 v7, v3  }
0x247: {  	v7 =	vld [tilespmem:s24+$0xC014];
	v3 =	vadd.s32 v8, v3  }
0x248: {  	v8 =	vld [tilespmem:s24+$0xD015];
	[tilespmem:s21+$0x18100] =	vst v3;
	s21 =	smov.u32 s24  }
0x249: {  	v3 =	vadd.s32 v9, v4;
	v4 =	vld [tilespmem:s21+$0xE016]  }
0x24a: {  	v3 =	vadd.s32 v5, v3;
	v5 =	vld [tilespmem:s21+$0xF017]  }
0x24b: {  	v3 =	vadd.s32 v6, v3;
	v6 =	vld [tilespmem:s21+$0x10018]  }
0x24c: {  	v3 =	vadd.s32 v7, v3;
	v7 =	vld [tilespmem:s21+$0x11019]  }
0x24d: {  	v3 =	vadd.s32 v8, v3;
	v8 =	vld [tilespmem:s21+$0x1201A]  }
0x24e: {  	v3 =	vadd.s32 v4, v3;
	v4 =	vld [tilespmem:s21+$0x1301B]  }
0x24f: {  	v3 =	vadd.s32 v5, v3;
	v5 =	vld [tilespmem:s21+$0x1401C]  }
0x250: {  	v3 =	vadd.s32 v6, v3;
	v6 =	vld [tilespmem:s21+$0x1501D]  }
0x251: {  	v3 =	vadd.s32 v7, v3;
	v7 =	vld [tilespmem:s21+$0x1601E]  }
0x252: {  	v3 =	vadd.s32 v8, v3;
	v8 =	vld [tilespmem:s21+$0x1701F]  }
0x253: {  	v9 =	vld [tilespmem:s21+$0x8000];
	v3 =	vadd.s32 v4, v3  }
0x254: {  	v4 =	vld [tilespmem:s21+$0x9001];
	v3 =	vadd.s32 v5, v3  }
0x255: {  	v5 =	vld [tilespmem:s21+$0xA002];
	v3 =	vadd.s32 v6, v3  }
0x256: {  	v6 =	vld [tilespmem:s21+$0xB003];
	v3 =	vadd.s32 v7, v3  }
0x257: {  	v7 =	vld [tilespmem:s21+$0xC004];
	v3 =	vadd.s32 v8, v3  }
0x258: {  	v8 =	vld [tilespmem:s21+$0xD005];
	[tilespmem:s21+$0x18110] =	vst v3  }
0x259: {  	v3 =	vadd.s32 v9, v4;
	v9 =	vld [tilespmem:s21+$0xE006]  }
0x25a: {  	v3 =	vadd.s32 v5, v3;
	v5 =	vld [tilespmem:s21+$0xF007]  }
0x25b: {  	v3 =	vadd.s32 v6, v3;
	v6 =	vld [tilespmem:s21+$0x10008]  }
0x25c: {  	v3 =	vadd.s32 v7, v3;
	v7 =	vld [tilespmem:s21+$0x11009]  }
.Ltmp10:
0x25d: {  	v3 =	vadd.s32 v8, v3;
	v4 =	vld [tilespmem:s21+$0x1200A];
	(pc) =	sbr.rel @p0 .LBB2_20-.Ltmp10, $4  }
0x25e: {  	v8 =	vadd.s32 v9, v3;
	v3 =	vld [tilespmem:s21+$0x1300B]  }
0x25f: {  	v8 =	vadd.s32 v5, v8;
	v5 =	vld [tilespmem:s21+$0x1400C]  }
0x260: {  	v8 =	vadd.s32 v6, v8;
	v6 =	vld [tilespmem:s21+$0x1500D]  }
0x261: {  	s23 =	sadd.s32 $0x80, s23;
	v8 =	vadd.s32 v7, v8;
	v7 =	vld [tilespmem:s21+$0x1600E]  }
.LBB2_21:
0x262: {  	v4 =	vadd.s32 v4, v8;
	v63 =	vld [tilespmem:s21+$0x1700F]  }
0x263: {  	v3 =	vadd.s32 v3, v4  }
0x264: {  	v3 =	vadd.s32 v5, v3  }
0x265: {  	v3 =	vadd.s32 v6, v3  }
0x266: {  	s2 =	sadd.s32 $0x1, s2;
	v3 =	vadd.s32 v7, v3  }
0x267: {  	p0 =	sne.s32 s2, s13;
	v3 =	vadd.s32 v63, v3  }
.Ltmp11:
0x268: {  	[tilespmem:s21+$0x18100] =	vst v3;
	(pc) =	sbr.rel @p0 .LBB2_1-.Ltmp11, $4  }
0x269: {  	[hbm4b:s12+s17] =	stream.strided.scatter [tilespmem:s19], [sflag:$0x3], $0x1000, s18, s17, $0x38;
	[tilespmem:$0x19100] =	vst v63  }
0x26a: {  	_ =	swait.ge [sflag:s20], $0x1000  }
0x26b: {  	[sflag:s20] =	ssyncset.done $0x0  }
0x26c: {  	[sflag:s20] =	ssyncadd.s32 $0xFFFFF000  }
0x26d: {  	_ =	sfence.sel $0x180000  }
0x26e: {  	[bflag:$0x0] =	sbarrier.arrive $0xFFFF  }
0x26f: {  	p0 =	sne.s32 s0, $0x0;
	_ =	strace $0x9000004A  }
0x270: {  	s0 =	sadd.s32 @!p0 $0x100000, s1;
	[bflag:$0x2] =	sbarrier.arrive $0xFFFF  }
0x271: {  	[sflag:s0] =	ssyncadd.tile.s32 @!p0 $0x1;
	_ =	shalt  }
.Lfunc_end2:
_tile_overlayer_lowered:
.L_overlay_start_2:
0x272: {  	(tag) =	ssettag $0x2  }
0x273: {  	s0 =	rddreg [dreg:$0x0];
	s2 =	stileid.u32  }
0x274: {  	s1 =	rddreg [dreg:$0x1];
	p0 =	sne.s32 s2, $0x0  }
0x275: {  	s3 =	rddreg [dreg:$0x2];
	[bflag:$0x3] =	sbarrier.arrive $0xFFFF;
	s2 =	simm.s32 @!p0 $0x1C03  }
0x276: {  	[timem:s3], [sflag:s2] =	dma.local @!p0 [hbm:s0], s1  }
0x277: {  	s0 =	simm.s32 @!p0 $0x3  }
0x278: {  	_ =	swait.ge @!p0 [sflag:s0], s1  }
0x279: {  	s1 =	ssub.s32 @!p0 $0x0, s1;
	[sflag:s0] =	ssyncset.done @!p0 $0x0  }
0x27a: {  	[sflag:s0] =	ssyncadd.s32 @!p0 s1  }
0x27b: {  	[bflag:$0x3] =	sbarrier.arrive $0xFFFF  }
0x27c: {  	_ =	shalt  }

</sc_bundles>
